<compile_context>
chip_gen: v7x
topology: tpu7x:2x2x1
jax: 0.10.2.dev20260603
libtpu: 0.0.44.dev20260713+nightly
codegen_flags: <defaults>
</compile_context>

<pallas_src>
import functools
import math

import jax
import jax.numpy as jnp
from jax import lax
from jax.experimental import pallas as pl
from jax.experimental.pallas import tpu as pltpu
from jax.experimental.pallas import tpu_sc as plsc

VOCAB = 1000000
DIM = 64
BATCH = 1024
SEQ = 200
NW = 32
BBLK = BATCH // 128
NFS = 4
UNITS = SEQ * NFS
PER_W = UNITS // NW
NCH = BATCH // 128
SKEW = 65

_LN10000_OVER_DIM = math.log(10000.0) / DIM


def _rsqrt_nr(s):
    half = s * 0.5
    bits = lax.bitcast_convert_type(s, jnp.int32)
    bits = jnp.int32(0x5F3759DF) - (bits >> 1)
    y = lax.bitcast_convert_type(bits, jnp.float32)
    y = y * (1.5 - half * y * y)
    y = y * (1.5 - half * y * y)
    return y


def _body(idx_hbm, scalar_hbm, vi_hbm, vj_hbm, vk_hbm, out_hbm,
          idx_v, gidx, gr, gi, gj, gk, stag, obuf, scv, sem, osem):
    wid = lax.axis_index("s") * 2 + lax.axis_index("c")
    ubase = wid * PER_W

    lane = lax.iota(jnp.int32, 16)
    lane_skew = lane * SKEW
    lane_f = lane.astype(jnp.float32)
    for g in range(NFS):
        scv[g, :] = jnp.exp((lane_f + (g * 16)) * (-_LN10000_OVER_DIM))

    def prep(ch, fs):
        m = ch % 2
        for i in range(8):
            v = idx_v[pl.ds(ch * 128 + i * 16, 16)]
            gidx[m, pl.ds(i * 16, 16)] = v * 4 + fs
        irow = gidx.at[m]
        pltpu.async_copy(scalar_hbm.at[irow], gr.at[m], sem)
        pltpu.async_copy(vi_hbm.at[irow], gi.at[m], sem)
        pltpu.async_copy(vj_hbm.at[irow], gj.at[m], sem)
        pltpu.async_copy(vk_hbm.at[irow], gk.at[m], sem)

    def wait_gathers(ch):
        m = ch % 2
        irow = gidx.at[m]
        pltpu.make_async_copy(scalar_hbm.at[irow], gr.at[m], sem).wait()
        pltpu.make_async_copy(vi_hbm.at[irow], gi.at[m], sem).wait()
        pltpu.make_async_copy(vj_hbm.at[irow], gj.at[m], sem).wait()
        pltpu.make_async_copy(vk_hbm.at[irow], gk.at[m], sem).wait()

    def out_dma_desc(u):
        s = u // NFS
        fs = u % NFS
        return pltpu.make_async_copy(obuf, out_hbm.at[s, fs], osem)

    def compute_chunk(ch, scale):
        m = ch % 2
        grm, gim, gjm, gkm = gr.at[m], gi.at[m], gj.at[m], gk.at[m]

        @plsc.parallel_loop(0, 128, unroll=2)
        def n_body(b):
            r = grm[b, :]
            i = gim[b, :] * scale
            j = gjm[b, :] * scale
            k = gkm[b, :] * scale
            y = _rsqrt_nr(r * r + i * i + j * j + k * k + 1e-6)
            a0 = b * SKEW
            stag[pl.ds(a0, 16)] = r * y
            stag[pl.ds(a0 + 16, 16)] = i * y
            stag[pl.ds(a0 + 32, 16)] = j * y
            stag[pl.ds(a0 + 48, 16)] = k * y

    def repack_chunk(ch):
        cb = ch * 512

        @plsc.parallel_loop(0, BBLK)
        def j_body(jj):
            src0 = jj * (16 * SKEW)
            dst0 = cb + jj * 16
            for f in range(16):
                for cc in range(4):
                    v = plsc.load_gather(
                        stag, [lane_skew + (src0 + cc * 16 + f)])
                    obuf[pl.ds(dst0 + f * 4096 + cc * 128, 16)] = v

    def unit_body(t, carry):
        u = ubase + t
        s = u // NFS
        fs = u % NFS
        pltpu.sync_copy(idx_hbm.at[s], idx_v)
        scale = scv[fs, :]
        prep(0, fs)

        @pl.when(t >= 1)
        def _():
            out_dma_desc(u - 1).wait()

        def chunk_body(ch, carry2):
            @pl.when(ch < NCH - 1)
            def _():
                prep(ch + 1, fs)

            wait_gathers(ch)
            compute_chunk(ch, scale)
            repack_chunk(ch)
            return carry2

        lax.fori_loop(0, NCH, chunk_body, 0)
        out_dma_desc(u).start()
        return carry

    lax.fori_loop(0, PER_W, unit_body, 0)
    out_dma_desc(ubase + PER_W - 1).wait()


def kernel(x, scalar, vector_i, vector_j, vector_k):
    idx = x.T
    tabs = [t.reshape(4 * VOCAB, 16)
            for t in (scalar, vector_i, vector_j, vector_k)]
    mesh = plsc.VectorSubcoreMesh(core_axis_name="c", subcore_axis_name="s")
    f = functools.partial(
        pl.kernel,
        mesh=mesh,
        compiler_params=pltpu.CompilerParams(use_tc_tiling_on_sc=False,
                                             needs_layout_passes=False),
        out_type=jax.ShapeDtypeStruct((SEQ, NFS, 16 * BBLK * 4 * 128),
                                      jnp.float32),
        scratch_types=[
            pltpu.VMEM((BATCH,), jnp.int32),
            pltpu.VMEM((2, 128), jnp.int32),
            pltpu.VMEM((2, 128, 16), jnp.float32),
            pltpu.VMEM((2, 128, 16), jnp.float32),
            pltpu.VMEM((2, 128, 16), jnp.float32),
            pltpu.VMEM((2, 128, 16), jnp.float32),
            pltpu.VMEM((128 * SKEW,), jnp.float32),
            pltpu.VMEM((16 * BBLK * 4 * 128,), jnp.float32),
            pltpu.VMEM((NFS, 16), jnp.float32),
            pltpu.SemaphoreType.DMA,
            pltpu.SemaphoreType.DMA,
        ],
    )(_body)
    out = f(idx, *tabs)
    out5 = out.reshape(SEQ, DIM, BBLK, 4, 128)
    return out5.transpose(2, 4, 0, 1, 3).reshape(BATCH, SEQ, DIM, 4)

# --- scband reference (transcript-rebuilt; emitter-appended) ---
"""Pipeline reference for scband-quaternion-embedding-7267084665359 (READ-ONLY COPY).

The authoritative reference and input builder live on the scoring server;
editing this copy changes nothing except your own understanding.
"""

import jax, jax.numpy as jnp
import numpy as np

VOCAB = 1000000
DIM = 64
BATCH = 1024
SEQ = 200


def setup_inputs(seed: int = 0) -> dict:
    key = jax.random.key(seed)
    k_idx, k_r, k_i, k_j, k_k = jax.random.split(key, 5)
    x = jax.random.randint(k_idx, (BATCH, SEQ), 0, VOCAB, dtype=jnp.int32)
    scalar = jax.random.normal(k_r, (VOCAB, DIM), dtype=jnp.float32)
    vector_i = jax.random.normal(k_i, (VOCAB, DIM), dtype=jnp.float32)
    vector_j = jax.random.normal(k_j, (VOCAB, DIM), dtype=jnp.float32)
    vector_k = jax.random.normal(k_k, (VOCAB, DIM), dtype=jnp.float32)
    return {"x": x, "scalar": scalar, "vector_i": vector_i, "vector_j": vector_j, "vector_k": vector_k}


def reference(x, scalar, vector_i, vector_j, vector_k):
    # RoPE-style per-feature scale buffer
    scale = 1.0 / (10000.0 ** (jnp.arange(DIM, dtype=jnp.float32) / DIM))
    # Embedding lookups (gathers)
    r = jnp.take(scalar, x, axis=0)
    i = jnp.take(vector_i, x, axis=0) * scale
    j = jnp.take(vector_j, x, axis=0) * scale
    k = jnp.take(vector_k, x, axis=0) * scale
    norm = jnp.sqrt(r ** 2 + i ** 2 + j ** 2 + k ** 2 + 1e-06)
    r, i, j, k = r / norm, i / norm, j / norm, k / norm
    return jnp.stack([r, i, j, k], axis=-1)

if __name__ == "__main__":
    import jax
    _d = setup_inputs()
    print(jax.jit(kernel)(*tuple(_d.values())))

</pallas_src>

<mosaic_0001>
#map = affine_map<(d0, d1) -> (0, 0)>
#map1 = affine_map<(d0, d1) -> (0, 0, 0)>
module attributes {stable_mosaic.version = 14 : i64} {
  func.func @_body(%arg0: i32, %arg1: i32, %arg2: memref<200x1024xi32, #tpu.memory_space<hbm>>, %arg3: memref<4000000x16xf32, #tpu.memory_space<hbm>>, %arg4: memref<4000000x16xf32, #tpu.memory_space<hbm>>, %arg5: memref<4000000x16xf32, #tpu.memory_space<hbm>>, %arg6: memref<4000000x16xf32, #tpu.memory_space<hbm>>, %arg7: memref<200x4x65536xf32, #tpu.memory_space<hbm>>, %arg8: memref<1024xi32, #tpu.memory_space<vmem>>, %arg9: memref<2x128xi32, #tpu.memory_space<vmem>>, %arg10: memref<2x128x16xf32, #tpu.memory_space<vmem>>, %arg11: memref<2x128x16xf32, #tpu.memory_space<vmem>>, %arg12: memref<2x128x16xf32, #tpu.memory_space<vmem>>, %arg13: memref<2x128x16xf32, #tpu.memory_space<vmem>>, %arg14: memref<8320xf32, #tpu.memory_space<vmem>>, %arg15: memref<65536xf32, #tpu.memory_space<vmem>>, %arg16: memref<4x16xf32, #tpu.memory_space<vmem>>, %arg17: memref<!tpu.dma_semaphore, #tpu.memory_space<semaphore_mem>>, %arg18: memref<!tpu.dma_semaphore, #tpu.memory_space<semaphore_mem>>) attributes {dimension_semantics = [#tpu.dimension_semantics<core_parallel>, #tpu.dimension_semantics<subcore_parallel>], iteration_bounds = array<i64: 2, 16>, scalar_prefetch = 0 : i64, scratch_operands = 11 : i64, tpu.core_type = #tpu.core_type<sc_vector_subcore>, window_params = [{transform_indices = #map}, {transform_indices = #map}, {transform_indices = #map}, {transform_indices = #map}, {transform_indices = #map}, {transform_indices = #map1}]} {
    %mul3A = arith.constant 2 : i32
    %mul3A_0 = arith.muli %arg1, %mul3A : i32
    %add3A = arith.addi %mul3A_0, %arg0 : i32
    %mul3A_1 = arith.constant 25 : i32
    %mul3A_2 = arith.muli %add3A, %mul3A_1 : i32
    %iota3A = tpu.iota {dimensions = array<i32: 0>} : vector<16xi32>
    %mul3A_3 = arith.constant 65 : i32
    %mul3A_4 = vector.broadcast %mul3A_3 : i32 to vector<16xi32>
    %mul3A_5 = arith.muli %iota3A, %mul3A_4 : vector<16xi32>
    %convert_element_type3A = arith.sitofp %iota3A : vector<16xi32> to vector<16xf32>
    %add3A_6 = arith.constant 0.000000e+00 : f32
    %add3A_7 = vector.broadcast %add3A_6 : f32 to vector<16xf32>
    %add3A_8 = arith.addf %convert_element_type3A, %add3A_7 : vector<16xf32>
    %mul3A_9 = arith.constant -0.14391157 : f32
    %mul3A_10 = vector.broadcast %mul3A_9 : f32 to vector<16xf32>
    %mul3A_11 = arith.mulf %add3A_8, %mul3A_10 : vector<16xf32>
    %exp3A = math.exp %mul3A_11 : vector<16xf32>
    %swap3A = arith.constant 0 : i32
    %swap3A_12 = arith.index_cast %swap3A : i32 to index
    %swap3A_13 = arith.constant 0 : index
    %swap3A_14 = tpu.vector_load %arg16[%swap3A_12, %swap3A_13] {strides = array<i32>} : memref<4x16xf32, #tpu.memory_space<vmem>>, vector<16xf32>,
    tpu.vector_store %arg16[%swap3A_12, %swap3A_13], %exp3A {strides = array<i32>} : memref<4x16xf32, #tpu.memory_space<vmem>>, vector<16xf32>,
    %add3A_15 = arith.constant 1.600000e+01 : f32
    %add3A_16 = vector.broadcast %add3A_15 : f32 to vector<16xf32>
    %add3A_17 = arith.addf %convert_element_type3A, %add3A_16 : vector<16xf32>
    %mul3A_18 = arith.constant -0.14391157 : f32
    %mul3A_19 = vector.broadcast %mul3A_18 : f32 to vector<16xf32>
    %mul3A_20 = arith.mulf %add3A_17, %mul3A_19 : vector<16xf32>
    %exp3A_21 = math.exp %mul3A_20 : vector<16xf32>
    %swap3A_22 = arith.constant 1 : i32
    %swap3A_23 = arith.index_cast %swap3A_22 : i32 to index
    %swap3A_24 = arith.constant 0 : index
    %swap3A_25 = tpu.vector_load %arg16[%swap3A_23, %swap3A_24] {strides = array<i32>} : memref<4x16xf32, #tpu.memory_space<vmem>>, vector<16xf32>,
    tpu.vector_store %arg16[%swap3A_23, %swap3A_24], %exp3A_21 {strides = array<i32>} : memref<4x16xf32, #tpu.memory_space<vmem>>, vector<16xf32>,
    %add3A_26 = arith.constant 3.200000e+01 : f32
    %add3A_27 = vector.broadcast %add3A_26 : f32 to vector<16xf32>
    %add3A_28 = arith.addf %convert_element_type3A, %add3A_27 : vector<16xf32>
    %mul3A_29 = arith.constant -0.14391157 : f32
    %mul3A_30 = vector.broadcast %mul3A_29 : f32 to vector<16xf32>
    %mul3A_31 = arith.mulf %add3A_28, %mul3A_30 : vector<16xf32>
    %exp3A_32 = math.exp %mul3A_31 : vector<16xf32>
    %swap3A_33 = arith.constant 2 : i32
    %swap3A_34 = arith.index_cast %swap3A_33 : i32 to index
    %swap3A_35 = arith.constant 0 : index
    %swap3A_36 = tpu.vector_load %arg16[%swap3A_34, %swap3A_35] {strides = array<i32>} : memref<4x16xf32, #tpu.memory_space<vmem>>, vector<16xf32>,
    tpu.vector_store %arg16[%swap3A_34, %swap3A_35], %exp3A_32 {strides = array<i32>} : memref<4x16xf32, #tpu.memory_space<vmem>>, vector<16xf32>,
    %add3A_37 = arith.constant 4.800000e+01 : f32
    %add3A_38 = vector.broadcast %add3A_37 : f32 to vector<16xf32>
    %add3A_39 = arith.addf %convert_element_type3A, %add3A_38 : vector<16xf32>
    %mul3A_40 = arith.constant -0.14391157 : f32
    %mul3A_41 = vector.broadcast %mul3A_40 : f32 to vector<16xf32>
    %mul3A_42 = arith.mulf %add3A_39, %mul3A_41 : vector<16xf32>
    %exp3A_43 = math.exp %mul3A_42 : vector<16xf32>
    %swap3A_44 = arith.constant 3 : i32
    %swap3A_45 = arith.index_cast %swap3A_44 : i32 to index
    %swap3A_46 = arith.constant 0 : index
    %swap3A_47 = tpu.vector_load %arg16[%swap3A_45, %swap3A_46] {strides = array<i32>} : memref<4x16xf32, #tpu.memory_space<vmem>>, vector<16xf32>,
    tpu.vector_store %arg16[%swap3A_45, %swap3A_46], %exp3A_43 {strides = array<i32>} : memref<4x16xf32, #tpu.memory_space<vmem>>, vector<16xf32>,
    %scan3A = arith.constant 0 : i32
    %scan3A_48 = arith.constant 0 : i32
    %scan3A_49 = arith.constant 25 : i32
    %scan3A_50 = arith.addi %scan3A_48, %scan3A_49 : i32
    %scan3A_51 = arith.constant 1 : i32
    scf.for %scan3A_92 = %scan3A_48 to %scan3A_50 step %scan3A_51  : i32 {
      %add3A_93 = arith.addi %mul3A_2, %scan3A_92 : i32
      %jit3A_94 = arith.constant 4 : i32
      %div3A_95 = arith.divsi %add3A_93, %jit3A_94 : i32
      %sign3A_96 = arith.constant 0 : i32
      %sign3A_97 = arith.cmpi sgt, %add3A_93, %sign3A_96 : i32
      %sign3A_98 = arith.extui %sign3A_97 : i1 to i32
      %sign3A_99 = arith.constant 0 : i32
      %sign3A_100 = arith.cmpi slt, %add3A_93, %sign3A_99 : i32
      %sign3A_101 = arith.extui %sign3A_100 : i1 to i32
      %sign3A_102 = arith.subi %sign3A_98, %sign3A_101 : i32
      %sign3A_103 = arith.constant 0 : i32
      %sign3A_104 = arith.cmpi sgt, %jit3A_94, %sign3A_103 : i32
      %sign3A_105 = arith.extui %sign3A_104 : i1 to i32
      %sign3A_106 = arith.constant 0 : i32
      %sign3A_107 = arith.cmpi slt, %jit3A_94, %sign3A_106 : i32
      %sign3A_108 = arith.extui %sign3A_107 : i1 to i32
      %sign3A_109 = arith.subi %sign3A_105, %sign3A_108 : i32
      %ne3A_110 = arith.cmpi ne, %sign3A_102, %sign3A_109 : i32
      %rem3A_111 = arith.remsi %add3A_93, %jit3A_94 : i32
      %ne3A_112 = arith.constant 0 : i32
      %ne3A_113 = arith.cmpi ne, %rem3A_111, %ne3A_112 : i32
      %and3A_114 = arith.andi %ne3A_110, %ne3A_113 : i1
      %sub3A_115 = arith.constant 1 : i32
      %sub3A_116 = arith.subi %div3A_95, %sub3A_115 : i32
      %select_n3A_117 = arith.select %and3A_114, %sub3A_116, %div3A_95 : i32
      %jit3A_118 = arith.constant 4 : i32
      %eq3A_119 = arith.constant 0 : i32
      %eq3A_120 = arith.cmpi eq, %jit3A_118, %eq3A_119 : i32
      %jit3A_121 = arith.constant 1 : i32
      %select_n3A_122 = arith.select %eq3A_120, %jit3A_121, %jit3A_118 : i32
      %rem3A_123 = arith.remsi %add3A_93, %select_n3A_122 : i32
      %ne3A_124 = arith.constant 0 : i32
      %ne3A_125 = arith.cmpi ne, %rem3A_123, %ne3A_124 : i32
      %lt3A_126 = arith.constant 0 : i32
      %lt3A_127 = arith.cmpi slt, %rem3A_123, %lt3A_126 : i32
      %lt3A_128 = arith.constant 0 : i32
      %lt3A_129 = arith.cmpi slt, %select_n3A_122, %lt3A_128 : i32
      %ne3A_130 = arith.xori %lt3A_127, %lt3A_129 : i1
      %and3A_131 = arith.andi %ne3A_130, %ne3A_125 : i1
      %add3A_132 = arith.addi %rem3A_123, %select_n3A_122 : i32
      %select_n3A_133 = arith.select %and3A_131, %add3A_132, %rem3A_123 : i32
      "tpu.region"() ({
        %run_scoped3A = tpu.sem_alloc : memref<!tpu.dma_semaphore, #tpu.memory_space<semaphore_mem>>
        %dma_start3A_326 = arith.constant 0 : i32
        %dma_start3A_327 = tpu.memref_slice %arg2[%select_n3A_117, %dma_start3A_326] : memref<200x1024xi32, #tpu.memory_space<hbm>> -> memref<1x1024xi32, #tpu.memory_space<hbm>>
        %dma_start3A_328 = tpu.memref_squeeze %dma_start3A_327 : memref<1x1024xi32, #tpu.memory_space<hbm>> -> memref<1024xi32, #tpu.memory_space<hbm>>
        %dma_start3A_329 = arith.constant 0 : i32
        %dma_start3A_330 = tpu.memref_slice %arg2[%select_n3A_117, %dma_start3A_329] : memref<200x1024xi32, #tpu.memory_space<hbm>> -> memref<1x1024xi32, #tpu.memory_space<hbm>>
        %dma_start3A_331 = tpu.memref_squeeze %dma_start3A_330 : memref<1x1024xi32, #tpu.memory_space<hbm>> -> memref<1024xi32, #tpu.memory_space<hbm>>
        tpu.enqueue_dma source(%dma_start3A_331 : memref<1024xi32, #tpu.memory_space<hbm>>) target(%arg8 : memref<1024xi32, #tpu.memory_space<vmem>>) target_semaphore(%run_scoped3A : memref<!tpu.dma_semaphore, #tpu.memory_space<semaphore_mem>>)
        %dma_wait3A_332 = arith.constant 0 : i32
        %dma_wait3A_333 = tpu.memref_slice %arg2[%select_n3A_117, %dma_wait3A_332] : memref<200x1024xi32, #tpu.memory_space<hbm>> -> memref<1x1024xi32, #tpu.memory_space<hbm>>
        %dma_wait3A_334 = tpu.memref_squeeze %dma_wait3A_333 : memref<1x1024xi32, #tpu.memory_space<hbm>> -> memref<1024xi32, #tpu.memory_space<hbm>>
        %dma_wait3A_335 = arith.constant 0 : i32
        %dma_wait3A_336 = tpu.memref_slice %arg2[%select_n3A_117, %dma_wait3A_335] : memref<200x1024xi32, #tpu.memory_space<hbm>> -> memref<1x1024xi32, #tpu.memory_space<hbm>>
        %dma_wait3A_337 = tpu.memref_squeeze %dma_wait3A_336 : memref<1x1024xi32, #tpu.memory_space<hbm>> -> memref<1024xi32, #tpu.memory_space<hbm>>
        tpu.wait_dma2 semaphore(%run_scoped3A : memref<!tpu.dma_semaphore, #tpu.memory_space<semaphore_mem>>) src(%dma_wait3A_337 : memref<1024xi32, #tpu.memory_space<hbm>>) dst(%arg8 : memref<1024xi32, #tpu.memory_space<vmem>>)
        tpu.yield
      }) : () -> ()
      %get3A = arith.index_cast %select_n3A_133 : i32 to index
      %get3A_134 = arith.constant 0 : index
      %get3A_135 = tpu.vector_load %arg16[%get3A, %get3A_134] {strides = array<i32>} : memref<4x16xf32, #tpu.memory_space<vmem>>, vector<16xf32>,
      %get3A_136 = arith.constant 0 : index
      %get3A_137 = tpu.vector_load %arg8[%get3A_136] {strides = array<i32>} : memref<1024xi32, #tpu.memory_space<vmem>>, vector<16xi32>,
      %mul3A_138 = arith.constant 4 : i32
      %mul3A_139 = vector.broadcast %mul3A_138 : i32 to vector<16xi32>
      %mul3A_140 = arith.muli %get3A_137, %mul3A_139 : vector<16xi32>
      %add3A_141 = vector.broadcast %select_n3A_133 : i32 to vector<16xi32>
      %add3A_142 = arith.addi %mul3A_140, %add3A_141 : vector<16xi32>
      %swap3A_143 = arith.constant 0 : i32
      %swap3A_144 = arith.index_cast %swap3A_143 : i32 to index
      %swap3A_145 = arith.constant 0 : index
      %swap3A_146 = tpu.vector_load %arg9[%swap3A_144, %swap3A_145] {strides = array<i32>} : memref<2x128xi32, #tpu.memory_space<vmem>>, vector<16xi32>,
      tpu.vector_store %arg9[%swap3A_144, %swap3A_145], %add3A_142 {strides = array<i32>} : memref<2x128xi32, #tpu.memory_space<vmem>>, vector<16xi32>,
      %get3A_147 = arith.constant 16 : index
      %get3A_148 = tpu.vector_load %arg8[%get3A_147] {strides = array<i32>} : memref<1024xi32, #tpu.memory_space<vmem>>, vector<16xi32>,
      %mul3A_149 = arith.constant 4 : i32
      %mul3A_150 = vector.broadcast %mul3A_149 : i32 to vector<16xi32>
      %mul3A_151 = arith.muli %get3A_148, %mul3A_150 : vector<16xi32>
      %add3A_152 = vector.broadcast %select_n3A_133 : i32 to vector<16xi32>
      %add3A_153 = arith.addi %mul3A_151, %add3A_152 : vector<16xi32>
      %swap3A_154 = arith.constant 0 : i32
      %swap3A_155 = arith.index_cast %swap3A_154 : i32 to index
      %swap3A_156 = arith.constant 16 : index
      %swap3A_157 = tpu.vector_load %arg9[%swap3A_155, %swap3A_156] {strides = array<i32>} : memref<2x128xi32, #tpu.memory_space<vmem>>, vector<16xi32>,
      tpu.vector_store %arg9[%swap3A_155, %swap3A_156], %add3A_153 {strides = array<i32>} : memref<2x128xi32, #tpu.memory_space<vmem>>, vector<16xi32>,
      %get3A_158 = arith.constant 32 : index
      %get3A_159 = tpu.vector_load %arg8[%get3A_158] {strides = array<i32>} : memref<1024xi32, #tpu.memory_space<vmem>>, vector<16xi32>,
      %mul3A_160 = arith.constant 4 : i32
      %mul3A_161 = vector.broadcast %mul3A_160 : i32 to vector<16xi32>
      %mul3A_162 = arith.muli %get3A_159, %mul3A_161 : vector<16xi32>
      %add3A_163 = vector.broadcast %select_n3A_133 : i32 to vector<16xi32>
      %add3A_164 = arith.addi %mul3A_162, %add3A_163 : vector<16xi32>
      %swap3A_165 = arith.constant 0 : i32
      %swap3A_166 = arith.index_cast %swap3A_165 : i32 to index
      %swap3A_167 = arith.constant 32 : index
      %swap3A_168 = tpu.vector_load %arg9[%swap3A_166, %swap3A_167] {strides = array<i32>} : memref<2x128xi32, #tpu.memory_space<vmem>>, vector<16xi32>,
      tpu.vector_store %arg9[%swap3A_166, %swap3A_167], %add3A_164 {strides = array<i32>} : memref<2x128xi32, #tpu.memory_space<vmem>>, vector<16xi32>,
      %get3A_169 = arith.constant 48 : index
      %get3A_170 = tpu.vector_load %arg8[%get3A_169] {strides = array<i32>} : memref<1024xi32, #tpu.memory_space<vmem>>, vector<16xi32>,
      %mul3A_171 = arith.constant 4 : i32
      %mul3A_172 = vector.broadcast %mul3A_171 : i32 to vector<16xi32>
      %mul3A_173 = arith.muli %get3A_170, %mul3A_172 : vector<16xi32>
      %add3A_174 = vector.broadcast %select_n3A_133 : i32 to vector<16xi32>
      %add3A_175 = arith.addi %mul3A_173, %add3A_174 : vector<16xi32>
      %swap3A_176 = arith.constant 0 : i32
      %swap3A_177 = arith.index_cast %swap3A_176 : i32 to index
      %swap3A_178 = arith.constant 48 : index
      %swap3A_179 = tpu.vector_load %arg9[%swap3A_177, %swap3A_178] {strides = array<i32>} : memref<2x128xi32, #tpu.memory_space<vmem>>, vector<16xi32>,
      tpu.vector_store %arg9[%swap3A_177, %swap3A_178], %add3A_175 {strides = array<i32>} : memref<2x128xi32, #tpu.memory_space<vmem>>, vector<16xi32>,
      %get3A_180 = arith.constant 64 : index
      %get3A_181 = tpu.vector_load %arg8[%get3A_180] {strides = array<i32>} : memref<1024xi32, #tpu.memory_space<vmem>>, vector<16xi32>,
      %mul3A_182 = arith.constant 4 : i32
      %mul3A_183 = vector.broadcast %mul3A_182 : i32 to vector<16xi32>
      %mul3A_184 = arith.muli %get3A_181, %mul3A_183 : vector<16xi32>
      %add3A_185 = vector.broadcast %select_n3A_133 : i32 to vector<16xi32>
      %add3A_186 = arith.addi %mul3A_184, %add3A_185 : vector<16xi32>
      %swap3A_187 = arith.constant 0 : i32
      %swap3A_188 = arith.index_cast %swap3A_187 : i32 to index
      %swap3A_189 = arith.constant 64 : index
      %swap3A_190 = tpu.vector_load %arg9[%swap3A_188, %swap3A_189] {strides = array<i32>} : memref<2x128xi32, #tpu.memory_space<vmem>>, vector<16xi32>,
      tpu.vector_store %arg9[%swap3A_188, %swap3A_189], %add3A_186 {strides = array<i32>} : memref<2x128xi32, #tpu.memory_space<vmem>>, vector<16xi32>,
      %get3A_191 = arith.constant 80 : index
      %get3A_192 = tpu.vector_load %arg8[%get3A_191] {strides = array<i32>} : memref<1024xi32, #tpu.memory_space<vmem>>, vector<16xi32>,
      %mul3A_193 = arith.constant 4 : i32
      %mul3A_194 = vector.broadcast %mul3A_193 : i32 to vector<16xi32>
      %mul3A_195 = arith.muli %get3A_192, %mul3A_194 : vector<16xi32>
      %add3A_196 = vector.broadcast %select_n3A_133 : i32 to vector<16xi32>
      %add3A_197 = arith.addi %mul3A_195, %add3A_196 : vector<16xi32>
      %swap3A_198 = arith.constant 0 : i32
      %swap3A_199 = arith.index_cast %swap3A_198 : i32 to index
      %swap3A_200 = arith.constant 80 : index
      %swap3A_201 = tpu.vector_load %arg9[%swap3A_199, %swap3A_200] {strides = array<i32>} : memref<2x128xi32, #tpu.memory_space<vmem>>, vector<16xi32>,
      tpu.vector_store %arg9[%swap3A_199, %swap3A_200], %add3A_197 {strides = array<i32>} : memref<2x128xi32, #tpu.memory_space<vmem>>, vector<16xi32>,
      %get3A_202 = arith.constant 96 : index
      %get3A_203 = tpu.vector_load %arg8[%get3A_202] {strides = array<i32>} : memref<1024xi32, #tpu.memory_space<vmem>>, vector<16xi32>,
      %mul3A_204 = arith.constant 4 : i32
      %mul3A_205 = vector.broadcast %mul3A_204 : i32 to vector<16xi32>
      %mul3A_206 = arith.muli %get3A_203, %mul3A_205 : vector<16xi32>
      %add3A_207 = vector.broadcast %select_n3A_133 : i32 to vector<16xi32>
      %add3A_208 = arith.addi %mul3A_206, %add3A_207 : vector<16xi32>
      %swap3A_209 = arith.constant 0 : i32
      %swap3A_210 = arith.index_cast %swap3A_209 : i32 to index
      %swap3A_211 = arith.constant 96 : index
      %swap3A_212 = tpu.vector_load %arg9[%swap3A_210, %swap3A_211] {strides = array<i32>} : memref<2x128xi32, #tpu.memory_space<vmem>>, vector<16xi32>,
      tpu.vector_store %arg9[%swap3A_210, %swap3A_211], %add3A_208 {strides = array<i32>} : memref<2x128xi32, #tpu.memory_space<vmem>>, vector<16xi32>,
      %get3A_213 = arith.constant 112 : index
      %get3A_214 = tpu.vector_load %arg8[%get3A_213] {strides = array<i32>} : memref<1024xi32, #tpu.memory_space<vmem>>, vector<16xi32>,
      %mul3A_215 = arith.constant 4 : i32
      %mul3A_216 = vector.broadcast %mul3A_215 : i32 to vector<16xi32>
      %mul3A_217 = arith.muli %get3A_214, %mul3A_216 : vector<16xi32>
      %add3A_218 = vector.broadcast %select_n3A_133 : i32 to vector<16xi32>
      %add3A_219 = arith.addi %mul3A_217, %add3A_218 : vector<16xi32>
      %swap3A_220 = arith.constant 0 : i32
      %swap3A_221 = arith.index_cast %swap3A_220 : i32 to index
      %swap3A_222 = arith.constant 112 : index
      %swap3A_223 = tpu.vector_load %arg9[%swap3A_221, %swap3A_222] {strides = array<i32>} : memref<2x128xi32, #tpu.memory_space<vmem>>, vector<16xi32>,
      tpu.vector_store %arg9[%swap3A_221, %swap3A_222], %add3A_219 {strides = array<i32>} : memref<2x128xi32, #tpu.memory_space<vmem>>, vector<16xi32>,
      %dma_start3A = arith.constant 0 : i32
      %dma_start3A_224 = arith.constant 0 : i32
      %dma_start3A_225 = arith.constant 0 : i32
      %dma_start3A_226 = arith.constant 0 : i32
      %dma_start3A_227 = tpu.memref_slice %arg10[%dma_start3A_224, %dma_start3A_225, %dma_start3A_226] : memref<2x128x16xf32, #tpu.memory_space<vmem>> -> memref<1x128x16xf32, #tpu.memory_space<vmem>>
      %dma_start3A_228 = tpu.memref_squeeze %dma_start3A_227 : memref<1x128x16xf32, #tpu.memory_space<vmem>> -> memref<128x16xf32, #tpu.memory_space<vmem>>
      %dma_start3A_229 = arith.constant 0 : i32
      %dma_start3A_230 = tpu.memref_slice %arg9[%dma_start3A, %dma_start3A_229] : memref<2x128xi32, #tpu.memory_space<vmem>> -> memref<1x128xi32, #tpu.memory_space<vmem>>
      %dma_start3A_231 = tpu.memref_squeeze %dma_start3A_230 : memref<1x128xi32, #tpu.memory_space<vmem>> -> memref<128xi32, #tpu.memory_space<vmem>>
      %dma_start3A_232 = arith.constant 0 : i32
      %dma_start3A_233 = arith.constant 0 : i32
      %dma_start3A_234 = tpu.memref_slice %arg3[%dma_start3A_232, %dma_start3A_233] : memref<4000000x16xf32, #tpu.memory_space<hbm>> -> memref<4000000x16xf32, #tpu.memory_space<hbm>>
      tpu.enqueue_indirect_dma source(%dma_start3A_234 : memref<4000000x16xf32, #tpu.memory_space<hbm>>) target(%dma_start3A_228 : memref<128x16xf32, #tpu.memory_space<vmem>>) offsets(%dma_start3A_231 : memref<128xi32, #tpu.memory_space<vmem>>) semaphore(%arg17 : memref<!tpu.dma_semaphore, #tpu.memory_space<semaphore_mem>>)
      %dma_start3A_235 = arith.constant 0 : i32
      %dma_start3A_236 = arith.constant 0 : i32
      %dma_start3A_237 = arith.constant 0 : i32
      %dma_start3A_238 = arith.constant 0 : i32
      %dma_start3A_239 = tpu.memref_slice %arg11[%dma_start3A_236, %dma_start3A_237, %dma_start3A_238] : memref<2x128x16xf32, #tpu.memory_space<vmem>> -> memref<1x128x16xf32, #tpu.memory_space<vmem>>
      %dma_start3A_240 = tpu.memref_squeeze %dma_start3A_239 : memref<1x128x16xf32, #tpu.memory_space<vmem>> -> memref<128x16xf32, #tpu.memory_space<vmem>>
      %dma_start3A_241 = arith.constant 0 : i32
      %dma_start3A_242 = tpu.memref_slice %arg9[%dma_start3A_235, %dma_start3A_241] : memref<2x128xi32, #tpu.memory_space<vmem>> -> memref<1x128xi32, #tpu.memory_space<vmem>>
      %dma_start3A_243 = tpu.memref_squeeze %dma_start3A_242 : memref<1x128xi32, #tpu.memory_space<vmem>> -> memref<128xi32, #tpu.memory_space<vmem>>
      %dma_start3A_244 = arith.constant 0 : i32
      %dma_start3A_245 = arith.constant 0 : i32
      %dma_start3A_246 = tpu.memref_slice %arg4[%dma_start3A_244, %dma_start3A_245] : memref<4000000x16xf32, #tpu.memory_space<hbm>> -> memref<4000000x16xf32, #tpu.memory_space<hbm>>
      tpu.enqueue_indirect_dma source(%dma_start3A_246 : memref<4000000x16xf32, #tpu.memory_space<hbm>>) target(%dma_start3A_240 : memref<128x16xf32, #tpu.memory_space<vmem>>) offsets(%dma_start3A_243 : memref<128xi32, #tpu.memory_space<vmem>>) semaphore(%arg17 : memref<!tpu.dma_semaphore, #tpu.memory_space<semaphore_mem>>)
      %dma_start3A_247 = arith.constant 0 : i32
      %dma_start3A_248 = arith.constant 0 : i32
      %dma_start3A_249 = arith.constant 0 : i32
      %dma_start3A_250 = arith.constant 0 : i32
      %dma_start3A_251 = tpu.memref_slice %arg12[%dma_start3A_248, %dma_start3A_249, %dma_start3A_250] : memref<2x128x16xf32, #tpu.memory_space<vmem>> -> memref<1x128x16xf32, #tpu.memory_space<vmem>>
      %dma_start3A_252 = tpu.memref_squeeze %dma_start3A_251 : memref<1x128x16xf32, #tpu.memory_space<vmem>> -> memref<128x16xf32, #tpu.memory_space<vmem>>
      %dma_start3A_253 = arith.constant 0 : i32
      %dma_start3A_254 = tpu.memref_slice %arg9[%dma_start3A_247, %dma_start3A_253] : memref<2x128xi32, #tpu.memory_space<vmem>> -> memref<1x128xi32, #tpu.memory_space<vmem>>
      %dma_start3A_255 = tpu.memref_squeeze %dma_start3A_254 : memref<1x128xi32, #tpu.memory_space<vmem>> -> memref<128xi32, #tpu.memory_space<vmem>>
      %dma_start3A_256 = arith.constant 0 : i32
      %dma_start3A_257 = arith.constant 0 : i32
      %dma_start3A_258 = tpu.memref_slice %arg5[%dma_start3A_256, %dma_start3A_257] : memref<4000000x16xf32, #tpu.memory_space<hbm>> -> memref<4000000x16xf32, #tpu.memory_space<hbm>>
      tpu.enqueue_indirect_dma source(%dma_start3A_258 : memref<4000000x16xf32, #tpu.memory_space<hbm>>) target(%dma_start3A_252 : memref<128x16xf32, #tpu.memory_space<vmem>>) offsets(%dma_start3A_255 : memref<128xi32, #tpu.memory_space<vmem>>) semaphore(%arg17 : memref<!tpu.dma_semaphore, #tpu.memory_space<semaphore_mem>>)
      %dma_start3A_259 = arith.constant 0 : i32
      %dma_start3A_260 = arith.constant 0 : i32
      %dma_start3A_261 = arith.constant 0 : i32
      %dma_start3A_262 = arith.constant 0 : i32
      %dma_start3A_263 = tpu.memref_slice %arg13[%dma_start3A_260, %dma_start3A_261, %dma_start3A_262] : memref<2x128x16xf32, #tpu.memory_space<vmem>> -> memref<1x128x16xf32, #tpu.memory_space<vmem>>
      %dma_start3A_264 = tpu.memref_squeeze %dma_start3A_263 : memref<1x128x16xf32, #tpu.memory_space<vmem>> -> memref<128x16xf32, #tpu.memory_space<vmem>>
      %dma_start3A_265 = arith.constant 0 : i32
      %dma_start3A_266 = tpu.memref_slice %arg9[%dma_start3A_259, %dma_start3A_265] : memref<2x128xi32, #tpu.memory_space<vmem>> -> memref<1x128xi32, #tpu.memory_space<vmem>>
      %dma_start3A_267 = tpu.memref_squeeze %dma_start3A_266 : memref<1x128xi32, #tpu.memory_space<vmem>> -> memref<128xi32, #tpu.memory_space<vmem>>
      %dma_start3A_268 = arith.constant 0 : i32
      %dma_start3A_269 = arith.constant 0 : i32
      %dma_start3A_270 = tpu.memref_slice %arg6[%dma_start3A_268, %dma_start3A_269] : memref<4000000x16xf32, #tpu.memory_space<hbm>> -> memref<4000000x16xf32, #tpu.memory_space<hbm>>
      tpu.enqueue_indirect_dma source(%dma_start3A_270 : memref<4000000x16xf32, #tpu.memory_space<hbm>>) target(%dma_start3A_264 : memref<128x16xf32, #tpu.memory_space<vmem>>) offsets(%dma_start3A_267 : memref<128xi32, #tpu.memory_space<vmem>>) semaphore(%arg17 : memref<!tpu.dma_semaphore, #tpu.memory_space<semaphore_mem>>)
      %ge3A = arith.constant 1 : i32
      %ge3A_271 = arith.cmpi sge, %scan3A_92, %ge3A : i32
      %convert_element_type3A_272 = arith.extui %ge3A_271 : i1 to i32
      %cond3A = arith.constant 0 : i32
      %cond3A_273 = arith.cmpi ne, %convert_element_type3A_272, %cond3A : i32
      scf.if %cond3A_273 {
        %sub3A_326 = arith.constant 1 : i32
        %sub3A_327 = arith.subi %add3A_93, %sub3A_326 : i32
        %jit3A_328 = arith.constant 4 : i32
        %div3A_329 = arith.divsi %sub3A_327, %jit3A_328 : i32
        %sign3A_330 = arith.constant 0 : i32
        %sign3A_331 = arith.cmpi sgt, %sub3A_327, %sign3A_330 : i32
        %sign3A_332 = arith.extui %sign3A_331 : i1 to i32
        %sign3A_333 = arith.constant 0 : i32
        %sign3A_334 = arith.cmpi slt, %sub3A_327, %sign3A_333 : i32
        %sign3A_335 = arith.extui %sign3A_334 : i1 to i32
        %sign3A_336 = arith.subi %sign3A_332, %sign3A_335 : i32
        %sign3A_337 = arith.constant 0 : i32
        %sign3A_338 = arith.cmpi sgt, %jit3A_328, %sign3A_337 : i32
        %sign3A_339 = arith.extui %sign3A_338 : i1 to i32
        %sign3A_340 = arith.constant 0 : i32
        %sign3A_341 = arith.cmpi slt, %jit3A_328, %sign3A_340 : i32
        %sign3A_342 = arith.extui %sign3A_341 : i1 to i32
        %sign3A_343 = arith.subi %sign3A_339, %sign3A_342 : i32
        %ne3A_344 = arith.cmpi ne, %sign3A_336, %sign3A_343 : i32
        %rem3A_345 = arith.remsi %sub3A_327, %jit3A_328 : i32
        %ne3A_346 = arith.constant 0 : i32
        %ne3A_347 = arith.cmpi ne, %rem3A_345, %ne3A_346 : i32
        %and3A_348 = arith.andi %ne3A_344, %ne3A_347 : i1
        %sub3A_349 = arith.constant 1 : i32
        %sub3A_350 = arith.subi %div3A_329, %sub3A_349 : i32
        %select_n3A_351 = arith.select %and3A_348, %sub3A_350, %div3A_329 : i32
        %jit3A_352 = arith.constant 4 : i32
        %eq3A_353 = arith.constant 0 : i32
        %eq3A_354 = arith.cmpi eq, %jit3A_352, %eq3A_353 : i32
        %jit3A_355 = arith.constant 1 : i32
        %select_n3A_356 = arith.select %eq3A_354, %jit3A_355, %jit3A_352 : i32
        %rem3A_357 = arith.remsi %sub3A_327, %select_n3A_356 : i32
        %ne3A_358 = arith.constant 0 : i32
        %ne3A_359 = arith.cmpi ne, %rem3A_357, %ne3A_358 : i32
        %lt3A_360 = arith.constant 0 : i32
        %lt3A_361 = arith.cmpi slt, %rem3A_357, %lt3A_360 : i32
        %lt3A_362 = arith.constant 0 : i32
        %lt3A_363 = arith.cmpi slt, %select_n3A_356, %lt3A_362 : i32
        %ne3A_364 = arith.xori %lt3A_361, %lt3A_363 : i1
        %and3A_365 = arith.andi %ne3A_364, %ne3A_359 : i1
        %add3A_366 = arith.addi %rem3A_357, %select_n3A_356 : i32
        %select_n3A_367 = arith.select %and3A_365, %add3A_366, %rem3A_357 : i32
        %dma_wait3A_368 = arith.constant 0 : i32
        %dma_wait3A_369 = tpu.memref_slice %arg7[%select_n3A_351, %select_n3A_367, %dma_wait3A_368] : memref<200x4x65536xf32, #tpu.memory_space<hbm>> -> memref<1x1x65536xf32, #tpu.memory_space<hbm>>
        %dma_wait3A_370 = tpu.memref_squeeze %dma_wait3A_369 : memref<1x1x65536xf32, #tpu.memory_space<hbm>> -> memref<65536xf32, #tpu.memory_space<hbm>>
        %dma_wait3A_371 = arith.constant 0 : i32
        %dma_wait3A_372 = tpu.memref_slice %arg7[%select_n3A_351, %select_n3A_367, %dma_wait3A_371] : memref<200x4x65536xf32, #tpu.memory_space<hbm>> -> memref<1x1x65536xf32, #tpu.memory_space<hbm>>
        %dma_wait3A_373 = tpu.memref_squeeze %dma_wait3A_372 : memref<1x1x65536xf32, #tpu.memory_space<hbm>> -> memref<65536xf32, #tpu.memory_space<hbm>>
        tpu.wait_dma2 semaphore(%arg18 : memref<!tpu.dma_semaphore, #tpu.memory_space<semaphore_mem>>) src(%arg15 : memref<65536xf32, #tpu.memory_space<vmem>>) dst(%dma_wait3A_373 : memref<65536xf32, #tpu.memory_space<hbm>>)
      } else {
      }
      %scan3A_274 = arith.constant 0 : i32
      %scan3A_275 = arith.constant 0 : i32
      %scan3A_276 = arith.constant 8 : i32
      %scan3A_277 = arith.addi %scan3A_275, %scan3A_276 : i32
      %scan3A_278 = arith.constant 1 : i32
      scf.for %scan3A_326 = %scan3A_275 to %scan3A_277 step %scan3A_278  : i32 {
        %lt3A_327 = arith.constant 7 : i32
        %lt3A_328 = arith.cmpi slt, %scan3A_326, %lt3A_327 : i32
        %convert_element_type3A_329 = arith.extui %lt3A_328 : i1 to i32
        %cond3A_330 = arith.constant 0 : i32
        %cond3A_331 = arith.cmpi ne, %convert_element_type3A_329, %cond3A_330 : i32
        scf.if %cond3A_331 {
          %add3A_411 = arith.constant 1 : i32
          %add3A_412 = arith.addi %scan3A_326, %add3A_411 : i32
          %jit3A_413 = arith.constant 2 : i32
          %eq3A_414 = arith.constant 0 : i32
          %eq3A_415 = arith.cmpi eq, %jit3A_413, %eq3A_414 : i32
          %jit3A_416 = arith.constant 1 : i32
          %select_n3A_417 = arith.select %eq3A_415, %jit3A_416, %jit3A_413 : i32
          %rem3A_418 = arith.remsi %add3A_412, %select_n3A_417 : i32
          %ne3A_419 = arith.constant 0 : i32
          %ne3A_420 = arith.cmpi ne, %rem3A_418, %ne3A_419 : i32
          %lt3A_421 = arith.constant 0 : i32
          %lt3A_422 = arith.cmpi slt, %rem3A_418, %lt3A_421 : i32
          %lt3A_423 = arith.constant 0 : i32
          %lt3A_424 = arith.cmpi slt, %select_n3A_417, %lt3A_423 : i32
          %ne3A_425 = arith.xori %lt3A_422, %lt3A_424 : i1
          %and3A_426 = arith.andi %ne3A_425, %ne3A_420 : i1
          %add3A_427 = arith.addi %rem3A_418, %select_n3A_417 : i32
          %select_n3A_428 = arith.select %and3A_426, %add3A_427, %rem3A_418 : i32
          %mul3A_429 = arith.constant 128 : i32
          %mul3A_430 = arith.muli %add3A_412, %mul3A_429 : i32
          %add3A_431 = arith.constant 0 : i32
          %add3A_432 = arith.addi %mul3A_430, %add3A_431 : i32
          %get3A_433 = arith.index_cast %add3A_432 : i32 to index
          %get3A_434 = tpu.vector_load %arg8[%get3A_433] {strides = array<i32>} : memref<1024xi32, #tpu.memory_space<vmem>>, vector<16xi32>,
          %mul3A_435 = arith.constant 4 : i32
          %mul3A_436 = vector.broadcast %mul3A_435 : i32 to vector<16xi32>
          %mul3A_437 = arith.muli %get3A_434, %mul3A_436 : vector<16xi32>
          %add3A_438 = vector.broadcast %select_n3A_133 : i32 to vector<16xi32>
          %add3A_439 = arith.addi %mul3A_437, %add3A_438 : vector<16xi32>
          %swap3A_440 = arith.index_cast %select_n3A_428 : i32 to index
          %swap3A_441 = arith.constant 0 : index
          %swap3A_442 = tpu.vector_load %arg9[%swap3A_440, %swap3A_441] {strides = array<i32>} : memref<2x128xi32, #tpu.memory_space<vmem>>, vector<16xi32>,
          tpu.vector_store %arg9[%swap3A_440, %swap3A_441], %add3A_439 {strides = array<i32>} : memref<2x128xi32, #tpu.memory_space<vmem>>, vector<16xi32>,
          %mul3A_443 = arith.constant 128 : i32
          %mul3A_444 = arith.muli %add3A_412, %mul3A_443 : i32
          %add3A_445 = arith.constant 16 : i32
          %add3A_446 = arith.addi %mul3A_444, %add3A_445 : i32
          %get3A_447 = arith.index_cast %add3A_446 : i32 to index
          %get3A_448 = tpu.vector_load %arg8[%get3A_447] {strides = array<i32>} : memref<1024xi32, #tpu.memory_space<vmem>>, vector<16xi32>,
          %mul3A_449 = arith.constant 4 : i32
          %mul3A_450 = vector.broadcast %mul3A_449 : i32 to vector<16xi32>
          %mul3A_451 = arith.muli %get3A_448, %mul3A_450 : vector<16xi32>
          %add3A_452 = vector.broadcast %select_n3A_133 : i32 to vector<16xi32>
          %add3A_453 = arith.addi %mul3A_451, %add3A_452 : vector<16xi32>
          %swap3A_454 = arith.index_cast %select_n3A_428 : i32 to index
          %swap3A_455 = arith.constant 16 : index
          %swap3A_456 = tpu.vector_load %arg9[%swap3A_454, %swap3A_455] {strides = array<i32>} : memref<2x128xi32, #tpu.memory_space<vmem>>, vector<16xi32>,
          tpu.vector_store %arg9[%swap3A_454, %swap3A_455], %add3A_453 {strides = array<i32>} : memref<2x128xi32, #tpu.memory_space<vmem>>, vector<16xi32>,
          %mul3A_457 = arith.constant 128 : i32
          %mul3A_458 = arith.muli %add3A_412, %mul3A_457 : i32
          %add3A_459 = arith.constant 32 : i32
          %add3A_460 = arith.addi %mul3A_458, %add3A_459 : i32
          %get3A_461 = arith.index_cast %add3A_460 : i32 to index
          %get3A_462 = tpu.vector_load %arg8[%get3A_461] {strides = array<i32>} : memref<1024xi32, #tpu.memory_space<vmem>>, vector<16xi32>,
          %mul3A_463 = arith.constant 4 : i32
          %mul3A_464 = vector.broadcast %mul3A_463 : i32 to vector<16xi32>
          %mul3A_465 = arith.muli %get3A_462, %mul3A_464 : vector<16xi32>
          %add3A_466 = vector.broadcast %select_n3A_133 : i32 to vector<16xi32>
          %add3A_467 = arith.addi %mul3A_465, %add3A_466 : vector<16xi32>
          %swap3A_468 = arith.index_cast %select_n3A_428 : i32 to index
          %swap3A_469 = arith.constant 32 : index
          %swap3A_470 = tpu.vector_load %arg9[%swap3A_468, %swap3A_469] {strides = array<i32>} : memref<2x128xi32, #tpu.memory_space<vmem>>, vector<16xi32>,
          tpu.vector_store %arg9[%swap3A_468, %swap3A_469], %add3A_467 {strides = array<i32>} : memref<2x128xi32, #tpu.memory_space<vmem>>, vector<16xi32>,
          %mul3A_471 = arith.constant 128 : i32
          %mul3A_472 = arith.muli %add3A_412, %mul3A_471 : i32
          %add3A_473 = arith.constant 48 : i32
          %add3A_474 = arith.addi %mul3A_472, %add3A_473 : i32
          %get3A_475 = arith.index_cast %add3A_474 : i32 to index
          %get3A_476 = tpu.vector_load %arg8[%get3A_475] {strides = array<i32>} : memref<1024xi32, #tpu.memory_space<vmem>>, vector<16xi32>,
          %mul3A_477 = arith.constant 4 : i32
          %mul3A_478 = vector.broadcast %mul3A_477 : i32 to vector<16xi32>
          %mul3A_479 = arith.muli %get3A_476, %mul3A_478 : vector<16xi32>
          %add3A_480 = vector.broadcast %select_n3A_133 : i32 to vector<16xi32>
          %add3A_481 = arith.addi %mul3A_479, %add3A_480 : vector<16xi32>
          %swap3A_482 = arith.index_cast %select_n3A_428 : i32 to index
          %swap3A_483 = arith.constant 48 : index
          %swap3A_484 = tpu.vector_load %arg9[%swap3A_482, %swap3A_483] {strides = array<i32>} : memref<2x128xi32, #tpu.memory_space<vmem>>, vector<16xi32>,
          tpu.vector_store %arg9[%swap3A_482, %swap3A_483], %add3A_481 {strides = array<i32>} : memref<2x128xi32, #tpu.memory_space<vmem>>, vector<16xi32>,
          %mul3A_485 = arith.constant 128 : i32
          %mul3A_486 = arith.muli %add3A_412, %mul3A_485 : i32
          %add3A_487 = arith.constant 64 : i32
          %add3A_488 = arith.addi %mul3A_486, %add3A_487 : i32
          %get3A_489 = arith.index_cast %add3A_488 : i32 to index
          %get3A_490 = tpu.vector_load %arg8[%get3A_489] {strides = array<i32>} : memref<1024xi32, #tpu.memory_space<vmem>>, vector<16xi32>,
          %mul3A_491 = arith.constant 4 : i32
          %mul3A_492 = vector.broadcast %mul3A_491 : i32 to vector<16xi32>
          %mul3A_493 = arith.muli %get3A_490, %mul3A_492 : vector<16xi32>
          %add3A_494 = vector.broadcast %select_n3A_133 : i32 to vector<16xi32>
          %add3A_495 = arith.addi %mul3A_493, %add3A_494 : vector<16xi32>
          %swap3A_496 = arith.index_cast %select_n3A_428 : i32 to index
          %swap3A_497 = arith.constant 64 : index
          %swap3A_498 = tpu.vector_load %arg9[%swap3A_496, %swap3A_497] {strides = array<i32>} : memref<2x128xi32, #tpu.memory_space<vmem>>, vector<16xi32>,
          tpu.vector_store %arg9[%swap3A_496, %swap3A_497], %add3A_495 {strides = array<i32>} : memref<2x128xi32, #tpu.memory_space<vmem>>, vector<16xi32>,
          %mul3A_499 = arith.constant 128 : i32
          %mul3A_500 = arith.muli %add3A_412, %mul3A_499 : i32
          %add3A_501 = arith.constant 80 : i32
          %add3A_502 = arith.addi %mul3A_500, %add3A_501 : i32
          %get3A_503 = arith.index_cast %add3A_502 : i32 to index
          %get3A_504 = tpu.vector_load %arg8[%get3A_503] {strides = array<i32>} : memref<1024xi32, #tpu.memory_space<vmem>>, vector<16xi32>,
          %mul3A_505 = arith.constant 4 : i32
          %mul3A_506 = vector.broadcast %mul3A_505 : i32 to vector<16xi32>
          %mul3A_507 = arith.muli %get3A_504, %mul3A_506 : vector<16xi32>
          %add3A_508 = vector.broadcast %select_n3A_133 : i32 to vector<16xi32>
          %add3A_509 = arith.addi %mul3A_507, %add3A_508 : vector<16xi32>
          %swap3A_510 = arith.index_cast %select_n3A_428 : i32 to index
          %swap3A_511 = arith.constant 80 : index
          %swap3A_512 = tpu.vector_load %arg9[%swap3A_510, %swap3A_511] {strides = array<i32>} : memref<2x128xi32, #tpu.memory_space<vmem>>, vector<16xi32>,
          tpu.vector_store %arg9[%swap3A_510, %swap3A_511], %add3A_509 {strides = array<i32>} : memref<2x128xi32, #tpu.memory_space<vmem>>, vector<16xi32>,
          %mul3A_513 = arith.constant 128 : i32
          %mul3A_514 = arith.muli %add3A_412, %mul3A_513 : i32
          %add3A_515 = arith.constant 96 : i32
          %add3A_516 = arith.addi %mul3A_514, %add3A_515 : i32
          %get3A_517 = arith.index_cast %add3A_516 : i32 to index
          %get3A_518 = tpu.vector_load %arg8[%get3A_517] {strides = array<i32>} : memref<1024xi32, #tpu.memory_space<vmem>>, vector<16xi32>,
          %mul3A_519 = arith.constant 4 : i32
          %mul3A_520 = vector.broadcast %mul3A_519 : i32 to vector<16xi32>
          %mul3A_521 = arith.muli %get3A_518, %mul3A_520 : vector<16xi32>
          %add3A_522 = vector.broadcast %select_n3A_133 : i32 to vector<16xi32>
          %add3A_523 = arith.addi %mul3A_521, %add3A_522 : vector<16xi32>
          %swap3A_524 = arith.index_cast %select_n3A_428 : i32 to index
          %swap3A_525 = arith.constant 96 : index
          %swap3A_526 = tpu.vector_load %arg9[%swap3A_524, %swap3A_525] {strides = array<i32>} : memref<2x128xi32, #tpu.memory_space<vmem>>, vector<16xi32>,
          tpu.vector_store %arg9[%swap3A_524, %swap3A_525], %add3A_523 {strides = array<i32>} : memref<2x128xi32, #tpu.memory_space<vmem>>, vector<16xi32>,
          %mul3A_527 = arith.constant 128 : i32
          %mul3A_528 = arith.muli %add3A_412, %mul3A_527 : i32
          %add3A_529 = arith.constant 112 : i32
          %add3A_530 = arith.addi %mul3A_528, %add3A_529 : i32
          %get3A_531 = arith.index_cast %add3A_530 : i32 to index
          %get3A_532 = tpu.vector_load %arg8[%get3A_531] {strides = array<i32>} : memref<1024xi32, #tpu.memory_space<vmem>>, vector<16xi32>,
          %mul3A_533 = arith.constant 4 : i32
          %mul3A_534 = vector.broadcast %mul3A_533 : i32 to vector<16xi32>
          %mul3A_535 = arith.muli %get3A_532, %mul3A_534 : vector<16xi32>
          %add3A_536 = vector.broadcast %select_n3A_133 : i32 to vector<16xi32>
          %add3A_537 = arith.addi %mul3A_535, %add3A_536 : vector<16xi32>
          %swap3A_538 = arith.index_cast %select_n3A_428 : i32 to index
          %swap3A_539 = arith.constant 112 : index
          %swap3A_540 = tpu.vector_load %arg9[%swap3A_538, %swap3A_539] {strides = array<i32>} : memref<2x128xi32, #tpu.memory_space<vmem>>, vector<16xi32>,
          tpu.vector_store %arg9[%swap3A_538, %swap3A_539], %add3A_537 {strides = array<i32>} : memref<2x128xi32, #tpu.memory_space<vmem>>, vector<16xi32>,
          %dma_start3A_541 = arith.constant 0 : i32
          %dma_start3A_542 = arith.constant 0 : i32
          %dma_start3A_543 = tpu.memref_slice %arg10[%select_n3A_428, %dma_start3A_541, %dma_start3A_542] : memref<2x128x16xf32, #tpu.memory_space<vmem>> -> memref<1x128x16xf32, #tpu.memory_space<vmem>>
          %dma_start3A_544 = tpu.memref_squeeze %dma_start3A_543 : memref<1x128x16xf32, #tpu.memory_space<vmem>> -> memref<128x16xf32, #tpu.memory_space<vmem>>
          %dma_start3A_545 = arith.constant 0 : i32
          %dma_start3A_546 = tpu.memref_slice %arg9[%select_n3A_428, %dma_start3A_545] : memref<2x128xi32, #tpu.memory_space<vmem>> -> memref<1x128xi32, #tpu.memory_space<vmem>>
          %dma_start3A_547 = tpu.memref_squeeze %dma_start3A_546 : memref<1x128xi32, #tpu.memory_space<vmem>> -> memref<128xi32, #tpu.memory_space<vmem>>
          %dma_start3A_548 = arith.constant 0 : i32
          %dma_start3A_549 = arith.constant 0 : i32
          %dma_start3A_550 = tpu.memref_slice %arg3[%dma_start3A_548, %dma_start3A_549] : memref<4000000x16xf32, #tpu.memory_space<hbm>> -> memref<4000000x16xf32, #tpu.memory_space<hbm>>
          tpu.enqueue_indirect_dma source(%dma_start3A_550 : memref<4000000x16xf32, #tpu.memory_space<hbm>>) target(%dma_start3A_544 : memref<128x16xf32, #tpu.memory_space<vmem>>) offsets(%dma_start3A_547 : memref<128xi32, #tpu.memory_space<vmem>>) semaphore(%arg17 : memref<!tpu.dma_semaphore, #tpu.memory_space<semaphore_mem>>)
          %dma_start3A_551 = arith.constant 0 : i32
          %dma_start3A_552 = arith.constant 0 : i32
          %dma_start3A_553 = tpu.memref_slice %arg11[%select_n3A_428, %dma_start3A_551, %dma_start3A_552] : memref<2x128x16xf32, #tpu.memory_space<vmem>> -> memref<1x128x16xf32, #tpu.memory_space<vmem>>
          %dma_start3A_554 = tpu.memref_squeeze %dma_start3A_553 : memref<1x128x16xf32, #tpu.memory_space<vmem>> -> memref<128x16xf32, #tpu.memory_space<vmem>>
          %dma_start3A_555 = arith.constant 0 : i32
          %dma_start3A_556 = tpu.memref_slice %arg9[%select_n3A_428, %dma_start3A_555] : memref<2x128xi32, #tpu.memory_space<vmem>> -> memref<1x128xi32, #tpu.memory_space<vmem>>
          %dma_start3A_557 = tpu.memref_squeeze %dma_start3A_556 : memref<1x128xi32, #tpu.memory_space<vmem>> -> memref<128xi32, #tpu.memory_space<vmem>>
          %dma_start3A_558 = arith.constant 0 : i32
          %dma_start3A_559 = arith.constant 0 : i32
          %dma_start3A_560 = tpu.memref_slice %arg4[%dma_start3A_558, %dma_start3A_559] : memref<4000000x16xf32, #tpu.memory_space<hbm>> -> memref<4000000x16xf32, #tpu.memory_space<hbm>>
          tpu.enqueue_indirect_dma source(%dma_start3A_560 : memref<4000000x16xf32, #tpu.memory_space<hbm>>) target(%dma_start3A_554 : memref<128x16xf32, #tpu.memory_space<vmem>>) offsets(%dma_start3A_557 : memref<128xi32, #tpu.memory_space<vmem>>) semaphore(%arg17 : memref<!tpu.dma_semaphore, #tpu.memory_space<semaphore_mem>>)
          %dma_start3A_561 = arith.constant 0 : i32
          %dma_start3A_562 = arith.constant 0 : i32
          %dma_start3A_563 = tpu.memref_slice %arg12[%select_n3A_428, %dma_start3A_561, %dma_start3A_562] : memref<2x128x16xf32, #tpu.memory_space<vmem>> -> memref<1x128x16xf32, #tpu.memory_space<vmem>>
          %dma_start3A_564 = tpu.memref_squeeze %dma_start3A_563 : memref<1x128x16xf32, #tpu.memory_space<vmem>> -> memref<128x16xf32, #tpu.memory_space<vmem>>
          %dma_start3A_565 = arith.constant 0 : i32
          %dma_start3A_566 = tpu.memref_slice %arg9[%select_n3A_428, %dma_start3A_565] : memref<2x128xi32, #tpu.memory_space<vmem>> -> memref<1x128xi32, #tpu.memory_space<vmem>>
          %dma_start3A_567 = tpu.memref_squeeze %dma_start3A_566 : memref<1x128xi32, #tpu.memory_space<vmem>> -> memref<128xi32, #tpu.memory_space<vmem>>
          %dma_start3A_568 = arith.constant 0 : i32
          %dma_start3A_569 = arith.constant 0 : i32
          %dma_start3A_570 = tpu.memref_slice %arg5[%dma_start3A_568, %dma_start3A_569] : memref<4000000x16xf32, #tpu.memory_space<hbm>> -> memref<4000000x16xf32, #tpu.memory_space<hbm>>
          tpu.enqueue_indirect_dma source(%dma_start3A_570 : memref<4000000x16xf32, #tpu.memory_space<hbm>>) target(%dma_start3A_564 : memref<128x16xf32, #tpu.memory_space<vmem>>) offsets(%dma_start3A_567 : memref<128xi32, #tpu.memory_space<vmem>>) semaphore(%arg17 : memref<!tpu.dma_semaphore, #tpu.memory_space<semaphore_mem>>)
          %dma_start3A_571 = arith.constant 0 : i32
          %dma_start3A_572 = arith.constant 0 : i32
          %dma_start3A_573 = tpu.memref_slice %arg13[%select_n3A_428, %dma_start3A_571, %dma_start3A_572] : memref<2x128x16xf32, #tpu.memory_space<vmem>> -> memref<1x128x16xf32, #tpu.memory_space<vmem>>
          %dma_start3A_574 = tpu.memref_squeeze %dma_start3A_573 : memref<1x128x16xf32, #tpu.memory_space<vmem>> -> memref<128x16xf32, #tpu.memory_space<vmem>>
          %dma_start3A_575 = arith.constant 0 : i32
          %dma_start3A_576 = tpu.memref_slice %arg9[%select_n3A_428, %dma_start3A_575] : memref<2x128xi32, #tpu.memory_space<vmem>> -> memref<1x128xi32, #tpu.memory_space<vmem>>
          %dma_start3A_577 = tpu.memref_squeeze %dma_start3A_576 : memref<1x128xi32, #tpu.memory_space<vmem>> -> memref<128xi32, #tpu.memory_space<vmem>>
          %dma_start3A_578 = arith.constant 0 : i32
          %dma_start3A_579 = arith.constant 0 : i32
          %dma_start3A_580 = tpu.memref_slice %arg6[%dma_start3A_578, %dma_start3A_579] : memref<4000000x16xf32, #tpu.memory_space<hbm>> -> memref<4000000x16xf32, #tpu.memory_space<hbm>>
          tpu.enqueue_indirect_dma source(%dma_start3A_580 : memref<4000000x16xf32, #tpu.memory_space<hbm>>) target(%dma_start3A_574 : memref<128x16xf32, #tpu.memory_space<vmem>>) offsets(%dma_start3A_577 : memref<128xi32, #tpu.memory_space<vmem>>) semaphore(%arg17 : memref<!tpu.dma_semaphore, #tpu.memory_space<semaphore_mem>>)
        } else {
        }
        %jit3A_332 = arith.constant 2 : i32
        %eq3A_333 = arith.constant 0 : i32
        %eq3A_334 = arith.cmpi eq, %jit3A_332, %eq3A_333 : i32
        %jit3A_335 = arith.constant 1 : i32
        %select_n3A_336 = arith.select %eq3A_334, %jit3A_335, %jit3A_332 : i32
        %rem3A_337 = arith.remsi %scan3A_326, %select_n3A_336 : i32
        %ne3A_338 = arith.constant 0 : i32
        %ne3A_339 = arith.cmpi ne, %rem3A_337, %ne3A_338 : i32
        %lt3A_340 = arith.constant 0 : i32
        %lt3A_341 = arith.cmpi slt, %rem3A_337, %lt3A_340 : i32
        %lt3A_342 = arith.constant 0 : i32
        %lt3A_343 = arith.cmpi slt, %select_n3A_336, %lt3A_342 : i32
        %ne3A_344 = arith.xori %lt3A_341, %lt3A_343 : i1
        %and3A_345 = arith.andi %ne3A_344, %ne3A_339 : i1
        %add3A_346 = arith.addi %rem3A_337, %select_n3A_336 : i32
        %select_n3A_347 = arith.select %and3A_345, %add3A_346, %rem3A_337 : i32
        %dma_wait3A_348 = arith.constant 0 : i32
        %dma_wait3A_349 = arith.constant 0 : i32
        %dma_wait3A_350 = tpu.memref_slice %arg10[%select_n3A_347, %dma_wait3A_348, %dma_wait3A_349] : memref<2x128x16xf32, #tpu.memory_space<vmem>> -> memref<1x128x16xf32, #tpu.memory_space<vmem>>
        %dma_wait3A_351 = tpu.memref_squeeze %dma_wait3A_350 : memref<1x128x16xf32, #tpu.memory_space<vmem>> -> memref<128x16xf32, #tpu.memory_space<vmem>>
        %dma_wait3A_352 = arith.constant 0 : i32
        %dma_wait3A_353 = tpu.memref_slice %arg9[%select_n3A_347, %dma_wait3A_352] : memref<2x128xi32, #tpu.memory_space<vmem>> -> memref<1x128xi32, #tpu.memory_space<vmem>>
        %dma_wait3A_354 = tpu.memref_squeeze %dma_wait3A_353 : memref<1x128xi32, #tpu.memory_space<vmem>> -> memref<128xi32, #tpu.memory_space<vmem>>
        %dma_wait3A_355 = arith.constant 0 : i32
        %dma_wait3A_356 = arith.constant 0 : i32
        %dma_wait3A_357 = tpu.memref_slice %arg3[%dma_wait3A_355, %dma_wait3A_356] : memref<4000000x16xf32, #tpu.memory_space<hbm>> -> memref<4000000x16xf32, #tpu.memory_space<hbm>>
        tpu.wait_indirect_dma semaphore(%arg17 : memref<!tpu.dma_semaphore, #tpu.memory_space<semaphore_mem>>) src(%dma_wait3A_357 : memref<4000000x16xf32, #tpu.memory_space<hbm>>) dst(%dma_wait3A_351 : memref<128x16xf32, #tpu.memory_space<vmem>>)
        %dma_wait3A_358 = arith.constant 0 : i32
        %dma_wait3A_359 = arith.constant 0 : i32
        %dma_wait3A_360 = tpu.memref_slice %arg11[%select_n3A_347, %dma_wait3A_358, %dma_wait3A_359] : memref<2x128x16xf32, #tpu.memory_space<vmem>> -> memref<1x128x16xf32, #tpu.memory_space<vmem>>
        %dma_wait3A_361 = tpu.memref_squeeze %dma_wait3A_360 : memref<1x128x16xf32, #tpu.memory_space<vmem>> -> memref<128x16xf32, #tpu.memory_space<vmem>>
        %dma_wait3A_362 = arith.constant 0 : i32
        %dma_wait3A_363 = tpu.memref_slice %arg9[%select_n3A_347, %dma_wait3A_362] : memref<2x128xi32, #tpu.memory_space<vmem>> -> memref<1x128xi32, #tpu.memory_space<vmem>>
        %dma_wait3A_364 = tpu.memref_squeeze %dma_wait3A_363 : memref<1x128xi32, #tpu.memory_space<vmem>> -> memref<128xi32, #tpu.memory_space<vmem>>
        %dma_wait3A_365 = arith.constant 0 : i32
        %dma_wait3A_366 = arith.constant 0 : i32
        %dma_wait3A_367 = tpu.memref_slice %arg4[%dma_wait3A_365, %dma_wait3A_366] : memref<4000000x16xf32, #tpu.memory_space<hbm>> -> memref<4000000x16xf32, #tpu.memory_space<hbm>>
        tpu.wait_indirect_dma semaphore(%arg17 : memref<!tpu.dma_semaphore, #tpu.memory_space<semaphore_mem>>) src(%dma_wait3A_367 : memref<4000000x16xf32, #tpu.memory_space<hbm>>) dst(%dma_wait3A_361 : memref<128x16xf32, #tpu.memory_space<vmem>>)
        %dma_wait3A_368 = arith.constant 0 : i32
        %dma_wait3A_369 = arith.constant 0 : i32
        %dma_wait3A_370 = tpu.memref_slice %arg12[%select_n3A_347, %dma_wait3A_368, %dma_wait3A_369] : memref<2x128x16xf32, #tpu.memory_space<vmem>> -> memref<1x128x16xf32, #tpu.memory_space<vmem>>
        %dma_wait3A_371 = tpu.memref_squeeze %dma_wait3A_370 : memref<1x128x16xf32, #tpu.memory_space<vmem>> -> memref<128x16xf32, #tpu.memory_space<vmem>>
        %dma_wait3A_372 = arith.constant 0 : i32
        %dma_wait3A_373 = tpu.memref_slice %arg9[%select_n3A_347, %dma_wait3A_372] : memref<2x128xi32, #tpu.memory_space<vmem>> -> memref<1x128xi32, #tpu.memory_space<vmem>>
        %dma_wait3A_374 = tpu.memref_squeeze %dma_wait3A_373 : memref<1x128xi32, #tpu.memory_space<vmem>> -> memref<128xi32, #tpu.memory_space<vmem>>
        %dma_wait3A_375 = arith.constant 0 : i32
        %dma_wait3A_376 = arith.constant 0 : i32
        %dma_wait3A_377 = tpu.memref_slice %arg5[%dma_wait3A_375, %dma_wait3A_376] : memref<4000000x16xf32, #tpu.memory_space<hbm>> -> memref<4000000x16xf32, #tpu.memory_space<hbm>>
        tpu.wait_indirect_dma semaphore(%arg17 : memref<!tpu.dma_semaphore, #tpu.memory_space<semaphore_mem>>) src(%dma_wait3A_377 : memref<4000000x16xf32, #tpu.memory_space<hbm>>) dst(%dma_wait3A_371 : memref<128x16xf32, #tpu.memory_space<vmem>>)
        %dma_wait3A_378 = arith.constant 0 : i32
        %dma_wait3A_379 = arith.constant 0 : i32
        %dma_wait3A_380 = tpu.memref_slice %arg13[%select_n3A_347, %dma_wait3A_378, %dma_wait3A_379] : memref<2x128x16xf32, #tpu.memory_space<vmem>> -> memref<1x128x16xf32, #tpu.memory_space<vmem>>
        %dma_wait3A_381 = tpu.memref_squeeze %dma_wait3A_380 : memref<1x128x16xf32, #tpu.memory_space<vmem>> -> memref<128x16xf32, #tpu.memory_space<vmem>>
        %dma_wait3A_382 = arith.constant 0 : i32
        %dma_wait3A_383 = tpu.memref_slice %arg9[%select_n3A_347, %dma_wait3A_382] : memref<2x128xi32, #tpu.memory_space<vmem>> -> memref<1x128xi32, #tpu.memory_space<vmem>>
        %dma_wait3A_384 = tpu.memref_squeeze %dma_wait3A_383 : memref<1x128xi32, #tpu.memory_space<vmem>> -> memref<128xi32, #tpu.memory_space<vmem>>
        %dma_wait3A_385 = arith.constant 0 : i32
        %dma_wait3A_386 = arith.constant 0 : i32
        %dma_wait3A_387 = tpu.memref_slice %arg6[%dma_wait3A_385, %dma_wait3A_386] : memref<4000000x16xf32, #tpu.memory_space<hbm>> -> memref<4000000x16xf32, #tpu.memory_space<hbm>>
        tpu.wait_indirect_dma semaphore(%arg17 : memref<!tpu.dma_semaphore, #tpu.memory_space<semaphore_mem>>) src(%dma_wait3A_387 : memref<4000000x16xf32, #tpu.memory_space<hbm>>) dst(%dma_wait3A_381 : memref<128x16xf32, #tpu.memory_space<vmem>>)
        %jit3A_388 = arith.constant 2 : i32
        %eq3A_389 = arith.constant 0 : i32
        %eq3A_390 = arith.cmpi eq, %jit3A_388, %eq3A_389 : i32
        %jit3A_391 = arith.constant 1 : i32
        %select_n3A_392 = arith.select %eq3A_390, %jit3A_391, %jit3A_388 : i32
        %rem3A_393 = arith.remsi %scan3A_326, %select_n3A_392 : i32
        %ne3A_394 = arith.constant 0 : i32
        %ne3A_395 = arith.cmpi ne, %rem3A_393, %ne3A_394 : i32
        %lt3A_396 = arith.constant 0 : i32
        %lt3A_397 = arith.cmpi slt, %rem3A_393, %lt3A_396 : i32
        %lt3A_398 = arith.constant 0 : i32
        %lt3A_399 = arith.cmpi slt, %select_n3A_392, %lt3A_398 : i32
        %ne3A_400 = arith.xori %lt3A_397, %lt3A_399 : i1
        %and3A_401 = arith.andi %ne3A_400, %ne3A_395 : i1
        %add3A_402 = arith.addi %rem3A_393, %select_n3A_392 : i32
        %select_n3A_403 = arith.select %and3A_401, %add3A_402, %rem3A_393 : i32
        %parallel_loop3A = arith.constant 0 : i32
        %parallel_loop3A_404 = arith.constant 128 : i32
        %parallel_loop3A_405 = arith.constant 1 : i32
        scf.for %parallel_loop3A_411 = %parallel_loop3A to %parallel_loop3A_404 step %parallel_loop3A_405  : i32 {
          %parallel_loop3A_412 = arith.constant 0 : i32
          %parallel_loop3A_413 = arith.constant 0 : i32
          %parallel_loop3A_414 = tpu.memref_slice %arg10[%select_n3A_403, %parallel_loop3A_412, %parallel_loop3A_413] : memref<2x128x16xf32, #tpu.memory_space<vmem>> -> memref<1x128x16xf32, #tpu.memory_space<vmem>>
          %parallel_loop3A_415 = tpu.memref_squeeze %parallel_loop3A_414 : memref<1x128x16xf32, #tpu.memory_space<vmem>> -> memref<128x16xf32, #tpu.memory_space<vmem>>
          %parallel_loop3A_416 = arith.index_cast %parallel_loop3A_411 : i32 to index
          %parallel_loop3A_417 = arith.constant 0 : index
          %parallel_loop3A_418 = tpu.vector_load %parallel_loop3A_415[%parallel_loop3A_416, %parallel_loop3A_417] {strides = array<i32>} : memref<128x16xf32, #tpu.memory_space<vmem>>, vector<16xf32>,
          %parallel_loop3A_419 = arith.constant 0 : i32
          %parallel_loop3A_420 = arith.constant 0 : i32
          %parallel_loop3A_421 = tpu.memref_slice %arg11[%select_n3A_403, %parallel_loop3A_419, %parallel_loop3A_420] : memref<2x128x16xf32, #tpu.memory_space<vmem>> -> memref<1x128x16xf32, #tpu.memory_space<vmem>>
          %parallel_loop3A_422 = tpu.memref_squeeze %parallel_loop3A_421 : memref<1x128x16xf32, #tpu.memory_space<vmem>> -> memref<128x16xf32, #tpu.memory_space<vmem>>
          %parallel_loop3A_423 = arith.index_cast %parallel_loop3A_411 : i32 to index
          %parallel_loop3A_424 = arith.constant 0 : index
          %parallel_loop3A_425 = tpu.vector_load %parallel_loop3A_422[%parallel_loop3A_423, %parallel_loop3A_424] {strides = array<i32>} : memref<128x16xf32, #tpu.memory_space<vmem>>, vector<16xf32>,
          %parallel_loop3A_426 = arith.mulf %parallel_loop3A_425, %get3A_135 : vector<16xf32>
          %parallel_loop3A_427 = arith.constant 0 : i32
          %parallel_loop3A_428 = arith.constant 0 : i32
          %parallel_loop3A_429 = tpu.memref_slice %arg12[%select_n3A_403, %parallel_loop3A_427, %parallel_loop3A_428] : memref<2x128x16xf32, #tpu.memory_space<vmem>> -> memref<1x128x16xf32, #tpu.memory_space<vmem>>
          %parallel_loop3A_430 = tpu.memref_squeeze %parallel_loop3A_429 : memref<1x128x16xf32, #tpu.memory_space<vmem>> -> memref<128x16xf32, #tpu.memory_space<vmem>>
          %parallel_loop3A_431 = arith.index_cast %parallel_loop3A_411 : i32 to index
          %parallel_loop3A_432 = arith.constant 0 : index
          %parallel_loop3A_433 = tpu.vector_load %parallel_loop3A_430[%parallel_loop3A_431, %parallel_loop3A_432] {strides = array<i32>} : memref<128x16xf32, #tpu.memory_space<vmem>>, vector<16xf32>,
          %parallel_loop3A_434 = arith.mulf %parallel_loop3A_433, %get3A_135 : vector<16xf32>
          %parallel_loop3A_435 = arith.constant 0 : i32
          %parallel_loop3A_436 = arith.constant 0 : i32
          %parallel_loop3A_437 = tpu.memref_slice %arg13[%select_n3A_403, %parallel_loop3A_435, %parallel_loop3A_436] : memref<2x128x16xf32, #tpu.memory_space<vmem>> -> memref<1x128x16xf32, #tpu.memory_space<vmem>>
          %parallel_loop3A_438 = tpu.memref_squeeze %parallel_loop3A_437 : memref<1x128x16xf32, #tpu.memory_space<vmem>> -> memref<128x16xf32, #tpu.memory_space<vmem>>
          %parallel_loop3A_439 = arith.index_cast %parallel_loop3A_411 : i32 to index
          %parallel_loop3A_440 = arith.constant 0 : index
          %parallel_loop3A_441 = tpu.vector_load %parallel_loop3A_438[%parallel_loop3A_439, %parallel_loop3A_440] {strides = array<i32>} : memref<128x16xf32, #tpu.memory_space<vmem>>, vector<16xf32>,
          %parallel_loop3A_442 = arith.mulf %parallel_loop3A_441, %get3A_135 : vector<16xf32>
          %parallel_loop3A_443 = arith.mulf %parallel_loop3A_418, %parallel_loop3A_418 : vector<16xf32>
          %parallel_loop3A_444 = arith.mulf %parallel_loop3A_426, %parallel_loop3A_426 : vector<16xf32>
          %parallel_loop3A_445 = arith.addf %parallel_loop3A_443, %parallel_loop3A_444 : vector<16xf32>
          %parallel_loop3A_446 = arith.mulf %parallel_loop3A_434, %parallel_loop3A_434 : vector<16xf32>
          %parallel_loop3A_447 = arith.addf %parallel_loop3A_445, %parallel_loop3A_446 : vector<16xf32>
          %parallel_loop3A_448 = arith.mulf %parallel_loop3A_442, %parallel_loop3A_442 : vector<16xf32>
          %parallel_loop3A_449 = arith.addf %parallel_loop3A_447, %parallel_loop3A_448 : vector<16xf32>
          %parallel_loop3A_450 = arith.constant 9.99999997E-7 : f32
          %parallel_loop3A_451 = vector.broadcast %parallel_loop3A_450 : f32 to vector<16xf32>
          %parallel_loop3A_452 = arith.addf %parallel_loop3A_449, %parallel_loop3A_451 : vector<16xf32>
          %parallel_loop3A_453 = arith.constant 5.000000e-01 : f32
          %parallel_loop3A_454 = vector.broadcast %parallel_loop3A_453 : f32 to vector<16xf32>
          %parallel_loop3A_455 = arith.mulf %parallel_loop3A_452, %parallel_loop3A_454 : vector<16xf32>
          %parallel_loop3A_456 = tpu.bitcast %parallel_loop3A_452 : vector<16xf32> -> vector<16xi32>
          %parallel_loop3A_457 = arith.constant 1 : i32
          %parallel_loop3A_458 = vector.broadcast %parallel_loop3A_457 : i32 to vector<16xi32>
          %parallel_loop3A_459 = arith.shrsi %parallel_loop3A_456, %parallel_loop3A_458 : vector<16xi32>
          %parallel_loop3A_460 = arith.constant 1597463007 : i32
          %parallel_loop3A_461 = vector.broadcast %parallel_loop3A_460 : i32 to vector<16xi32>
          %parallel_loop3A_462 = arith.subi %parallel_loop3A_461, %parallel_loop3A_459 : vector<16xi32>
          %parallel_loop3A_463 = tpu.bitcast %parallel_loop3A_462 : vector<16xi32> -> vector<16xf32>
          %parallel_loop3A_464 = arith.mulf %parallel_loop3A_455, %parallel_loop3A_463 : vector<16xf32>
          %parallel_loop3A_465 = arith.mulf %parallel_loop3A_464, %parallel_loop3A_463 : vector<16xf32>
          %parallel_loop3A_466 = arith.constant 1.500000e+00 : f32
          %parallel_loop3A_467 = vector.broadcast %parallel_loop3A_466 : f32 to vector<16xf32>
          %parallel_loop3A_468 = arith.subf %parallel_loop3A_467, %parallel_loop3A_465 : vector<16xf32>
          %parallel_loop3A_469 = arith.mulf %parallel_loop3A_463, %parallel_loop3A_468 : vector<16xf32>
          %parallel_loop3A_470 = arith.mulf %parallel_loop3A_455, %parallel_loop3A_469 : vector<16xf32>
          %parallel_loop3A_471 = arith.mulf %parallel_loop3A_470, %parallel_loop3A_469 : vector<16xf32>
          %parallel_loop3A_472 = arith.constant 1.500000e+00 : f32
          %parallel_loop3A_473 = vector.broadcast %parallel_loop3A_472 : f32 to vector<16xf32>
          %parallel_loop3A_474 = arith.subf %parallel_loop3A_473, %parallel_loop3A_471 : vector<16xf32>
          %parallel_loop3A_475 = arith.mulf %parallel_loop3A_469, %parallel_loop3A_474 : vector<16xf32>
          %parallel_loop3A_476 = arith.constant 65 : i32
          %parallel_loop3A_477 = arith.muli %parallel_loop3A_411, %parallel_loop3A_476 : i32
          %parallel_loop3A_478 = arith.mulf %parallel_loop3A_418, %parallel_loop3A_475 : vector<16xf32>
          %parallel_loop3A_479 = arith.index_cast %parallel_loop3A_477 : i32 to index
          %parallel_loop3A_480 = tpu.vector_load %arg14[%parallel_loop3A_479] {strides = array<i32>} : memref<8320xf32, #tpu.memory_space<vmem>>, vector<16xf32>,
          tpu.vector_store %arg14[%parallel_loop3A_479], %parallel_loop3A_478 {strides = array<i32>} : memref<8320xf32, #tpu.memory_space<vmem>>, vector<16xf32>,
          %parallel_loop3A_481 = arith.mulf %parallel_loop3A_426, %parallel_loop3A_475 : vector<16xf32>
          %parallel_loop3A_482 = arith.constant 16 : i32
          %parallel_loop3A_483 = arith.addi %parallel_loop3A_477, %parallel_loop3A_482 : i32
          %parallel_loop3A_484 = arith.index_cast %parallel_loop3A_483 : i32 to index
          %parallel_loop3A_485 = tpu.vector_load %arg14[%parallel_loop3A_484] {strides = array<i32>} : memref<8320xf32, #tpu.memory_space<vmem>>, vector<16xf32>,
          tpu.vector_store %arg14[%parallel_loop3A_484], %parallel_loop3A_481 {strides = array<i32>} : memref<8320xf32, #tpu.memory_space<vmem>>, vector<16xf32>,
          %parallel_loop3A_486 = arith.mulf %parallel_loop3A_434, %parallel_loop3A_475 : vector<16xf32>
          %parallel_loop3A_487 = arith.constant 32 : i32
          %parallel_loop3A_488 = arith.addi %parallel_loop3A_477, %parallel_loop3A_487 : i32
          %parallel_loop3A_489 = arith.index_cast %parallel_loop3A_488 : i32 to index
          %parallel_loop3A_490 = tpu.vector_load %arg14[%parallel_loop3A_489] {strides = array<i32>} : memref<8320xf32, #tpu.memory_space<vmem>>, vector<16xf32>,
          tpu.vector_store %arg14[%parallel_loop3A_489], %parallel_loop3A_486 {strides = array<i32>} : memref<8320xf32, #tpu.memory_space<vmem>>, vector<16xf32>,
          %parallel_loop3A_491 = arith.mulf %parallel_loop3A_442, %parallel_loop3A_475 : vector<16xf32>
          %parallel_loop3A_492 = arith.constant 48 : i32
          %parallel_loop3A_493 = arith.addi %parallel_loop3A_477, %parallel_loop3A_492 : i32
          %parallel_loop3A_494 = arith.index_cast %parallel_loop3A_493 : i32 to index
          %parallel_loop3A_495 = tpu.vector_load %arg14[%parallel_loop3A_494] {strides = array<i32>} : memref<8320xf32, #tpu.memory_space<vmem>>, vector<16xf32>,
          tpu.vector_store %arg14[%parallel_loop3A_494], %parallel_loop3A_491 {strides = array<i32>} : memref<8320xf32, #tpu.memory_space<vmem>>, vector<16xf32>,
        } {sc.loop_unroll_factor = 2 : i64, sc.parallel_access}
        %mul3A_406 = arith.constant 512 : i32
        %mul3A_407 = arith.muli %scan3A_326, %mul3A_406 : i32
        %parallel_loop3A_408 = arith.constant 0 : i32
        %parallel_loop3A_409 = arith.constant 8 : i32
        %parallel_loop3A_410 = arith.constant 1 : i32
        scf.for %parallel_loop3A_411 = %parallel_loop3A_408 to %parallel_loop3A_409 step %parallel_loop3A_410  : i32 {
          %parallel_loop3A_412 = arith.constant 1040 : i32
          %parallel_loop3A_413 = arith.muli %parallel_loop3A_411, %parallel_loop3A_412 : i32
          %parallel_loop3A_414 = arith.constant 16 : i32
          %parallel_loop3A_415 = arith.muli %parallel_loop3A_411, %parallel_loop3A_414 : i32
          %parallel_loop3A_416 = arith.addi %mul3A_407, %parallel_loop3A_415 : i32
          %parallel_loop3A_417 = arith.constant 0 : i32
          %parallel_loop3A_418 = arith.addi %parallel_loop3A_413, %parallel_loop3A_417 : i32
          %parallel_loop3A_419 = arith.constant 0 : i32
          %parallel_loop3A_420 = arith.addi %parallel_loop3A_418, %parallel_loop3A_419 : i32
          %parallel_loop3A_421 = vector.broadcast %parallel_loop3A_420 : i32 to vector<16xi32>
          %parallel_loop3A_422 = arith.addi %mul3A_5, %parallel_loop3A_421 : vector<16xi32>
          %parallel_loop3A_423 = tpu.vector_load_idx %arg14[%parallel_loop3A_422] : memref<8320xf32, #tpu.memory_space<vmem>>[vector<16xi32>], vector<16xf32>,
          %parallel_loop3A_424 = arith.constant 0 : i32
          %parallel_loop3A_425 = arith.addi %parallel_loop3A_416, %parallel_loop3A_424 : i32
          %parallel_loop3A_426 = arith.constant 0 : i32
          %parallel_loop3A_427 = arith.addi %parallel_loop3A_425, %parallel_loop3A_426 : i32
          %parallel_loop3A_428 = arith.index_cast %parallel_loop3A_427 : i32 to index
          %parallel_loop3A_429 = tpu.vector_load %arg15[%parallel_loop3A_428] {strides = array<i32>} : memref<65536xf32, #tpu.memory_space<vmem>>, vector<16xf32>,
          tpu.vector_store %arg15[%parallel_loop3A_428], %parallel_loop3A_423 {strides = array<i32>} : memref<65536xf32, #tpu.memory_space<vmem>>, vector<16xf32>,
          %parallel_loop3A_430 = arith.constant 16 : i32
          %parallel_loop3A_431 = arith.addi %parallel_loop3A_413, %parallel_loop3A_430 : i32
          %parallel_loop3A_432 = arith.constant 0 : i32
          %parallel_loop3A_433 = arith.addi %parallel_loop3A_431, %parallel_loop3A_432 : i32
          %parallel_loop3A_434 = vector.broadcast %parallel_loop3A_433 : i32 to vector<16xi32>
          %parallel_loop3A_435 = arith.addi %mul3A_5, %parallel_loop3A_434 : vector<16xi32>
          %parallel_loop3A_436 = tpu.vector_load_idx %arg14[%parallel_loop3A_435] : memref<8320xf32, #tpu.memory_space<vmem>>[vector<16xi32>], vector<16xf32>,
          %parallel_loop3A_437 = arith.constant 0 : i32
          %parallel_loop3A_438 = arith.addi %parallel_loop3A_416, %parallel_loop3A_437 : i32
          %parallel_loop3A_439 = arith.constant 128 : i32
          %parallel_loop3A_440 = arith.addi %parallel_loop3A_438, %parallel_loop3A_439 : i32
          %parallel_loop3A_441 = arith.index_cast %parallel_loop3A_440 : i32 to index
          %parallel_loop3A_442 = tpu.vector_load %arg15[%parallel_loop3A_441] {strides = array<i32>} : memref<65536xf32, #tpu.memory_space<vmem>>, vector<16xf32>,
          tpu.vector_store %arg15[%parallel_loop3A_441], %parallel_loop3A_436 {strides = array<i32>} : memref<65536xf32, #tpu.memory_space<vmem>>, vector<16xf32>,
          %parallel_loop3A_443 = arith.constant 32 : i32
          %parallel_loop3A_444 = arith.addi %parallel_loop3A_413, %parallel_loop3A_443 : i32
          %parallel_loop3A_445 = arith.constant 0 : i32
          %parallel_loop3A_446 = arith.addi %parallel_loop3A_444, %parallel_loop3A_445 : i32
          %parallel_loop3A_447 = vector.broadcast %parallel_loop3A_446 : i32 to vector<16xi32>
          %parallel_loop3A_448 = arith.addi %mul3A_5, %parallel_loop3A_447 : vector<16xi32>
          %parallel_loop3A_449 = tpu.vector_load_idx %arg14[%parallel_loop3A_448] : memref<8320xf32, #tpu.memory_space<vmem>>[vector<16xi32>], vector<16xf32>,
          %parallel_loop3A_450 = arith.constant 0 : i32
          %parallel_loop3A_451 = arith.addi %parallel_loop3A_416, %parallel_loop3A_450 : i32
          %parallel_loop3A_452 = arith.constant 256 : i32
          %parallel_loop3A_453 = arith.addi %parallel_loop3A_451, %parallel_loop3A_452 : i32
          %parallel_loop3A_454 = arith.index_cast %parallel_loop3A_453 : i32 to index
          %parallel_loop3A_455 = tpu.vector_load %arg15[%parallel_loop3A_454] {strides = array<i32>} : memref<65536xf32, #tpu.memory_space<vmem>>, vector<16xf32>,
          tpu.vector_store %arg15[%parallel_loop3A_454], %parallel_loop3A_449 {strides = array<i32>} : memref<65536xf32, #tpu.memory_space<vmem>>, vector<16xf32>,
          %parallel_loop3A_456 = arith.constant 48 : i32
          %parallel_loop3A_457 = arith.addi %parallel_loop3A_413, %parallel_loop3A_456 : i32
          %parallel_loop3A_458 = arith.constant 0 : i32
          %parallel_loop3A_459 = arith.addi %parallel_loop3A_457, %parallel_loop3A_458 : i32
          %parallel_loop3A_460 = vector.broadcast %parallel_loop3A_459 : i32 to vector<16xi32>
          %parallel_loop3A_461 = arith.addi %mul3A_5, %parallel_loop3A_460 : vector<16xi32>
          %parallel_loop3A_462 = tpu.vector_load_idx %arg14[%parallel_loop3A_461] : memref<8320xf32, #tpu.memory_space<vmem>>[vector<16xi32>], vector<16xf32>,
          %parallel_loop3A_463 = arith.constant 0 : i32
          %parallel_loop3A_464 = arith.addi %parallel_loop3A_416, %parallel_loop3A_463 : i32
          %parallel_loop3A_465 = arith.constant 384 : i32
          %parallel_loop3A_466 = arith.addi %parallel_loop3A_464, %parallel_loop3A_465 : i32
          %parallel_loop3A_467 = arith.index_cast %parallel_loop3A_466 : i32 to index
          %parallel_loop3A_468 = tpu.vector_load %arg15[%parallel_loop3A_467] {strides = array<i32>} : memref<65536xf32, #tpu.memory_space<vmem>>, vector<16xf32>,
          tpu.vector_store %arg15[%parallel_loop3A_467], %parallel_loop3A_462 {strides = array<i32>} : memref<65536xf32, #tpu.memory_space<vmem>>, vector<16xf32>,
          %parallel_loop3A_469 = arith.constant 0 : i32
          %parallel_loop3A_470 = arith.addi %parallel_loop3A_413, %parallel_loop3A_469 : i32
          %parallel_loop3A_471 = arith.constant 1 : i32
          %parallel_loop3A_472 = arith.addi %parallel_loop3A_470, %parallel_loop3A_471 : i32
          %parallel_loop3A_473 = vector.broadcast %parallel_loop3A_472 : i32 to vector<16xi32>
          %parallel_loop3A_474 = arith.addi %mul3A_5, %parallel_loop3A_473 : vector<16xi32>
          %parallel_loop3A_475 = tpu.vector_load_idx %arg14[%parallel_loop3A_474] : memref<8320xf32, #tpu.memory_space<vmem>>[vector<16xi32>], vector<16xf32>,
          %parallel_loop3A_476 = arith.constant 4096 : i32
          %parallel_loop3A_477 = arith.addi %parallel_loop3A_416, %parallel_loop3A_476 : i32
          %parallel_loop3A_478 = arith.constant 0 : i32
          %parallel_loop3A_479 = arith.addi %parallel_loop3A_477, %parallel_loop3A_478 : i32
          %parallel_loop3A_480 = arith.index_cast %parallel_loop3A_479 : i32 to index
          %parallel_loop3A_481 = tpu.vector_load %arg15[%parallel_loop3A_480] {strides = array<i32>} : memref<65536xf32, #tpu.memory_space<vmem>>, vector<16xf32>,
          tpu.vector_store %arg15[%parallel_loop3A_480], %parallel_loop3A_475 {strides = array<i32>} : memref<65536xf32, #tpu.memory_space<vmem>>, vector<16xf32>,
          %parallel_loop3A_482 = arith.constant 16 : i32
          %parallel_loop3A_483 = arith.addi %parallel_loop3A_413, %parallel_loop3A_482 : i32
          %parallel_loop3A_484 = arith.constant 1 : i32
          %parallel_loop3A_485 = arith.addi %parallel_loop3A_483, %parallel_loop3A_484 : i32
          %parallel_loop3A_486 = vector.broadcast %parallel_loop3A_485 : i32 to vector<16xi32>
          %parallel_loop3A_487 = arith.addi %mul3A_5, %parallel_loop3A_486 : vector<16xi32>
          %parallel_loop3A_488 = tpu.vector_load_idx %arg14[%parallel_loop3A_487] : memref<8320xf32, #tpu.memory_space<vmem>>[vector<16xi32>], vector<16xf32>,
          %parallel_loop3A_489 = arith.constant 4096 : i32
          %parallel_loop3A_490 = arith.addi %parallel_loop3A_416, %parallel_loop3A_489 : i32
          %parallel_loop3A_491 = arith.constant 128 : i32
          %parallel_loop3A_492 = arith.addi %parallel_loop3A_490, %parallel_loop3A_491 : i32
          %parallel_loop3A_493 = arith.index_cast %parallel_loop3A_492 : i32 to index
          %parallel_loop3A_494 = tpu.vector_load %arg15[%parallel_loop3A_493] {strides = array<i32>} : memref<65536xf32, #tpu.memory_space<vmem>>, vector<16xf32>,
          tpu.vector_store %arg15[%parallel_loop3A_493], %parallel_loop3A_488 {strides = array<i32>} : memref<65536xf32, #tpu.memory_space<vmem>>, vector<16xf32>,
          %parallel_loop3A_495 = arith.constant 32 : i32
          %parallel_loop3A_496 = arith.addi %parallel_loop3A_413, %parallel_loop3A_495 : i32
          %parallel_loop3A_497 = arith.constant 1 : i32
          %parallel_loop3A_498 = arith.addi %parallel_loop3A_496, %parallel_loop3A_497 : i32
          %parallel_loop3A_499 = vector.broadcast %parallel_loop3A_498 : i32 to vector<16xi32>
          %parallel_loop3A_500 = arith.addi %mul3A_5, %parallel_loop3A_499 : vector<16xi32>
          %parallel_loop3A_501 = tpu.vector_load_idx %arg14[%parallel_loop3A_500] : memref<8320xf32, #tpu.memory_space<vmem>>[vector<16xi32>], vector<16xf32>,
          %parallel_loop3A_502 = arith.constant 4096 : i32
          %parallel_loop3A_503 = arith.addi %parallel_loop3A_416, %parallel_loop3A_502 : i32
          %parallel_loop3A_504 = arith.constant 256 : i32
          %parallel_loop3A_505 = arith.addi %parallel_loop3A_503, %parallel_loop3A_504 : i32
          %parallel_loop3A_506 = arith.index_cast %parallel_loop3A_505 : i32 to index
          %parallel_loop3A_507 = tpu.vector_load %arg15[%parallel_loop3A_506] {strides = array<i32>} : memref<65536xf32, #tpu.memory_space<vmem>>, vector<16xf32>,
          tpu.vector_store %arg15[%parallel_loop3A_506], %parallel_loop3A_501 {strides = array<i32>} : memref<65536xf32, #tpu.memory_space<vmem>>, vector<16xf32>,
          %parallel_loop3A_508 = arith.constant 48 : i32
          %parallel_loop3A_509 = arith.addi %parallel_loop3A_413, %parallel_loop3A_508 : i32
          %parallel_loop3A_510 = arith.constant 1 : i32
          %parallel_loop3A_511 = arith.addi %parallel_loop3A_509, %parallel_loop3A_510 : i32
          %parallel_loop3A_512 = vector.broadcast %parallel_loop3A_511 : i32 to vector<16xi32>
          %parallel_loop3A_513 = arith.addi %mul3A_5, %parallel_loop3A_512 : vector<16xi32>
          %parallel_loop3A_514 = tpu.vector_load_idx %arg14[%parallel_loop3A_513] : memref<8320xf32, #tpu.memory_space<vmem>>[vector<16xi32>], vector<16xf32>,
          %parallel_loop3A_515 = arith.constant 4096 : i32
          %parallel_loop3A_516 = arith.addi %parallel_loop3A_416, %parallel_loop3A_515 : i32
          %parallel_loop3A_517 = arith.constant 384 : i32
          %parallel_loop3A_518 = arith.addi %parallel_loop3A_516, %parallel_loop3A_517 : i32
          %parallel_loop3A_519 = arith.index_cast %parallel_loop3A_518 : i32 to index
          %parallel_loop3A_520 = tpu.vector_load %arg15[%parallel_loop3A_519] {strides = array<i32>} : memref<65536xf32, #tpu.memory_space<vmem>>, vector<16xf32>,
          tpu.vector_store %arg15[%parallel_loop3A_519], %parallel_loop3A_514 {strides = array<i32>} : memref<65536xf32, #tpu.memory_space<vmem>>, vector<16xf32>,
          %parallel_loop3A_521 = arith.constant 0 : i32
          %parallel_loop3A_522 = arith.addi %parallel_loop3A_413, %parallel_loop3A_521 : i32
          %parallel_loop3A_523 = arith.constant 2 : i32
          %parallel_loop3A_524 = arith.addi %parallel_loop3A_522, %parallel_loop3A_523 : i32
          %parallel_loop3A_525 = vector.broadcast %parallel_loop3A_524 : i32 to vector<16xi32>
          %parallel_loop3A_526 = arith.addi %mul3A_5, %parallel_loop3A_525 : vector<16xi32>
          %parallel_loop3A_527 = tpu.vector_load_idx %arg14[%parallel_loop3A_526] : memref<8320xf32, #tpu.memory_space<vmem>>[vector<16xi32>], vector<16xf32>,
          %parallel_loop3A_528 = arith.constant 8192 : i32
          %parallel_loop3A_529 = arith.addi %parallel_loop3A_416, %parallel_loop3A_528 : i32
          %parallel_loop3A_530 = arith.constant 0 : i32
          %parallel_loop3A_531 = arith.addi %parallel_loop3A_529, %parallel_loop3A_530 : i32
          %parallel_loop3A_532 = arith.index_cast %parallel_loop3A_531 : i32 to index
          %parallel_loop3A_533 = tpu.vector_load %arg15[%parallel_loop3A_532] {strides = array<i32>} : memref<65536xf32, #tpu.memory_space<vmem>>, vector<16xf32>,
          tpu.vector_store %arg15[%parallel_loop3A_532], %parallel_loop3A_527 {strides = array<i32>} : memref<65536xf32, #tpu.memory_space<vmem>>, vector<16xf32>,
          %parallel_loop3A_534 = arith.constant 16 : i32
          %parallel_loop3A_535 = arith.addi %parallel_loop3A_413, %parallel_loop3A_534 : i32
          %parallel_loop3A_536 = arith.constant 2 : i32
          %parallel_loop3A_537 = arith.addi %parallel_loop3A_535, %parallel_loop3A_536 : i32
          %parallel_loop3A_538 = vector.broadcast %parallel_loop3A_537 : i32 to vector<16xi32>
          %parallel_loop3A_539 = arith.addi %mul3A_5, %parallel_loop3A_538 : vector<16xi32>
          %parallel_loop3A_540 = tpu.vector_load_idx %arg14[%parallel_loop3A_539] : memref<8320xf32, #tpu.memory_space<vmem>>[vector<16xi32>], vector<16xf32>,
          %parallel_loop3A_541 = arith.constant 8192 : i32
          %parallel_loop3A_542 = arith.addi %parallel_loop3A_416, %parallel_loop3A_541 : i32
          %parallel_loop3A_543 = arith.constant 128 : i32
          %parallel_loop3A_544 = arith.addi %parallel_loop3A_542, %parallel_loop3A_543 : i32
          %parallel_loop3A_545 = arith.index_cast %parallel_loop3A_544 : i32 to index
          %parallel_loop3A_546 = tpu.vector_load %arg15[%parallel_loop3A_545] {strides = array<i32>} : memref<65536xf32, #tpu.memory_space<vmem>>, vector<16xf32>,
          tpu.vector_store %arg15[%parallel_loop3A_545], %parallel_loop3A_540 {strides = array<i32>} : memref<65536xf32, #tpu.memory_space<vmem>>, vector<16xf32>,
          %parallel_loop3A_547 = arith.constant 32 : i32
          %parallel_loop3A_548 = arith.addi %parallel_loop3A_413, %parallel_loop3A_547 : i32
          %parallel_loop3A_549 = arith.constant 2 : i32
          %parallel_loop3A_550 = arith.addi %parallel_loop3A_548, %parallel_loop3A_549 : i32
          %parallel_loop3A_551 = vector.broadcast %parallel_loop3A_550 : i32 to vector<16xi32>
          %parallel_loop3A_552 = arith.addi %mul3A_5, %parallel_loop3A_551 : vector<16xi32>
          %parallel_loop3A_553 = tpu.vector_load_idx %arg14[%parallel_loop3A_552] : memref<8320xf32, #tpu.memory_space<vmem>>[vector<16xi32>], vector<16xf32>,
          %parallel_loop3A_554 = arith.constant 8192 : i32
          %parallel_loop3A_555 = arith.addi %parallel_loop3A_416, %parallel_loop3A_554 : i32
          %parallel_loop3A_556 = arith.constant 256 : i32
          %parallel_loop3A_557 = arith.addi %parallel_loop3A_555, %parallel_loop3A_556 : i32
          %parallel_loop3A_558 = arith.index_cast %parallel_loop3A_557 : i32 to index
          %parallel_loop3A_559 = tpu.vector_load %arg15[%parallel_loop3A_558] {strides = array<i32>} : memref<65536xf32, #tpu.memory_space<vmem>>, vector<16xf32>,
          tpu.vector_store %arg15[%parallel_loop3A_558], %parallel_loop3A_553 {strides = array<i32>} : memref<65536xf32, #tpu.memory_space<vmem>>, vector<16xf32>,
          %parallel_loop3A_560 = arith.constant 48 : i32
          %parallel_loop3A_561 = arith.addi %parallel_loop3A_413, %parallel_loop3A_560 : i32
          %parallel_loop3A_562 = arith.constant 2 : i32
          %parallel_loop3A_563 = arith.addi %parallel_loop3A_561, %parallel_loop3A_562 : i32
          %parallel_loop3A_564 = vector.broadcast %parallel_loop3A_563 : i32 to vector<16xi32>
          %parallel_loop3A_565 = arith.addi %mul3A_5, %parallel_loop3A_564 : vector<16xi32>
          %parallel_loop3A_566 = tpu.vector_load_idx %arg14[%parallel_loop3A_565] : memref<8320xf32, #tpu.memory_space<vmem>>[vector<16xi32>], vector<16xf32>,
          %parallel_loop3A_567 = arith.constant 8192 : i32
          %parallel_loop3A_568 = arith.addi %parallel_loop3A_416, %parallel_loop3A_567 : i32
          %parallel_loop3A_569 = arith.constant 384 : i32
          %parallel_loop3A_570 = arith.addi %parallel_loop3A_568, %parallel_loop3A_569 : i32
          %parallel_loop3A_571 = arith.index_cast %parallel_loop3A_570 : i32 to index
          %parallel_loop3A_572 = tpu.vector_load %arg15[%parallel_loop3A_571] {strides = array<i32>} : memref<65536xf32, #tpu.memory_space<vmem>>, vector<16xf32>,
          tpu.vector_store %arg15[%parallel_loop3A_571], %parallel_loop3A_566 {strides = array<i32>} : memref<65536xf32, #tpu.memory_space<vmem>>, vector<16xf32>,
          %parallel_loop3A_573 = arith.constant 0 : i32
          %parallel_loop3A_574 = arith.addi %parallel_loop3A_413, %parallel_loop3A_573 : i32
          %parallel_loop3A_575 = arith.constant 3 : i32
          %parallel_loop3A_576 = arith.addi %parallel_loop3A_574, %parallel_loop3A_575 : i32
          %parallel_loop3A_577 = vector.broadcast %parallel_loop3A_576 : i32 to vector<16xi32>
          %parallel_loop3A_578 = arith.addi %mul3A_5, %parallel_loop3A_577 : vector<16xi32>
          %parallel_loop3A_579 = tpu.vector_load_idx %arg14[%parallel_loop3A_578] : memref<8320xf32, #tpu.memory_space<vmem>>[vector<16xi32>], vector<16xf32>,
          %parallel_loop3A_580 = arith.constant 12288 : i32
          %parallel_loop3A_581 = arith.addi %parallel_loop3A_416, %parallel_loop3A_580 : i32
          %parallel_loop3A_582 = arith.constant 0 : i32
          %parallel_loop3A_583 = arith.addi %parallel_loop3A_581, %parallel_loop3A_582 : i32
          %parallel_loop3A_584 = arith.index_cast %parallel_loop3A_583 : i32 to index
          %parallel_loop3A_585 = tpu.vector_load %arg15[%parallel_loop3A_584] {strides = array<i32>} : memref<65536xf32, #tpu.memory_space<vmem>>, vector<16xf32>,
          tpu.vector_store %arg15[%parallel_loop3A_584], %parallel_loop3A_579 {strides = array<i32>} : memref<65536xf32, #tpu.memory_space<vmem>>, vector<16xf32>,
          %parallel_loop3A_586 = arith.constant 16 : i32
          %parallel_loop3A_587 = arith.addi %parallel_loop3A_413, %parallel_loop3A_586 : i32
          %parallel_loop3A_588 = arith.constant 3 : i32
          %parallel_loop3A_589 = arith.addi %parallel_loop3A_587, %parallel_loop3A_588 : i32
          %parallel_loop3A_590 = vector.broadcast %parallel_loop3A_589 : i32 to vector<16xi32>
          %parallel_loop3A_591 = arith.addi %mul3A_5, %parallel_loop3A_590 : vector<16xi32>
          %parallel_loop3A_592 = tpu.vector_load_idx %arg14[%parallel_loop3A_591] : memref<8320xf32, #tpu.memory_space<vmem>>[vector<16xi32>], vector<16xf32>,
          %parallel_loop3A_593 = arith.constant 12288 : i32
          %parallel_loop3A_594 = arith.addi %parallel_loop3A_416, %parallel_loop3A_593 : i32
          %parallel_loop3A_595 = arith.constant 128 : i32
          %parallel_loop3A_596 = arith.addi %parallel_loop3A_594, %parallel_loop3A_595 : i32
          %parallel_loop3A_597 = arith.index_cast %parallel_loop3A_596 : i32 to index
          %parallel_loop3A_598 = tpu.vector_load %arg15[%parallel_loop3A_597] {strides = array<i32>} : memref<65536xf32, #tpu.memory_space<vmem>>, vector<16xf32>,
          tpu.vector_store %arg15[%parallel_loop3A_597], %parallel_loop3A_592 {strides = array<i32>} : memref<65536xf32, #tpu.memory_space<vmem>>, vector<16xf32>,
          %parallel_loop3A_599 = arith.constant 32 : i32
          %parallel_loop3A_600 = arith.addi %parallel_loop3A_413, %parallel_loop3A_599 : i32
          %parallel_loop3A_601 = arith.constant 3 : i32
          %parallel_loop3A_602 = arith.addi %parallel_loop3A_600, %parallel_loop3A_601 : i32
          %parallel_loop3A_603 = vector.broadcast %parallel_loop3A_602 : i32 to vector<16xi32>
          %parallel_loop3A_604 = arith.addi %mul3A_5, %parallel_loop3A_603 : vector<16xi32>
          %parallel_loop3A_605 = tpu.vector_load_idx %arg14[%parallel_loop3A_604] : memref<8320xf32, #tpu.memory_space<vmem>>[vector<16xi32>], vector<16xf32>,
          %parallel_loop3A_606 = arith.constant 12288 : i32
          %parallel_loop3A_607 = arith.addi %parallel_loop3A_416, %parallel_loop3A_606 : i32
          %parallel_loop3A_608 = arith.constant 256 : i32
          %parallel_loop3A_609 = arith.addi %parallel_loop3A_607, %parallel_loop3A_608 : i32
          %parallel_loop3A_610 = arith.index_cast %parallel_loop3A_609 : i32 to index
          %parallel_loop3A_611 = tpu.vector_load %arg15[%parallel_loop3A_610] {strides = array<i32>} : memref<65536xf32, #tpu.memory_space<vmem>>, vector<16xf32>,
          tpu.vector_store %arg15[%parallel_loop3A_610], %parallel_loop3A_605 {strides = array<i32>} : memref<65536xf32, #tpu.memory_space<vmem>>, vector<16xf32>,
          %parallel_loop3A_612 = arith.constant 48 : i32
          %parallel_loop3A_613 = arith.addi %parallel_loop3A_413, %parallel_loop3A_612 : i32
          %parallel_loop3A_614 = arith.constant 3 : i32
          %parallel_loop3A_615 = arith.addi %parallel_loop3A_613, %parallel_loop3A_614 : i32
          %parallel_loop3A_616 = vector.broadcast %parallel_loop3A_615 : i32 to vector<16xi32>
          %parallel_loop3A_617 = arith.addi %mul3A_5, %parallel_loop3A_616 : vector<16xi32>
          %parallel_loop3A_618 = tpu.vector_load_idx %arg14[%parallel_loop3A_617] : memref<8320xf32, #tpu.memory_space<vmem>>[vector<16xi32>], vector<16xf32>,
          %parallel_loop3A_619 = arith.constant 12288 : i32
          %parallel_loop3A_620 = arith.addi %parallel_loop3A_416, %parallel_loop3A_619 : i32
          %parallel_loop3A_621 = arith.constant 384 : i32
          %parallel_loop3A_622 = arith.addi %parallel_loop3A_620, %parallel_loop3A_621 : i32
          %parallel_loop3A_623 = arith.index_cast %parallel_loop3A_622 : i32 to index
          %parallel_loop3A_624 = tpu.vector_load %arg15[%parallel_loop3A_623] {strides = array<i32>} : memref<65536xf32, #tpu.memory_space<vmem>>, vector<16xf32>,
          tpu.vector_store %arg15[%parallel_loop3A_623], %parallel_loop3A_618 {strides = array<i32>} : memref<65536xf32, #tpu.memory_space<vmem>>, vector<16xf32>,
          %parallel_loop3A_625 = arith.constant 0 : i32
          %parallel_loop3A_626 = arith.addi %parallel_loop3A_413, %parallel_loop3A_625 : i32
          %parallel_loop3A_627 = arith.constant 4 : i32
          %parallel_loop3A_628 = arith.addi %parallel_loop3A_626, %parallel_loop3A_627 : i32
          %parallel_loop3A_629 = vector.broadcast %parallel_loop3A_628 : i32 to vector<16xi32>
          %parallel_loop3A_630 = arith.addi %mul3A_5, %parallel_loop3A_629 : vector<16xi32>
          %parallel_loop3A_631 = tpu.vector_load_idx %arg14[%parallel_loop3A_630] : memref<8320xf32, #tpu.memory_space<vmem>>[vector<16xi32>], vector<16xf32>,
          %parallel_loop3A_632 = arith.constant 16384 : i32
          %parallel_loop3A_633 = arith.addi %parallel_loop3A_416, %parallel_loop3A_632 : i32
          %parallel_loop3A_634 = arith.constant 0 : i32
          %parallel_loop3A_635 = arith.addi %parallel_loop3A_633, %parallel_loop3A_634 : i32
          %parallel_loop3A_636 = arith.index_cast %parallel_loop3A_635 : i32 to index
          %parallel_loop3A_637 = tpu.vector_load %arg15[%parallel_loop3A_636] {strides = array<i32>} : memref<65536xf32, #tpu.memory_space<vmem>>, vector<16xf32>,
          tpu.vector_store %arg15[%parallel_loop3A_636], %parallel_loop3A_631 {strides = array<i32>} : memref<65536xf32, #tpu.memory_space<vmem>>, vector<16xf32>,
          %parallel_loop3A_638 = arith.constant 16 : i32
          %parallel_loop3A_639 = arith.addi %parallel_loop3A_413, %parallel_loop3A_638 : i32
          %parallel_loop3A_640 = arith.constant 4 : i32
          %parallel_loop3A_641 = arith.addi %parallel_loop3A_639, %parallel_loop3A_640 : i32
          %parallel_loop3A_642 = vector.broadcast %parallel_loop3A_641 : i32 to vector<16xi32>
          %parallel_loop3A_643 = arith.addi %mul3A_5, %parallel_loop3A_642 : vector<16xi32>
          %parallel_loop3A_644 = tpu.vector_load_idx %arg14[%parallel_loop3A_643] : memref<8320xf32, #tpu.memory_space<vmem>>[vector<16xi32>], vector<16xf32>,
          %parallel_loop3A_645 = arith.constant 16384 : i32
          %parallel_loop3A_646 = arith.addi %parallel_loop3A_416, %parallel_loop3A_645 : i32
          %parallel_loop3A_647 = arith.constant 128 : i32
          %parallel_loop3A_648 = arith.addi %parallel_loop3A_646, %parallel_loop3A_647 : i32
          %parallel_loop3A_649 = arith.index_cast %parallel_loop3A_648 : i32 to index
          %parallel_loop3A_650 = tpu.vector_load %arg15[%parallel_loop3A_649] {strides = array<i32>} : memref<65536xf32, #tpu.memory_space<vmem>>, vector<16xf32>,
          tpu.vector_store %arg15[%parallel_loop3A_649], %parallel_loop3A_644 {strides = array<i32>} : memref<65536xf32, #tpu.memory_space<vmem>>, vector<16xf32>,
          %parallel_loop3A_651 = arith.constant 32 : i32
          %parallel_loop3A_652 = arith.addi %parallel_loop3A_413, %parallel_loop3A_651 : i32
          %parallel_loop3A_653 = arith.constant 4 : i32
          %parallel_loop3A_654 = arith.addi %parallel_loop3A_652, %parallel_loop3A_653 : i32
          %parallel_loop3A_655 = vector.broadcast %parallel_loop3A_654 : i32 to vector<16xi32>
          %parallel_loop3A_656 = arith.addi %mul3A_5, %parallel_loop3A_655 : vector<16xi32>
          %parallel_loop3A_657 = tpu.vector_load_idx %arg14[%parallel_loop3A_656] : memref<8320xf32, #tpu.memory_space<vmem>>[vector<16xi32>], vector<16xf32>,
          %parallel_loop3A_658 = arith.constant 16384 : i32
          %parallel_loop3A_659 = arith.addi %parallel_loop3A_416, %parallel_loop3A_658 : i32
          %parallel_loop3A_660 = arith.constant 256 : i32
          %parallel_loop3A_661 = arith.addi %parallel_loop3A_659, %parallel_loop3A_660 : i32
          %parallel_loop3A_662 = arith.index_cast %parallel_loop3A_661 : i32 to index
          %parallel_loop3A_663 = tpu.vector_load %arg15[%parallel_loop3A_662] {strides = array<i32>} : memref<65536xf32, #tpu.memory_space<vmem>>, vector<16xf32>,
          tpu.vector_store %arg15[%parallel_loop3A_662], %parallel_loop3A_657 {strides = array<i32>} : memref<65536xf32, #tpu.memory_space<vmem>>, vector<16xf32>,
          %parallel_loop3A_664 = arith.constant 48 : i32
          %parallel_loop3A_665 = arith.addi %parallel_loop3A_413, %parallel_loop3A_664 : i32
          %parallel_loop3A_666 = arith.constant 4 : i32
          %parallel_loop3A_667 = arith.addi %parallel_loop3A_665, %parallel_loop3A_666 : i32
          %parallel_loop3A_668 = vector.broadcast %parallel_loop3A_667 : i32 to vector<16xi32>
          %parallel_loop3A_669 = arith.addi %mul3A_5, %parallel_loop3A_668 : vector<16xi32>
          %parallel_loop3A_670 = tpu.vector_load_idx %arg14[%parallel_loop3A_669] : memref<8320xf32, #tpu.memory_space<vmem>>[vector<16xi32>], vector<16xf32>,
          %parallel_loop3A_671 = arith.constant 16384 : i32
          %parallel_loop3A_672 = arith.addi %parallel_loop3A_416, %parallel_loop3A_671 : i32
          %parallel_loop3A_673 = arith.constant 384 : i32
          %parallel_loop3A_674 = arith.addi %parallel_loop3A_672, %parallel_loop3A_673 : i32
          %parallel_loop3A_675 = arith.index_cast %parallel_loop3A_674 : i32 to index
          %parallel_loop3A_676 = tpu.vector_load %arg15[%parallel_loop3A_675] {strides = array<i32>} : memref<65536xf32, #tpu.memory_space<vmem>>, vector<16xf32>,
          tpu.vector_store %arg15[%parallel_loop3A_675], %parallel_loop3A_670 {strides = array<i32>} : memref<65536xf32, #tpu.memory_space<vmem>>, vector<16xf32>,
          %parallel_loop3A_677 = arith.constant 0 : i32
          %parallel_loop3A_678 = arith.addi %parallel_loop3A_413, %parallel_loop3A_677 : i32
          %parallel_loop3A_679 = arith.constant 5 : i32
          %parallel_loop3A_680 = arith.addi %parallel_loop3A_678, %parallel_loop3A_679 : i32
          %parallel_loop3A_681 = vector.broadcast %parallel_loop3A_680 : i32 to vector<16xi32>
          %parallel_loop3A_682 = arith.addi %mul3A_5, %parallel_loop3A_681 : vector<16xi32>
          %parallel_loop3A_683 = tpu.vector_load_idx %arg14[%parallel_loop3A_682] : memref<8320xf32, #tpu.memory_space<vmem>>[vector<16xi32>], vector<16xf32>,
          %parallel_loop3A_684 = arith.constant 20480 : i32
          %parallel_loop3A_685 = arith.addi %parallel_loop3A_416, %parallel_loop3A_684 : i32
          %parallel_loop3A_686 = arith.constant 0 : i32
          %parallel_loop3A_687 = arith.addi %parallel_loop3A_685, %parallel_loop3A_686 : i32
          %parallel_loop3A_688 = arith.index_cast %parallel_loop3A_687 : i32 to index
          %parallel_loop3A_689 = tpu.vector_load %arg15[%parallel_loop3A_688] {strides = array<i32>} : memref<65536xf32, #tpu.memory_space<vmem>>, vector<16xf32>,
          tpu.vector_store %arg15[%parallel_loop3A_688], %parallel_loop3A_683 {strides = array<i32>} : memref<65536xf32, #tpu.memory_space<vmem>>, vector<16xf32>,
          %parallel_loop3A_690 = arith.constant 16 : i32
          %parallel_loop3A_691 = arith.addi %parallel_loop3A_413, %parallel_loop3A_690 : i32
          %parallel_loop3A_692 = arith.constant 5 : i32
          %parallel_loop3A_693 = arith.addi %parallel_loop3A_691, %parallel_loop3A_692 : i32
          %parallel_loop3A_694 = vector.broadcast %parallel_loop3A_693 : i32 to vector<16xi32>
          %parallel_loop3A_695 = arith.addi %mul3A_5, %parallel_loop3A_694 : vector<16xi32>
          %parallel_loop3A_696 = tpu.vector_load_idx %arg14[%parallel_loop3A_695] : memref<8320xf32, #tpu.memory_space<vmem>>[vector<16xi32>], vector<16xf32>,
          %parallel_loop3A_697 = arith.constant 20480 : i32
          %parallel_loop3A_698 = arith.addi %parallel_loop3A_416, %parallel_loop3A_697 : i32
          %parallel_loop3A_699 = arith.constant 128 : i32
          %parallel_loop3A_700 = arith.addi %parallel_loop3A_698, %parallel_loop3A_699 : i32
          %parallel_loop3A_701 = arith.index_cast %parallel_loop3A_700 : i32 to index
          %parallel_loop3A_702 = tpu.vector_load %arg15[%parallel_loop3A_701] {strides = array<i32>} : memref<65536xf32, #tpu.memory_space<vmem>>, vector<16xf32>,
          tpu.vector_store %arg15[%parallel_loop3A_701], %parallel_loop3A_696 {strides = array<i32>} : memref<65536xf32, #tpu.memory_space<vmem>>, vector<16xf32>,
          %parallel_loop3A_703 = arith.constant 32 : i32
          %parallel_loop3A_704 = arith.addi %parallel_loop3A_413, %parallel_loop3A_703 : i32
          %parallel_loop3A_705 = arith.constant 5 : i32
          %parallel_loop3A_706 = arith.addi %parallel_loop3A_704, %parallel_loop3A_705 : i32
          %parallel_loop3A_707 = vector.broadcast %parallel_loop3A_706 : i32 to vector<16xi32>
          %parallel_loop3A_708 = arith.addi %mul3A_5, %parallel_loop3A_707 : vector<16xi32>
          %parallel_loop3A_709 = tpu.vector_load_idx %arg14[%parallel_loop3A_708] : memref<8320xf32, #tpu.memory_space<vmem>>[vector<16xi32>], vector<16xf32>,
          %parallel_loop3A_710 = arith.constant 20480 : i32
          %parallel_loop3A_711 = arith.addi %parallel_loop3A_416, %parallel_loop3A_710 : i32
          %parallel_loop3A_712 = arith.constant 256 : i32
          %parallel_loop3A_713 = arith.addi %parallel_loop3A_711, %parallel_loop3A_712 : i32
          %parallel_loop3A_714 = arith.index_cast %parallel_loop3A_713 : i32 to index
          %parallel_loop3A_715 = tpu.vector_load %arg15[%parallel_loop3A_714] {strides = array<i32>} : memref<65536xf32, #tpu.memory_space<vmem>>, vector<16xf32>,
          tpu.vector_store %arg15[%parallel_loop3A_714], %parallel_loop3A_709 {strides = array<i32>} : memref<65536xf32, #tpu.memory_space<vmem>>, vector<16xf32>,
          %parallel_loop3A_716 = arith.constant 48 : i32
          %parallel_loop3A_717 = arith.addi %parallel_loop3A_413, %parallel_loop3A_716 : i32
          %parallel_loop3A_718 = arith.constant 5 : i32
          %parallel_loop3A_719 = arith.addi %parallel_loop3A_717, %parallel_loop3A_718 : i32
          %parallel_loop3A_720 = vector.broadcast %parallel_loop3A_719 : i32 to vector<16xi32>
          %parallel_loop3A_721 = arith.addi %mul3A_5, %parallel_loop3A_720 : vector<16xi32>
          %parallel_loop3A_722 = tpu.vector_load_idx %arg14[%parallel_loop3A_721] : memref<8320xf32, #tpu.memory_space<vmem>>[vector<16xi32>], vector<16xf32>,
          %parallel_loop3A_723 = arith.constant 20480 : i32
          %parallel_loop3A_724 = arith.addi %parallel_loop3A_416, %parallel_loop3A_723 : i32
          %parallel_loop3A_725 = arith.constant 384 : i32
          %parallel_loop3A_726 = arith.addi %parallel_loop3A_724, %parallel_loop3A_725 : i32
          %parallel_loop3A_727 = arith.index_cast %parallel_loop3A_726 : i32 to index
          %parallel_loop3A_728 = tpu.vector_load %arg15[%parallel_loop3A_727] {strides = array<i32>} : memref<65536xf32, #tpu.memory_space<vmem>>, vector<16xf32>,
          tpu.vector_store %arg15[%parallel_loop3A_727], %parallel_loop3A_722 {strides = array<i32>} : memref<65536xf32, #tpu.memory_space<vmem>>, vector<16xf32>,
          %parallel_loop3A_729 = arith.constant 0 : i32
          %parallel_loop3A_730 = arith.addi %parallel_loop3A_413, %parallel_loop3A_729 : i32
          %parallel_loop3A_731 = arith.constant 6 : i32
          %parallel_loop3A_732 = arith.addi %parallel_loop3A_730, %parallel_loop3A_731 : i32
          %parallel_loop3A_733 = vector.broadcast %parallel_loop3A_732 : i32 to vector<16xi32>
          %parallel_loop3A_734 = arith.addi %mul3A_5, %parallel_loop3A_733 : vector<16xi32>
          %parallel_loop3A_735 = tpu.vector_load_idx %arg14[%parallel_loop3A_734] : memref<8320xf32, #tpu.memory_space<vmem>>[vector<16xi32>], vector<16xf32>,
          %parallel_loop3A_736 = arith.constant 24576 : i32
          %parallel_loop3A_737 = arith.addi %parallel_loop3A_416, %parallel_loop3A_736 : i32
          %parallel_loop3A_738 = arith.constant 0 : i32
          %parallel_loop3A_739 = arith.addi %parallel_loop3A_737, %parallel_loop3A_738 : i32
          %parallel_loop3A_740 = arith.index_cast %parallel_loop3A_739 : i32 to index
          %parallel_loop3A_741 = tpu.vector_load %arg15[%parallel_loop3A_740] {strides = array<i32>} : memref<65536xf32, #tpu.memory_space<vmem>>, vector<16xf32>,
          tpu.vector_store %arg15[%parallel_loop3A_740], %parallel_loop3A_735 {strides = array<i32>} : memref<65536xf32, #tpu.memory_space<vmem>>, vector<16xf32>,
          %parallel_loop3A_742 = arith.constant 16 : i32
          %parallel_loop3A_743 = arith.addi %parallel_loop3A_413, %parallel_loop3A_742 : i32
          %parallel_loop3A_744 = arith.constant 6 : i32
          %parallel_loop3A_745 = arith.addi %parallel_loop3A_743, %parallel_loop3A_744 : i32
          %parallel_loop3A_746 = vector.broadcast %parallel_loop3A_745 : i32 to vector<16xi32>
          %parallel_loop3A_747 = arith.addi %mul3A_5, %parallel_loop3A_746 : vector<16xi32>
          %parallel_loop3A_748 = tpu.vector_load_idx %arg14[%parallel_loop3A_747] : memref<8320xf32, #tpu.memory_space<vmem>>[vector<16xi32>], vector<16xf32>,
          %parallel_loop3A_749 = arith.constant 24576 : i32
          %parallel_loop3A_750 = arith.addi %parallel_loop3A_416, %parallel_loop3A_749 : i32
          %parallel_loop3A_751 = arith.constant 128 : i32
          %parallel_loop3A_752 = arith.addi %parallel_loop3A_750, %parallel_loop3A_751 : i32
          %parallel_loop3A_753 = arith.index_cast %parallel_loop3A_752 : i32 to index
          %parallel_loop3A_754 = tpu.vector_load %arg15[%parallel_loop3A_753] {strides = array<i32>} : memref<65536xf32, #tpu.memory_space<vmem>>, vector<16xf32>,
          tpu.vector_store %arg15[%parallel_loop3A_753], %parallel_loop3A_748 {strides = array<i32>} : memref<65536xf32, #tpu.memory_space<vmem>>, vector<16xf32>,
          %parallel_loop3A_755 = arith.constant 32 : i32
          %parallel_loop3A_756 = arith.addi %parallel_loop3A_413, %parallel_loop3A_755 : i32
          %parallel_loop3A_757 = arith.constant 6 : i32
          %parallel_loop3A_758 = arith.addi %parallel_loop3A_756, %parallel_loop3A_757 : i32
          %parallel_loop3A_759 = vector.broadcast %parallel_loop3A_758 : i32 to vector<16xi32>
          %parallel_loop3A_760 = arith.addi %mul3A_5, %parallel_loop3A_759 : vector<16xi32>
          %parallel_loop3A_761 = tpu.vector_load_idx %arg14[%parallel_loop3A_760] : memref<8320xf32, #tpu.memory_space<vmem>>[vector<16xi32>], vector<16xf32>,
          %parallel_loop3A_762 = arith.constant 24576 : i32
          %parallel_loop3A_763 = arith.addi %parallel_loop3A_416, %parallel_loop3A_762 : i32
          %parallel_loop3A_764 = arith.constant 256 : i32
          %parallel_loop3A_765 = arith.addi %parallel_loop3A_763, %parallel_loop3A_764 : i32
          %parallel_loop3A_766 = arith.index_cast %parallel_loop3A_765 : i32 to index
          %parallel_loop3A_767 = tpu.vector_load %arg15[%parallel_loop3A_766] {strides = array<i32>} : memref<65536xf32, #tpu.memory_space<vmem>>, vector<16xf32>,
          tpu.vector_store %arg15[%parallel_loop3A_766], %parallel_loop3A_761 {strides = array<i32>} : memref<65536xf32, #tpu.memory_space<vmem>>, vector<16xf32>,
          %parallel_loop3A_768 = arith.constant 48 : i32
          %parallel_loop3A_769 = arith.addi %parallel_loop3A_413, %parallel_loop3A_768 : i32
          %parallel_loop3A_770 = arith.constant 6 : i32
          %parallel_loop3A_771 = arith.addi %parallel_loop3A_769, %parallel_loop3A_770 : i32
          %parallel_loop3A_772 = vector.broadcast %parallel_loop3A_771 : i32 to vector<16xi32>
          %parallel_loop3A_773 = arith.addi %mul3A_5, %parallel_loop3A_772 : vector<16xi32>
          %parallel_loop3A_774 = tpu.vector_load_idx %arg14[%parallel_loop3A_773] : memref<8320xf32, #tpu.memory_space<vmem>>[vector<16xi32>], vector<16xf32>,
          %parallel_loop3A_775 = arith.constant 24576 : i32
          %parallel_loop3A_776 = arith.addi %parallel_loop3A_416, %parallel_loop3A_775 : i32
          %parallel_loop3A_777 = arith.constant 384 : i32
          %parallel_loop3A_778 = arith.addi %parallel_loop3A_776, %parallel_loop3A_777 : i32
          %parallel_loop3A_779 = arith.index_cast %parallel_loop3A_778 : i32 to index
          %parallel_loop3A_780 = tpu.vector_load %arg15[%parallel_loop3A_779] {strides = array<i32>} : memref<65536xf32, #tpu.memory_space<vmem>>, vector<16xf32>,
          tpu.vector_store %arg15[%parallel_loop3A_779], %parallel_loop3A_774 {strides = array<i32>} : memref<65536xf32, #tpu.memory_space<vmem>>, vector<16xf32>,
          %parallel_loop3A_781 = arith.constant 0 : i32
          %parallel_loop3A_782 = arith.addi %parallel_loop3A_413, %parallel_loop3A_781 : i32
          %parallel_loop3A_783 = arith.constant 7 : i32
          %parallel_loop3A_784 = arith.addi %parallel_loop3A_782, %parallel_loop3A_783 : i32
          %parallel_loop3A_785 = vector.broadcast %parallel_loop3A_784 : i32 to vector<16xi32>
          %parallel_loop3A_786 = arith.addi %mul3A_5, %parallel_loop3A_785 : vector<16xi32>
          %parallel_loop3A_787 = tpu.vector_load_idx %arg14[%parallel_loop3A_786] : memref<8320xf32, #tpu.memory_space<vmem>>[vector<16xi32>], vector<16xf32>,
          %parallel_loop3A_788 = arith.constant 28672 : i32
          %parallel_loop3A_789 = arith.addi %parallel_loop3A_416, %parallel_loop3A_788 : i32
          %parallel_loop3A_790 = arith.constant 0 : i32
          %parallel_loop3A_791 = arith.addi %parallel_loop3A_789, %parallel_loop3A_790 : i32
          %parallel_loop3A_792 = arith.index_cast %parallel_loop3A_791 : i32 to index
          %parallel_loop3A_793 = tpu.vector_load %arg15[%parallel_loop3A_792] {strides = array<i32>} : memref<65536xf32, #tpu.memory_space<vmem>>, vector<16xf32>,
          tpu.vector_store %arg15[%parallel_loop3A_792], %parallel_loop3A_787 {strides = array<i32>} : memref<65536xf32, #tpu.memory_space<vmem>>, vector<16xf32>,
          %parallel_loop3A_794 = arith.constant 16 : i32
          %parallel_loop3A_795 = arith.addi %parallel_loop3A_413, %parallel_loop3A_794 : i32
          %parallel_loop3A_796 = arith.constant 7 : i32
          %parallel_loop3A_797 = arith.addi %parallel_loop3A_795, %parallel_loop3A_796 : i32
          %parallel_loop3A_798 = vector.broadcast %parallel_loop3A_797 : i32 to vector<16xi32>
          %parallel_loop3A_799 = arith.addi %mul3A_5, %parallel_loop3A_798 : vector<16xi32>
          %parallel_loop3A_800 = tpu.vector_load_idx %arg14[%parallel_loop3A_799] : memref<8320xf32, #tpu.memory_space<vmem>>[vector<16xi32>], vector<16xf32>,
          %parallel_loop3A_801 = arith.constant 28672 : i32
          %parallel_loop3A_802 = arith.addi %parallel_loop3A_416, %parallel_loop3A_801 : i32
          %parallel_loop3A_803 = arith.constant 128 : i32
          %parallel_loop3A_804 = arith.addi %parallel_loop3A_802, %parallel_loop3A_803 : i32
          %parallel_loop3A_805 = arith.index_cast %parallel_loop3A_804 : i32 to index
          %parallel_loop3A_806 = tpu.vector_load %arg15[%parallel_loop3A_805] {strides = array<i32>} : memref<65536xf32, #tpu.memory_space<vmem>>, vector<16xf32>,
          tpu.vector_store %arg15[%parallel_loop3A_805], %parallel_loop3A_800 {strides = array<i32>} : memref<65536xf32, #tpu.memory_space<vmem>>, vector<16xf32>,
          %parallel_loop3A_807 = arith.constant 32 : i32
          %parallel_loop3A_808 = arith.addi %parallel_loop3A_413, %parallel_loop3A_807 : i32
          %parallel_loop3A_809 = arith.constant 7 : i32
          %parallel_loop3A_810 = arith.addi %parallel_loop3A_808, %parallel_loop3A_809 : i32
          %parallel_loop3A_811 = vector.broadcast %parallel_loop3A_810 : i32 to vector<16xi32>
          %parallel_loop3A_812 = arith.addi %mul3A_5, %parallel_loop3A_811 : vector<16xi32>
          %parallel_loop3A_813 = tpu.vector_load_idx %arg14[%parallel_loop3A_812] : memref<8320xf32, #tpu.memory_space<vmem>>[vector<16xi32>], vector<16xf32>,
          %parallel_loop3A_814 = arith.constant 28672 : i32
          %parallel_loop3A_815 = arith.addi %parallel_loop3A_416, %parallel_loop3A_814 : i32
          %parallel_loop3A_816 = arith.constant 256 : i32
          %parallel_loop3A_817 = arith.addi %parallel_loop3A_815, %parallel_loop3A_816 : i32
          %parallel_loop3A_818 = arith.index_cast %parallel_loop3A_817 : i32 to index
          %parallel_loop3A_819 = tpu.vector_load %arg15[%parallel_loop3A_818] {strides = array<i32>} : memref<65536xf32, #tpu.memory_space<vmem>>, vector<16xf32>,
          tpu.vector_store %arg15[%parallel_loop3A_818], %parallel_loop3A_813 {strides = array<i32>} : memref<65536xf32, #tpu.memory_space<vmem>>, vector<16xf32>,
          %parallel_loop3A_820 = arith.constant 48 : i32
          %parallel_loop3A_821 = arith.addi %parallel_loop3A_413, %parallel_loop3A_820 : i32
          %parallel_loop3A_822 = arith.constant 7 : i32
          %parallel_loop3A_823 = arith.addi %parallel_loop3A_821, %parallel_loop3A_822 : i32
          %parallel_loop3A_824 = vector.broadcast %parallel_loop3A_823 : i32 to vector<16xi32>
          %parallel_loop3A_825 = arith.addi %mul3A_5, %parallel_loop3A_824 : vector<16xi32>
          %parallel_loop3A_826 = tpu.vector_load_idx %arg14[%parallel_loop3A_825] : memref<8320xf32, #tpu.memory_space<vmem>>[vector<16xi32>], vector<16xf32>,
          %parallel_loop3A_827 = arith.constant 28672 : i32
          %parallel_loop3A_828 = arith.addi %parallel_loop3A_416, %parallel_loop3A_827 : i32
          %parallel_loop3A_829 = arith.constant 384 : i32
          %parallel_loop3A_830 = arith.addi %parallel_loop3A_828, %parallel_loop3A_829 : i32
          %parallel_loop3A_831 = arith.index_cast %parallel_loop3A_830 : i32 to index
          %parallel_loop3A_832 = tpu.vector_load %arg15[%parallel_loop3A_831] {strides = array<i32>} : memref<65536xf32, #tpu.memory_space<vmem>>, vector<16xf32>,
          tpu.vector_store %arg15[%parallel_loop3A_831], %parallel_loop3A_826 {strides = array<i32>} : memref<65536xf32, #tpu.memory_space<vmem>>, vector<16xf32>,
          %parallel_loop3A_833 = arith.constant 0 : i32
          %parallel_loop3A_834 = arith.addi %parallel_loop3A_413, %parallel_loop3A_833 : i32
          %parallel_loop3A_835 = arith.constant 8 : i32
          %parallel_loop3A_836 = arith.addi %parallel_loop3A_834, %parallel_loop3A_835 : i32
          %parallel_loop3A_837 = vector.broadcast %parallel_loop3A_836 : i32 to vector<16xi32>
          %parallel_loop3A_838 = arith.addi %mul3A_5, %parallel_loop3A_837 : vector<16xi32>
          %parallel_loop3A_839 = tpu.vector_load_idx %arg14[%parallel_loop3A_838] : memref<8320xf32, #tpu.memory_space<vmem>>[vector<16xi32>], vector<16xf32>,
          %parallel_loop3A_840 = arith.constant 32768 : i32
          %parallel_loop3A_841 = arith.addi %parallel_loop3A_416, %parallel_loop3A_840 : i32
          %parallel_loop3A_842 = arith.constant 0 : i32
          %parallel_loop3A_843 = arith.addi %parallel_loop3A_841, %parallel_loop3A_842 : i32
          %parallel_loop3A_844 = arith.index_cast %parallel_loop3A_843 : i32 to index
          %parallel_loop3A_845 = tpu.vector_load %arg15[%parallel_loop3A_844] {strides = array<i32>} : memref<65536xf32, #tpu.memory_space<vmem>>, vector<16xf32>,
          tpu.vector_store %arg15[%parallel_loop3A_844], %parallel_loop3A_839 {strides = array<i32>} : memref<65536xf32, #tpu.memory_space<vmem>>, vector<16xf32>,
          %parallel_loop3A_846 = arith.constant 16 : i32
          %parallel_loop3A_847 = arith.addi %parallel_loop3A_413, %parallel_loop3A_846 : i32
          %parallel_loop3A_848 = arith.constant 8 : i32
          %parallel_loop3A_849 = arith.addi %parallel_loop3A_847, %parallel_loop3A_848 : i32
          %parallel_loop3A_850 = vector.broadcast %parallel_loop3A_849 : i32 to vector<16xi32>
          %parallel_loop3A_851 = arith.addi %mul3A_5, %parallel_loop3A_850 : vector<16xi32>
          %parallel_loop3A_852 = tpu.vector_load_idx %arg14[%parallel_loop3A_851] : memref<8320xf32, #tpu.memory_space<vmem>>[vector<16xi32>], vector<16xf32>,
          %parallel_loop3A_853 = arith.constant 32768 : i32
          %parallel_loop3A_854 = arith.addi %parallel_loop3A_416, %parallel_loop3A_853 : i32
          %parallel_loop3A_855 = arith.constant 128 : i32
          %parallel_loop3A_856 = arith.addi %parallel_loop3A_854, %parallel_loop3A_855 : i32
          %parallel_loop3A_857 = arith.index_cast %parallel_loop3A_856 : i32 to index
          %parallel_loop3A_858 = tpu.vector_load %arg15[%parallel_loop3A_857] {strides = array<i32>} : memref<65536xf32, #tpu.memory_space<vmem>>, vector<16xf32>,
          tpu.vector_store %arg15[%parallel_loop3A_857], %parallel_loop3A_852 {strides = array<i32>} : memref<65536xf32, #tpu.memory_space<vmem>>, vector<16xf32>,
          %parallel_loop3A_859 = arith.constant 32 : i32
          %parallel_loop3A_860 = arith.addi %parallel_loop3A_413, %parallel_loop3A_859 : i32
          %parallel_loop3A_861 = arith.constant 8 : i32
          %parallel_loop3A_862 = arith.addi %parallel_loop3A_860, %parallel_loop3A_861 : i32
          %parallel_loop3A_863 = vector.broadcast %parallel_loop3A_862 : i32 to vector<16xi32>
          %parallel_loop3A_864 = arith.addi %mul3A_5, %parallel_loop3A_863 : vector<16xi32>
          %parallel_loop3A_865 = tpu.vector_load_idx %arg14[%parallel_loop3A_864] : memref<8320xf32, #tpu.memory_space<vmem>>[vector<16xi32>], vector<16xf32>,
          %parallel_loop3A_866 = arith.constant 32768 : i32
          %parallel_loop3A_867 = arith.addi %parallel_loop3A_416, %parallel_loop3A_866 : i32
          %parallel_loop3A_868 = arith.constant 256 : i32
          %parallel_loop3A_869 = arith.addi %parallel_loop3A_867, %parallel_loop3A_868 : i32
          %parallel_loop3A_870 = arith.index_cast %parallel_loop3A_869 : i32 to index
          %parallel_loop3A_871 = tpu.vector_load %arg15[%parallel_loop3A_870] {strides = array<i32>} : memref<65536xf32, #tpu.memory_space<vmem>>, vector<16xf32>,
          tpu.vector_store %arg15[%parallel_loop3A_870], %parallel_loop3A_865 {strides = array<i32>} : memref<65536xf32, #tpu.memory_space<vmem>>, vector<16xf32>,
          %parallel_loop3A_872 = arith.constant 48 : i32
          %parallel_loop3A_873 = arith.addi %parallel_loop3A_413, %parallel_loop3A_872 : i32
          %parallel_loop3A_874 = arith.constant 8 : i32
          %parallel_loop3A_875 = arith.addi %parallel_loop3A_873, %parallel_loop3A_874 : i32
          %parallel_loop3A_876 = vector.broadcast %parallel_loop3A_875 : i32 to vector<16xi32>
          %parallel_loop3A_877 = arith.addi %mul3A_5, %parallel_loop3A_876 : vector<16xi32>
          %parallel_loop3A_878 = tpu.vector_load_idx %arg14[%parallel_loop3A_877] : memref<8320xf32, #tpu.memory_space<vmem>>[vector<16xi32>], vector<16xf32>,
          %parallel_loop3A_879 = arith.constant 32768 : i32
          %parallel_loop3A_880 = arith.addi %parallel_loop3A_416, %parallel_loop3A_879 : i32
          %parallel_loop3A_881 = arith.constant 384 : i32
          %parallel_loop3A_882 = arith.addi %parallel_loop3A_880, %parallel_loop3A_881 : i32
          %parallel_loop3A_883 = arith.index_cast %parallel_loop3A_882 : i32 to index
          %parallel_loop3A_884 = tpu.vector_load %arg15[%parallel_loop3A_883] {strides = array<i32>} : memref<65536xf32, #tpu.memory_space<vmem>>, vector<16xf32>,
          tpu.vector_store %arg15[%parallel_loop3A_883], %parallel_loop3A_878 {strides = array<i32>} : memref<65536xf32, #tpu.memory_space<vmem>>, vector<16xf32>,
          %parallel_loop3A_885 = arith.constant 0 : i32
          %parallel_loop3A_886 = arith.addi %parallel_loop3A_413, %parallel_loop3A_885 : i32
          %parallel_loop3A_887 = arith.constant 9 : i32
          %parallel_loop3A_888 = arith.addi %parallel_loop3A_886, %parallel_loop3A_887 : i32
          %parallel_loop3A_889 = vector.broadcast %parallel_loop3A_888 : i32 to vector<16xi32>
          %parallel_loop3A_890 = arith.addi %mul3A_5, %parallel_loop3A_889 : vector<16xi32>
          %parallel_loop3A_891 = tpu.vector_load_idx %arg14[%parallel_loop3A_890] : memref<8320xf32, #tpu.memory_space<vmem>>[vector<16xi32>], vector<16xf32>,
          %parallel_loop3A_892 = arith.constant 36864 : i32
          %parallel_loop3A_893 = arith.addi %parallel_loop3A_416, %parallel_loop3A_892 : i32
          %parallel_loop3A_894 = arith.constant 0 : i32
          %parallel_loop3A_895 = arith.addi %parallel_loop3A_893, %parallel_loop3A_894 : i32
          %parallel_loop3A_896 = arith.index_cast %parallel_loop3A_895 : i32 to index
          %parallel_loop3A_897 = tpu.vector_load %arg15[%parallel_loop3A_896] {strides = array<i32>} : memref<65536xf32, #tpu.memory_space<vmem>>, vector<16xf32>,
          tpu.vector_store %arg15[%parallel_loop3A_896], %parallel_loop3A_891 {strides = array<i32>} : memref<65536xf32, #tpu.memory_space<vmem>>, vector<16xf32>,
          %parallel_loop3A_898 = arith.constant 16 : i32
          %parallel_loop3A_899 = arith.addi %parallel_loop3A_413, %parallel_loop3A_898 : i32
          %parallel_loop3A_900 = arith.constant 9 : i32
          %parallel_loop3A_901 = arith.addi %parallel_loop3A_899, %parallel_loop3A_900 : i32
          %parallel_loop3A_902 = vector.broadcast %parallel_loop3A_901 : i32 to vector<16xi32>
          %parallel_loop3A_903 = arith.addi %mul3A_5, %parallel_loop3A_902 : vector<16xi32>
          %parallel_loop3A_904 = tpu.vector_load_idx %arg14[%parallel_loop3A_903] : memref<8320xf32, #tpu.memory_space<vmem>>[vector<16xi32>], vector<16xf32>,
          %parallel_loop3A_905 = arith.constant 36864 : i32
          %parallel_loop3A_906 = arith.addi %parallel_loop3A_416, %parallel_loop3A_905 : i32
          %parallel_loop3A_907 = arith.constant 128 : i32
          %parallel_loop3A_908 = arith.addi %parallel_loop3A_906, %parallel_loop3A_907 : i32
          %parallel_loop3A_909 = arith.index_cast %parallel_loop3A_908 : i32 to index
          %parallel_loop3A_910 = tpu.vector_load %arg15[%parallel_loop3A_909] {strides = array<i32>} : memref<65536xf32, #tpu.memory_space<vmem>>, vector<16xf32>,
          tpu.vector_store %arg15[%parallel_loop3A_909], %parallel_loop3A_904 {strides = array<i32>} : memref<65536xf32, #tpu.memory_space<vmem>>, vector<16xf32>,
          %parallel_loop3A_911 = arith.constant 32 : i32
          %parallel_loop3A_912 = arith.addi %parallel_loop3A_413, %parallel_loop3A_911 : i32
          %parallel_loop3A_913 = arith.constant 9 : i32
          %parallel_loop3A_914 = arith.addi %parallel_loop3A_912, %parallel_loop3A_913 : i32
          %parallel_loop3A_915 = vector.broadcast %parallel_loop3A_914 : i32 to vector<16xi32>
          %parallel_loop3A_916 = arith.addi %mul3A_5, %parallel_loop3A_915 : vector<16xi32>
          %parallel_loop3A_917 = tpu.vector_load_idx %arg14[%parallel_loop3A_916] : memref<8320xf32, #tpu.memory_space<vmem>>[vector<16xi32>], vector<16xf32>,
          %parallel_loop3A_918 = arith.constant 36864 : i32
          %parallel_loop3A_919 = arith.addi %parallel_loop3A_416, %parallel_loop3A_918 : i32
          %parallel_loop3A_920 = arith.constant 256 : i32
          %parallel_loop3A_921 = arith.addi %parallel_loop3A_919, %parallel_loop3A_920 : i32
          %parallel_loop3A_922 = arith.index_cast %parallel_loop3A_921 : i32 to index
          %parallel_loop3A_923 = tpu.vector_load %arg15[%parallel_loop3A_922] {strides = array<i32>} : memref<65536xf32, #tpu.memory_space<vmem>>, vector<16xf32>,
          tpu.vector_store %arg15[%parallel_loop3A_922], %parallel_loop3A_917 {strides = array<i32>} : memref<65536xf32, #tpu.memory_space<vmem>>, vector<16xf32>,
          %parallel_loop3A_924 = arith.constant 48 : i32
          %parallel_loop3A_925 = arith.addi %parallel_loop3A_413, %parallel_loop3A_924 : i32
          %parallel_loop3A_926 = arith.constant 9 : i32
          %parallel_loop3A_927 = arith.addi %parallel_loop3A_925, %parallel_loop3A_926 : i32
          %parallel_loop3A_928 = vector.broadcast %parallel_loop3A_927 : i32 to vector<16xi32>
          %parallel_loop3A_929 = arith.addi %mul3A_5, %parallel_loop3A_928 : vector<16xi32>
          %parallel_loop3A_930 = tpu.vector_load_idx %arg14[%parallel_loop3A_929] : memref<8320xf32, #tpu.memory_space<vmem>>[vector<16xi32>], vector<16xf32>,
          %parallel_loop3A_931 = arith.constant 36864 : i32
          %parallel_loop3A_932 = arith.addi %parallel_loop3A_416, %parallel_loop3A_931 : i32
          %parallel_loop3A_933 = arith.constant 384 : i32
          %parallel_loop3A_934 = arith.addi %parallel_loop3A_932, %parallel_loop3A_933 : i32
          %parallel_loop3A_935 = arith.index_cast %parallel_loop3A_934 : i32 to index
          %parallel_loop3A_936 = tpu.vector_load %arg15[%parallel_loop3A_935] {strides = array<i32>} : memref<65536xf32, #tpu.memory_space<vmem>>, vector<16xf32>,
          tpu.vector_store %arg15[%parallel_loop3A_935], %parallel_loop3A_930 {strides = array<i32>} : memref<65536xf32, #tpu.memory_space<vmem>>, vector<16xf32>,
          %parallel_loop3A_937 = arith.constant 0 : i32
          %parallel_loop3A_938 = arith.addi %parallel_loop3A_413, %parallel_loop3A_937 : i32
          %parallel_loop3A_939 = arith.constant 10 : i32
          %parallel_loop3A_940 = arith.addi %parallel_loop3A_938, %parallel_loop3A_939 : i32
          %parallel_loop3A_941 = vector.broadcast %parallel_loop3A_940 : i32 to vector<16xi32>
          %parallel_loop3A_942 = arith.addi %mul3A_5, %parallel_loop3A_941 : vector<16xi32>
          %parallel_loop3A_943 = tpu.vector_load_idx %arg14[%parallel_loop3A_942] : memref<8320xf32, #tpu.memory_space<vmem>>[vector<16xi32>], vector<16xf32>,
          %parallel_loop3A_944 = arith.constant 40960 : i32
          %parallel_loop3A_945 = arith.addi %parallel_loop3A_416, %parallel_loop3A_944 : i32
          %parallel_loop3A_946 = arith.constant 0 : i32
          %parallel_loop3A_947 = arith.addi %parallel_loop3A_945, %parallel_loop3A_946 : i32
          %parallel_loop3A_948 = arith.index_cast %parallel_loop3A_947 : i32 to index
          %parallel_loop3A_949 = tpu.vector_load %arg15[%parallel_loop3A_948] {strides = array<i32>} : memref<65536xf32, #tpu.memory_space<vmem>>, vector<16xf32>,
          tpu.vector_store %arg15[%parallel_loop3A_948], %parallel_loop3A_943 {strides = array<i32>} : memref<65536xf32, #tpu.memory_space<vmem>>, vector<16xf32>,
          %parallel_loop3A_950 = arith.constant 16 : i32
          %parallel_loop3A_951 = arith.addi %parallel_loop3A_413, %parallel_loop3A_950 : i32
          %parallel_loop3A_952 = arith.constant 10 : i32
          %parallel_loop3A_953 = arith.addi %parallel_loop3A_951, %parallel_loop3A_952 : i32
          %parallel_loop3A_954 = vector.broadcast %parallel_loop3A_953 : i32 to vector<16xi32>
          %parallel_loop3A_955 = arith.addi %mul3A_5, %parallel_loop3A_954 : vector<16xi32>
          %parallel_loop3A_956 = tpu.vector_load_idx %arg14[%parallel_loop3A_955] : memref<8320xf32, #tpu.memory_space<vmem>>[vector<16xi32>], vector<16xf32>,
          %parallel_loop3A_957 = arith.constant 40960 : i32
          %parallel_loop3A_958 = arith.addi %parallel_loop3A_416, %parallel_loop3A_957 : i32
          %parallel_loop3A_959 = arith.constant 128 : i32
          %parallel_loop3A_960 = arith.addi %parallel_loop3A_958, %parallel_loop3A_959 : i32
          %parallel_loop3A_961 = arith.index_cast %parallel_loop3A_960 : i32 to index
          %parallel_loop3A_962 = tpu.vector_load %arg15[%parallel_loop3A_961] {strides = array<i32>} : memref<65536xf32, #tpu.memory_space<vmem>>, vector<16xf32>,
          tpu.vector_store %arg15[%parallel_loop3A_961], %parallel_loop3A_956 {strides = array<i32>} : memref<65536xf32, #tpu.memory_space<vmem>>, vector<16xf32>,
          %parallel_loop3A_963 = arith.constant 32 : i32
          %parallel_loop3A_964 = arith.addi %parallel_loop3A_413, %parallel_loop3A_963 : i32
          %parallel_loop3A_965 = arith.constant 10 : i32
          %parallel_loop3A_966 = arith.addi %parallel_loop3A_964, %parallel_loop3A_965 : i32
          %parallel_loop3A_967 = vector.broadcast %parallel_loop3A_966 : i32 to vector<16xi32>
          %parallel_loop3A_968 = arith.addi %mul3A_5, %parallel_loop3A_967 : vector<16xi32>
          %parallel_loop3A_969 = tpu.vector_load_idx %arg14[%parallel_loop3A_968] : memref<8320xf32, #tpu.memory_space<vmem>>[vector<16xi32>], vector<16xf32>,
          %parallel_loop3A_970 = arith.constant 40960 : i32
          %parallel_loop3A_971 = arith.addi %parallel_loop3A_416, %parallel_loop3A_970 : i32
          %parallel_loop3A_972 = arith.constant 256 : i32
          %parallel_loop3A_973 = arith.addi %parallel_loop3A_971, %parallel_loop3A_972 : i32
          %parallel_loop3A_974 = arith.index_cast %parallel_loop3A_973 : i32 to index
          %parallel_loop3A_975 = tpu.vector_load %arg15[%parallel_loop3A_974] {strides = array<i32>} : memref<65536xf32, #tpu.memory_space<vmem>>, vector<16xf32>,
          tpu.vector_store %arg15[%parallel_loop3A_974], %parallel_loop3A_969 {strides = array<i32>} : memref<65536xf32, #tpu.memory_space<vmem>>, vector<16xf32>,
          %parallel_loop3A_976 = arith.constant 48 : i32
          %parallel_loop3A_977 = arith.addi %parallel_loop3A_413, %parallel_loop3A_976 : i32
          %parallel_loop3A_978 = arith.constant 10 : i32
          %parallel_loop3A_979 = arith.addi %parallel_loop3A_977, %parallel_loop3A_978 : i32
          %parallel_loop3A_980 = vector.broadcast %parallel_loop3A_979 : i32 to vector<16xi32>
          %parallel_loop3A_981 = arith.addi %mul3A_5, %parallel_loop3A_980 : vector<16xi32>
          %parallel_loop3A_982 = tpu.vector_load_idx %arg14[%parallel_loop3A_981] : memref<8320xf32, #tpu.memory_space<vmem>>[vector<16xi32>], vector<16xf32>,
          %parallel_loop3A_983 = arith.constant 40960 : i32
          %parallel_loop3A_984 = arith.addi %parallel_loop3A_416, %parallel_loop3A_983 : i32
          %parallel_loop3A_985 = arith.constant 384 : i32
          %parallel_loop3A_986 = arith.addi %parallel_loop3A_984, %parallel_loop3A_985 : i32
          %parallel_loop3A_987 = arith.index_cast %parallel_loop3A_986 : i32 to index
          %parallel_loop3A_988 = tpu.vector_load %arg15[%parallel_loop3A_987] {strides = array<i32>} : memref<65536xf32, #tpu.memory_space<vmem>>, vector<16xf32>,
          tpu.vector_store %arg15[%parallel_loop3A_987], %parallel_loop3A_982 {strides = array<i32>} : memref<65536xf32, #tpu.memory_space<vmem>>, vector<16xf32>,
          %parallel_loop3A_989 = arith.constant 0 : i32
          %parallel_loop3A_990 = arith.addi %parallel_loop3A_413, %parallel_loop3A_989 : i32
          %parallel_loop3A_991 = arith.constant 11 : i32
          %parallel_loop3A_992 = arith.addi %parallel_loop3A_990, %parallel_loop3A_991 : i32
          %parallel_loop3A_993 = vector.broadcast %parallel_loop3A_992 : i32 to vector<16xi32>
          %parallel_loop3A_994 = arith.addi %mul3A_5, %parallel_loop3A_993 : vector<16xi32>
          %parallel_loop3A_995 = tpu.vector_load_idx %arg14[%parallel_loop3A_994] : memref<8320xf32, #tpu.memory_space<vmem>>[vector<16xi32>], vector<16xf32>,
          %parallel_loop3A_996 = arith.constant 45056 : i32
          %parallel_loop3A_997 = arith.addi %parallel_loop3A_416, %parallel_loop3A_996 : i32
          %parallel_loop3A_998 = arith.constant 0 : i32
          %parallel_loop3A_999 = arith.addi %parallel_loop3A_997, %parallel_loop3A_998 : i32
          %parallel_loop3A_1000 = arith.index_cast %parallel_loop3A_999 : i32 to index
          %parallel_loop3A_1001 = tpu.vector_load %arg15[%parallel_loop3A_1000] {strides = array<i32>} : memref<65536xf32, #tpu.memory_space<vmem>>, vector<16xf32>,
          tpu.vector_store %arg15[%parallel_loop3A_1000], %parallel_loop3A_995 {strides = array<i32>} : memref<65536xf32, #tpu.memory_space<vmem>>, vector<16xf32>,
          %parallel_loop3A_1002 = arith.constant 16 : i32
          %parallel_loop3A_1003 = arith.addi %parallel_loop3A_413, %parallel_loop3A_1002 : i32
          %parallel_loop3A_1004 = arith.constant 11 : i32
          %parallel_loop3A_1005 = arith.addi %parallel_loop3A_1003, %parallel_loop3A_1004 : i32
          %parallel_loop3A_1006 = vector.broadcast %parallel_loop3A_1005 : i32 to vector<16xi32>
          %parallel_loop3A_1007 = arith.addi %mul3A_5, %parallel_loop3A_1006 : vector<16xi32>
          %parallel_loop3A_1008 = tpu.vector_load_idx %arg14[%parallel_loop3A_1007] : memref<8320xf32, #tpu.memory_space<vmem>>[vector<16xi32>], vector<16xf32>,
          %parallel_loop3A_1009 = arith.constant 45056 : i32
          %parallel_loop3A_1010 = arith.addi %parallel_loop3A_416, %parallel_loop3A_1009 : i32
          %parallel_loop3A_1011 = arith.constant 128 : i32
          %parallel_loop3A_1012 = arith.addi %parallel_loop3A_1010, %parallel_loop3A_1011 : i32
          %parallel_loop3A_1013 = arith.index_cast %parallel_loop3A_1012 : i32 to index
          %parallel_loop3A_1014 = tpu.vector_load %arg15[%parallel_loop3A_1013] {strides = array<i32>} : memref<65536xf32, #tpu.memory_space<vmem>>, vector<16xf32>,
          tpu.vector_store %arg15[%parallel_loop3A_1013], %parallel_loop3A_1008 {strides = array<i32>} : memref<65536xf32, #tpu.memory_space<vmem>>, vector<16xf32>,
          %parallel_loop3A_1015 = arith.constant 32 : i32
          %parallel_loop3A_1016 = arith.addi %parallel_loop3A_413, %parallel_loop3A_1015 : i32
          %parallel_loop3A_1017 = arith.constant 11 : i32
          %parallel_loop3A_1018 = arith.addi %parallel_loop3A_1016, %parallel_loop3A_1017 : i32
          %parallel_loop3A_1019 = vector.broadcast %parallel_loop3A_1018 : i32 to vector<16xi32>
          %parallel_loop3A_1020 = arith.addi %mul3A_5, %parallel_loop3A_1019 : vector<16xi32>
          %parallel_loop3A_1021 = tpu.vector_load_idx %arg14[%parallel_loop3A_1020] : memref<8320xf32, #tpu.memory_space<vmem>>[vector<16xi32>], vector<16xf32>,
          %parallel_loop3A_1022 = arith.constant 45056 : i32
          %parallel_loop3A_1023 = arith.addi %parallel_loop3A_416, %parallel_loop3A_1022 : i32
          %parallel_loop3A_1024 = arith.constant 256 : i32
          %parallel_loop3A_1025 = arith.addi %parallel_loop3A_1023, %parallel_loop3A_1024 : i32
          %parallel_loop3A_1026 = arith.index_cast %parallel_loop3A_1025 : i32 to index
          %parallel_loop3A_1027 = tpu.vector_load %arg15[%parallel_loop3A_1026] {strides = array<i32>} : memref<65536xf32, #tpu.memory_space<vmem>>, vector<16xf32>,
          tpu.vector_store %arg15[%parallel_loop3A_1026], %parallel_loop3A_1021 {strides = array<i32>} : memref<65536xf32, #tpu.memory_space<vmem>>, vector<16xf32>,
          %parallel_loop3A_1028 = arith.constant 48 : i32
          %parallel_loop3A_1029 = arith.addi %parallel_loop3A_413, %parallel_loop3A_1028 : i32
          %parallel_loop3A_1030 = arith.constant 11 : i32
          %parallel_loop3A_1031 = arith.addi %parallel_loop3A_1029, %parallel_loop3A_1030 : i32
          %parallel_loop3A_1032 = vector.broadcast %parallel_loop3A_1031 : i32 to vector<16xi32>
          %parallel_loop3A_1033 = arith.addi %mul3A_5, %parallel_loop3A_1032 : vector<16xi32>
          %parallel_loop3A_1034 = tpu.vector_load_idx %arg14[%parallel_loop3A_1033] : memref<8320xf32, #tpu.memory_space<vmem>>[vector<16xi32>], vector<16xf32>,
          %parallel_loop3A_1035 = arith.constant 45056 : i32
          %parallel_loop3A_1036 = arith.addi %parallel_loop3A_416, %parallel_loop3A_1035 : i32
          %parallel_loop3A_1037 = arith.constant 384 : i32
          %parallel_loop3A_1038 = arith.addi %parallel_loop3A_1036, %parallel_loop3A_1037 : i32
          %parallel_loop3A_1039 = arith.index_cast %parallel_loop3A_1038 : i32 to index
          %parallel_loop3A_1040 = tpu.vector_load %arg15[%parallel_loop3A_1039] {strides = array<i32>} : memref<65536xf32, #tpu.memory_space<vmem>>, vector<16xf32>,
          tpu.vector_store %arg15[%parallel_loop3A_1039], %parallel_loop3A_1034 {strides = array<i32>} : memref<65536xf32, #tpu.memory_space<vmem>>, vector<16xf32>,
          %parallel_loop3A_1041 = arith.constant 0 : i32
          %parallel_loop3A_1042 = arith.addi %parallel_loop3A_413, %parallel_loop3A_1041 : i32
          %parallel_loop3A_1043 = arith.constant 12 : i32
          %parallel_loop3A_1044 = arith.addi %parallel_loop3A_1042, %parallel_loop3A_1043 : i32
          %parallel_loop3A_1045 = vector.broadcast %parallel_loop3A_1044 : i32 to vector<16xi32>
          %parallel_loop3A_1046 = arith.addi %mul3A_5, %parallel_loop3A_1045 : vector<16xi32>
          %parallel_loop3A_1047 = tpu.vector_load_idx %arg14[%parallel_loop3A_1046] : memref<8320xf32, #tpu.memory_space<vmem>>[vector<16xi32>], vector<16xf32>,
          %parallel_loop3A_1048 = arith.constant 49152 : i32
          %parallel_loop3A_1049 = arith.addi %parallel_loop3A_416, %parallel_loop3A_1048 : i32
          %parallel_loop3A_1050 = arith.constant 0 : i32
          %parallel_loop3A_1051 = arith.addi %parallel_loop3A_1049, %parallel_loop3A_1050 : i32
          %parallel_loop3A_1052 = arith.index_cast %parallel_loop3A_1051 : i32 to index
          %parallel_loop3A_1053 = tpu.vector_load %arg15[%parallel_loop3A_1052] {strides = array<i32>} : memref<65536xf32, #tpu.memory_space<vmem>>, vector<16xf32>,
          tpu.vector_store %arg15[%parallel_loop3A_1052], %parallel_loop3A_1047 {strides = array<i32>} : memref<65536xf32, #tpu.memory_space<vmem>>, vector<16xf32>,
          %parallel_loop3A_1054 = arith.constant 16 : i32
          %parallel_loop3A_1055 = arith.addi %parallel_loop3A_413, %parallel_loop3A_1054 : i32
          %parallel_loop3A_1056 = arith.constant 12 : i32
          %parallel_loop3A_1057 = arith.addi %parallel_loop3A_1055, %parallel_loop3A_1056 : i32
          %parallel_loop3A_1058 = vector.broadcast %parallel_loop3A_1057 : i32 to vector<16xi32>
          %parallel_loop3A_1059 = arith.addi %mul3A_5, %parallel_loop3A_1058 : vector<16xi32>
          %parallel_loop3A_1060 = tpu.vector_load_idx %arg14[%parallel_loop3A_1059] : memref<8320xf32, #tpu.memory_space<vmem>>[vector<16xi32>], vector<16xf32>,
          %parallel_loop3A_1061 = arith.constant 49152 : i32
          %parallel_loop3A_1062 = arith.addi %parallel_loop3A_416, %parallel_loop3A_1061 : i32
          %parallel_loop3A_1063 = arith.constant 128 : i32
          %parallel_loop3A_1064 = arith.addi %parallel_loop3A_1062, %parallel_loop3A_1063 : i32
          %parallel_loop3A_1065 = arith.index_cast %parallel_loop3A_1064 : i32 to index
          %parallel_loop3A_1066 = tpu.vector_load %arg15[%parallel_loop3A_1065] {strides = array<i32>} : memref<65536xf32, #tpu.memory_space<vmem>>, vector<16xf32>,
          tpu.vector_store %arg15[%parallel_loop3A_1065], %parallel_loop3A_1060 {strides = array<i32>} : memref<65536xf32, #tpu.memory_space<vmem>>, vector<16xf32>,
          %parallel_loop3A_1067 = arith.constant 32 : i32
          %parallel_loop3A_1068 = arith.addi %parallel_loop3A_413, %parallel_loop3A_1067 : i32
          %parallel_loop3A_1069 = arith.constant 12 : i32
          %parallel_loop3A_1070 = arith.addi %parallel_loop3A_1068, %parallel_loop3A_1069 : i32
          %parallel_loop3A_1071 = vector.broadcast %parallel_loop3A_1070 : i32 to vector<16xi32>
          %parallel_loop3A_1072 = arith.addi %mul3A_5, %parallel_loop3A_1071 : vector<16xi32>
          %parallel_loop3A_1073 = tpu.vector_load_idx %arg14[%parallel_loop3A_1072] : memref<8320xf32, #tpu.memory_space<vmem>>[vector<16xi32>], vector<16xf32>,
          %parallel_loop3A_1074 = arith.constant 49152 : i32
          %parallel_loop3A_1075 = arith.addi %parallel_loop3A_416, %parallel_loop3A_1074 : i32
          %parallel_loop3A_1076 = arith.constant 256 : i32
          %parallel_loop3A_1077 = arith.addi %parallel_loop3A_1075, %parallel_loop3A_1076 : i32
          %parallel_loop3A_1078 = arith.index_cast %parallel_loop3A_1077 : i32 to index
          %parallel_loop3A_1079 = tpu.vector_load %arg15[%parallel_loop3A_1078] {strides = array<i32>} : memref<65536xf32, #tpu.memory_space<vmem>>, vector<16xf32>,
          tpu.vector_store %arg15[%parallel_loop3A_1078], %parallel_loop3A_1073 {strides = array<i32>} : memref<65536xf32, #tpu.memory_space<vmem>>, vector<16xf32>,
          %parallel_loop3A_1080 = arith.constant 48 : i32
          %parallel_loop3A_1081 = arith.addi %parallel_loop3A_413, %parallel_loop3A_1080 : i32
          %parallel_loop3A_1082 = arith.constant 12 : i32
          %parallel_loop3A_1083 = arith.addi %parallel_loop3A_1081, %parallel_loop3A_1082 : i32
          %parallel_loop3A_1084 = vector.broadcast %parallel_loop3A_1083 : i32 to vector<16xi32>
          %parallel_loop3A_1085 = arith.addi %mul3A_5, %parallel_loop3A_1084 : vector<16xi32>
          %parallel_loop3A_1086 = tpu.vector_load_idx %arg14[%parallel_loop3A_1085] : memref<8320xf32, #tpu.memory_space<vmem>>[vector<16xi32>], vector<16xf32>,
          %parallel_loop3A_1087 = arith.constant 49152 : i32
          %parallel_loop3A_1088 = arith.addi %parallel_loop3A_416, %parallel_loop3A_1087 : i32
          %parallel_loop3A_1089 = arith.constant 384 : i32
          %parallel_loop3A_1090 = arith.addi %parallel_loop3A_1088, %parallel_loop3A_1089 : i32
          %parallel_loop3A_1091 = arith.index_cast %parallel_loop3A_1090 : i32 to index
          %parallel_loop3A_1092 = tpu.vector_load %arg15[%parallel_loop3A_1091] {strides = array<i32>} : memref<65536xf32, #tpu.memory_space<vmem>>, vector<16xf32>,
          tpu.vector_store %arg15[%parallel_loop3A_1091], %parallel_loop3A_1086 {strides = array<i32>} : memref<65536xf32, #tpu.memory_space<vmem>>, vector<16xf32>,
          %parallel_loop3A_1093 = arith.constant 0 : i32
          %parallel_loop3A_1094 = arith.addi %parallel_loop3A_413, %parallel_loop3A_1093 : i32
          %parallel_loop3A_1095 = arith.constant 13 : i32
          %parallel_loop3A_1096 = arith.addi %parallel_loop3A_1094, %parallel_loop3A_1095 : i32
          %parallel_loop3A_1097 = vector.broadcast %parallel_loop3A_1096 : i32 to vector<16xi32>
          %parallel_loop3A_1098 = arith.addi %mul3A_5, %parallel_loop3A_1097 : vector<16xi32>
          %parallel_loop3A_1099 = tpu.vector_load_idx %arg14[%parallel_loop3A_1098] : memref<8320xf32, #tpu.memory_space<vmem>>[vector<16xi32>], vector<16xf32>,
          %parallel_loop3A_1100 = arith.constant 53248 : i32
          %parallel_loop3A_1101 = arith.addi %parallel_loop3A_416, %parallel_loop3A_1100 : i32
          %parallel_loop3A_1102 = arith.constant 0 : i32
          %parallel_loop3A_1103 = arith.addi %parallel_loop3A_1101, %parallel_loop3A_1102 : i32
          %parallel_loop3A_1104 = arith.index_cast %parallel_loop3A_1103 : i32 to index
          %parallel_loop3A_1105 = tpu.vector_load %arg15[%parallel_loop3A_1104] {strides = array<i32>} : memref<65536xf32, #tpu.memory_space<vmem>>, vector<16xf32>,
          tpu.vector_store %arg15[%parallel_loop3A_1104], %parallel_loop3A_1099 {strides = array<i32>} : memref<65536xf32, #tpu.memory_space<vmem>>, vector<16xf32>,
          %parallel_loop3A_1106 = arith.constant 16 : i32
          %parallel_loop3A_1107 = arith.addi %parallel_loop3A_413, %parallel_loop3A_1106 : i32
          %parallel_loop3A_1108 = arith.constant 13 : i32
          %parallel_loop3A_1109 = arith.addi %parallel_loop3A_1107, %parallel_loop3A_1108 : i32
          %parallel_loop3A_1110 = vector.broadcast %parallel_loop3A_1109 : i32 to vector<16xi32>
          %parallel_loop3A_1111 = arith.addi %mul3A_5, %parallel_loop3A_1110 : vector<16xi32>
          %parallel_loop3A_1112 = tpu.vector_load_idx %arg14[%parallel_loop3A_1111] : memref<8320xf32, #tpu.memory_space<vmem>>[vector<16xi32>], vector<16xf32>,
          %parallel_loop3A_1113 = arith.constant 53248 : i32
          %parallel_loop3A_1114 = arith.addi %parallel_loop3A_416, %parallel_loop3A_1113 : i32
          %parallel_loop3A_1115 = arith.constant 128 : i32
          %parallel_loop3A_1116 = arith.addi %parallel_loop3A_1114, %parallel_loop3A_1115 : i32
          %parallel_loop3A_1117 = arith.index_cast %parallel_loop3A_1116 : i32 to index
          %parallel_loop3A_1118 = tpu.vector_load %arg15[%parallel_loop3A_1117] {strides = array<i32>} : memref<65536xf32, #tpu.memory_space<vmem>>, vector<16xf32>,
          tpu.vector_store %arg15[%parallel_loop3A_1117], %parallel_loop3A_1112 {strides = array<i32>} : memref<65536xf32, #tpu.memory_space<vmem>>, vector<16xf32>,
          %parallel_loop3A_1119 = arith.constant 32 : i32
          %parallel_loop3A_1120 = arith.addi %parallel_loop3A_413, %parallel_loop3A_1119 : i32
          %parallel_loop3A_1121 = arith.constant 13 : i32
          %parallel_loop3A_1122 = arith.addi %parallel_loop3A_1120, %parallel_loop3A_1121 : i32
          %parallel_loop3A_1123 = vector.broadcast %parallel_loop3A_1122 : i32 to vector<16xi32>
          %parallel_loop3A_1124 = arith.addi %mul3A_5, %parallel_loop3A_1123 : vector<16xi32>
          %parallel_loop3A_1125 = tpu.vector_load_idx %arg14[%parallel_loop3A_1124] : memref<8320xf32, #tpu.memory_space<vmem>>[vector<16xi32>], vector<16xf32>,
          %parallel_loop3A_1126 = arith.constant 53248 : i32
          %parallel_loop3A_1127 = arith.addi %parallel_loop3A_416, %parallel_loop3A_1126 : i32
          %parallel_loop3A_1128 = arith.constant 256 : i32
          %parallel_loop3A_1129 = arith.addi %parallel_loop3A_1127, %parallel_loop3A_1128 : i32
          %parallel_loop3A_1130 = arith.index_cast %parallel_loop3A_1129 : i32 to index
          %parallel_loop3A_1131 = tpu.vector_load %arg15[%parallel_loop3A_1130] {strides = array<i32>} : memref<65536xf32, #tpu.memory_space<vmem>>, vector<16xf32>,
          tpu.vector_store %arg15[%parallel_loop3A_1130], %parallel_loop3A_1125 {strides = array<i32>} : memref<65536xf32, #tpu.memory_space<vmem>>, vector<16xf32>,
          %parallel_loop3A_1132 = arith.constant 48 : i32
          %parallel_loop3A_1133 = arith.addi %parallel_loop3A_413, %parallel_loop3A_1132 : i32
          %parallel_loop3A_1134 = arith.constant 13 : i32
          %parallel_loop3A_1135 = arith.addi %parallel_loop3A_1133, %parallel_loop3A_1134 : i32
          %parallel_loop3A_1136 = vector.broadcast %parallel_loop3A_1135 : i32 to vector<16xi32>
          %parallel_loop3A_1137 = arith.addi %mul3A_5, %parallel_loop3A_1136 : vector<16xi32>
          %parallel_loop3A_1138 = tpu.vector_load_idx %arg14[%parallel_loop3A_1137] : memref<8320xf32, #tpu.memory_space<vmem>>[vector<16xi32>], vector<16xf32>,
          %parallel_loop3A_1139 = arith.constant 53248 : i32
          %parallel_loop3A_1140 = arith.addi %parallel_loop3A_416, %parallel_loop3A_1139 : i32
          %parallel_loop3A_1141 = arith.constant 384 : i32
          %parallel_loop3A_1142 = arith.addi %parallel_loop3A_1140, %parallel_loop3A_1141 : i32
          %parallel_loop3A_1143 = arith.index_cast %parallel_loop3A_1142 : i32 to index
          %parallel_loop3A_1144 = tpu.vector_load %arg15[%parallel_loop3A_1143] {strides = array<i32>} : memref<65536xf32, #tpu.memory_space<vmem>>, vector<16xf32>,
          tpu.vector_store %arg15[%parallel_loop3A_1143], %parallel_loop3A_1138 {strides = array<i32>} : memref<65536xf32, #tpu.memory_space<vmem>>, vector<16xf32>,
          %parallel_loop3A_1145 = arith.constant 0 : i32
          %parallel_loop3A_1146 = arith.addi %parallel_loop3A_413, %parallel_loop3A_1145 : i32
          %parallel_loop3A_1147 = arith.constant 14 : i32
          %parallel_loop3A_1148 = arith.addi %parallel_loop3A_1146, %parallel_loop3A_1147 : i32
          %parallel_loop3A_1149 = vector.broadcast %parallel_loop3A_1148 : i32 to vector<16xi32>
          %parallel_loop3A_1150 = arith.addi %mul3A_5, %parallel_loop3A_1149 : vector<16xi32>
          %parallel_loop3A_1151 = tpu.vector_load_idx %arg14[%parallel_loop3A_1150] : memref<8320xf32, #tpu.memory_space<vmem>>[vector<16xi32>], vector<16xf32>,
          %parallel_loop3A_1152 = arith.constant 57344 : i32
          %parallel_loop3A_1153 = arith.addi %parallel_loop3A_416, %parallel_loop3A_1152 : i32
          %parallel_loop3A_1154 = arith.constant 0 : i32
          %parallel_loop3A_1155 = arith.addi %parallel_loop3A_1153, %parallel_loop3A_1154 : i32
          %parallel_loop3A_1156 = arith.index_cast %parallel_loop3A_1155 : i32 to index
          %parallel_loop3A_1157 = tpu.vector_load %arg15[%parallel_loop3A_1156] {strides = array<i32>} : memref<65536xf32, #tpu.memory_space<vmem>>, vector<16xf32>,
          tpu.vector_store %arg15[%parallel_loop3A_1156], %parallel_loop3A_1151 {strides = array<i32>} : memref<65536xf32, #tpu.memory_space<vmem>>, vector<16xf32>,
          %parallel_loop3A_1158 = arith.constant 16 : i32
          %parallel_loop3A_1159 = arith.addi %parallel_loop3A_413, %parallel_loop3A_1158 : i32
          %parallel_loop3A_1160 = arith.constant 14 : i32
          %parallel_loop3A_1161 = arith.addi %parallel_loop3A_1159, %parallel_loop3A_1160 : i32
          %parallel_loop3A_1162 = vector.broadcast %parallel_loop3A_1161 : i32 to vector<16xi32>
          %parallel_loop3A_1163 = arith.addi %mul3A_5, %parallel_loop3A_1162 : vector<16xi32>
          %parallel_loop3A_1164 = tpu.vector_load_idx %arg14[%parallel_loop3A_1163] : memref<8320xf32, #tpu.memory_space<vmem>>[vector<16xi32>], vector<16xf32>,
          %parallel_loop3A_1165 = arith.constant 57344 : i32
          %parallel_loop3A_1166 = arith.addi %parallel_loop3A_416, %parallel_loop3A_1165 : i32
          %parallel_loop3A_1167 = arith.constant 128 : i32
          %parallel_loop3A_1168 = arith.addi %parallel_loop3A_1166, %parallel_loop3A_1167 : i32
          %parallel_loop3A_1169 = arith.index_cast %parallel_loop3A_1168 : i32 to index
          %parallel_loop3A_1170 = tpu.vector_load %arg15[%parallel_loop3A_1169] {strides = array<i32>} : memref<65536xf32, #tpu.memory_space<vmem>>, vector<16xf32>,
          tpu.vector_store %arg15[%parallel_loop3A_1169], %parallel_loop3A_1164 {strides = array<i32>} : memref<65536xf32, #tpu.memory_space<vmem>>, vector<16xf32>,
          %parallel_loop3A_1171 = arith.constant 32 : i32
          %parallel_loop3A_1172 = arith.addi %parallel_loop3A_413, %parallel_loop3A_1171 : i32
          %parallel_loop3A_1173 = arith.constant 14 : i32
          %parallel_loop3A_1174 = arith.addi %parallel_loop3A_1172, %parallel_loop3A_1173 : i32
          %parallel_loop3A_1175 = vector.broadcast %parallel_loop3A_1174 : i32 to vector<16xi32>
          %parallel_loop3A_1176 = arith.addi %mul3A_5, %parallel_loop3A_1175 : vector<16xi32>
          %parallel_loop3A_1177 = tpu.vector_load_idx %arg14[%parallel_loop3A_1176] : memref<8320xf32, #tpu.memory_space<vmem>>[vector<16xi32>], vector<16xf32>,
          %parallel_loop3A_1178 = arith.constant 57344 : i32
          %parallel_loop3A_1179 = arith.addi %parallel_loop3A_416, %parallel_loop3A_1178 : i32
          %parallel_loop3A_1180 = arith.constant 256 : i32
          %parallel_loop3A_1181 = arith.addi %parallel_loop3A_1179, %parallel_loop3A_1180 : i32
          %parallel_loop3A_1182 = arith.index_cast %parallel_loop3A_1181 : i32 to index
          %parallel_loop3A_1183 = tpu.vector_load %arg15[%parallel_loop3A_1182] {strides = array<i32>} : memref<65536xf32, #tpu.memory_space<vmem>>, vector<16xf32>,
          tpu.vector_store %arg15[%parallel_loop3A_1182], %parallel_loop3A_1177 {strides = array<i32>} : memref<65536xf32, #tpu.memory_space<vmem>>, vector<16xf32>,
          %parallel_loop3A_1184 = arith.constant 48 : i32
          %parallel_loop3A_1185 = arith.addi %parallel_loop3A_413, %parallel_loop3A_1184 : i32
          %parallel_loop3A_1186 = arith.constant 14 : i32
          %parallel_loop3A_1187 = arith.addi %parallel_loop3A_1185, %parallel_loop3A_1186 : i32
          %parallel_loop3A_1188 = vector.broadcast %parallel_loop3A_1187 : i32 to vector<16xi32>
          %parallel_loop3A_1189 = arith.addi %mul3A_5, %parallel_loop3A_1188 : vector<16xi32>
          %parallel_loop3A_1190 = tpu.vector_load_idx %arg14[%parallel_loop3A_1189] : memref<8320xf32, #tpu.memory_space<vmem>>[vector<16xi32>], vector<16xf32>,
          %parallel_loop3A_1191 = arith.constant 57344 : i32
          %parallel_loop3A_1192 = arith.addi %parallel_loop3A_416, %parallel_loop3A_1191 : i32
          %parallel_loop3A_1193 = arith.constant 384 : i32
          %parallel_loop3A_1194 = arith.addi %parallel_loop3A_1192, %parallel_loop3A_1193 : i32
          %parallel_loop3A_1195 = arith.index_cast %parallel_loop3A_1194 : i32 to index
          %parallel_loop3A_1196 = tpu.vector_load %arg15[%parallel_loop3A_1195] {strides = array<i32>} : memref<65536xf32, #tpu.memory_space<vmem>>, vector<16xf32>,
          tpu.vector_store %arg15[%parallel_loop3A_1195], %parallel_loop3A_1190 {strides = array<i32>} : memref<65536xf32, #tpu.memory_space<vmem>>, vector<16xf32>,
          %parallel_loop3A_1197 = arith.constant 0 : i32
          %parallel_loop3A_1198 = arith.addi %parallel_loop3A_413, %parallel_loop3A_1197 : i32
          %parallel_loop3A_1199 = arith.constant 15 : i32
          %parallel_loop3A_1200 = arith.addi %parallel_loop3A_1198, %parallel_loop3A_1199 : i32
          %parallel_loop3A_1201 = vector.broadcast %parallel_loop3A_1200 : i32 to vector<16xi32>
          %parallel_loop3A_1202 = arith.addi %mul3A_5, %parallel_loop3A_1201 : vector<16xi32>
          %parallel_loop3A_1203 = tpu.vector_load_idx %arg14[%parallel_loop3A_1202] : memref<8320xf32, #tpu.memory_space<vmem>>[vector<16xi32>], vector<16xf32>,
          %parallel_loop3A_1204 = arith.constant 61440 : i32
          %parallel_loop3A_1205 = arith.addi %parallel_loop3A_416, %parallel_loop3A_1204 : i32
          %parallel_loop3A_1206 = arith.constant 0 : i32
          %parallel_loop3A_1207 = arith.addi %parallel_loop3A_1205, %parallel_loop3A_1206 : i32
          %parallel_loop3A_1208 = arith.index_cast %parallel_loop3A_1207 : i32 to index
          %parallel_loop3A_1209 = tpu.vector_load %arg15[%parallel_loop3A_1208] {strides = array<i32>} : memref<65536xf32, #tpu.memory_space<vmem>>, vector<16xf32>,
          tpu.vector_store %arg15[%parallel_loop3A_1208], %parallel_loop3A_1203 {strides = array<i32>} : memref<65536xf32, #tpu.memory_space<vmem>>, vector<16xf32>,
          %parallel_loop3A_1210 = arith.constant 16 : i32
          %parallel_loop3A_1211 = arith.addi %parallel_loop3A_413, %parallel_loop3A_1210 : i32
          %parallel_loop3A_1212 = arith.constant 15 : i32
          %parallel_loop3A_1213 = arith.addi %parallel_loop3A_1211, %parallel_loop3A_1212 : i32
          %parallel_loop3A_1214 = vector.broadcast %parallel_loop3A_1213 : i32 to vector<16xi32>
          %parallel_loop3A_1215 = arith.addi %mul3A_5, %parallel_loop3A_1214 : vector<16xi32>
          %parallel_loop3A_1216 = tpu.vector_load_idx %arg14[%parallel_loop3A_1215] : memref<8320xf32, #tpu.memory_space<vmem>>[vector<16xi32>], vector<16xf32>,
          %parallel_loop3A_1217 = arith.constant 61440 : i32
          %parallel_loop3A_1218 = arith.addi %parallel_loop3A_416, %parallel_loop3A_1217 : i32
          %parallel_loop3A_1219 = arith.constant 128 : i32
          %parallel_loop3A_1220 = arith.addi %parallel_loop3A_1218, %parallel_loop3A_1219 : i32
          %parallel_loop3A_1221 = arith.index_cast %parallel_loop3A_1220 : i32 to index
          %parallel_loop3A_1222 = tpu.vector_load %arg15[%parallel_loop3A_1221] {strides = array<i32>} : memref<65536xf32, #tpu.memory_space<vmem>>, vector<16xf32>,
          tpu.vector_store %arg15[%parallel_loop3A_1221], %parallel_loop3A_1216 {strides = array<i32>} : memref<65536xf32, #tpu.memory_space<vmem>>, vector<16xf32>,
          %parallel_loop3A_1223 = arith.constant 32 : i32
          %parallel_loop3A_1224 = arith.addi %parallel_loop3A_413, %parallel_loop3A_1223 : i32
          %parallel_loop3A_1225 = arith.constant 15 : i32
          %parallel_loop3A_1226 = arith.addi %parallel_loop3A_1224, %parallel_loop3A_1225 : i32
          %parallel_loop3A_1227 = vector.broadcast %parallel_loop3A_1226 : i32 to vector<16xi32>
          %parallel_loop3A_1228 = arith.addi %mul3A_5, %parallel_loop3A_1227 : vector<16xi32>
          %parallel_loop3A_1229 = tpu.vector_load_idx %arg14[%parallel_loop3A_1228] : memref<8320xf32, #tpu.memory_space<vmem>>[vector<16xi32>], vector<16xf32>,
          %parallel_loop3A_1230 = arith.constant 61440 : i32
          %parallel_loop3A_1231 = arith.addi %parallel_loop3A_416, %parallel_loop3A_1230 : i32
          %parallel_loop3A_1232 = arith.constant 256 : i32
          %parallel_loop3A_1233 = arith.addi %parallel_loop3A_1231, %parallel_loop3A_1232 : i32
          %parallel_loop3A_1234 = arith.index_cast %parallel_loop3A_1233 : i32 to index
          %parallel_loop3A_1235 = tpu.vector_load %arg15[%parallel_loop3A_1234] {strides = array<i32>} : memref<65536xf32, #tpu.memory_space<vmem>>, vector<16xf32>,
          tpu.vector_store %arg15[%parallel_loop3A_1234], %parallel_loop3A_1229 {strides = array<i32>} : memref<65536xf32, #tpu.memory_space<vmem>>, vector<16xf32>,
          %parallel_loop3A_1236 = arith.constant 48 : i32
          %parallel_loop3A_1237 = arith.addi %parallel_loop3A_413, %parallel_loop3A_1236 : i32
          %parallel_loop3A_1238 = arith.constant 15 : i32
          %parallel_loop3A_1239 = arith.addi %parallel_loop3A_1237, %parallel_loop3A_1238 : i32
          %parallel_loop3A_1240 = vector.broadcast %parallel_loop3A_1239 : i32 to vector<16xi32>
          %parallel_loop3A_1241 = arith.addi %mul3A_5, %parallel_loop3A_1240 : vector<16xi32>
          %parallel_loop3A_1242 = tpu.vector_load_idx %arg14[%parallel_loop3A_1241] : memref<8320xf32, #tpu.memory_space<vmem>>[vector<16xi32>], vector<16xf32>,
          %parallel_loop3A_1243 = arith.constant 61440 : i32
          %parallel_loop3A_1244 = arith.addi %parallel_loop3A_416, %parallel_loop3A_1243 : i32
          %parallel_loop3A_1245 = arith.constant 384 : i32
          %parallel_loop3A_1246 = arith.addi %parallel_loop3A_1244, %parallel_loop3A_1245 : i32
          %parallel_loop3A_1247 = arith.index_cast %parallel_loop3A_1246 : i32 to index
          %parallel_loop3A_1248 = tpu.vector_load %arg15[%parallel_loop3A_1247] {strides = array<i32>} : memref<65536xf32, #tpu.memory_space<vmem>>, vector<16xf32>,
          tpu.vector_store %arg15[%parallel_loop3A_1247], %parallel_loop3A_1242 {strides = array<i32>} : memref<65536xf32, #tpu.memory_space<vmem>>, vector<16xf32>,
        } {sc.loop_unroll_factor = 1 : i64, sc.parallel_access}
      }
      %scan3A_279 = arith.constant 8 : i32
      %jit3A_280 = arith.constant 4 : i32
      %div3A_281 = arith.divsi %add3A_93, %jit3A_280 : i32
      %sign3A_282 = arith.constant 0 : i32
      %sign3A_283 = arith.cmpi sgt, %add3A_93, %sign3A_282 : i32
      %sign3A_284 = arith.extui %sign3A_283 : i1 to i32
      %sign3A_285 = arith.constant 0 : i32
      %sign3A_286 = arith.cmpi slt, %add3A_93, %sign3A_285 : i32
      %sign3A_287 = arith.extui %sign3A_286 : i1 to i32
      %sign3A_288 = arith.subi %sign3A_284, %sign3A_287 : i32
      %sign3A_289 = arith.constant 0 : i32
      %sign3A_290 = arith.cmpi sgt, %jit3A_280, %sign3A_289 : i32
      %sign3A_291 = arith.extui %sign3A_290 : i1 to i32
      %sign3A_292 = arith.constant 0 : i32
      %sign3A_293 = arith.cmpi slt, %jit3A_280, %sign3A_292 : i32
      %sign3A_294 = arith.extui %sign3A_293 : i1 to i32
      %sign3A_295 = arith.subi %sign3A_291, %sign3A_294 : i32
      %ne3A_296 = arith.cmpi ne, %sign3A_288, %sign3A_295 : i32
      %rem3A_297 = arith.remsi %add3A_93, %jit3A_280 : i32
      %ne3A_298 = arith.constant 0 : i32
      %ne3A_299 = arith.cmpi ne, %rem3A_297, %ne3A_298 : i32
      %and3A_300 = arith.andi %ne3A_296, %ne3A_299 : i1
      %sub3A_301 = arith.constant 1 : i32
      %sub3A_302 = arith.subi %div3A_281, %sub3A_301 : i32
      %select_n3A_303 = arith.select %and3A_300, %sub3A_302, %div3A_281 : i32
      %jit3A_304 = arith.constant 4 : i32
      %eq3A_305 = arith.constant 0 : i32
      %eq3A_306 = arith.cmpi eq, %jit3A_304, %eq3A_305 : i32
      %jit3A_307 = arith.constant 1 : i32
      %select_n3A_308 = arith.select %eq3A_306, %jit3A_307, %jit3A_304 : i32
      %rem3A_309 = arith.remsi %add3A_93, %select_n3A_308 : i32
      %ne3A_310 = arith.constant 0 : i32
      %ne3A_311 = arith.cmpi ne, %rem3A_309, %ne3A_310 : i32
      %lt3A_312 = arith.constant 0 : i32
      %lt3A_313 = arith.cmpi slt, %rem3A_309, %lt3A_312 : i32
      %lt3A_314 = arith.constant 0 : i32
      %lt3A_315 = arith.cmpi slt, %select_n3A_308, %lt3A_314 : i32
      %ne3A_316 = arith.xori %lt3A_313, %lt3A_315 : i1
      %and3A_317 = arith.andi %ne3A_316, %ne3A_311 : i1
      %add3A_318 = arith.addi %rem3A_309, %select_n3A_308 : i32
      %select_n3A_319 = arith.select %and3A_317, %add3A_318, %rem3A_309 : i32
      %dma_start3A_320 = arith.constant 0 : i32
      %dma_start3A_321 = tpu.memref_slice %arg7[%select_n3A_303, %select_n3A_319, %dma_start3A_320] : memref<200x4x65536xf32, #tpu.memory_space<hbm>> -> memref<1x1x65536xf32, #tpu.memory_space<hbm>>
      %dma_start3A_322 = tpu.memref_squeeze %dma_start3A_321 : memref<1x1x65536xf32, #tpu.memory_space<hbm>> -> memref<65536xf32, #tpu.memory_space<hbm>>
      %dma_start3A_323 = arith.constant 0 : i32
      %dma_start3A_324 = tpu.memref_slice %arg7[%select_n3A_303, %select_n3A_319, %dma_start3A_323] : memref<200x4x65536xf32, #tpu.memory_space<hbm>> -> memref<1x1x65536xf32, #tpu.memory_space<hbm>>
      %dma_start3A_325 = tpu.memref_squeeze %dma_start3A_324 : memref<1x1x65536xf32, #tpu.memory_space<hbm>> -> memref<65536xf32, #tpu.memory_space<hbm>>
      tpu.enqueue_dma source(%arg15 : memref<65536xf32, #tpu.memory_space<vmem>>) target(%dma_start3A_325 : memref<65536xf32, #tpu.memory_space<hbm>>) target_semaphore(%arg18 : memref<!tpu.dma_semaphore, #tpu.memory_space<semaphore_mem>>)
    }
    %scan3A_52 = arith.constant 25 : i32
    %add3A_53 = arith.constant 25 : i32
    %add3A_54 = arith.addi %mul3A_2, %add3A_53 : i32
    %sub3A = arith.constant 1 : i32
    %sub3A_55 = arith.subi %add3A_54, %sub3A : i32
    %jit3A = arith.constant 4 : i32
    %div3A = arith.divsi %sub3A_55, %jit3A : i32
    %sign3A = arith.constant 0 : i32
    %sign3A_56 = arith.cmpi sgt, %sub3A_55, %sign3A : i32
    %sign3A_57 = arith.extui %sign3A_56 : i1 to i32
    %sign3A_58 = arith.constant 0 : i32
    %sign3A_59 = arith.cmpi slt, %sub3A_55, %sign3A_58 : i32
    %sign3A_60 = arith.extui %sign3A_59 : i1 to i32
    %sign3A_61 = arith.subi %sign3A_57, %sign3A_60 : i32
    %sign3A_62 = arith.constant 0 : i32
    %sign3A_63 = arith.cmpi sgt, %jit3A, %sign3A_62 : i32
    %sign3A_64 = arith.extui %sign3A_63 : i1 to i32
    %sign3A_65 = arith.constant 0 : i32
    %sign3A_66 = arith.cmpi slt, %jit3A, %sign3A_65 : i32
    %sign3A_67 = arith.extui %sign3A_66 : i1 to i32
    %sign3A_68 = arith.subi %sign3A_64, %sign3A_67 : i32
    %ne3A = arith.cmpi ne, %sign3A_61, %sign3A_68 : i32
    %rem3A = arith.remsi %sub3A_55, %jit3A : i32
    %ne3A_69 = arith.constant 0 : i32
    %ne3A_70 = arith.cmpi ne, %rem3A, %ne3A_69 : i32
    %and3A = arith.andi %ne3A, %ne3A_70 : i1
    %sub3A_71 = arith.constant 1 : i32
    %sub3A_72 = arith.subi %div3A, %sub3A_71 : i32
    %select_n3A = arith.select %and3A, %sub3A_72, %div3A : i32
    %jit3A_73 = arith.constant 4 : i32
    %eq3A = arith.constant 0 : i32
    %eq3A_74 = arith.cmpi eq, %jit3A_73, %eq3A : i32
    %jit3A_75 = arith.constant 1 : i32
    %select_n3A_76 = arith.select %eq3A_74, %jit3A_75, %jit3A_73 : i32
    %rem3A_77 = arith.remsi %sub3A_55, %select_n3A_76 : i32
    %ne3A_78 = arith.constant 0 : i32
    %ne3A_79 = arith.cmpi ne, %rem3A_77, %ne3A_78 : i32
    %lt3A = arith.constant 0 : i32
    %lt3A_80 = arith.cmpi slt, %rem3A_77, %lt3A : i32
    %lt3A_81 = arith.constant 0 : i32
    %lt3A_82 = arith.cmpi slt, %select_n3A_76, %lt3A_81 : i32
    %ne3A_83 = arith.xori %lt3A_80, %lt3A_82 : i1
    %and3A_84 = arith.andi %ne3A_83, %ne3A_79 : i1
    %add3A_85 = arith.addi %rem3A_77, %select_n3A_76 : i32
    %select_n3A_86 = arith.select %and3A_84, %add3A_85, %rem3A_77 : i32
    %dma_wait3A = arith.constant 0 : i32
    %dma_wait3A_87 = tpu.memref_slice %arg7[%select_n3A, %select_n3A_86, %dma_wait3A] : memref<200x4x65536xf32, #tpu.memory_space<hbm>> -> memref<1x1x65536xf32, #tpu.memory_space<hbm>>
    %dma_wait3A_88 = tpu.memref_squeeze %dma_wait3A_87 : memref<1x1x65536xf32, #tpu.memory_space<hbm>> -> memref<65536xf32, #tpu.memory_space<hbm>>
    %dma_wait3A_89 = arith.constant 0 : i32
    %dma_wait3A_90 = tpu.memref_slice %arg7[%select_n3A, %select_n3A_86, %dma_wait3A_89] : memref<200x4x65536xf32, #tpu.memory_space<hbm>> -> memref<1x1x65536xf32, #tpu.memory_space<hbm>>
    %dma_wait3A_91 = tpu.memref_squeeze %dma_wait3A_90 : memref<1x1x65536xf32, #tpu.memory_space<hbm>> -> memref<65536xf32, #tpu.memory_space<hbm>>
    tpu.wait_dma2 semaphore(%arg18 : memref<!tpu.dma_semaphore, #tpu.memory_space<semaphore_mem>>) src(%arg15 : memref<65536xf32, #tpu.memory_space<vmem>>) dst(%dma_wait3A_91 : memref<65536xf32, #tpu.memory_space<hbm>>)
    return
  }
}

</mosaic_0001>

<sc_bundles>
// kernel: kernel.3.cloned.1.call-start
scs
__scs_entry_jumppad:
0x0: {  	(pc) =	sbr.rel $0x88, $3  }
0x1: {  	(tag) =	ssettag $0x0;
	lr =	simm.s32 $0x1  }
0x2: {  	[smem:$0x3F9C] =	sst lr;
	_ =	strace $0xD0000000  }
0x3: {  	_ = 	snop  }
0x4: {  	_ = 	snop  }
0x5: {  	_ = 	snop  }
0x6: {  	_ = 	snop  }
0x7: {  	_ = 	snop  }
__scs_overlays_trampoline_lowered:
0x8: {  	[smem:$0x3FAB] =	sst s0  }
0x9: {  	[smem:$0x3FAC] =	sst s1  }
0xa: {  	[smem:$0x3FAD] =	sst s2  }
0xb: {  	[smem:$0x3FAE] =	sst s3  }
0xc: {  	[smem:$0x3FAF] =	sst s4  }
0xd: {  	[smem:$0x3FB0] =	sst s5  }
0xe: {  	[smem:$0x3FB1] =	sst s6  }
0xf: {  	[smem:$0x3FB2] =	sst s7  }
0x10: {  	[smem:$0x3FB3] =	sst s8  }
0x11: {  	[smem:$0x3FB4] =	sst s9;
	s0 =	simm.s32 @!p0 $0x0  }
0x12: {  	s1 =	sld [smem:$0x3F9A];
	s0 =	simm.s32 @p0 $0x1  }
0x13: {  	[smem:$0x3FB5] =	sst s0;
	s0 =	simm.s32 @!p1 $0x0  }
0x14: {  	s2 =	sld [smem:$0x3F99];
	s0 =	simm.s32 @p1 $0x1  }
0x15: {  	[smem:$0x3FB6] =	sst s0;
	s0 =	simm.s32 @!p2 $0x0  }
0x16: {  	s3 =	sld [smem:$0x3FDB];
	s0 =	simm.s32 @p2 $0x1  }
0x17: {  	s4 =	simm.s32 $0x1BF5;
	[smem:$0x3FB8] =	sst s0  }
0x18: {  	s0 =	sld [smem:$0x3F9B];
	_ =	swait.ge [sflag:s4], $0x0  }
0x19: {  	s7 =	sld [smem:$0x3F9C]  }
0x1a: {  	s8 =	sadd.s32 $0xFFFFE003, lr  }
0x1b: {  	s9 =	sadd.s32 $0xFFFFFEF7, lr;
	s5 =	simm.s32 $0xFFFFFFFF;
	p2 =	slt.u32 s8, $0xFFFFF086  }
0x1c: {  	p1 =	slt.u32 s9, $0xF7A;
	s5 =	simm.s32 @!p2 $0x0  }
0x1d: {  	s5 =	simm.s32 @p1 $0x1;
	p0 =	seq.s32 s7, s2  }
0x1e: {  	s7 =	smul.u32 @!p0 $0xF7A, s2;
	p2 =	seq.s32 @!p0 s5, $0x0  }
0x1f: {  	s9 =	smul.u32 $0xF7A, s1;
	s8 =	simm.s32 @!p0 $0x1BF5;
	p2 =	por !p2, p0  }
0x20: {  	[sflag:s8] =	ssyncset.s32 @!p0 $0xFFFFF086;
	s6 =	sadd.s32 @!p0 s3, s7;
	s7 =	simm.s32 @!p0 $0x108  }
0x21: {  	s3 =	sadd.s32 s3, s9;
	s6 =	sadd.s32 @!p0 $0x88, s6;
	s7 =	simm.s32 @p2 $0x1082  }
0x22: {  	[simem:s7], [sflag:s8] =	dma.local @!p0 [hbm:s6], $0xF7A  }
0x23: {  	s9 =	sor.u32 $0xD0000000, s2;
	s6 =	simm.s32 $0x108;
	_ =	swait.ge @!p0 [sflag:s8], $0x0  }
0x24: {  	s3 =	sadd.s32 $0x88, s3;
	s6 =	simm.s32 @!p1 $0x1082;
	[sflag:s4] =	ssyncset.s32 $0xFFFFF086  }
0x25: {  	[simem:s6], [sflag:s4] =	dma.local [hbm:s3], $0xF7A  }
0x26: {  	[smem:$0x3F9C] =	sst s1;
	(tag) =	ssettag s2;
	_ =	strace s9  }
0x27: {  	s1 =	sld [smem:$0x3FAC]  }
0x28: {  	s2 =	sld [smem:$0x3FAD]  }
0x29: {  	s4 =	sld [smem:$0x3FAF]  }
0x2a: {  	p0 =	seq.s32 s5, $0x0;
	s5 =	sld [smem:$0x3FB0]  }
0x2b: {  	s6 =	sld [smem:$0x3FB1]  }
0x2c: {  	s7 =	sld [smem:$0x3FB2]  }
0x2d: {  	s3 =	simm.s32 $0x108;
	s8 =	sld [smem:$0x3FB3]  }
0x2e: {  	s3 =	simm.s32 @!p0 $0x1082;
	s9 =	sld [smem:$0x3FB4]  }
0x2f: {  	lr =	sadd.s32 s0, s3;
	s0 =	sld [smem:$0x3FAB]  }
0x30: {  	s3 =	sld [smem:$0x3FAE]  }
0x31: {  	[smem:$0x3FB7] =	sst s10  }
0x32: {  	s10 =	sld [smem:$0x3FB5];
	_ =	sdelay $0x3  }
0x33: {  	p0 =	seq.s32 s10, $0x1;
	s10 =	sld [smem:$0x3FB7];
	_ =	sdelay $0x3  }
0x34: {  	[smem:$0x3FB7] =	sst s10  }
0x35: {  	s10 =	sld [smem:$0x3FB6];
	_ =	sdelay $0x3  }
0x36: {  	p1 =	seq.s32 s10, $0x1;
	s10 =	sld [smem:$0x3FB7];
	_ =	sdelay $0x3  }
0x37: {  	[smem:$0x3FB7] =	sst s10  }
0x38: {  	s10 =	sld [smem:$0x3FB8]  }
0x39: {  	_ = 	snop;
	(pc) =	sbr.ind lr, $3  }
0x3a: {  	_ = 	snop  }
0x3b: {  	_ = 	snop  }
0x3c: {  	p2 =	seq.s32 s10, $0x1;
	s10 =	sld [smem:$0x3FB7]  }
0x3d: {  	_ =	shalt  }
0x3e: {  	_ =	shalt  }
0x3f: {  	_ =	shalt  }
0x40: {  	_ =	shalt  }
0x41: {  	_ =	shalt  }
0x42: {  	_ =	shalt  }
0x43: {  	_ =	shalt  }
0x44: {  	_ =	shalt  }
0x45: {  	_ =	shalt  }
0x46: {  	_ =	shalt  }
0x47: {  	_ =	shalt  }
0x48: {  	_ =	shalt  }
0x49: {  	_ =	shalt  }
0x4a: {  	_ =	shalt  }
0x4b: {  	_ =	shalt  }
0x4c: {  	_ =	shalt  }
0x4d: {  	_ =	shalt  }
0x4e: {  	_ =	shalt  }
0x4f: {  	_ =	shalt  }
0x50: {  	_ =	shalt  }
0x51: {  	_ =	shalt  }
0x52: {  	_ =	shalt  }
0x53: {  	_ =	shalt  }
0x54: {  	_ =	shalt  }
0x55: {  	_ =	shalt  }
0x56: {  	_ =	shalt  }
0x57: {  	_ =	shalt  }
0x58: {  	_ =	shalt  }
0x59: {  	_ =	shalt  }
0x5a: {  	_ =	shalt  }
0x5b: {  	_ =	shalt  }
0x5c: {  	_ =	shalt  }
0x5d: {  	_ =	shalt  }
0x5e: {  	_ =	shalt  }
0x5f: {  	_ =	shalt  }
0x60: {  	_ =	shalt  }
0x61: {  	_ =	shalt  }
0x62: {  	_ =	shalt  }
0x63: {  	_ =	shalt  }
0x64: {  	_ =	shalt  }
0x65: {  	_ =	shalt  }
0x66: {  	_ =	shalt  }
0x67: {  	_ =	shalt  }
0x68: {  	_ =	shalt  }
0x69: {  	_ =	shalt  }
0x6a: {  	_ =	shalt  }
0x6b: {  	_ =	shalt  }
0x6c: {  	_ =	shalt  }
0x6d: {  	_ =	shalt  }
0x6e: {  	_ =	shalt  }
0x6f: {  	_ =	shalt  }
0x70: {  	_ =	shalt  }
0x71: {  	_ =	shalt  }
0x72: {  	_ =	shalt  }
0x73: {  	_ =	shalt  }
0x74: {  	_ =	shalt  }
0x75: {  	_ =	shalt  }
0x76: {  	_ =	shalt  }
0x77: {  	_ =	shalt  }
0x78: {  	_ =	shalt  }
0x79: {  	_ =	shalt  }
0x7a: {  	_ =	shalt  }
0x7b: {  	_ =	shalt  }
0x7c: {  	_ =	shalt  }
0x7d: {  	_ =	shalt  }
0x7e: {  	_ =	shalt  }
0x7f: {  	_ =	shalt  }
0x80: {  	_ =	shalt  }
0x81: {  	_ =	shalt  }
0x82: {  	_ =	shalt  }
0x83: {  	_ =	shalt  }
0x84: {  	_ =	shalt  }
0x85: {  	_ =	shalt  }
0x86: {  	_ =	shalt  }
0x87: {  	_ =	shalt  }
.Lfunc_end0:
.L_simem_size_0:
called_computation_lowered:
.L_overlay_start_0:
0x88: {  	s2 =	sld [smem:$0x3FD9]  }
0x89: {  	s3 =	sld [smem:$0x3FFE];
	_ =	sdelay $0x1  }
0x8a: {  	s1 =	srdreg.scid  }
0x8b: {  	s0 =	sand.u32 $0x1, s1  }
0x8c: {  	s17 =	sshll.u32 s0, $0xA;
	s2 =	sadd.s32 s3, s2  }
0x8d: {  	s2 =	sadd.s32 s2, s17  }
0x8e: {  	[smem:$0x3FC3] =	sst s2  }
0x8f: {  	_ = 	snop  }
0x90: {  	s2 =	sld [smem:$0x3FD0];
	(tm) =	ssettm $0x1  }
0x91: {  	s18 =	sld [smem:$0x3FFB];
	_ =	sdelay $0x3  }
0x92: {  	_ =	strace s18  }
0x93: {  	s3 =	sld [smem:$0x3FFC];
	_ =	sdelay $0x3  }
0x94: {  	_ =	strace s3  }
0x95: {  	s3 =	sld [smem:$0x3FFD];
	_ =	sdelay $0x3  }
0x96: {  	_ =	strace s3  }
0x97: {  	_ =	strace $0x8FFFFFFF  }
0x98: {  	s19 =	sld [smem:$0x3FDB];
	_ =	sdelay $0x1  }
0x99: {  	s4 =	simm.s32 $_scs_section_size  }
0x9a: {  	s5 =	simm.s32 $_size__tile_overlayer_lowered;
	s6 =	simm.s32 $_tile_overlayer_lowered  }
0x9b: {  	s22 =	simm.s32 $0x1BFF;
	s21 =	sshll.u32 s6, $0x1;
	s3 =	sadd.s32 s4, s19  }
0x9c: {  	s7 =	simm.s32 $0x0;
	s20 =	sshll.u32 s5, $0x1;
	s5 =	sadd.s32 s21, s3  }
0x9d: {  	[timem:s7], [sflag:s22] =	dma.local [hbm:s5], s20  }
0x9e: {  	_ =	swait.ge [sflag:s22], s20  }
0x9f: {  	s4 =	ssub.s32 $0x0, s20;
	[sflag:s22] =	ssyncset.done $0x0  }
0xa0: {  	[sflag:s22] =	ssyncadd.s32 s4;
	_ =	sdelay $0x1  }
0xa1: {  	s23 =	simm.s32 $0x1B8B  }
0xa2: {  	_ =	swait.ge [sflag:s23], $0x1  }
0xa3: {  	[sflag:s23] =	ssyncset.done $0x0  }
0xa4: {  	s25 =	simm.s32 $0x1B8E;
	s24 =	sld [smem:$0x3FFE];
	[sflag:s23] =	ssyncadd.s32 $0xFFFFFFFF  }
0xa5: {  	s26 =	simm.s32 $execute0_lowered;
	[smem:$0x3FD2] =	sst s25  }
0xa6: {  	s5 =	sshll.u32 s26, $0x1;
	_ =	strace $0x80000046;
	[dreg:$0x1] =	wrdreg $0xFFFFFFFF  }
0xa7: {  	s28 =	simm.s32 $_size_execute0_lowered;
	s3 =	sadd.s32 s3, s5;
	[dreg:$0x0] =	wrdreg $0x0  }
0xa8: {  	s5 =	sshll.u32 s28, $0x1;
	[dreg:$0x2] =	wrdreg s3  }
0xa9: {  	[dreg:$0x3] =	wrdreg s5  }
0xaa: {  	[dreg:$0x4] =	wrdreg $0xC0  }
0xab: {  	_ =	task [dreg:s7], $0x5FFFF  }
0xac: {  	[dreg:$0x1] =	wrdreg $0xFFFFFFFF  }
0xad: {  	[dreg:$0x0] =	wrdreg $0x60  }
0xae: {  	[dreg:$0x2] =	wrdreg s24  }
0xaf: {  	[dreg:$0x3] =	wrdreg s2  }
0xb0: {  	[dreg:$0x4] =	wrdreg $0x9  }
0xb1: {  	_ =	task.clear_ibuf [dreg:s7], $0x5FFFF;
	_ =	strace $0x90000046  }
0xb2: {  	s29 =	simm.s32 $0x9;
	_ =	strace $0x80000048  }
0xb3: {  	_ =	swait.ge [sflag:s29], $0x1  }
0xb4: {  	[sflag:s29] =	ssyncadd.s32 $0xFFFFFFFF  }
0xb5: {  	_ =	strace $0x90000048  }
0xb6: {  	_ =	sfence  }
0xb7: {  	s30 =	sld [smem:$0x0];
	_ =	sdelay $0x2  }
0xb8: {  	s31 =	sshll.u32 s1, $0xD;
	s1 =	sshrl.u32 s1, $0x2  }
0xb9: {  	s3 =	sand.u32 $0x4000, s31;
	s1 =	sadd.s32 s1, s30  }
0xba: {  	s0 =	sor.u32 s3, s0;
	s1 =	sshll.u32 s1, $0x11  }
0xbb: {  	s0 =	sor.u32 s1, s0  }
0xbc: {  	s0 =	sadd.s32 $0x8F2B, s0  }
0xbd: {  	[sflag:s0] =	ssyncadd.remote.s32 $0x1  }
0xbe: {  	_ =	sfence.sel $0xFFFF  }
0xbf: {  	[dreg:$0x0] =	wrdreg $0xFFFFFFFF;
	(pc) =	sbr.abs _section_cstart, $3  }
0xc0: {  	[dreg:$0x1] =	wrdreg $0xFFFFFFFF  }
0xc1: {  	_ =	task.clear_ibuf [dreg:s7], $0x2FFFF;
	_ =	strace $0x9FFFFFFF  }
0xc2: {  	(tm) =	ssettm $0x7FFFFFFF  }
0xc3: {  	_ =	shalt  }
tec
execute0_lowered:
.L_overlay_start_1:
0x0: {  	(tag) =	ssettag $0x1  }
0x1: {  	v0 =	vimm.f32 $-3.114307640e+00;
	vm14 =	vcmask $0x300  }
0x2: {  	vm13 =	vcmask $0x704;
	v0 =	vsel vm14, $0x80000000, v0  }
0x3: {  	vm12 =	vcmask $0xB08;
	v0 =	vsel vm13, $0xBE549A78, v0  }
0x4: {  	vm11 =	vcmask $0xF0C;
	v0 =	vsel vm12, $0xBED49A78, v0  }
0x5: {  	vm10 =	vcmask $0x1310;
	v0 =	vsel vm11, $0xBF1F73DA, v0  }
0x6: {  	vm9 =	vcmask $0x1714;
	v0 =	vsel vm10, $0xBF549A78, v0  }
0x7: {  	vm8 =	vcmask $0x1B18;
	v0 =	vsel vm9, $0xBF84E08C, v0  }
0x8: {  	vm7 =	vcmask $0x1F1C;
	v0 =	vsel vm8, $0xBF9F73DA, v0  }
0x9: {  	vm5 =	vcmask $0x2320;
	v0 =	vsel vm7, $0xBFBA0729, v0  }
0xa: {  	vm3 =	vcmask $0x2724;
	v0 =	vsel vm5, $0xBFD49A78, v0  }
0xb: {  	vm0 =	vcmask $0x2B28;
	v0 =	vsel vm3, $0xBFEF2DC8, v0  }
0xc: {  	vm1 =	vcmask $0x2F2C;
	v0 =	vsel vm0, $0xC004E08C, v0  }
0xd: {  	vm2 =	vcmask $0x3330;
	v0 =	vsel vm1, $0xC0122A33, v0  }
0xe: {  	s5 =	simm.s32 $0x0;
	vm4 =	vcmask $0x3734;
	v0 =	vsel vm2, $0xC01F73DA, v0  }
0xf: {  	vm6 =	vcmask $0x3B38;
	[smem:$0x7FF] =	sst s5;
	v0 =	vsel vm4, $0xC02CBD82, v0  }
0x10: {  	s0 =	rddreg [dreg:$0x0];
	v1 =	vimm.f32 $-6.436235900e+00;
	_ =	strace $0x80000047;
	v0 =	vsel vm6, $0xC03A0729, v0  }
0x11: {  	(erf) = vpow2.f32 v0;
	v0 =	vsel vm14, $0xC0549A78, v1;
	v1 =	vimm.f32 $-9.758164400e+00  }
0x12: {  	v2 =	vimm.f32 $-1.308009240e+01;
	v0 =	vsel vm13, $0xC061E420, v0;
	v1 =	vsel vm14, $0xC0D49A78, v1  }
0x13: {  	v2 =	vsel vm14, $0xC11F73DA, v2;
	v0 =	vsel vm12, $0xC06F2DC8, v0;
	v1 =	vsel vm13, $0xC0DB3F4B, v1  }
0x14: {  	v2 =	vsel vm13, $0xC122C644, v2;
	v0 =	vsel vm11, $0xC07C776F, v0;
	v1 =	vsel vm12, $0xC0E1E420, v1  }
0x15: {  	v2 =	vsel vm12, $0xC12618AE, v2;
	v0 =	vsel vm10, $0xC084E08C, v0;
	v1 =	vsel vm11, $0xC0E888F3, v1  }
0x16: {  	v2 =	vsel vm11, $0xC1296B18, v2;
	v0 =	vsel vm9, $0xC08B855F, v0;
	v1 =	vsel vm10, $0xC0EF2DC8, v1  }
0x17: {  	v2 =	vsel vm10, $0xC12CBD82, v2;
	v0 =	vsel vm8, $0xC0922A33, v0;
	v1 =	vsel vm9, $0xC0F5D29B, v1  }
0x18: {  	v2 =	vsel vm9, $0xC1300FEB, v2;
	v0 =	vsel vm7, $0xC098CF06, v0;
	v1 =	vsel vm8, $0xC0FC776F, v1  }
0x19: {  	v2 =	vsel vm8, $0xC1336256, v2;
	v0 =	vsel vm5, $0xC09F73DA, v0;
	v1 =	vsel vm7, $0xC1018E21, v1  }
0x1a: {  	v2 =	vsel vm7, $0xC136B4BF, v2;
	v0 =	vsel vm3, $0xC0A618AE, v0;
	v1 =	vsel vm5, $0xC104E08C, v1  }
0x1b: {  	v2 =	vsel vm5, $0xC13A0729, v2;
	v0 =	vsel vm0, $0xC0ACBD82, v0;
	v1 =	vsel vm3, $0xC10832F5, v1  }
0x1c: {  	v2 =	vsel vm3, $0xC13D5992, v2;
	v0 =	vsel vm1, $0xC0B36256, v0;
	v1 =	vsel vm0, $0xC10B855F, v1  }
0x1d: {  	v2 =	vsel vm0, $0xC140ABFD, v2;
	v0 =	vsel vm2, $0xC0BA0729, v0;
	v1 =	vsel vm1, $0xC10ED7C9, v1  }
0x1e: {  	v2 =	vsel vm1, $0xC143FE67, v2;
	v0 =	vsel vm4, $0xC0C0ABFD, v0;
	v1 =	vsel vm2, $0xC1122A33, v1  }
0x1f: {  	v2 =	vsel vm2, $0xC14750D1, v2;
	v0 =	vsel vm6, $0xC0C750D1, v0;
	v1 =	vsel vm4, $0xC1157C9D, v1  }
0x20: {  	(erf) = vpow2.f32 v0;
	v0 =	vsel vm6, $0xC118CF06, v1;
	v1 =	vsel vm4, $0xC14AA33A, v2  }
0x21: {  	(erf) = vpow2.f32 v0;
	v0 =	vsel vm6, $0xC14DF5A5, v1  }
0x22: {  	(erf) = vpow2.f32 v0  }
0x23: {  	s1 =	srdreg.scid;
	s4 =	stileid.u32;
	s2 =	sadd.s32 $0x600, s0  }
0x24: {  	s1 =	sand.u32 $0x1, s1;
	s26 =	sadd.s32 $0x2626000, s0;
	s3 =	sadd.s32 $0x1E84E00, s0  }
0x25: {  	s4 =	sshll.u32 s4, $0x1;
	s6 =	sadd.s32 $0x16E3C00, s0;
	[dreg:$0x3] =	wrdreg s2  }
0x26: {  	s0 =	sadd.s32 $0xF42A00, s0;
	[dreg:$0x4] =	wrdreg s26;
	s28 =	ssub.s32 $0x2, s1  }
.Ltmp0:
0x27: {  	[dreg:$0x5] =	wrdreg s3;
	s1 =	sor.u32 s1, s4;
	(pc) =	sbr.rel .LBB2_1-.Ltmp0, $4  }
0x28: {  	[dreg:$0x6] =	wrdreg s6;
	s29 =	sshrl.u32 s28, $0x1;
	s30 =	smul.u32 $0x19, s1;
	v0 =	vpop (erf)  }
0x29: {  	v5 =	vlaneseq.u32;
	[dreg:$0x7] =	wrdreg s0;
	s2 =	ssub.s32 s28, s29;
	v1 =	vpop (erf)  }
0x2a: {  	v4 =	vmul.u32 $0x41, v5;
	[dreg:$0x8] =	wrdreg s30;
	s31 =	smax.u32 s2, $0x1;
	v2 =	vpop (erf)  }
0x2b: {  	s19 =	simm.s32 $0x4500;
	v5 =	vand.u32 $0x7, v5;
	s2 =	simm.s32 $0x0;
	[dreg:$0x9] =	wrdreg s31;
	v3 =	vpop (erf)  }
.LBB2_25:
0x2c: {  	s1 =	simm.s32 $0x2  }
0x2d: {  	_ =	swait.ge [sflag:s1], $0x10000  }
0x2e: {  	s2 =	rddreg [dreg:$0xa]  }
0x2f: {  	s0 =	rddreg [dreg:$0x9];
	s2 =	sadd.s32 $0x1, s2  }
0x30: {  	p0 =	sne.s32 s2, s0  }
.Ltmp1:
0x31: {  	_ = 	snop;
	(pc) =	sbr.rel @!p0 .LBB2_26-.Ltmp1, $3  }
0x32: {  	_ =	sdelay $0x1  }
0x33: {  	[sflag:s1] =	ssyncset.done $0x0  }
0x34: {  	[sflag:s1] =	ssyncadd.s32 $0xFFFF0000  }
.LBB2_1:
.Ltmp2:
0x35: {  	(pc) =	sbr.rel .LBB2_2-.Ltmp2, $4  }
0x36: {  	[tilespmem:$0x16580] =	vst v0  }
0x37: {  	[tilespmem:$0x16590] =	vst v1  }
0x38: {  	[tilespmem:$0x165A0] =	vst v2  }
0x39: {  	[dreg:$0xa] =	wrdreg s2;
	[tilespmem:$0x165B0] =	vst v3;
	s6 =	simm.s32 $0x0  }
.LBB2_24:
0x3a: {  	s6 =	rddreg [dreg:$0xb]  }
0x3b: {  	s6 =	sadd.s32 $0x1, s6  }
0x3c: {  	s0 =	rddreg [dreg:$0xc];
	p0 =	sne.s32 s6, $0x19  }
.Ltmp3:
0x3d: {  	s1 =	rddreg [dreg:$0xd];
	(pc) =	sbr.rel @!p0 .LBB2_25-.Ltmp3, $4  }
0x3e: {  	s2 =	rddreg [dreg:$0x1];
	s0 =	sshll.u32 s0, $0xD  }
0x3f: {  	s1 =	sshll.u32 s1, $0xF;
	s0 =	sadd.s32 s2, s0  }
0x40: {  	s5 =	simm.s32 $0x0;
	s31 =	simm.s32 $0x6580;
	s0 =	sadd.s32 s1, s0  }
0x41: {  	[hbm4b:s0+s5] =	stream.linear.scatter [tilespmem:s31], [sflag:$0x2], $0x10000, $0x38;
	[tilespmem:$0x165C0] =	vst v63  }
.LBB2_2:
0x42: {  	s0 =	rddreg [dreg:$0x8]  }
0x43: {  	s0 =	sadd.s32 s0, s6  }
0x44: {  	s1 =	sshll.u32 s0, $0x5  }
0x45: {  	s2 =	rddreg [dreg:$0x3];
	s1 =	sand.u32 $0x1FFFFF80, s1  }
0x46: {  	s20 =	simm.s32 $0x3;
	s1 =	sadd.s32 s2, s1  }
0x47: {  	[tilespmem:s5], [sflag:$0x3] =	stream.linear.gather [hbm4b:s1+s5], $0x400, $0x38;
	[tilespmem:$0x165C0] =	vst v63  }
0x48: {  	_ =	swait.ge [sflag:s20], $0x400  }
0x49: {  	s21 =	sand.u32 $0x3, s0;
	[sflag:s20] =	ssyncset.done $0x0  }
0x4a: {  	s22 =	sshll.u32 s21, $0x4;
	[sflag:s20] =	ssyncadd.s32 $0xFFFFFC00  }
0x4b: {  	v6 =	vld [tilespmem:s22+$0x16580]  }
0x4c: {  	v7 =	vld [tilespmem:$0x0]  }
0x4d: {  	v8 =	vld [tilespmem:$0x10]  }
0x4e: {  	v9 =	vld [tilespmem:$0x20]  }
0x4f: {  	v10 =	vld [tilespmem:$0x30]  }
0x50: {  	v11 =	vld [tilespmem:$0x40]  }
0x51: {  	v12 =	vld [tilespmem:$0x50];
	v7 =	vshll.u32 v7, $0x2  }
0x52: {  	v13 =	vld [tilespmem:$0x60];
	v8 =	vshll.u32 v8, $0x2;
	v7 =	vor.u32 s21, v7  }
0x53: {  	v63 =	vld [tilespmem:$0x70];
	[tilespmem:$0x400] =	vst v7;
	v7 =	vor.u32 s21, v8;
	v8 =	vshll.u32 v9, $0x2  }
0x54: {  	[tilespmem:$0x410] =	vst v7;
	v7 =	vor.u32 s21, v8;
	v8 =	vshll.u32 v10, $0x2  }
0x55: {  	[tilespmem:$0x420] =	vst v7;
	v7 =	vor.u32 s21, v8;
	v8 =	vshll.u32 v11, $0x2  }
0x56: {  	[tilespmem:$0x430] =	vst v7;
	v7 =	vor.u32 s21, v8;
	v8 =	vshll.u32 v12, $0x2  }
0x57: {  	[tilespmem:$0x440] =	vst v7;
	v7 =	vor.u32 s21, v8;
	v8 =	vshll.u32 v13, $0x2  }
0x58: {  	[tilespmem:$0x450] =	vst v7;
	v7 =	vor.u32 s21, v8;
	v8 =	vshll.u32 v63, $0x2  }
0x59: {  	s24 =	simm.s32 $0x80;
	[dreg:$0xb] =	wrdreg s6;
	[tilespmem:$0x460] =	vst v7;
	v7 =	vor.u32 s21, v8  }
0x5a: {  	s3 =	simm.s32 $0x400;
	s4 =	simm.s32 $0x500;
	s23 =	rddreg [dreg:$0x4];
	[tilespmem:$0x470] =	vst v7  }
0x5b: {  	[tilespmem:s4], [sflag:$0x1] =	stream.indirect.gather [hbm4b:s23+s24], $0x10, s3, s24, $0xb8;
	[tilespmem:$0x165C0] =	vst v63  }
0x5c: {  	s26 =	simm.s32 $0x1500;
	s25 =	rddreg [dreg:$0x5]  }
0x5d: {  	[tilespmem:s26], [sflag:$0x1] =	stream.indirect.gather [hbm4b:s25+s24], $0x10, s3, s24, $0xb8;
	[tilespmem:$0x165C0] =	vst v63  }
0x5e: {  	s29 =	simm.s32 $0x2500;
	p0 =	seq.s32 s6, $0x0;
	s28 =	rddreg [dreg:$0x6]  }
0x5f: {  	[tilespmem:s29], [sflag:$0x1] =	stream.indirect.gather [hbm4b:s28+s24], $0x10, s3, s24, $0xb8;
	[tilespmem:$0x165C0] =	vst v63  }
0x60: {  	s31 =	simm.s32 $0x3500;
	s1 =	simm.s32 @!p0 $0x2;
	s30 =	rddreg [dreg:$0x7]  }
0x61: {  	[tilespmem:s31], [sflag:$0x1] =	stream.indirect.gather [hbm4b:s30+s24], $0x10, s3, s24, $0xb8;
	[tilespmem:$0x165C0] =	vst v63  }
0x62: {  	p1 =	por $0x0, $0x0;
	s0 =	sshrl.u32 s0, $0x2;
	_ =	swait.ge @!p0 [sflag:s1], $0x10000  }
0x63: {  	s5 =	simm.s32 $0x15700;
	[dreg:$0xd] =	wrdreg s0;
	[sflag:s1] =	ssyncset.done @!p0 $0x0  }
0x64: {  	v7 =	vmov s21;
	s26 =	simm.s32 $0x0;
	[dreg:$0xc] =	wrdreg s21;
	[sflag:s1] =	ssyncadd.s32 @!p0 $0xFFFF0000  }
.LBB2_3:
0x65: {  	p0 =	seq.s32 s26, $0x7  }
0x66: {  	s0 =	sadd.s32 @!p0 $0x1, s26  }
0x67: {  	s1 =	sshll.u32 @!p0 s0, $0x7  }
0x68: {  	s1 =	sand.u32 @!p0 $0x3FFFFF80, s1  }
0x69: {  	v8 =	vld @!p0 [tilespmem:s1+$0x0];
	_ =	sdelay $0x4  }
0x6a: {  	s0 =	sand.u32 @!p0 $0x1, s0;
	v8 =	vshll.u32 @!p0 v8, $0x2  }
0x6b: {  	s2 =	sshll.u32 @!p0 s0, $0x7;
	v8 =	vor.u32 @!p0 v7, v8  }
0x6c: {  	[tilespmem:s2+$0x400] =	vst @!p0 v8  }
0x6d: {  	v8 =	vld @!p0 [tilespmem:s1+$0x10];
	_ =	sdelay $0x4  }
0x6e: {  	v8 =	vshll.u32 @!p0 v8, $0x2  }
0x6f: {  	v8 =	vor.u32 @!p0 v7, v8  }
0x70: {  	[tilespmem:s2+$0x410] =	vst @!p0 v8  }
0x71: {  	v8 =	vld @!p0 [tilespmem:s1+$0x20];
	_ =	sdelay $0x4  }
0x72: {  	v8 =	vshll.u32 @!p0 v8, $0x2  }
0x73: {  	v8 =	vor.u32 @!p0 v7, v8  }
0x74: {  	[tilespmem:s2+$0x420] =	vst @!p0 v8  }
0x75: {  	v8 =	vld @!p0 [tilespmem:s1+$0x30];
	_ =	sdelay $0x4  }
0x76: {  	v8 =	vshll.u32 @!p0 v8, $0x2  }
0x77: {  	v8 =	vor.u32 @!p0 v7, v8  }
0x78: {  	[tilespmem:s2+$0x430] =	vst @!p0 v8  }
0x79: {  	v8 =	vld @!p0 [tilespmem:s1+$0x40];
	_ =	sdelay $0x4  }
0x7a: {  	v8 =	vshll.u32 @!p0 v8, $0x2  }
0x7b: {  	v8 =	vor.u32 @!p0 v7, v8  }
0x7c: {  	[tilespmem:s2+$0x440] =	vst @!p0 v8  }
0x7d: {  	v8 =	vld @!p0 [tilespmem:s1+$0x50];
	_ =	sdelay $0x4  }
0x7e: {  	v8 =	vshll.u32 @!p0 v8, $0x2  }
0x7f: {  	v8 =	vor.u32 @!p0 v7, v8  }
0x80: {  	[tilespmem:s2+$0x450] =	vst @!p0 v8  }
0x81: {  	v8 =	vld @!p0 [tilespmem:s1+$0x60];
	_ =	sdelay $0x4  }
0x82: {  	v8 =	vshll.u32 @!p0 v8, $0x2  }
0x83: {  	v8 =	vor.u32 @!p0 v7, v8  }
0x84: {  	[tilespmem:s2+$0x460] =	vst @!p0 v8  }
0x85: {  	v8 =	vld @!p0 [tilespmem:s1+$0x70];
	_ =	sdelay $0x4  }
0x86: {  	v8 =	vshll.u32 @!p0 v8, $0x2  }
0x87: {  	s4 =	rddreg [dreg:$0x4];
	s0 =	sshll.u32 @!p0 s0, $0xB;
	v8 =	vor.u32 @!p0 v7, v8  }
0x88: {  	s3 =	simm.s32 @!p0 $0x80;
	s1 =	sor.u32 @!p0 $0x400, s2;
	[tilespmem:s2+$0x470] =	vst @!p0 v8;
	s2 =	sor.u32 @!p0 $0x500, s0  }
0x89: {  	[tilespmem:s2], [sflag:$0x1] =	stream.indirect.gather @!p0 [hbm4b:s4+s3], $0x10, s1, s3, $0xb8;
	[tilespmem:$0x165C0] =	vst v63  }
0x8a: {  	s2 =	sor.u32 @!p0 $0x1500, s0;
	s4 =	rddreg [dreg:$0x5]  }
0x8b: {  	[tilespmem:s2], [sflag:$0x1] =	stream.indirect.gather @!p0 [hbm4b:s4+s3], $0x10, s1, s3, $0xb8;
	[tilespmem:$0x165C0] =	vst v63  }
0x8c: {  	s2 =	sor.u32 @!p0 $0x2500, s0;
	s4 =	rddreg [dreg:$0x6]  }
0x8d: {  	[tilespmem:s2], [sflag:$0x1] =	stream.indirect.gather @!p0 [hbm4b:s4+s3], $0x10, s1, s3, $0xb8;
	[tilespmem:$0x165C0] =	vst v63  }
0x8e: {  	s23 =	simm.s32 $0x1;
	s0 =	sor.u32 @!p0 $0x3500, s0;
	s2 =	rddreg [dreg:$0x7]  }
0x8f: {  	[tilespmem:s0], [sflag:$0x1] =	stream.indirect.gather @!p0 [hbm4b:s2+s3], $0x10, s1, s3, $0xb8;
	[tilespmem:$0x165C0] =	vst v63  }
0x90: {  	_ =	swait.ge [sflag:s23], $0x800  }
0x91: {  	[sflag:s23] =	ssyncset.done $0x0  }
0x92: {  	[sflag:s23] =	ssyncadd.s32 $0xFFFFF800  }
0x93: {  	_ =	swait.ge [sflag:s23], $0x800  }
0x94: {  	[sflag:s23] =	ssyncset.done $0x0  }
0x95: {  	[sflag:s23] =	ssyncadd.s32 $0xFFFFF800  }
0x96: {  	s1 =	simm.s32 @!p1 $0x0;
	_ =	swait.ge [sflag:s23], $0x800  }
0x97: {  	s1 =	simm.s32 @p1 $0x1;
	[sflag:s23] =	ssyncset.done $0x0  }
0x98: {  	s0 =	simm.s32 $0x1;
	[smem:$0x7FD] =	sst s1;
	[sflag:s23] =	ssyncadd.s32 $0xFFFFF800  }
0x99: {  	s0 =	simm.s32 @!p1 $0x0;
	_ =	swait.ge [sflag:s23], $0x800  }
0x9a: {  	s0 =	sshll.u32 s0, $0xB;
	[sflag:s23] =	ssyncset.done $0x0  }
0x9b: {  	s24 =	sor.u32 $0x1510, s0;
	[sflag:s23] =	ssyncadd.s32 $0xFFFFF800  }
0x9c: {  	s25 =	sor.u32 $0x2510, s0;
	v8 =	vld [tilespmem:s24+$0x0]  }
0x9d: {  	s28 =	sor.u32 $0x510, s0;
	v9 =	vld [tilespmem:s25+$0x0]  }
0x9e: {  	s0 =	sor.u32 $0x3510, s0;
	v14 =	vld [tilespmem:s28+$0x0]  }
0x9f: {  	v10 =	vld [tilespmem:s0+$0x0]  }
0xa0: {  	v11 =	vld [tilespmem:s24+$0xFFFFFFF0]  }
0xa1: {  	v17 =	vld [tilespmem:s28+$0xFFFFFFF0];
	v22 =	vmul.f32 v8, v6  }
0xa2: {  	s2 =	sadd.s32 $0x20, s25;
	v15 =	vld [tilespmem:s25+$0xFFFFFFF0];
	v25 =	vmul.f32 v9, v6  }
0xa3: {  	v16 =	vld [tilespmem:s2+$0x0];
	v9 =	vmul.f32 v14, v14;
	v12 =	vmul.f32 v22, v22  }
0xa4: {  	s1 =	sadd.s32 $0x20, s24;
	v8 =	vld [tilespmem:s0+$0xFFFFFFF0]  }
0xa5: {  	v13 =	vld [tilespmem:s1+$0xFFFFFFF0];
	v32 =	vmul.f32 v10, v6;
	v10 =	vmul.f32 v25, v25;
	v9 =	vadd.f32 v12, v9  }
0xa6: {  	s0 =	sadd.s32 $0x20, s0  }
0xa7: {  	v20 =	vmul.f32 v11, v6;
	v21 =	vld [tilespmem:s0+$0x0];
	v11 =	vmul.f32 v32, v32;
	v9 =	vadd.f32 v10, v9  }
0xa8: {  	v30 =	vmul.f32 v15, v6;
	v19 =	vmul.f32 v16, v6;
	v10 =	vld [tilespmem:s1+$0x0]  }
0xa9: {  	v12 =	vmul.f32 v20, v20;
	v23 =	vmul.f32 v8, v6;
	v9 =	vadd.f32 v11, v9  }
0xaa: {  	s3 =	sadd.s32 $0x20, s28;
	v8 =	vmul.f32 v13, v6;
	v13 =	vld [tilespmem:s0+$0xFFFFFFF0];
	v11 =	vmul.f32 v17, v17  }
0xab: {  	v36 =	vld [tilespmem:s3+$0x0];
	v26 =	vmul.f32 v30, v30;
	v24 =	vadd.f32 $9.999999970e-07, v9  }
0xac: {  	v29 =	vmul.f32 v19, v19;
	v21 =	vmul.f32 v21, v6;
	v11 =	vadd.f32 v12, v11  }
0xad: {  	v9 =	vld [tilespmem:s3+$0xFFFFFFF0];
	v31 =	vmul.f32 v10, v6;
	v10 =	vshra.s32 v24, $0x1;
	v16 =	vmul.f32 $5.000000000e-01, v24  }
0xae: {  	s1 =	sadd.s32 $0x20, s1;
	v15 =	vmul.f32 v23, v23;
	v18 =	vmul.f32 v8, v8;
	v24 =	vld [tilespmem:s2+$0xFFFFFFF0];
	v27 =	vsub.s32 $0x5F3759DF, v10  }
0xaf: {  	v12 =	vmul.f32 v13, v6;
	v13 =	vld [tilespmem:s1+$0xFFFFFFF0];
	v11 =	vadd.f32 v26, v11;
	s2 =	sadd.s32 $0x20, s2;
	v26 =	vmul.f32 v27, v16  }
0xb0: {  	v10 =	vmul.f32 v36, v36;
	v28 =	vmul.f32 v31, v31;
	v35 =	vld [tilespmem:s2+$0x0]  }
0xb1: {  	v34 =	vmul.f32 v21, v21;
	v26 =	vmul.f32 v27, v26  }
0xb2: {  	s29 =	sadd.s32 $0x20, s0;
	v11 =	vadd.f32 v15, v11;
	v10 =	vadd.f32 v28, v10;
	v28 =	vmul.f32 v12, v12  }
0xb3: {  	v33 =	vld [tilespmem:s29+$0xFFFFFFF0];
	v37 =	vmul.f32 v9, v9;
	v15 =	vmul.f32 v24, v6;
	v24 =	vsub.f32 $1.500000000e+00, v26  }
0xb4: {  	v38 =	vld [tilespmem:s29+$0x0];
	s3 =	sadd.s32 $0x20, s3;
	v39 =	vadd.f32 $9.999999970e-07, v11;
	v29 =	vadd.f32 v29, v10;
	v10 =	vmul.f32 v13, v6  }
0xb5: {  	v13 =	vadd.f32 v18, v37;
	v26 =	vld [tilespmem:s3+$0x0];
	v18 =	vmul.f32 v35, v6;
	v27 =	vmul.f32 v27, v24  }
0xb6: {  	v45 =	vmul.f32 $5.000000000e-01, v39;
	v11 =	vadd.f32 v34, v29;
	v29 =	vld [tilespmem:s1+$0x0];
	v53 =	vmul.f32 v15, v15  }
0xb7: {  	v54 =	vmul.f32 v10, v10;
	v55 =	vmul.f32 v27, v16  }
0xb8: {  	v40 =	vadd.f32 $9.999999970e-07, v11;
	v11 =	vmul.f32 v33, v6;
	v24 =	vadd.f32 v53, v13  }
0xb9: {  	v39 =	vshra.s32 v39, $0x1;
	v57 =	vmul.f32 v18, v18;
	v13 =	vld [tilespmem:s3+$0xFFFFFFF0];
	v33 =	vmul.f32 v55, v27  }
0xba: {  	s30 =	sadd.s32 $0x20, s1;
	v16 =	vmul.f32 v38, v6;
	v35 =	vmul.f32 v11, v11;
	v28 =	vadd.f32 v28, v24  }
0xbb: {  	v43 =	vld [tilespmem:s30+$0xFFFFFFF0];
	v58 =	vmul.f32 v26, v26;
	v24 =	vmul.f32 v29, v6;
	v29 =	vsub.f32 $1.500000000e+00, v33  }
0xbc: {  	v56 =	vshra.s32 v40, $0x1;
	v40 =	vmul.f32 $5.000000000e-01, v40;
	v41 =	vmul.f32 v16, v16  }
0xbd: {  	v63 =	vld [tilespmem:s30+$0x0];
	v34 =	vsub.s32 $0x5F3759DF, v56;
	v42 =	vmul.f32 v24, v24;
	v46 =	vmul.f32 v29, v27  }
0xbe: {  	v44 =	vld [tilespmem:s2+$0xFFFFFFF0];
	v59 =	vmul.f32 v13, v13;
	v27 =	vmul.f32 v34, v40;
	v29 =	vsub.s32 $0x5F3759DF, v39  }
0xbf: {  	v33 =	vadd.f32 v42, v58;
	v47 =	vmul.f32 v29, v45;
	v48 =	vmul.f32 v46, v14  }
0xc0: {  	s4 =	sadd.s32 $0x20, s29;
	v42 =	vadd.f32 $9.999999970e-07, v28;
	v27 =	vmul.f32 v34, v27;
	v14 =	vmul.f32 v43, v6  }
0xc1: {  	s6 =	sadd.s32 $0x20, s2;
	v28 =	vld [tilespmem:s4+$0xFFFFFFF0];
	v33 =	vadd.f32 v57, v33;
	v50 =	vmul.f32 v46, v25;
	v60 =	vmul.f32 v29, v47  }
0xc2: {  	v49 =	vld [tilespmem:s6+$0x0];
	v53 =	vmul.f32 v46, v32;
	v32 =	vmul.f32 v63, v6;
	v27 =	vsub.f32 $1.500000000e+00, v27  }
0xc3: {  	v47 =	vmul.f32 v46, v22;
	v22 =	vmul.f32 v44, v6;
	v38 =	vsub.f32 $1.500000000e+00, v60  }
0xc4: {  	v61 =	vld [tilespmem:s4+$0x0];
	v44 =	vmul.f32 v14, v14;
	v51 =	vmul.f32 v34, v27  }
0xc5: {  	v25 =	vadd.f32 v41, v33;
	v62 =	vmul.f32 v22, v22;
	v56 =	vmul.f32 v29, v38  }
0xc6: {  	s9 =	sadd.s32 $0x20, s3;
	v33 =	vmul.f32 v28, v6;
	v27 =	vadd.f32 v54, v59;
	v57 =	vmul.f32 v51, v40  }
0xc7: {  	v28 =	vmul.f32 v49, v6;
	v52 =	vadd.f32 $9.999999970e-07, v25;
	v25 =	vld [tilespmem:s9+$0xFFFFFFF0];
	v59 =	vmul.f32 v56, v45  }
0xc8: {  	v29 =	vld [tilespmem:s9+$0x0];
	v34 =	vmul.f32 v33, v33;
	v58 =	vadd.f32 v62, v27;
	v38 =	vmul.f32 v57, v51  }
0xc9: {  	v60 =	vshra.s32 v52, $0x1;
	v27 =	vmul.f32 v61, v6;
	v61 =	vmul.f32 v59, v56  }
0xca: {  	s8 =	simm.s32 $0x41;
	s7 =	simm.s32 $0x4500;
	v41 =	vmul.f32 $5.000000000e-01, v52;
	v45 =	vmul.f32 v28, v28;
	v38 =	vsub.f32 $1.500000000e+00, v38  }
0xcb: {  	s31 =	sand.u32 $0x3FFF, s8;
	[tilespmem:s7+$0x41] =	vst v48;
	v40 =	vadd.f32 v35, v58;
	v43 =	vmul.f32 v27, v27;
	v62 =	vsub.f32 $1.500000000e+00, v61  }
0xcc: {  	[tilespmem:s31+$0x4510] =	vst v47;
	v37 =	vsub.s32 $0x5F3759DF, v60;
	v63 =	vmul.f32 v25, v25;
	v35 =	vmul.f32 v38, v51  }
0xcd: {  	s10 =	simm.s32 $0x6;
	s0 =	simm.s32 $0x145;
	s11 =	sadd.s32 $0x20, s30;
	[tilespmem:s31+$0x4520] =	vst v50;
	v46 =	vmul.f32 v29, v29;
	v38 =	vadd.f32 $9.999999970e-07, v40;
	v47 =	vmul.f32 v62, v56  }
0xce: {  	s2 =	simm.s32 $0x4582;
	s1 =	simm.s32 $0x4604;
	s3 =	simm.s32 $0xC3;
	v39 =	vld [tilespmem:s6+$0xFFFFFFF0];
	[tilespmem:s31+$0x4530] =	vst v53;
	v40 =	vadd.f32 v44, v63;
	v44 =	vmul.f32 $5.000000000e-01, v42;
	v36 =	vmul.f32 v35, v36  }
.LBB2_4:
0xcf: {  	v48 =	vld [tilespmem:s11+$0xFFFFFFF0];
	v49 =	vmul.f32 v32, v32;
	s9 =	sadd.s32 $0x20, s9;
	s6 =	sadd.s32 $0x20, s6;
	s4 =	sadd.s32 $0x20, s4;
	v50 =	vmul.f32 v47, v23;
	v23 =	vmovc v12;
	v12 =	vmovc v11;
	v11 =	vmov v33  }
0xd0: {  	s10 =	sadd.s32 $0x2, s10;
	v51 =	vmul.f32 v37, v41;
	v42 =	vshra.s32 v42, $0x1;
	v33 =	vld [tilespmem:s4+$0xFFFFFFF0];
	[tilespmem:s2+$0x41] =	vst v36;
	v36 =	vmul.f32 v47, v17;
	v17 =	vmovc v9  }
0xd1: {  	s12 =	sadd.s32 $0xFFFFFFBF, s8;
	s8 =	smov.u32 s3;
	p0 =	slt.u32 s10, $0x7E;
	v42 =	vsub.s32 $0x5F3759DF, v42;
	v9 =	vmovc v13;
	v13 =	vmovc v25;
	v52 =	vld [tilespmem:s6+$0x0];
	v46 =	vadd.f32 v49, v46;
	v49 =	vmul.f32 v47, v30  }
0xd2: {  	s3 =	smov.u32 s0;
	s12 =	sand.u32 $0x1FFE, s12;
	v53 =	vmul.f32 v42, v44;
	v25 =	vld [tilespmem:s9+$0xFFFFFFF0];
	[tilespmem:s7+$0x0] =	vst v36;
	v36 =	vmul.f32 v47, v20;
	v20 =	vmovc v8;
	v8 =	vmov v10;
	s7 =	smov.u32 s2  }
0xd3: {  	v31 =	vmul.f32 v35, v31;
	s2 =	smov.u32 s1;
	v47 =	vld [tilespmem:s6+$0xFFFFFFF0];
	v45 =	vadd.f32 v45, v46;
	v46 =	vmul.f32 v37, v51;
	[tilespmem:s12+$0x4530] =	vst v50  }
0xd4: {  	v30 =	vmovc v15;
	v10 =	vmov v14;
	v51 =	vmul.f32 v42, v53;
	v50 =	vld [tilespmem:s11+$0x0];
	[tilespmem:s12+$0x4510] =	vst v36;
	v14 =	vmul.f32 v48, v6  }
0xd5: {  	s13 =	sand.u32 $0x3FFF, s8;
	v15 =	vmovc v22;
	v22 =	vmul.f32 v39, v6;
	v48 =	vld [tilespmem:s9+$0x0];
	v36 =	vadd.f32 v43, v45;
	v43 =	vsub.f32 $1.500000000e+00, v46;
	[tilespmem:s12+$0x4520] =	vst v49  }
0xd6: {  	v55 =	vsub.f32 $1.500000000e+00, v51;
	v46 =	vmul.f32 v35, v19;
	v19 =	vmovc v18;
	v49 =	vmul.f32 v14, v14;
	v45 =	vld [tilespmem:s4+$0x0];
	[tilespmem:s13+$0x4510] =	vst v31  }
0xd7: {  	v51 =	vmul.f32 v22, v22;
	v18 =	vmovc v28;
	v31 =	vmovc v24;
	v36 =	vadd.f32 $9.999999970e-07, v36;
	v53 =	vmul.f32 v37, v43  }
0xd8: {  	v33 =	vmul.f32 v33, v6;
	v24 =	vmovc v32;
	v54 =	vmul.f32 v42, v55;
	[tilespmem:s13+$0x4520] =	vst v46;
	v39 =	vmov v47  }
0xd9: {  	v28 =	vmul.f32 v52, v6;
	v32 =	vadd.f32 v51, v40;
	v42 =	vmovc v38;
	v37 =	vmul.f32 v53, v41  }
0xda: {  	v38 =	vmul.f32 v33, v33;
	v40 =	vshra.s32 v36, $0x1;
	v41 =	vmul.f32 v54, v44  }
0xdb: {  	v47 =	vadd.f32 v34, v32;
	v44 =	vmul.f32 v45, v6;
	v32 =	vmul.f32 v37, v53  }
0xdc: {  	v34 =	vmovc v38;
	v45 =	vmul.f32 v28, v28;
	v37 =	vsub.s32 $0x5F3759DF, v40;
	v40 =	vmul.f32 v41, v54  }
.Ltmp4:
0xdd: {  	v41 =	vmul.f32 v35, v21;
	v21 =	vmovc v16;
	v16 =	vmovc v27;
	v43 =	vmul.f32 v44, v44;
	v38 =	vsub.f32 $1.500000000e+00, v32;
	(pc) =	sbr.rel @p0 .LBB2_4-.Ltmp4, $4  }
0xde: {  	v46 =	vmul.f32 v48, v48;
	v32 =	vmul.f32 v50, v6;
	v40 =	vsub.f32 $1.500000000e+00, v40;
	v27 =	vmovc v44  }
0xdf: {  	v44 =	vmul.f32 v25, v25;
	v35 =	vmul.f32 v38, v53;
	[tilespmem:s13+$0x4530] =	vst v41  }
0xe0: {  	v38 =	vadd.f32 $9.999999970e-07, v47;
	v41 =	vmul.f32 $5.000000000e-01, v36;
	v47 =	vmul.f32 v40, v54  }
0xe1: {  	s0 =	sadd.s32 $0x82, s0;
	s1 =	sadd.s32 $0x82, s1;
	s11 =	sadd.s32 $0x20, s11;
	v40 =	vadd.f32 v49, v44;
	v44 =	vmul.f32 $5.000000000e-01, v42;
	v36 =	vmul.f32 v35, v26;
	v26 =	vmovc v29;
	v29 =	vmovc v48  }
0xe2: {  	v48 =	vmul.f32 v32, v32  }
0xe3: {  	v42 =	vshra.s32 v42, $0x1;
	v49 =	vmul.f32 v37, v41  }
0xe4: {  	v42 =	vsub.s32 $0x5F3759DF, v42;
	v46 =	vadd.f32 v48, v46  }
0xe5: {  	v50 =	vmul.f32 v42, v44;
	v59 =	vmul.f32 v37, v49  }
0xe6: {  	v23 =	vmul.f32 v47, v23;
	v45 =	vadd.f32 v45, v46  }
0xe7: {  	v17 =	vmul.f32 v47, v17;
	v60 =	vmul.f32 v42, v50;
	v61 =	vsub.f32 $1.500000000e+00, v59  }
0xe8: {  	v30 =	vmul.f32 v47, v30;
	v20 =	vmul.f32 v47, v20;
	v43 =	vadd.f32 v43, v45  }
0xe9: {  	v39 =	vmul.f32 v39, v6;
	v62 =	vsub.f32 $1.500000000e+00, v60;
	v63 =	vmul.f32 v37, v61  }
0xea: {  	v31 =	vmul.f32 v35, v31;
	v56 =	vmul.f32 $5.000000000e-01, v38;
	v43 =	vadd.f32 $9.999999970e-07, v43  }
0xeb: {  	v57 =	vshra.s32 v38, $0x1;
	v42 =	vmul.f32 v42, v62;
	v52 =	vmul.f32 v63, v41  }
0xec: {  	v53 =	vmul.f32 v39, v39;
	v55 =	vshra.s32 v43, $0x1;
	v43 =	vmul.f32 $5.000000000e-01, v43  }
0xed: {  	v54 =	vmul.f32 v42, v44;
	v41 =	vmul.f32 v52, v63;
	v46 =	vsub.s32 $0x5F3759DF, v55  }
0xee: {  	v38 =	vsub.s32 $0x5F3759DF, v57;
	v40 =	vadd.f32 v53, v40;
	v58 =	vmul.f32 v46, v43  }
0xef: {  	v59 =	vmul.f32 v38, v56;
	v44 =	vmul.f32 v54, v42;
	v41 =	vsub.f32 $1.500000000e+00, v41  }
0xf0: {  	v19 =	vmul.f32 v35, v19;
	v34 =	vadd.f32 v34, v40;
	v60 =	vmul.f32 v46, v58  }
0xf1: {  	[tilespmem:s2+$0x41] =	vst v36;
	v62 =	vmul.f32 v38, v59;
	v61 =	vsub.f32 $1.500000000e+00, v44;
	v37 =	vmul.f32 v41, v63  }
0xf2: {  	s4 =	sadd.s32 $0xFFFFFFBF, s8;
	v21 =	vmul.f32 v35, v21;
	s6 =	sand.u32 $0x3FFF, s3;
	[tilespmem:s7+$0x0] =	vst v17;
	v63 =	vadd.f32 $9.999999970e-07, v34;
	v41 =	vsub.f32 $1.500000000e+00, v60  }
0xf3: {  	s4 =	sand.u32 $0x1FFE, s4;
	[tilespmem:s6+$0x4510] =	vst v31;
	v45 =	vsub.f32 $1.500000000e+00, v62;
	v17 =	vmul.f32 v61, v42;
	v44 =	vmul.f32 v37, v26  }
0xf4: {  	[tilespmem:s4+$0x4530] =	vst v23;
	v48 =	vmul.f32 $5.000000000e-01, v63;
	v23 =	vshra.s32 v63, $0x1;
	v46 =	vmul.f32 v46, v41  }
0xf5: {  	[tilespmem:s6+$0x4520] =	vst v19;
	v26 =	vmul.f32 v38, v45;
	v16 =	vmul.f32 v37, v16;
	v23 =	vsub.s32 $0x5F3759DF, v23  }
0xf6: {  	[tilespmem:s6+$0x4530] =	vst v21;
	v50 =	vmul.f32 v23, v48;
	v49 =	vmul.f32 v46, v43  }
0xf7: {  	[tilespmem:s4+$0x4510] =	vst v20;
	v9 =	vmul.f32 v17, v9;
	v51 =	vmul.f32 v26, v56  }
0xf8: {  	[tilespmem:s4+$0x4520] =	vst v30;
	v52 =	vmul.f32 v23, v50;
	v19 =	vmul.f32 v49, v46  }
0xf9: {  	s20 =	sadd.s32 $0xFFFFFFBF, s3;
	[tilespmem:s1+$0x41] =	vst v44;
	v8 =	vmul.f32 v17, v8;
	v53 =	vmul.f32 v51, v26  }
0xfa: {  	s21 =	sand.u32 $0x1FFE, s20;
	v12 =	vmul.f32 v17, v12;
	[tilespmem:s2+$0x0] =	vst v9;
	v55 =	vsub.f32 $1.500000000e+00, v52;
	v54 =	vsub.f32 $1.500000000e+00, v19  }
0xfb: {  	v15 =	vmul.f32 v17, v15;
	[tilespmem:s21+$0x4510] =	vst v8;
	v8 =	vmul.f32 v37, v18;
	v9 =	vsub.f32 $1.500000000e+00, v53  }
0xfc: {  	s22 =	sand.u32 $0x3FFF, s0;
	[tilespmem:s21+$0x4530] =	vst v12;
	v57 =	vmul.f32 v23, v55;
	v12 =	vmul.f32 v54, v46  }
0xfd: {  	v56 =	vmul.f32 v37, v24;
	[tilespmem:s22+$0x4530] =	vst v16;
	v9 =	vmul.f32 v9, v26  }
0xfe: {  	[tilespmem:s22+$0x4520] =	vst v8;
	v17 =	vmul.f32 v57, v48;
	v8 =	vmul.f32 v12, v29  }
0xff: {  	s23 =	sadd.s32 $0x82, s1;
	[tilespmem:s22+$0x4510] =	vst v56  }
0x100: {  	v13 =	vmul.f32 v9, v13;
	[tilespmem:s23+$0x41] =	vst v8;
	v8 =	vmul.f32 v17, v57  }
0x101: {  	s24 =	sadd.s32 $0xFFFFFFBF, s0;
	[tilespmem:s21+$0x4520] =	vst v15;
	v11 =	vmul.f32 v9, v11  }
0x102: {  	s25 =	sand.u32 $0x1FFE, s24;
	v10 =	vmul.f32 v9, v10;
	[tilespmem:s1+$0x0] =	vst v13;
	v8 =	vsub.f32 $1.500000000e+00, v8  }
0x103: {  	v9 =	vmul.f32 v9, v22;
	[tilespmem:s25+$0x4530] =	vst v11  }
0x104: {  	s28 =	sadd.s32 $0x82, s0;
	v58 =	vmul.f32 v12, v32;
	[tilespmem:s25+$0x4510] =	vst v10;
	v8 =	vmul.f32 v8, v57  }
0x105: {  	s31 =	sand.u32 $0x3FFF, s28;
	v59 =	vmul.f32 v12, v28;
	[tilespmem:s25+$0x4520] =	vst v9  }
0x106: {  	[tilespmem:s31+$0x4510] =	vst v58;
	v61 =	vmul.f32 v8, v25  }
0x107: {  	s0 =	sadd.s32 $0xFFFFFFBF, s28;
	[tilespmem:s31+$0x4520] =	vst v59;
	v62 =	vmul.f32 v8, v33  }
0x108: {  	s0 =	sand.u32 $0x1FFE, s0;
	v63 =	vmul.f32 v8, v14;
	[tilespmem:s23+$0x0] =	vst v61  }
0x109: {  	v8 =	vmul.f32 v8, v39;
	[tilespmem:s0+$0x4530] =	vst v62  }
0x10a: {  	s29 =	simm.s32 $0x3F;
	p0 =	por $0x1, $0x1;
	p6 =	por $0x0, $0x0;
	v60 =	vmul.f32 v12, v27;
	[tilespmem:s0+$0x4510] =	vst v63  }
.Ltmp5:
0x10b: {  	s30 =	simm.s32 $0x44F;
	[tilespmem:s0+$0x4520] =	vst v8;
	s0 =	simm.s32 @!p6 $0x0;
	(pc) =	sbr.rel @!p0 .LBB2_6-.Ltmp5, $4  }
0x10c: {  	p1 =	por $0x0, $0x0;
	[tilespmem:s31+$0x4530] =	vst v60;
	s0 =	simm.s32 @p6 $0x1;
	p6 =	por $0x0, $0x0  }
0x10d: {  	p2 =	por $0x0, $0x0;
	[smem:$0x7FB] =	sst s0;
	s0 =	simm.s32 @!p6 $0x0  }
0x10e: {  	p3 =	por $0x0, $0x0;
	p4 =	por $0x0, $0x0;
	s0 =	simm.s32 @p6 $0x1  }
0x10f: {  	p5 =	por $0x0, $0x0;
	s7 =	simm.s32 $0x0;
	[smem:$0x7FC] =	sst s0  }
0x110: {  	v8 =	vadd.s32 s7, v4  }
0x111: {  	v8 =	vand.u32 $0x3FF8, v8  }
0x112: {  	v8 =	vor.u32 v5, v8;
	_ =	sdelay $0x2  }
0x113: {  	s0 =	simm.s32 $0x10  }
0x114: {  	v9 =	vadd.s32 s0, v4  }
0x115: {  	v9 =	vand.u32 $0x7FF8, v9;
	v8 =	vld.idx.msk [tilespmem:v8+s19+$0x0], $0xffff  }
0x116: {  	v9 =	vor.u32 v5, v9;
	_ =	sdelay $0x2  }
0x117: {  	s21 =	simm.s32 $0x20  }
0x118: {  	[tilespmem:s5+$0xFFFF0E80] =	vst v8;
	v8 =	vadd.s32 s21, v4  }
0x119: {  	v9 =	vld.idx.msk [tilespmem:v9+s19+$0x0], $0xffff;
	v8 =	vand.u32 $0x7FF8, v8  }
0x11a: {  	v8 =	vor.u32 v5, v8;
	_ =	sdelay $0x2  }
0x11b: {  	s22 =	simm.s32 $0x30  }
0x11c: {  	v58 =	vadd.s32 s22, v4;
	[tilespmem:s5+$0xFFFF0F00] =	vst v9  }
0x11d: {  	v9 =	vand.u32 $0x7FF8, v58;
	v8 =	vld.idx.msk [tilespmem:v8+s19+$0x0], $0xffff  }
0x11e: {  	v9 =	vor.u32 v5, v9;
	_ =	sdelay $0x3  }
0x11f: {  	[tilespmem:s5+$0xFFFF0F80] =	vst v8  }
0x120: {  	s23 =	simm.s32 $0x1;
	v8 =	vld.idx.msk [tilespmem:v9+s19+$0x0], $0xffff  }
0x121: {  	v59 =	vadd.s32 s23, v4;
	_ =	sdelay $0x3  }
0x122: {  	[tilespmem:s5+$0xFFFF1000] =	vst v8  }
0x123: {  	s24 =	simm.s32 $0x11;
	v8 =	vld.idx.msk [tilespmem:v59+s19+$0x0], $0xffff  }
0x124: {  	v60 =	vadd.s32 s24, v4;
	_ =	sdelay $0x3  }
0x125: {  	[tilespmem:s5+$0xFFFF1E80] =	vst v8  }
0x126: {  	s25 =	simm.s32 $0x21;
	v8 =	vld.idx.msk [tilespmem:v60+s19+$0x0], $0xffff  }
0x127: {  	v61 =	vadd.s32 s25, v4;
	_ =	sdelay $0x3  }
0x128: {  	[tilespmem:s5+$0xFFFF1F00] =	vst v8  }
0x129: {  	s28 =	simm.s32 $0x31;
	v8 =	vld.idx.msk [tilespmem:v61+s19+$0x0], $0xffff  }
0x12a: {  	v62 =	vadd.s32 s28, v4;
	_ =	sdelay $0x3  }
0x12b: {  	[tilespmem:s5+$0xFFFF1F80] =	vst v8  }
0x12c: {  	s31 =	simm.s32 $0x2;
	v8 =	vld.idx.msk [tilespmem:v62+s19+$0x0], $0xffff  }
0x12d: {  	p0 =	por $0x1, $0x1;
	v63 =	vadd.s32 s31, v4  }
.Ltmp6:
0x12e: {  	_ = 	snop;
	(pc) =	sbr.rel @!p0 .LBB2_8-.Ltmp6, $3  }
0x12f: {  	_ =	sdelay $0x1  }
0x130: {  	[tilespmem:s5+$0xFFFF2000] =	vst v8  }
0x131: {  	s7 =	simm.s32 $0x410;
	s3 =	simm.s32 $0x85F;
	p1 =	por $0x1, $0x1;
	v25 =	vld.idx.msk [tilespmem:v63+s19+$0x0], $0xffff  }
0x132: {  	v8 =	vadd.s32 s7, v4;
	s0 =	simm.s32 $0x12  }
0x133: {  	v8 =	vand.u32 $0x3FF8, v8;
	v9 =	vadd.s32 s0, v4  }
0x134: {  	v8 =	vor.u32 v5, v8;
	_ =	sdelay $0x2  }
0x135: {  	s13 =	simm.s32 $0x420;
	[tilespmem:s5+$0xFFFF2E80] =	vst v25  }
0x136: {  	s14 =	simm.s32 $0x22;
	v10 =	vadd.s32 s13, v4;
	v9 =	vld.idx.msk [tilespmem:v9+s19+$0x0], $0xffff  }
0x137: {  	v11 =	vadd.s32 s14, v4;
	v10 =	vand.u32 $0x7FF8, v10;
	v8 =	vld.idx.msk [tilespmem:v8+s19+$0x0], $0xffff  }
0x138: {  	v10 =	vor.u32 v5, v10;
	_ =	sdelay $0x2  }
0x139: {  	s1 =	simm.s32 $0x430;
	s0 =	sadd.s32 $0x10, s5;
	[tilespmem:s5+$0xFFFF2F00] =	vst v9  }
0x13a: {  	s15 =	simm.s32 $0x32;
	v50 =	vadd.s32 s1, v4;
	[tilespmem:s0+$0xFFFF0E80] =	vst v8;
	v8 =	vld.idx.msk [tilespmem:v11+s19+$0x0], $0xffff  }
0x13b: {  	v51 =	vadd.s32 s15, v4;
	v9 =	vand.u32 $0x7FF8, v50;
	v10 =	vld.idx.msk [tilespmem:v10+s19+$0x0], $0xffff  }
0x13c: {  	v9 =	vor.u32 v5, v9;
	_ =	sdelay $0x2  }
0x13d: {  	s16 =	simm.s32 $0x440;
	[tilespmem:s5+$0xFFFF2F80] =	vst v8  }
0x13e: {  	s17 =	simm.s32 $0x3;
	v52 =	vadd.s32 s16, v4;
	[tilespmem:s0+$0xFFFF0F00] =	vst v10;
	v8 =	vld.idx.msk [tilespmem:v51+s19+$0x0], $0xffff  }
0x13f: {  	v53 =	vadd.s32 s17, v4;
	v10 =	vand.u32 $0x7FF8, v52;
	v9 =	vld.idx.msk [tilespmem:v9+s19+$0x0], $0xffff  }
0x140: {  	v10 =	vor.u32 v5, v10;
	_ =	sdelay $0x2  }
0x141: {  	[tilespmem:s5+$0xFFFF3000] =	vst v8  }
0x142: {  	s18 =	simm.s32 $0x13;
	[tilespmem:s0+$0xFFFF0F80] =	vst v9;
	v8 =	vld.idx.msk [tilespmem:v53+s19+$0x0], $0xffff  }
0x143: {  	s2 =	simm.s32 $0x411;
	v54 =	vadd.s32 s18, v4;
	v9 =	vld.idx.msk [tilespmem:v10+s19+$0x0], $0xffff  }
0x144: {  	v55 =	vadd.s32 s2, v4;
	_ =	sdelay $0x2  }
0x145: {  	[tilespmem:s5+$0xFFFF3E80] =	vst v8  }
0x146: {  	s20 =	simm.s32 $0x23;
	[tilespmem:s0+$0xFFFF1000] =	vst v9;
	v8 =	vld.idx.msk [tilespmem:v54+s19+$0x0], $0xffff  }
0x147: {  	s21 =	simm.s32 $0x421;
	v56 =	vadd.s32 s20, v4;
	v9 =	vld.idx.msk [tilespmem:v55+s19+$0x0], $0xffff  }
0x148: {  	v57 =	vadd.s32 s21, v4;
	_ =	sdelay $0x2  }
0x149: {  	[tilespmem:s5+$0xFFFF3F00] =	vst v8  }
0x14a: {  	s22 =	simm.s32 $0x33;
	[tilespmem:s0+$0xFFFF1E80] =	vst v9;
	v8 =	vld.idx.msk [tilespmem:v56+s19+$0x0], $0xffff  }
0x14b: {  	s23 =	simm.s32 $0x431;
	v58 =	vadd.s32 s22, v4;
	v9 =	vld.idx.msk [tilespmem:v57+s19+$0x0], $0xffff  }
0x14c: {  	v59 =	vadd.s32 s23, v4;
	_ =	sdelay $0x2  }
0x14d: {  	[tilespmem:s5+$0xFFFF3F80] =	vst v8  }
0x14e: {  	s24 =	simm.s32 $0x4;
	[tilespmem:s0+$0xFFFF1F00] =	vst v9;
	v8 =	vld.idx.msk [tilespmem:v58+s19+$0x0], $0xffff  }
0x14f: {  	s25 =	simm.s32 $0x441;
	v60 =	vadd.s32 s24, v4;
	v9 =	vld.idx.msk [tilespmem:v59+s19+$0x0], $0xffff  }
0x150: {  	v61 =	vadd.s32 s25, v4;
	_ =	sdelay $0x2  }
0x151: {  	[tilespmem:s5+$0xFFFF4000] =	vst v8  }
0x152: {  	s28 =	simm.s32 $0x14;
	[tilespmem:s0+$0xFFFF1F80] =	vst v9;
	v8 =	vld.idx.msk [tilespmem:v60+s19+$0x0], $0xffff  }
0x153: {  	s31 =	simm.s32 $0x412;
	v62 =	vadd.s32 s28, v4;
	v9 =	vld.idx.msk [tilespmem:v61+s19+$0x0], $0xffff  }
0x154: {  	p0 =	por $0x1, $0x1;
	v63 =	vadd.s32 s31, v4  }
.Ltmp7:
0x155: {  	_ = 	snop;
	(pc) =	sbr.rel @!p0 .LBB2_10-.Ltmp7, $4  }
0x156: {  	_ = 	snop  }
0x157: {  	[tilespmem:s5+$0xFFFF4E80] =	vst v8  }
0x158: {  	s7 =	simm.s32 $0x820;
	[tilespmem:s0+$0xFFFF2000] =	vst v9;
	v26 =	vld.idx.msk [tilespmem:v62+s19+$0x0], $0xffff  }
0x159: {  	s10 =	simm.s32 $0xC6F;
	s8 =	simm.s32 $0x24;
	p2 =	por $0x1, $0x1;
	v25 =	vld.idx.msk [tilespmem:v63+s19+$0x0], $0xffff  }
0x15a: {  	v8 =	vadd.s32 s7, v4;
	s1 =	simm.s32 $0x422;
	v9 =	vadd.s32 s8, v4  }
0x15b: {  	v8 =	vand.u32 $0x3FF8, v8;
	v10 =	vadd.s32 s1, v4  }
0x15c: {  	v8 =	vor.u32 v5, v8;
	_ =	sdelay $0x1  }
0x15d: {  	[tilespmem:s5+$0xFFFF4F00] =	vst v26  }
0x15e: {  	s24 =	simm.s32 $0x830;
	s2 =	simm.s32 $0x34;
	[tilespmem:s0+$0xFFFF2E80] =	vst v25;
	v9 =	vld.idx.msk [tilespmem:v9+s19+$0x0], $0xffff  }
0x15f: {  	s25 =	simm.s32 $0x432;
	v11 =	vadd.s32 s24, v4;
	v12 =	vadd.s32 s2, v4;
	v10 =	vld.idx.msk [tilespmem:v10+s19+$0x0], $0xffff  }
0x160: {  	v13 =	vadd.s32 s25, v4;
	v11 =	vand.u32 $0x7FF8, v11;
	v8 =	vld.idx.msk [tilespmem:v8+s19+$0x0], $0xffff  }
0x161: {  	v11 =	vor.u32 v5, v11;
	_ =	sdelay $0x1  }
0x162: {  	[tilespmem:s5+$0xFFFF4F80] =	vst v9  }
0x163: {  	s13 =	sadd.s32 $0x10, s0;
	s28 =	simm.s32 $0x840;
	s31 =	simm.s32 $0x5;
	[tilespmem:s0+$0xFFFF2F00] =	vst v10;
	v9 =	vld.idx.msk [tilespmem:v12+s19+$0x0], $0xffff  }
0x164: {  	s4 =	simm.s32 $0x442;
	v42 =	vadd.s32 s28, v4;
	v43 =	vadd.s32 s31, v4;
	[tilespmem:s13+$0xFFFF0E80] =	vst v8;
	v8 =	vld.idx.msk [tilespmem:v13+s19+$0x0], $0xffff  }
0x165: {  	v44 =	vadd.s32 s4, v4;
	v10 =	vand.u32 $0x7FF8, v42;
	v11 =	vld.idx.msk [tilespmem:v11+s19+$0x0], $0xffff  }
0x166: {  	v10 =	vor.u32 v5, v10;
	_ =	sdelay $0x1  }
0x167: {  	[tilespmem:s5+$0xFFFF5000] =	vst v9  }
0x168: {  	s6 =	simm.s32 $0x850;
	s7 =	simm.s32 $0x15;
	[tilespmem:s0+$0xFFFF2F80] =	vst v8;
	v8 =	vld.idx.msk [tilespmem:v43+s19+$0x0], $0xffff  }
0x169: {  	s8 =	simm.s32 $0x413;
	v46 =	vadd.s32 s6, v4;
	v47 =	vadd.s32 s7, v4;
	[tilespmem:s13+$0xFFFF0F00] =	vst v11;
	v45 =	vld.idx.msk [tilespmem:v44+s19+$0x0], $0xffff  }
0x16a: {  	v48 =	vadd.s32 s8, v4;
	v11 =	vand.u32 $0x7FF8, v46;
	v10 =	vld.idx.msk [tilespmem:v10+s19+$0x0], $0xffff  }
0x16b: {  	v11 =	vor.u32 v5, v11;
	_ =	sdelay $0x1  }
0x16c: {  	[tilespmem:s5+$0xFFFF5E80] =	vst v8  }
0x16d: {  	s9 =	simm.s32 $0x25;
	[tilespmem:s0+$0xFFFF3000] =	vst v45;
	v8 =	vld.idx.msk [tilespmem:v47+s19+$0x0], $0xffff  }
0x16e: {  	s11 =	simm.s32 $0x423;
	v49 =	vadd.s32 s9, v4;
	[tilespmem:s13+$0xFFFF0F80] =	vst v10;
	v9 =	vld.idx.msk [tilespmem:v48+s19+$0x0], $0xffff  }
0x16f: {  	s12 =	simm.s32 $0x821;
	v50 =	vadd.s32 s11, v4;
	v11 =	vld.idx.msk [tilespmem:v11+s19+$0x0], $0xffff  }
0x170: {  	v51 =	vadd.s32 s12, v4;
	_ =	sdelay $0x1  }
0x171: {  	[tilespmem:s5+$0xFFFF5F00] =	vst v8  }
0x172: {  	s14 =	simm.s32 $0x35;
	[tilespmem:s0+$0xFFFF3E80] =	vst v9;
	v8 =	vld.idx.msk [tilespmem:v49+s19+$0x0], $0xffff  }
0x173: {  	s15 =	simm.s32 $0x433;
	v52 =	vadd.s32 s14, v4;
	[tilespmem:s13+$0xFFFF1000] =	vst v11;
	v9 =	vld.idx.msk [tilespmem:v50+s19+$0x0], $0xffff  }
0x174: {  	s16 =	simm.s32 $0x831;
	v53 =	vadd.s32 s15, v4;
	v11 =	vld.idx.msk [tilespmem:v51+s19+$0x0], $0xffff  }
0x175: {  	v54 =	vadd.s32 s16, v4;
	_ =	sdelay $0x1  }
0x176: {  	[tilespmem:s5+$0xFFFF5F80] =	vst v8  }
0x177: {  	s17 =	simm.s32 $0x6;
	[tilespmem:s0+$0xFFFF3F00] =	vst v9;
	v8 =	vld.idx.msk [tilespmem:v52+s19+$0x0], $0xffff  }
0x178: {  	s18 =	simm.s32 $0x443;
	v55 =	vadd.s32 s17, v4;
	[tilespmem:s13+$0xFFFF1E80] =	vst v11;
	v9 =	vld.idx.msk [tilespmem:v53+s19+$0x0], $0xffff  }
0x179: {  	s20 =	simm.s32 $0x841;
	v56 =	vadd.s32 s18, v4;
	v11 =	vld.idx.msk [tilespmem:v54+s19+$0x0], $0xffff  }
0x17a: {  	v57 =	vadd.s32 s20, v4;
	_ =	sdelay $0x1  }
0x17b: {  	[tilespmem:s5+$0xFFFF6000] =	vst v8  }
0x17c: {  	s21 =	simm.s32 $0x16;
	[tilespmem:s0+$0xFFFF3F80] =	vst v9;
	v8 =	vld.idx.msk [tilespmem:v55+s19+$0x0], $0xffff  }
0x17d: {  	s22 =	simm.s32 $0x414;
	v58 =	vadd.s32 s21, v4;
	[tilespmem:s13+$0xFFFF1F00] =	vst v11;
	v9 =	vld.idx.msk [tilespmem:v56+s19+$0x0], $0xffff  }
0x17e: {  	s23 =	simm.s32 $0x851;
	v59 =	vadd.s32 s22, v4;
	v11 =	vld.idx.msk [tilespmem:v57+s19+$0x0], $0xffff  }
0x17f: {  	v60 =	vadd.s32 s23, v4;
	_ =	sdelay $0x1  }
0x180: {  	[tilespmem:s5+$0xFFFF6E80] =	vst v8  }
0x181: {  	s24 =	simm.s32 $0x26;
	[tilespmem:s0+$0xFFFF4000] =	vst v9;
	v8 =	vld.idx.msk [tilespmem:v58+s19+$0x0], $0xffff  }
0x182: {  	s25 =	simm.s32 $0x424;
	v61 =	vadd.s32 s24, v4;
	[tilespmem:s13+$0xFFFF1F80] =	vst v11;
	v9 =	vld.idx.msk [tilespmem:v59+s19+$0x0], $0xffff  }
0x183: {  	s28 =	simm.s32 $0x822;
	v62 =	vadd.s32 s25, v4;
	v11 =	vld.idx.msk [tilespmem:v60+s19+$0x0], $0xffff  }
0x184: {  	p0 =	por $0x1, $0x1;
	v63 =	vadd.s32 s28, v4  }
.Ltmp8:
0x185: {  	_ = 	snop;
	(pc) =	sbr.rel @!p0 .LBB2_12-.Ltmp8, $4  }
0x186: {  	[tilespmem:s5+$0xFFFF6F00] =	vst v8  }
0x187: {  	[tilespmem:s0+$0xFFFF4E80] =	vst v9;
	v28 =	vld.idx.msk [tilespmem:v61+s19+$0x0], $0xffff  }
0x188: {  	p3 =	por $0x1, $0x1;
	s31 =	simm.s32 $0x36;
	[tilespmem:s13+$0xFFFF2000] =	vst v11;
	v26 =	vld.idx.msk [tilespmem:v62+s19+$0x0], $0xffff  }
0x189: {  	s7 =	simm.s32 $0xC30;
	s1 =	simm.s32 $0x107F;
	s8 =	simm.s32 $0x434;
	v33 =	vadd.s32 s31, v4;
	v25 =	vld.idx.msk [tilespmem:v63+s19+$0x0], $0xffff  }
0x18a: {  	v8 =	vadd.s32 s7, v4;
	s2 =	simm.s32 $0x832;
	v9 =	vadd.s32 s8, v4  }
0x18b: {  	v8 =	vand.u32 $0x3FF8, v8;
	v10 =	vadd.s32 s2, v4  }
0x18c: {  	v8 =	vor.u32 v5, v8  }
0x18d: {  	[tilespmem:s5+$0xFFFF6F80] =	vst v28  }
0x18e: {  	s11 =	simm.s32 $0x7;
	[tilespmem:s0+$0xFFFF4F00] =	vst v26;
	v11 =	vld.idx.msk [tilespmem:v33+s19+$0x0], $0xffff  }
0x18f: {  	s4 =	simm.s32 $0xC40;
	s6 =	simm.s32 $0x444;
	v12 =	vadd.s32 s11, v4;
	[tilespmem:s13+$0xFFFF2E80] =	vst v25;
	v9 =	vld.idx.msk [tilespmem:v9+s19+$0x0], $0xffff  }
0x190: {  	s12 =	simm.s32 $0x842;
	v13 =	vadd.s32 s4, v4;
	v14 =	vadd.s32 s6, v4;
	v10 =	vld.idx.msk [tilespmem:v10+s19+$0x0], $0xffff  }
0x191: {  	v15 =	vadd.s32 s12, v4;
	v13 =	vand.u32 $0x7FF8, v13;
	v8 =	vld.idx.msk [tilespmem:v8+s19+$0x0], $0xffff  }
0x192: {  	v13 =	vor.u32 v5, v13  }
0x193: {  	[tilespmem:s5+$0xFFFF7000] =	vst v11  }
0x194: {  	s14 =	simm.s32 $0x17;
	[tilespmem:s0+$0xFFFF4F80] =	vst v9;
	v9 =	vld.idx.msk [tilespmem:v12+s19+$0x0], $0xffff  }
0x195: {  	s25 =	sadd.s32 $0x10, s13;
	s15 =	simm.s32 $0xC50;
	s16 =	simm.s32 $0x415;
	v11 =	vadd.s32 s14, v4;
	[tilespmem:s13+$0xFFFF2F00] =	vst v10;
	v10 =	vld.idx.msk [tilespmem:v14+s19+$0x0], $0xffff  }
0x196: {  	s17 =	simm.s32 $0x852;
	v12 =	vadd.s32 s15, v4;
	v14 =	vadd.s32 s16, v4;
	[tilespmem:s25+$0xFFFF0E80] =	vst v8;
	v8 =	vld.idx.msk [tilespmem:v15+s19+$0x0], $0xffff  }
0x197: {  	v12 =	vand.u32 $0x7FF8, v12;
	v15 =	vadd.s32 s17, v4;
	v13 =	vld.idx.msk [tilespmem:v13+s19+$0x0], $0xffff  }
0x198: {  	v12 =	vor.u32 v5, v12  }
0x199: {  	[tilespmem:s5+$0xFFFF7E80] =	vst v9  }
0x19a: {  	s18 =	simm.s32 $0x27;
	[tilespmem:s0+$0xFFFF5000] =	vst v10;
	v9 =	vld.idx.msk [tilespmem:v11+s19+$0x0], $0xffff  }
0x19b: {  	s20 =	simm.s32 $0xC60;
	s21 =	simm.s32 $0x425;
	v10 =	vadd.s32 s18, v4;
	[tilespmem:s13+$0xFFFF2F80] =	vst v8;
	v8 =	vld.idx.msk [tilespmem:v14+s19+$0x0], $0xffff  }
0x19c: {  	s22 =	simm.s32 $0x823;
	v14 =	vadd.s32 s21, v4;
	[tilespmem:s25+$0xFFFF0F00] =	vst v13;
	v11 =	vld.idx.msk [tilespmem:v15+s19+$0x0], $0xffff;
	v13 =	vadd.s32 s20, v4  }
0x19d: {  	v15 =	vadd.s32 s22, v4;
	v12 =	vld.idx.msk [tilespmem:v12+s19+$0x0], $0xffff;
	v13 =	vand.u32 $0x7FF8, v13  }
0x19e: {  	v13 =	vor.u32 v5, v13  }
0x19f: {  	[tilespmem:s5+$0xFFFF7F00] =	vst v9  }
0x1a0: {  	s23 =	simm.s32 $0x37;
	[tilespmem:s0+$0xFFFF5E80] =	vst v8;
	v8 =	vld.idx.msk [tilespmem:v10+s19+$0x0], $0xffff  }
0x1a1: {  	s24 =	simm.s32 $0x435;
	v10 =	vadd.s32 s23, v4;
	[tilespmem:s13+$0xFFFF3000] =	vst v11;
	v9 =	vld.idx.msk [tilespmem:v14+s19+$0x0], $0xffff  }
0x1a2: {  	s28 =	simm.s32 $0x833;
	[tilespmem:s25+$0xFFFF0F80] =	vst v12;
	v11 =	vld.idx.msk [tilespmem:v15+s19+$0x0], $0xffff;
	v12 =	vadd.s32 s24, v4  }
0x1a3: {  	s31 =	simm.s32 $0xC31;
	v14 =	vadd.s32 s28, v4;
	v13 =	vld.idx.msk [tilespmem:v13+s19+$0x0], $0xffff  }
0x1a4: {  	s6 =	simm.s32 $0x8;
	v15 =	vadd.s32 s31, v4  }
0x1a5: {  	[tilespmem:s5+$0xFFFF7F80] =	vst v8;
	v8 =	vadd.s32 s6, v4  }
0x1a6: {  	[tilespmem:s0+$0xFFFF5F00] =	vst v9;
	v9 =	vld.idx.msk [tilespmem:v10+s19+$0x0], $0xffff;
	v8 =	vand.u32 $0x3FF8, v8  }
0x1a7: {  	s7 =	simm.s32 $0x445;
	[tilespmem:s13+$0xFFFF3E80] =	vst v11;
	v10 =	vld.idx.msk [tilespmem:v12+s19+$0x0], $0xffff;
	v8 =	vor.u32 v5, v8  }
0x1a8: {  	s8 =	simm.s32 $0x843;
	v12 =	vadd.s32 s7, v4;
	[tilespmem:s25+$0xFFFF1000] =	vst v13;
	v11 =	vld.idx.msk [tilespmem:v14+s19+$0x0], $0xffff  }
0x1a9: {  	s9 =	simm.s32 $0xC41;
	v14 =	vadd.s32 s8, v4;
	v13 =	vld.idx.msk [tilespmem:v15+s19+$0x0], $0xffff  }
0x1aa: {  	s11 =	simm.s32 $0x18;
	v15 =	vadd.s32 s9, v4  }
0x1ab: {  	[tilespmem:s5+$0xFFFF8000] =	vst v9;
	v9 =	vadd.s32 s11, v4  }
0x1ac: {  	[tilespmem:s0+$0xFFFF5F80] =	vst v10;
	v8 =	vld.idx.msk [tilespmem:v8+s19+$0x0], $0xffff;
	v9 =	vand.u32 $0x7FF8, v9  }
0x1ad: {  	s12 =	simm.s32 $0x416;
	[tilespmem:s13+$0xFFFF3F00] =	vst v11;
	v10 =	vld.idx.msk [tilespmem:v12+s19+$0x0], $0xffff;
	v9 =	vor.u32 v5, v9  }
0x1ae: {  	s14 =	simm.s32 $0x853;
	v12 =	vadd.s32 s12, v4;
	[tilespmem:s25+$0xFFFF1E80] =	vst v13;
	v11 =	vld.idx.msk [tilespmem:v14+s19+$0x0], $0xffff  }
0x1af: {  	s15 =	simm.s32 $0xC51;
	v14 =	vadd.s32 s14, v4;
	v13 =	vld.idx.msk [tilespmem:v15+s19+$0x0], $0xffff  }
0x1b0: {  	s16 =	simm.s32 $0x28;
	v15 =	vadd.s32 s15, v4  }
0x1b1: {  	[tilespmem:s5+$0xFFFF8E80] =	vst v8;
	v8 =	vadd.s32 s16, v4  }
0x1b2: {  	[tilespmem:s0+$0xFFFF6000] =	vst v10;
	v9 =	vld.idx.msk [tilespmem:v9+s19+$0x0], $0xffff;
	v8 =	vand.u32 $0x7FF8, v8  }
0x1b3: {  	s17 =	simm.s32 $0x426;
	[tilespmem:s13+$0xFFFF3F80] =	vst v11;
	v10 =	vld.idx.msk [tilespmem:v12+s19+$0x0], $0xffff;
	v8 =	vor.u32 v5, v8  }
0x1b4: {  	s18 =	simm.s32 $0x824;
	v12 =	vadd.s32 s17, v4;
	[tilespmem:s25+$0xFFFF1F00] =	vst v13;
	v11 =	vld.idx.msk [tilespmem:v14+s19+$0x0], $0xffff  }
0x1b5: {  	s20 =	simm.s32 $0xC61;
	v14 =	vadd.s32 s18, v4;
	v13 =	vld.idx.msk [tilespmem:v15+s19+$0x0], $0xffff  }
0x1b6: {  	s21 =	simm.s32 $0x38;
	v15 =	vadd.s32 s20, v4  }
0x1b7: {  	[tilespmem:s5+$0xFFFF8F00] =	vst v9;
	v9 =	vadd.s32 s21, v4  }
0x1b8: {  	[tilespmem:s0+$0xFFFF6E80] =	vst v10;
	v8 =	vld.idx.msk [tilespmem:v8+s19+$0x0], $0xffff;
	v9 =	vand.u32 $0x7FF8, v9  }
0x1b9: {  	s22 =	simm.s32 $0x436;
	[tilespmem:s13+$0xFFFF4000] =	vst v11;
	v10 =	vld.idx.msk [tilespmem:v12+s19+$0x0], $0xffff;
	v9 =	vor.u32 v5, v9  }
0x1ba: {  	s23 =	simm.s32 $0x834;
	v12 =	vadd.s32 s22, v4;
	[tilespmem:s25+$0xFFFF1F80] =	vst v13;
	v11 =	vld.idx.msk [tilespmem:v14+s19+$0x0], $0xffff  }
0x1bb: {  	s24 =	simm.s32 $0xC32;
	v14 =	vadd.s32 s23, v4;
	v13 =	vld.idx.msk [tilespmem:v15+s19+$0x0], $0xffff  }
0x1bc: {  	p0 =	por $0x1, $0x1;
	v15 =	vadd.s32 s24, v4  }
.Ltmp9:
0x1bd: {  	[tilespmem:s5+$0xFFFF8F80] =	vst v8;
	(pc) =	sbr.rel @!p0 .LBB2_14-.Ltmp9, $4  }
0x1be: {  	[tilespmem:s0+$0xFFFF6F00] =	vst v10;
	v10 =	vld.idx.msk [tilespmem:v9+s19+$0x0], $0xffff  }
0x1bf: {  	[tilespmem:s13+$0xFFFF4E80] =	vst v11;
	v28 =	vld.idx.msk [tilespmem:v12+s19+$0x0], $0xffff  }
0x1c0: {  	p4 =	por $0x1, $0x1;
	s28 =	simm.s32 $0x9;
	s31 =	simm.s32 $0x446;
	[tilespmem:s25+$0xFFFF2000] =	vst v13;
	v26 =	vld.idx.msk [tilespmem:v14+s19+$0x0], $0xffff  }
0x1c1: {  	v33 =	vadd.s32 s31, v4;
	s7 =	simm.s32 $0x1040;
	s8 =	simm.s32 $0x844;
	s14 =	simm.s32 $0x148F;
	v12 =	vadd.s32 s28, v4;
	v25 =	vld.idx.msk [tilespmem:v15+s19+$0x0], $0xffff  }
0x1c2: {  	_ = 	snop  }
0x1c3: {  	v8 =	vadd.s32 s7, v4;
	s2 =	simm.s32 $0xC42;
	v9 =	vadd.s32 s8, v4  }
0x1c4: {  	v8 =	vand.u32 $0x3FF8, v8;
	v11 =	vadd.s32 s2, v4  }
0x1c5: {  	[tilespmem:s5+$0xFFFF9000] =	vst v10;
	v8 =	vor.u32 v5, v8  }
0x1c6: {  	s12 =	simm.s32 $0x19;
	[tilespmem:s0+$0xFFFF6F80] =	vst v28;
	v13 =	vld.idx.msk [tilespmem:v12+s19+$0x0], $0xffff  }
0x1c7: {  	s4 =	simm.s32 $0x417;
	v15 =	vadd.s32 s12, v4;
	[tilespmem:s13+$0xFFFF4F00] =	vst v26;
	v14 =	vld.idx.msk [tilespmem:v33+s19+$0x0], $0xffff  }
0x1c8: {  	s15 =	simm.s32 $0x1050;
	s6 =	simm.s32 $0x854;
	v16 =	vadd.s32 s4, v4;
	[tilespmem:s25+$0xFFFF2E80] =	vst v25;
	v9 =	vld.idx.msk [tilespmem:v9+s19+$0x0], $0xffff  }
0x1c9: {  	s16 =	simm.s32 $0xC52;
	v17 =	vadd.s32 s15, v4;
	v18 =	vadd.s32 s6, v4;
	v11 =	vld.idx.msk [tilespmem:v11+s19+$0x0], $0xffff  }
0x1ca: {  	v19 =	vadd.s32 s16, v4;
	v17 =	vand.u32 $0x7FF8, v17;
	v8 =	vld.idx.msk [tilespmem:v8+s19+$0x0], $0xffff  }
0x1cb: {  	v17 =	vor.u32 v5, v17;
	[tilespmem:s5+$0xFFFF9E80] =	vst v13  }
0x1cc: {  	s17 =	simm.s32 $0x29;
	[tilespmem:s0+$0xFFFF7000] =	vst v14;
	v13 =	vld.idx.msk [tilespmem:v15+s19+$0x0], $0xffff  }
0x1cd: {  	s18 =	simm.s32 $0x427;
	v14 =	vadd.s32 s17, v4;
	[tilespmem:s13+$0xFFFF4F80] =	vst v9;
	v9 =	vld.idx.msk [tilespmem:v16+s19+$0x0], $0xffff  }
0x1ce: {  	s23 =	sadd.s32 $0x10, s25;
	s20 =	simm.s32 $0x1060;
	s21 =	simm.s32 $0x825;
	v15 =	vadd.s32 s18, v4;
	[tilespmem:s25+$0xFFFF2F00] =	vst v11;
	v11 =	vld.idx.msk [tilespmem:v18+s19+$0x0], $0xffff  }
0x1cf: {  	s22 =	simm.s32 $0xC62;
	v16 =	vadd.s32 s20, v4;
	v18 =	vadd.s32 s21, v4;
	[tilespmem:s23+$0xFFFF0E80] =	vst v8;
	v8 =	vld.idx.msk [tilespmem:v19+s19+$0x0], $0xffff  }
0x1d0: {  	v16 =	vand.u32 $0x7FF8, v16;
	v19 =	vadd.s32 s22, v4;
	v17 =	vld.idx.msk [tilespmem:v17+s19+$0x0], $0xffff  }
0x1d1: {  	v16 =	vor.u32 v5, v16;
	[tilespmem:s5+$0xFFFF9F00] =	vst v13  }
0x1d2: {  	s24 =	simm.s32 $0x39;
	[tilespmem:s0+$0xFFFF7E80] =	vst v9;
	v9 =	vld.idx.msk [tilespmem:v14+s19+$0x0], $0xffff  }
0x1d3: {  	s28 =	simm.s32 $0x437;
	v13 =	vadd.s32 s24, v4;
	[tilespmem:s13+$0xFFFF5000] =	vst v11;
	v11 =	vld.idx.msk [tilespmem:v15+s19+$0x0], $0xffff  }
0x1d4: {  	s7 =	simm.s32 $0x835;
	s6 =	simm.s32 $0x1070;
	v14 =	vadd.s32 s28, v4;
	[tilespmem:s25+$0xFFFF2F80] =	vst v8;
	v8 =	vld.idx.msk [tilespmem:v18+s19+$0x0], $0xffff  }
0x1d5: {  	s8 =	simm.s32 $0xC33;
	v18 =	vadd.s32 s7, v4;
	[tilespmem:s23+$0xFFFF0F00] =	vst v17;
	v15 =	vld.idx.msk [tilespmem:v19+s19+$0x0], $0xffff;
	v17 =	vadd.s32 s6, v4  }
0x1d6: {  	v19 =	vadd.s32 s8, v4;
	v16 =	vld.idx.msk [tilespmem:v16+s19+$0x0], $0xffff;
	v17 =	vand.u32 $0x7FF8, v17  }
0x1d7: {  	v17 =	vor.u32 v5, v17;
	[tilespmem:s5+$0xFFFF9F80] =	vst v9  }
0x1d8: {  	s9 =	simm.s32 $0xA;
	[tilespmem:s0+$0xFFFF7F00] =	vst v11;
	v9 =	vld.idx.msk [tilespmem:v13+s19+$0x0], $0xffff  }
0x1d9: {  	s11 =	simm.s32 $0x447;
	v11 =	vadd.s32 s9, v4;
	[tilespmem:s13+$0xFFFF5E80] =	vst v8;
	v8 =	vld.idx.msk [tilespmem:v14+s19+$0x0], $0xffff  }
0x1da: {  	s12 =	simm.s32 $0x845;
	v14 =	vadd.s32 s11, v4;
	[tilespmem:s25+$0xFFFF3000] =	vst v15;
	v13 =	vld.idx.msk [tilespmem:v18+s19+$0x0], $0xffff  }
0x1db: {  	s15 =	simm.s32 $0xC43;
	[tilespmem:s23+$0xFFFF0F80] =	vst v16;
	v15 =	vld.idx.msk [tilespmem:v19+s19+$0x0], $0xffff;
	v16 =	vadd.s32 s12, v4  }
0x1dc: {  	s16 =	simm.s32 $0x1041;
	v18 =	vadd.s32 s15, v4;
	v17 =	vld.idx.msk [tilespmem:v17+s19+$0x0], $0xffff  }
0x1dd: {  	s17 =	simm.s32 $0x418;
	v19 =	vadd.s32 s16, v4;
	[tilespmem:s5+$0xFFFFA000] =	vst v9  }
0x1de: {  	s18 =	simm.s32 $0x1A;
	v9 =	vadd.s32 s17, v4;
	[tilespmem:s0+$0xFFFF7F80] =	vst v8;
	v8 =	vld.idx.msk [tilespmem:v11+s19+$0x0], $0xffff  }
0x1df: {  	v9 =	vand.u32 $0x3FF8, v9;
	[tilespmem:s13+$0xFFFF5F00] =	vst v13;
	v11 =	vld.idx.msk [tilespmem:v14+s19+$0x0], $0xffff;
	v13 =	vadd.s32 s18, v4  }
0x1e0: {  	s20 =	simm.s32 $0x855;
	v9 =	vor.u32 v5, v9;
	[tilespmem:s25+$0xFFFF3E80] =	vst v15;
	v14 =	vld.idx.msk [tilespmem:v16+s19+$0x0], $0xffff  }
0x1e1: {  	s21 =	simm.s32 $0xC53;
	v16 =	vadd.s32 s20, v4;
	[tilespmem:s23+$0xFFFF1000] =	vst v17;
	v15 =	vld.idx.msk [tilespmem:v18+s19+$0x0], $0xffff  }
0x1e2: {  	s22 =	simm.s32 $0x1051;
	v18 =	vadd.s32 s21, v4;
	v17 =	vld.idx.msk [tilespmem:v19+s19+$0x0], $0xffff  }
0x1e3: {  	s24 =	simm.s32 $0x428;
	v19 =	vadd.s32 s22, v4;
	[tilespmem:s5+$0xFFFFAE80] =	vst v8  }
0x1e4: {  	s28 =	simm.s32 $0x2A;
	[tilespmem:s0+$0xFFFF8000] =	vst v11;
	v8 =	vld.idx.msk [tilespmem:v13+s19+$0x0], $0xffff;
	v11 =	vadd.s32 s24, v4  }
0x1e5: {  	v13 =	vadd.s32 s28, v4;
	[tilespmem:s13+$0xFFFF5F80] =	vst v14;
	v9 =	vld.idx.msk [tilespmem:v9+s19+$0x0], $0xffff;
	v11 =	vand.u32 $0x7FF8, v11  }
0x1e6: {  	s4 =	simm.s32 $0x826;
	[tilespmem:s25+$0xFFFF3F00] =	vst v15;
	v14 =	vld.idx.msk [tilespmem:v16+s19+$0x0], $0xffff;
	v11 =	vor.u32 v5, v11  }
0x1e7: {  	s6 =	simm.s32 $0xC63;
	v16 =	vadd.s32 s4, v4;
	[tilespmem:s23+$0xFFFF1E80] =	vst v17;
	v15 =	vld.idx.msk [tilespmem:v18+s19+$0x0], $0xffff  }
0x1e8: {  	s7 =	simm.s32 $0x1061;
	v18 =	vadd.s32 s6, v4;
	v17 =	vld.idx.msk [tilespmem:v19+s19+$0x0], $0xffff  }
0x1e9: {  	s8 =	simm.s32 $0x438;
	v19 =	vadd.s32 s7, v4;
	[tilespmem:s5+$0xFFFFAF00] =	vst v8  }
0x1ea: {  	s9 =	simm.s32 $0x3A;
	[tilespmem:s0+$0xFFFF8E80] =	vst v9;
	v8 =	vld.idx.msk [tilespmem:v13+s19+$0x0], $0xffff;
	v9 =	vadd.s32 s8, v4  }
0x1eb: {  	v13 =	vadd.s32 s9, v4;
	[tilespmem:s13+$0xFFFF6000] =	vst v14;
	v11 =	vld.idx.msk [tilespmem:v11+s19+$0x0], $0xffff;
	v9 =	vand.u32 $0x7FF8, v9  }
0x1ec: {  	s11 =	simm.s32 $0x836;
	[tilespmem:s25+$0xFFFF3F80] =	vst v15;
	v14 =	vld.idx.msk [tilespmem:v16+s19+$0x0], $0xffff;
	v9 =	vor.u32 v5, v9  }
0x1ed: {  	s12 =	simm.s32 $0xC34;
	v16 =	vadd.s32 s11, v4;
	[tilespmem:s23+$0xFFFF1F00] =	vst v17;
	v15 =	vld.idx.msk [tilespmem:v18+s19+$0x0], $0xffff  }
0x1ee: {  	s15 =	simm.s32 $0x1071;
	v18 =	vadd.s32 s12, v4;
	v17 =	vld.idx.msk [tilespmem:v19+s19+$0x0], $0xffff  }
0x1ef: {  	s16 =	simm.s32 $0x448;
	v19 =	vadd.s32 s15, v4;
	[tilespmem:s5+$0xFFFFAF80] =	vst v8  }
0x1f0: {  	s17 =	simm.s32 $0xB;
	[tilespmem:s0+$0xFFFF8F00] =	vst v11;
	v8 =	vld.idx.msk [tilespmem:v13+s19+$0x0], $0xffff;
	v11 =	vadd.s32 s16, v4  }
0x1f1: {  	v13 =	vadd.s32 s17, v4;
	[tilespmem:s13+$0xFFFF6E80] =	vst v14;
	v9 =	vld.idx.msk [tilespmem:v9+s19+$0x0], $0xffff;
	v11 =	vand.u32 $0x7FF8, v11  }
0x1f2: {  	s18 =	simm.s32 $0x846;
	[tilespmem:s25+$0xFFFF4000] =	vst v15;
	v14 =	vld.idx.msk [tilespmem:v16+s19+$0x0], $0xffff;
	v15 =	vor.u32 v5, v11  }
0x1f3: {  	s20 =	simm.s32 $0xC44;
	[tilespmem:s23+$0xFFFF1F80] =	vst v17;
	v16 =	vld.idx.msk [tilespmem:v18+s19+$0x0], $0xffff;
	v17 =	vadd.s32 s18, v4  }
0x1f4: {  	s21 =	simm.s32 $0x1042;
	v20 =	vadd.s32 s20, v4;
	v18 =	vld.idx.msk [tilespmem:v19+s19+$0x0], $0xffff  }
0x1f5: {  	p0 =	por $0x1, $0x1;
	v21 =	vadd.s32 s21, v4;
	[tilespmem:s5+$0xFFFFB000] =	vst v8  }
.Ltmp10:
0x1f6: {  	[tilespmem:s0+$0xFFFF8F80] =	vst v9;
	v11 =	vld.idx.msk [tilespmem:v13+s19+$0x0], $0xffff;
	(pc) =	sbr.rel @!p0 .LBB2_16-.Ltmp10, $4  }
0x1f7: {  	[tilespmem:s13+$0xFFFF6F00] =	vst v14;
	v15 =	vld.idx.msk [tilespmem:v15+s19+$0x0], $0xffff  }
0x1f8: {  	s31 =	simm.s32 $0x189F;
	[tilespmem:s25+$0xFFFF4E80] =	vst v16;
	v19 =	vld.idx.msk [tilespmem:v17+s19+$0x0], $0xffff  }
0x1f9: {  	s22 =	simm.s32 $0x1B;
	s24 =	simm.s32 $0x419;
	s28 =	simm.s32 $0x856;
	[tilespmem:s23+$0xFFFF2000] =	vst v18;
	v26 =	vld.idx.msk [tilespmem:v20+s19+$0x0], $0xffff  }
0x1fa: {  	p5 =	por $0x1, $0x1;
	s7 =	simm.s32 $0x1450;
	s8 =	simm.s32 $0xC54;
	v13 =	vadd.s32 s22, v4;
	v17 =	vadd.s32 s24, v4;
	v20 =	vadd.s32 s28, v4;
	v25 =	vld.idx.msk [tilespmem:v21+s19+$0x0], $0xffff  }
0x1fb: {  	_ =	sdelay $0x1  }
0x1fc: {  	v8 =	vadd.s32 s7, v4;
	s2 =	simm.s32 $0x1052;
	v9 =	vadd.s32 s8, v4  }
0x1fd: {  	[tilespmem:s5+$0xFFFFBE80] =	vst v11;
	v8 =	vand.u32 $0x3FF8, v8;
	v14 =	vadd.s32 s2, v4  }
0x1fe: {  	s15 =	simm.s32 $0x2B;
	[tilespmem:s0+$0xFFFF9000] =	vst v15;
	v16 =	vld.idx.msk [tilespmem:v13+s19+$0x0], $0xffff;
	v8 =	vor.u32 v5, v8  }
0x1ff: {  	s4 =	simm.s32 $0x429;
	v21 =	vadd.s32 s15, v4;
	[tilespmem:s13+$0xFFFF6F80] =	vst v19;
	v18 =	vld.idx.msk [tilespmem:v17+s19+$0x0], $0xffff  }
0x200: {  	s16 =	simm.s32 $0x827;
	v23 =	vadd.s32 s4, v4;
	[tilespmem:s25+$0xFFFF4F00] =	vst v26;
	v22 =	vld.idx.msk [tilespmem:v20+s19+$0x0], $0xffff  }
0x201: {  	s17 =	simm.s32 $0x1460;
	s6 =	simm.s32 $0xC64;
	v24 =	vadd.s32 s16, v4;
	[tilespmem:s23+$0xFFFF2E80] =	vst v25;
	v9 =	vld.idx.msk [tilespmem:v9+s19+$0x0], $0xffff  }
0x202: {  	s18 =	simm.s32 $0x1062;
	v26 =	vadd.s32 s6, v4;
	v25 =	vadd.s32 s17, v4;
	v14 =	vld.idx.msk [tilespmem:v14+s19+$0x0], $0xffff  }
0x203: {  	v27 =	vadd.s32 s18, v4;
	v25 =	vand.u32 $0x7FF8, v25;
	[tilespmem:s5+$0xFFFFBF00] =	vst v16;
	v8 =	vld.idx.msk [tilespmem:v8+s19+$0x0], $0xffff  }
0x204: {  	s20 =	simm.s32 $0x3B;
	v16 =	vor.u32 v5, v25;
	[tilespmem:s0+$0xFFFF9E80] =	vst v18;
	v18 =	vld.idx.msk [tilespmem:v21+s19+$0x0], $0xffff  }
0x205: {  	s21 =	simm.s32 $0x439;
	[tilespmem:s13+$0xFFFF7000] =	vst v22;
	v21 =	vld.idx.msk [tilespmem:v23+s19+$0x0], $0xffff;
	v22 =	vadd.s32 s20, v4  }
0x206: {  	s22 =	simm.s32 $0x837;
	v23 =	vadd.s32 s21, v4;
	[tilespmem:s25+$0xFFFF4F80] =	vst v9;
	v9 =	vld.idx.msk [tilespmem:v24+s19+$0x0], $0xffff  }
0x207: {  	s24 =	simm.s32 $0x1470;
	s28 =	simm.s32 $0xC35;
	s2 =	sadd.s32 $0x10, s23;
	v24 =	vadd.s32 s22, v4;
	[tilespmem:s23+$0xFFFF2F00] =	vst v14;
	v14 =	vld.idx.msk [tilespmem:v26+s19+$0x0], $0xffff  }
0x208: {  	s8 =	simm.s32 $0x1072;
	v25 =	vadd.s32 s24, v4;
	v26 =	vadd.s32 s28, v4;
	[tilespmem:s2+$0xFFFF0E80] =	vst v8;
	v8 =	vld.idx.msk [tilespmem:v27+s19+$0x0], $0xffff  }
0x209: {  	v25 =	vand.u32 $0x7FF8, v25;
	v27 =	vadd.s32 s8, v4;
	[tilespmem:s5+$0xFFFFBF80] =	vst v18;
	v16 =	vld.idx.msk [tilespmem:v16+s19+$0x0], $0xffff  }
0x20a: {  	s9 =	simm.s32 $0xC;
	v18 =	vor.u32 v5, v25;
	[tilespmem:s0+$0xFFFF9F00] =	vst v21;
	v21 =	vld.idx.msk [tilespmem:v22+s19+$0x0], $0xffff  }
0x20b: {  	s11 =	simm.s32 $0x449;
	v22 =	vadd.s32 s9, v4;
	[tilespmem:s13+$0xFFFF7E80] =	vst v9;
	v9 =	vld.idx.msk [tilespmem:v23+s19+$0x0], $0xffff  }
0x20c: {  	s12 =	simm.s32 $0x847;
	v23 =	vadd.s32 s11, v4;
	[tilespmem:s25+$0xFFFF5000] =	vst v14;
	v14 =	vld.idx.msk [tilespmem:v24+s19+$0x0], $0xffff  }
0x20d: {  	s15 =	simm.s32 $0x1480;
	s16 =	simm.s32 $0xC45;
	v24 =	vadd.s32 s12, v4;
	[tilespmem:s23+$0xFFFF2F80] =	vst v8;
	v8 =	vld.idx.msk [tilespmem:v26+s19+$0x0], $0xffff  }
0x20e: {  	s17 =	simm.s32 $0x1043;
	v25 =	vadd.s32 s15, v4;
	v26 =	vadd.s32 s16, v4;
	[tilespmem:s2+$0xFFFF0F00] =	vst v16;
	v16 =	vld.idx.msk [tilespmem:v27+s19+$0x0], $0xffff  }
0x20f: {  	v25 =	vand.u32 $0x7FF8, v25;
	v27 =	vadd.s32 s17, v4;
	[tilespmem:s5+$0xFFFFC000] =	vst v21;
	v18 =	vld.idx.msk [tilespmem:v18+s19+$0x0], $0xffff  }
0x210: {  	s18 =	simm.s32 $0x1C;
	v21 =	vor.u32 v5, v25;
	[tilespmem:s0+$0xFFFF9F80] =	vst v9;
	v9 =	vld.idx.msk [tilespmem:v22+s19+$0x0], $0xffff  }
0x211: {  	s20 =	simm.s32 $0x41A;
	v22 =	vadd.s32 s18, v4;
	[tilespmem:s13+$0xFFFF7F00] =	vst v14;
	v14 =	vld.idx.msk [tilespmem:v23+s19+$0x0], $0xffff  }
0x212: {  	s21 =	simm.s32 $0x857;
	v23 =	vadd.s32 s20, v4;
	[tilespmem:s25+$0xFFFF5E80] =	vst v8;
	v8 =	vld.idx.msk [tilespmem:v24+s19+$0x0], $0xffff  }
0x213: {  	s22 =	simm.s32 $0xC55;
	v24 =	vadd.s32 s21, v4;
	[tilespmem:s23+$0xFFFF3000] =	vst v16;
	v16 =	vld.idx.msk [tilespmem:v26+s19+$0x0], $0xffff  }
0x214: {  	s24 =	simm.s32 $0x1053;
	v25 =	vadd.s32 s22, v4;
	[tilespmem:s2+$0xFFFF0F80] =	vst v18;
	v18 =	vld.idx.msk [tilespmem:v27+s19+$0x0], $0xffff  }
0x215: {  	s28 =	simm.s32 $0x1451;
	v26 =	vadd.s32 s24, v4;
	v21 =	vld.idx.msk [tilespmem:v21+s19+$0x0], $0xffff;
	[tilespmem:s5+$0xFFFFCE80] =	vst v9  }
0x216: {  	s7 =	simm.s32 $0x828;
	s8 =	simm.s32 $0x2C;
	v9 =	vadd.s32 s28, v4;
	[tilespmem:s0+$0xFFFFA000] =	vst v14;
	v14 =	vld.idx.msk [tilespmem:v22+s19+$0x0], $0xffff  }
0x217: {  	s9 =	simm.s32 $0x42A;
	v22 =	vadd.s32 s7, v4;
	[tilespmem:s13+$0xFFFF7F80] =	vst v8;
	v8 =	vld.idx.msk [tilespmem:v23+s19+$0x0], $0xffff;
	v23 =	vadd.s32 s8, v4  }
0x218: {  	v22 =	vand.u32 $0x3FF8, v22;
	[tilespmem:s25+$0xFFFF5F00] =	vst v16;
	v16 =	vld.idx.msk [tilespmem:v24+s19+$0x0], $0xffff;
	v24 =	vadd.s32 s9, v4  }
0x219: {  	s11 =	simm.s32 $0xC65;
	v22 =	vor.u32 v5, v22;
	[tilespmem:s23+$0xFFFF3E80] =	vst v18;
	v18 =	vld.idx.msk [tilespmem:v25+s19+$0x0], $0xffff  }
0x21a: {  	s12 =	simm.s32 $0x1063;
	v25 =	vadd.s32 s11, v4;
	[tilespmem:s2+$0xFFFF1000] =	vst v21;
	v21 =	vld.idx.msk [tilespmem:v26+s19+$0x0], $0xffff  }
0x21b: {  	s15 =	simm.s32 $0x1461;
	v26 =	vadd.s32 s12, v4;
	v9 =	vld.idx.msk [tilespmem:v9+s19+$0x0], $0xffff;
	[tilespmem:s5+$0xFFFFCF00] =	vst v14  }
0x21c: {  	s16 =	simm.s32 $0x838;
	s17 =	simm.s32 $0x3C;
	v14 =	vadd.s32 s15, v4;
	[tilespmem:s0+$0xFFFFAE80] =	vst v8;
	v8 =	vld.idx.msk [tilespmem:v23+s19+$0x0], $0xffff  }
0x21d: {  	s18 =	simm.s32 $0x43A;
	v23 =	vadd.s32 s16, v4;
	[tilespmem:s13+$0xFFFF8000] =	vst v16;
	v16 =	vld.idx.msk [tilespmem:v24+s19+$0x0], $0xffff;
	v24 =	vadd.s32 s17, v4  }
0x21e: {  	[tilespmem:s25+$0xFFFF5F80] =	vst v18;
	v18 =	vld.idx.msk [tilespmem:v22+s19+$0x0], $0xffff;
	v22 =	vand.u32 $0x7FF8, v23;
	v23 =	vadd.s32 s18, v4  }
0x21f: {  	s20 =	simm.s32 $0xC36;
	[tilespmem:s23+$0xFFFF3F00] =	vst v21;
	v21 =	vld.idx.msk [tilespmem:v25+s19+$0x0], $0xffff;
	v22 =	vor.u32 v5, v22  }
0x220: {  	s21 =	simm.s32 $0x1073;
	v25 =	vadd.s32 s20, v4;
	[tilespmem:s2+$0xFFFF1E80] =	vst v9;
	v9 =	vld.idx.msk [tilespmem:v26+s19+$0x0], $0xffff  }
0x221: {  	s22 =	simm.s32 $0x1471;
	v26 =	vadd.s32 s21, v4;
	v14 =	vld.idx.msk [tilespmem:v14+s19+$0x0], $0xffff;
	[tilespmem:s5+$0xFFFFCF80] =	vst v8  }
0x222: {  	s24 =	simm.s32 $0x848;
	s28 =	simm.s32 $0xD;
	v8 =	vadd.s32 s22, v4;
	[tilespmem:s0+$0xFFFFAF00] =	vst v16;
	v16 =	vld.idx.msk [tilespmem:v24+s19+$0x0], $0xffff  }
0x223: {  	s7 =	simm.s32 $0x44A;
	v24 =	vadd.s32 s28, v4;
	[tilespmem:s13+$0xFFFF8E80] =	vst v18;
	v18 =	vld.idx.msk [tilespmem:v23+s19+$0x0], $0xffff;
	v23 =	vadd.s32 s24, v4  }
0x224: {  	[tilespmem:s25+$0xFFFF6000] =	vst v21;
	v21 =	vld.idx.msk [tilespmem:v22+s19+$0x0], $0xffff;
	v22 =	vand.u32 $0x7FF8, v23;
	v23 =	vadd.s32 s7, v4  }
0x225: {  	s8 =	simm.s32 $0xC46;
	[tilespmem:s23+$0xFFFF3F80] =	vst v9;
	v9 =	vld.idx.msk [tilespmem:v25+s19+$0x0], $0xffff;
	v22 =	vor.u32 v5, v22  }
0x226: {  	s9 =	simm.s32 $0x1044;
	v25 =	vadd.s32 s8, v4;
	[tilespmem:s2+$0xFFFF1F00] =	vst v14;
	v14 =	vld.idx.msk [tilespmem:v26+s19+$0x0], $0xffff  }
0x227: {  	s11 =	simm.s32 $0x1481;
	v26 =	vadd.s32 s9, v4;
	v8 =	vld.idx.msk [tilespmem:v8+s19+$0x0], $0xffff;
	[tilespmem:s5+$0xFFFFD000] =	vst v16  }
0x228: {  	s12 =	simm.s32 $0x858;
	s15 =	simm.s32 $0x1D;
	v16 =	vadd.s32 s11, v4;
	[tilespmem:s0+$0xFFFFAF80] =	vst v18;
	v18 =	vld.idx.msk [tilespmem:v24+s19+$0x0], $0xffff  }
0x229: {  	s16 =	simm.s32 $0x41B;
	v24 =	vadd.s32 s15, v4;
	[tilespmem:s13+$0xFFFF8F00] =	vst v21;
	v21 =	vld.idx.msk [tilespmem:v23+s19+$0x0], $0xffff;
	v23 =	vadd.s32 s12, v4  }
0x22a: {  	[tilespmem:s25+$0xFFFF6E80] =	vst v9;
	v9 =	vld.idx.msk [tilespmem:v22+s19+$0x0], $0xffff;
	v22 =	vand.u32 $0x7FF8, v23;
	v23 =	vadd.s32 s16, v4  }
0x22b: {  	s17 =	simm.s32 $0xC56;
	[tilespmem:s23+$0xFFFF4000] =	vst v14;
	v25 =	vld.idx.msk [tilespmem:v25+s19+$0x0], $0xffff;
	v22 =	vor.u32 v5, v22  }
0x22c: {  	s18 =	simm.s32 $0x1054;
	v27 =	vadd.s32 s17, v4;
	[tilespmem:s2+$0xFFFF1F80] =	vst v8;
	v26 =	vld.idx.msk [tilespmem:v26+s19+$0x0], $0xffff  }
0x22d: {  	s20 =	simm.s32 $0x1452;
	v28 =	vadd.s32 s18, v4;
	v16 =	vld.idx.msk [tilespmem:v16+s19+$0x0], $0xffff;
	[tilespmem:s5+$0xFFFFDE80] =	vst v18  }
0x22e: {  	p0 =	por $0x1, $0x1;
	v29 =	vadd.s32 s20, v4;
	[tilespmem:s0+$0xFFFFB000] =	vst v21;
	v8 =	vld.idx.msk [tilespmem:v24+s19+$0x0], $0xffff  }
.Ltmp11:
0x22f: {  	p6 =	por $0x1, $0x1;
	[tilespmem:s13+$0xFFFF8F80] =	vst v9;
	v14 =	vld.idx.msk [tilespmem:v23+s19+$0x0], $0xffff;
	(pc) =	sbr.rel @!p0 .LBB2_18-.Ltmp11, $4  }
0x230: {  	s6 =	simm.s32 @!p6 $0x0;
	[tilespmem:s25+$0xFFFF6F00] =	vst v25;
	v18 =	vld.idx.msk [tilespmem:v22+s19+$0x0], $0xffff  }
0x231: {  	s4 =	simm.s32 $0x1064;
	s6 =	simm.s32 @p6 $0x1;
	s24 =	simm.s32 $0x829;
	[tilespmem:s23+$0xFFFF4E80] =	vst v26;
	v22 =	vld.idx.msk [tilespmem:v27+s19+$0x0], $0xffff  }
0x232: {  	s21 =	simm.s32 $0x2D;
	s22 =	simm.s32 $0x42B;
	s28 =	simm.s32 $0xC66;
	v21 =	vadd.s32 s24, v4;
	[tilespmem:s2+$0xFFFF2000] =	vst v16;
	v24 =	vld.idx.msk [tilespmem:v28+s19+$0x0], $0xffff  }
0x233: {  	s7 =	simm.s32 $0x1860;
	s12 =	simm.s32 $0x1CAF;
	v9 =	vadd.s32 s21, v4;
	v23 =	vadd.s32 s28, v4;
	v16 =	vadd.s32 s22, v4;
	v25 =	vld.idx.msk [tilespmem:v29+s19+$0x0], $0xffff;
	[smem:$0x7FB] =	sst s6  }
0x234: {  	_ =	sdelay $0x2  }
0x235: {  	v26 =	vadd.s32 s7, v4;
	s6 =	simm.s32 $0x1462;
	v27 =	vadd.s32 s4, v4;
	[tilespmem:s5+$0xFFFFDF00] =	vst v8  }
0x236: {  	[tilespmem:s0+$0xFFFFBE80] =	vst v14;
	v26 =	vand.u32 $0x3FF8, v26;
	v28 =	vadd.s32 s6, v4;
	v29 =	vld.idx.msk [tilespmem:v9+s19+$0x0], $0xffff  }
0x237: {  	s7 =	simm.s32 $0x3D;
	[tilespmem:s13+$0xFFFF9000] =	vst v18;
	v30 =	vld.idx.msk [tilespmem:v16+s19+$0x0], $0xffff;
	v26 =	vor.u32 v5, v26  }
0x238: {  	s8 =	simm.s32 $0x43B;
	v32 =	vadd.s32 s7, v4;
	[tilespmem:s25+$0xFFFF6F80] =	vst v22;
	v31 =	vld.idx.msk [tilespmem:v21+s19+$0x0], $0xffff  }
0x239: {  	s9 =	simm.s32 $0x839;
	v34 =	vadd.s32 s8, v4;
	[tilespmem:s23+$0xFFFF4F00] =	vst v24;
	v33 =	vld.idx.msk [tilespmem:v23+s19+$0x0], $0xffff  }
0x23a: {  	s11 =	simm.s32 $0xC37;
	[tilespmem:s2+$0xFFFF2E80] =	vst v25;
	v25 =	vld.idx.msk [tilespmem:v27+s19+$0x0], $0xffff;
	v27 =	vadd.s32 s9, v4  }
0x23b: {  	s15 =	simm.s32 $0x1870;
	s8 =	simm.s32 $0x1074;
	v35 =	vadd.s32 s11, v4;
	v28 =	vld.idx.msk [tilespmem:v28+s19+$0x0], $0xffff;
	[tilespmem:s5+$0xFFFFDF80] =	vst v29  }
0x23c: {  	s16 =	simm.s32 $0x1472;
	v36 =	vadd.s32 s15, v4;
	v37 =	vadd.s32 s8, v4;
	[tilespmem:s0+$0xFFFFBF00] =	vst v30;
	v26 =	vld.idx.msk [tilespmem:v26+s19+$0x0], $0xffff  }
0x23d: {  	v45 =	vadd.s32 s16, v4;
	v29 =	vand.u32 $0x7FF8, v36;
	v30 =	vld.idx.msk [tilespmem:v32+s19+$0x0], $0xffff;
	[tilespmem:s13+$0xFFFF9E80] =	vst v31  }
0x23e: {  	s17 =	simm.s32 $0xE;
	v29 =	vor.u32 v5, v29;
	v31 =	vld.idx.msk [tilespmem:v34+s19+$0x0], $0xffff;
	[tilespmem:s25+$0xFFFF7000] =	vst v33  }
0x23f: {  	s18 =	simm.s32 $0x44B;
	v46 =	vadd.s32 s17, v4;
	v27 =	vld.idx.msk [tilespmem:v27+s19+$0x0], $0xffff;
	[tilespmem:s23+$0xFFFF4F80] =	vst v25  }
0x240: {  	s20 =	simm.s32 $0x849;
	s28 =	sadd.s32 $0x10, s2;
	v47 =	vadd.s32 s18, v4;
	v25 =	vld.idx.msk [tilespmem:v35+s19+$0x0], $0xffff;
	[tilespmem:s2+$0xFFFF2F00] =	vst v28  }
0x241: {  	s21 =	simm.s32 $0xC47;
	v48 =	vadd.s32 s20, v4;
	v28 =	vld.idx.msk [tilespmem:v37+s19+$0x0], $0xffff;
	[tilespmem:s28+$0xFFFF0E80] =	vst v26  }
0x242: {  	s22 =	simm.s32 $0x1880;
	s24 =	simm.s32 $0x1045;
	v49 =	vadd.s32 s21, v4;
	v26 =	vld.idx.msk [tilespmem:v45+s19+$0x0], $0xffff;
	[tilespmem:s5+$0xFFFFE000] =	vst v30  }
0x243: {  	v50 =	vadd.s32 s22, v4;
	v51 =	vadd.s32 s24, v4;
	s9 =	simm.s32 $0x1482;
	[tilespmem:s0+$0xFFFFBF80] =	vst v31;
	v29 =	vld.idx.msk [tilespmem:v29+s19+$0x0], $0xffff  }
0x244: {  	v52 =	vadd.s32 s9, v4;
	v30 =	vand.u32 $0x7FF8, v50;
	v31 =	vld.idx.msk [tilespmem:v46+s19+$0x0], $0xffff;
	[tilespmem:s13+$0xFFFF9F00] =	vst v27  }
0x245: {  	s11 =	simm.s32 $0x1E;
	v30 =	vor.u32 v5, v30;
	v27 =	vld.idx.msk [tilespmem:v47+s19+$0x0], $0xffff;
	[tilespmem:s25+$0xFFFF7E80] =	vst v25  }
0x246: {  	s15 =	simm.s32 $0x41C;
	v53 =	vadd.s32 s11, v4;
	v25 =	vld.idx.msk [tilespmem:v48+s19+$0x0], $0xffff;
	[tilespmem:s23+$0xFFFF5000] =	vst v28  }
0x247: {  	s16 =	simm.s32 $0x859;
	v54 =	vadd.s32 s15, v4;
	v28 =	vld.idx.msk [tilespmem:v49+s19+$0x0], $0xffff;
	[tilespmem:s2+$0xFFFF2F80] =	vst v26  }
0x248: {  	s17 =	simm.s32 $0xC57;
	v55 =	vadd.s32 s16, v4;
	v26 =	vld.idx.msk [tilespmem:v51+s19+$0x0], $0xffff;
	[tilespmem:s28+$0xFFFF0F00] =	vst v29  }
0x249: {  	s18 =	simm.s32 $0x1890;
	s20 =	simm.s32 $0x1055;
	v56 =	vadd.s32 s17, v4;
	v29 =	vld.idx.msk [tilespmem:v52+s19+$0x0], $0xffff;
	[tilespmem:s5+$0xFFFFEE80] =	vst v31  }
0x24a: {  	s21 =	simm.s32 $0x1453;
	v57 =	vadd.s32 s18, v4;
	v58 =	vadd.s32 s20, v4;
	v30 =	vld.idx.msk [tilespmem:v30+s19+$0x0], $0xffff;
	[tilespmem:s0+$0xFFFFC000] =	vst v27  }
0x24b: {  	v59 =	vadd.s32 s21, v4;
	v31 =	vand.u32 $0x7FF8, v57;
	v27 =	vld.idx.msk [tilespmem:v53+s19+$0x0], $0xffff;
	[tilespmem:s13+$0xFFFF9F80] =	vst v25  }
0x24c: {  	s22 =	simm.s32 $0x2E;
	v31 =	vor.u32 v5, v31;
	v25 =	vld.idx.msk [tilespmem:v54+s19+$0x0], $0xffff;
	[tilespmem:s25+$0xFFFF7F00] =	vst v28  }
0x24d: {  	s24 =	simm.s32 $0x42C;
	v60 =	vadd.s32 s22, v4;
	v28 =	vld.idx.msk [tilespmem:v55+s19+$0x0], $0xffff;
	[tilespmem:s23+$0xFFFF5E80] =	vst v26  }
0x24e: {  	s8 =	simm.s32 $0x82A;
	v61 =	vadd.s32 s24, v4;
	v26 =	vld.idx.msk [tilespmem:v56+s19+$0x0], $0xffff;
	[tilespmem:s2+$0xFFFF3000] =	vst v29  }
0x24f: {  	v62 =	vadd.s32 s8, v4;
	s9 =	simm.s32 $0xC67;
	v29 =	vld.idx.msk [tilespmem:v58+s19+$0x0], $0xffff;
	[tilespmem:s28+$0xFFFF0F80] =	vst v30  }
0x250: {  	s11 =	simm.s32 $0x1065;
	v63 =	vadd.s32 s9, v4;
	v30 =	vld.idx.msk [tilespmem:v59+s19+$0x0], $0xffff;
	[tilespmem:s5+$0xFFFFEF00] =	vst v27  }
0x251: {  	s15 =	simm.s32 $0x1463;
	v40 =	vadd.s32 s11, v4;
	v31 =	vld.idx.msk [tilespmem:v31+s19+$0x0], $0xffff;
	[tilespmem:s0+$0xFFFFCE80] =	vst v25  }
0x252: {  	s16 =	simm.s32 $0x1861;
	v27 =	vadd.s32 s15, v4;
	v25 =	vld.idx.msk [tilespmem:v60+s19+$0x0], $0xffff;
	[tilespmem:s13+$0xFFFFA000] =	vst v28  }
0x253: {  	s17 =	simm.s32 $0x3E;
	v41 =	vadd.s32 s16, v4;
	v28 =	vld.idx.msk [tilespmem:v61+s19+$0x0], $0xffff;
	[tilespmem:s25+$0xFFFF7F80] =	vst v26  }
0x254: {  	s18 =	simm.s32 $0xC38;
	s20 =	simm.s32 $0x43C;
	v42 =	vadd.s32 s17, v4;
	v26 =	vld.idx.msk [tilespmem:v62+s19+$0x0], $0xffff;
	[tilespmem:s23+$0xFFFF5F00] =	vst v29  }
0x255: {  	s21 =	simm.s32 $0x83A;
	v43 =	vadd.s32 s18, v4;
	v44 =	vadd.s32 s20, v4;
	v29 =	vld.idx.msk [tilespmem:v63+s19+$0x0], $0xffff;
	[tilespmem:s2+$0xFFFF3E80] =	vst v30  }
0x256: {  	v34 =	vand.u32 $0x3FF8, v43;
	v45 =	vadd.s32 s21, v4;
	v30 =	vld.idx.msk [tilespmem:v40+s19+$0x0], $0xffff;
	[tilespmem:s28+$0xFFFF1000] =	vst v31  }
0x257: {  	s22 =	simm.s32 $0x1075;
	v27 =	vld.idx.msk [tilespmem:v27+s19+$0x0], $0xffff;
	v31 =	vor.u32 v5, v34;
	[tilespmem:s5+$0xFFFFEF80] =	vst v25  }
0x258: {  	s24 =	simm.s32 $0x1473;
	v46 =	vadd.s32 s22, v4;
	v32 =	vld.idx.msk [tilespmem:v41+s19+$0x0], $0xffff;
	[tilespmem:s0+$0xFFFFCF00] =	vst v28  }
0x259: {  	s8 =	simm.s32 $0x1871;
	v25 =	vadd.s32 s24, v4;
	v28 =	vld.idx.msk [tilespmem:v42+s19+$0x0], $0xffff;
	[tilespmem:s13+$0xFFFFAE80] =	vst v26  }
0x25a: {  	s9 =	simm.s32 $0xF;
	v47 =	vadd.s32 s8, v4;
	v26 =	vld.idx.msk [tilespmem:v44+s19+$0x0], $0xffff;
	[tilespmem:s25+$0xFFFF8000] =	vst v29  }
0x25b: {  	v48 =	vadd.s32 s9, v4;
	s15 =	simm.s32 $0x44C;
	v29 =	vld.idx.msk [tilespmem:v45+s19+$0x0], $0xffff;
	[tilespmem:s23+$0xFFFF5F80] =	vst v30  }
0x25c: {  	s11 =	simm.s32 $0xC48;
	s16 =	simm.s32 $0x84A;
	v49 =	vadd.s32 s15, v4;
	v30 =	vld.idx.msk [tilespmem:v31+s19+$0x0], $0xffff;
	[tilespmem:s2+$0xFFFF3F00] =	vst v27  }
0x25d: {  	s17 =	simm.s32 $0x1046;
	v50 =	vadd.s32 s16, v4;
	v31 =	vadd.s32 s11, v4;
	v27 =	vld.idx.msk [tilespmem:v46+s19+$0x0], $0xffff;
	[tilespmem:s28+$0xFFFF1E80] =	vst v32  }
0x25e: {  	v51 =	vadd.s32 s17, v4;
	v31 =	vand.u32 $0x7FF8, v31;
	v25 =	vld.idx.msk [tilespmem:v25+s19+$0x0], $0xffff;
	[tilespmem:s5+$0xFFFFF000] =	vst v28  }
0x25f: {  	s18 =	simm.s32 $0x1483;
	v31 =	vor.u32 v5, v31;
	v32 =	vld.idx.msk [tilespmem:v47+s19+$0x0], $0xffff;
	[tilespmem:s0+$0xFFFFCF80] =	vst v26  }
0x260: {  	s20 =	simm.s32 $0x1881;
	v28 =	vadd.s32 s18, v4;
	v26 =	vld.idx.msk [tilespmem:v48+s19+$0x0], $0xffff;
	[tilespmem:s13+$0xFFFFAF00] =	vst v29  }
0x261: {  	s21 =	simm.s32 $0x1F;
	v52 =	vadd.s32 s20, v4;
	v29 =	vld.idx.msk [tilespmem:v49+s19+$0x0], $0xffff;
	[tilespmem:s25+$0xFFFF8E80] =	vst v30  }
0x262: {  	v53 =	vadd.s32 s21, v4;
	s24 =	simm.s32 $0x41D;
	v30 =	vld.idx.msk [tilespmem:v50+s19+$0x0], $0xffff;
	[tilespmem:s23+$0xFFFF6000] =	vst v27  }
0x263: {  	s7 =	simm.s32 $0x85A;
	v54 =	vadd.s32 s24, v4;
	[tilespmem:s2+$0xFFFF3F80] =	vst v25;
	v25 =	vld.idx.msk [tilespmem:v51+s19+$0x0], $0xffff  }
0x264: {  	s22 =	simm.s32 $0xC58;
	s8 =	simm.s32 $0x1056;
	v55 =	vadd.s32 s7, v4;
	v27 =	vld.idx.msk [tilespmem:v31+s19+$0x0], $0xffff;
	[tilespmem:s28+$0xFFFF1F00] =	vst v32  }
0x265: {  	s9 =	simm.s32 $0x1454;
	v56 =	vadd.s32 s8, v4;
	v31 =	vadd.s32 s22, v4;
	v28 =	vld.idx.msk [tilespmem:v28+s19+$0x0], $0xffff;
	[tilespmem:s5+$0xFFFFFE80] =	vst v26  }
0x266: {  	v31 =	vand.u32 $0x7FF8, v31;
	v32 =	vld.idx.msk [tilespmem:v52+s19+$0x0], $0xffff;
	v26 =	vadd.s32 s9, v4;
	[tilespmem:s0+$0xFFFFD000] =	vst v29  }
0x267: {  	v31 =	vor.u32 v5, v31;
	v29 =	vld.idx.msk [tilespmem:v53+s19+$0x0], $0xffff;
	[tilespmem:s13+$0xFFFFAF80] =	vst v30  }
0x268: {  	s11 =	simm.s32 $0x1891;
	v30 =	vld.idx.msk [tilespmem:v54+s19+$0x0], $0xffff;
	[tilespmem:s23+$0xFFFF6E80] =	vst v25  }
0x269: {  	s15 =	simm.s32 $0x2F;
	v57 =	vadd.s32 s11, v4;
	[tilespmem:s25+$0xFFFF8F00] =	vst v27;
	v27 =	vld.idx.msk [tilespmem:v55+s19+$0x0], $0xffff  }
0x26a: {  	s17 =	simm.s32 $0x42D;
	v58 =	vadd.s32 s15, v4;
	[tilespmem:s2+$0xFFFF4000] =	vst v28;
	v28 =	vld.idx.msk [tilespmem:v56+s19+$0x0], $0xffff  }
0x26b: {  	s16 =	simm.s32 $0xC68;
	v59 =	vadd.s32 s17, v4;
	s18 =	simm.s32 $0x82B;
	v26 =	vld.idx.msk [tilespmem:v26+s19+$0x0], $0xffff  }
0x26c: {  	s20 =	simm.s32 $0x1066;
	v60 =	vadd.s32 s18, v4;
	[tilespmem:s28+$0xFFFF1F80] =	vst v32;
	v25 =	vld.idx.msk [tilespmem:v31+s19+$0x0], $0xffff;
	v31 =	vadd.s32 s16, v4  }
0x26d: {  	v62 =	vadd.s32 s20, v4;
	[tilespmem:s5+$0xFFFFFF00] =	vst v29;
	v31 =	vand.u32 $0x7FF8, v31  }
0x26e: {  	p0 =	por $0x0, $0x0;
	p6 =	por $0x1, $0x1;
	s21 =	simm.s32 $0x1464;
	v61 =	vld.idx.msk [tilespmem:v57+s19+$0x0], $0xffff;
	[tilespmem:s0+$0xFFFFDE80] =	vst v30;
	v31 =	vor.u32 v5, v31  }
0x26f: {  	s6 =	simm.s32 $0x20BF;
	v38 =	vadd.s32 s21, v4;
	s21 =	smov.u32 s13;
	s22 =	simm.s32 $0x1862;
	v39 =	vld.idx.msk [tilespmem:v58+s19+$0x0], $0xffff;
	[tilespmem:s13+$0xFFFFB000] =	vst v27  }
0x270: {  	s7 =	simm.s32 $0x1C70;
	s8 =	simm.s32 $0x1474;
	s15 =	simm.s32 $0x1076;
	v63 =	vadd.s32 s22, v4;
	v27 =	vld.idx.msk [tilespmem:v59+s19+$0x0], $0xffff;
	[tilespmem:s23+$0xFFFF6F00] =	vst v28  }
.Ltmp12:
0x271: {  	v33 =	vadd.s32 s15, v4;
	s24 =	simm.s32 $0x43D;
	s9 =	simm.s32 $0x83B;
	v30 =	vadd.s32 s29, v4;
	v29 =	vld.idx.msk [tilespmem:v60+s19+$0x0], $0xffff;
	[tilespmem:s2+$0xFFFF4E80] =	vst v26;
	(pc) =	sbr.rel @!p0 .LBB2_20-.Ltmp12, $4  }
0x272: {  	s17 =	smov.u32 s23;
	s15 =	simm.s32 $0x85F;
	v34 =	vadd.s32 s9, v4;
	s9 =	simm.s32 @!p6 $0x0;
	v32 =	vadd.s32 s24, v4;
	v28 =	vld.idx.msk [tilespmem:v62+s19+$0x0], $0xffff;
	[tilespmem:s25+$0xFFFF8F80] =	vst v25  }
0x273: {  	s20 =	simm.s32 $0xC6F;
	s11 =	simm.s32 $0xC39;
	s9 =	simm.s32 @p6 $0x1;
	[tilespmem:s28+$0xFFFF2000] =	vst v61;
	v31 =	vld.idx.msk [tilespmem:v31+s19+$0x0], $0xffff  }
0x274: {  	v35 =	vadd.s32 s11, v4;
	s11 =	smov.u32 s0;
	s22 =	smov.u32 s25;
	v26 =	vld.idx.msk [tilespmem:v38+s19+$0x0], $0xffff;
	[smem:$0x7FC] =	sst s9  }
0x275: {  	s24 =	smov.u32 s5;
	s16 =	simm.s32 $0x44F;
	s9 =	simm.s32 $0x107F;
	v25 =	vld.idx.msk [tilespmem:v63+s19+$0x0], $0xffff;
	[tilespmem:s5+$0xFFFFFF80] =	vst v39  }
.LBB2_21:
0x276: {  	p0 =	sne.s32 s6, $0x1CAF;
	v36 =	vadd.s32 s7, v4;
	s7 =	sadd.s32 $0xFFFFFFD3, s31;
	v37 =	vadd.s32 s8, v4;
	[tilespmem:s11+$0xFFFFDF00] =	vst v27;
	v27 =	vld.idx.msk [tilespmem:v30+s19+$0x0], $0xffff  }
0x277: {  	v30 =	vand.u32 $0x3FF8, v36;
	v36 =	vadd.s32 s7, v4;
	[tilespmem:s21+$0xFFFFBE80] =	vst v29;
	v29 =	vld.idx.msk [tilespmem:v32+s19+$0x0], $0xffff  }
0x278: {  	s7 =	sadd.s32 $0xFFFFFFFE, s16;
	v30 =	vor.u32 v5, v30;
	[tilespmem:s22+$0xFFFF9000] =	vst v31;
	v31 =	vld.idx.msk [tilespmem:v34+s19+$0x0], $0xffff  }
0x279: {  	s8 =	sadd.s32 $0xFFFFFFEC, s15;
	v32 =	vadd.s32 s7, v4;
	[tilespmem:s17+$0xFFFF6F80] =	vst v28;
	v28 =	vld.idx.msk [tilespmem:v35+s19+$0x0], $0xffff  }
0x27a: {  	s7 =	sadd.s32 $0xFFFFFFDA, s20;
	[tilespmem:s2+$0xFFFF4F00] =	vst v26;
	v26 =	vld.idx.msk [tilespmem:v33+s19+$0x0], $0xffff;
	v33 =	vadd.s32 s8, v4  }
0x27b: {  	v34 =	vadd.s32 s7, v4;
	s8 =	sadd.s32 $0xFFFFFFC8, s9;
	[tilespmem:s28+$0xFFFF2E80] =	vst v25;
	v25 =	vld.idx.msk [tilespmem:v37+s19+$0x0], $0xffff  }
0x27c: {  	s18 =	sadd.s32 $0xFFFFFFF5, s14;
	s7 =	sadd.s32 $0xFFFFFFD1, s12;
	v35 =	vld.idx.msk [tilespmem:v36+s19+$0x0], $0xffff;
	v36 =	vadd.s32 s8, v4;
	[tilespmem:s24+$0x0] =	vst v27;
	s24 =	smov.u32 s11  }
0x27d: {  	v37 =	vadd.s32 s18, v4;
	s11 =	smov.u32 s21;
	s21 =	smov.u32 s22;
	v27 =	vld.idx.msk [tilespmem:v30+s19+$0x0], $0xffff;
	v30 =	vadd.s32 s7, v4;
	s7 =	sadd.s32 $0xFFFFFFE3, s31;
	[tilespmem:s24+$0xFFFFDF80] =	vst v29  }
0x27e: {  	s22 =	smov.u32 s17;
	s17 =	smov.u32 s2;
	s2 =	smov.u32 s28;
	v29 =	vand.u32 $0x7FF8, v30;
	v30 =	vadd.s32 s7, v4;
	[tilespmem:s11+$0xFFFFBF00] =	vst v31;
	v31 =	vld.idx.msk [tilespmem:v32+s19+$0x0], $0xffff  }
0x27f: {  	s7 =	sadd.s32 $0xFFFFFFCF, s16;
	v29 =	vor.u32 v5, v29;
	[tilespmem:s21+$0xFFFF9E80] =	vst v28;
	v28 =	vld.idx.msk [tilespmem:v33+s19+$0x0], $0xffff  }
0x280: {  	s8 =	sadd.s32 $0xFFFFFFFC, s15;
	v32 =	vadd.s32 s7, v4;
	[tilespmem:s22+$0xFFFF7000] =	vst v26;
	v26 =	vld.idx.msk [tilespmem:v34+s19+$0x0], $0xffff  }
0x281: {  	s7 =	sadd.s32 $0xFFFFFFEA, s20;
	v33 =	vadd.s32 s8, v4;
	[tilespmem:s17+$0xFFFF4F80] =	vst v25;
	v25 =	vld.idx.msk [tilespmem:v36+s19+$0x0], $0xffff  }
0x282: {  	s28 =	sadd.s32 $0x10, s28;
	s8 =	sadd.s32 $0xFFFFFFD8, s9;
	[tilespmem:s2+$0xFFFF2F00] =	vst v35;
	v34 =	vld.idx.msk [tilespmem:v37+s19+$0x0], $0xffff;
	v35 =	vadd.s32 s7, v4  }
0x283: {  	s18 =	sadd.s32 $0xFFFFFFC6, s14;
	s7 =	sadd.s32 $0xFFFFFFE1, s12;
	[tilespmem:s28+$0xFFFF0E80] =	vst v27;
	v27 =	vld.idx.msk [tilespmem:v30+s19+$0x0], $0xffff;
	v30 =	vadd.s32 s8, v4  }
0x284: {  	v37 =	vadd.s32 s18, v4;
	v36 =	vadd.s32 s7, v4;
	s7 =	sadd.s32 $0xFFFFFFF3, s31;
	v29 =	vld.idx.msk [tilespmem:v29+s19+$0x0], $0xffff;
	[tilespmem:s24+$0xFFFFE000] =	vst v31  }
0x285: {  	v31 =	vand.u32 $0x7FF8, v36;
	v36 =	vadd.s32 s7, v4;
	[tilespmem:s11+$0xFFFFBF80] =	vst v28;
	v28 =	vld.idx.msk [tilespmem:v32+s19+$0x0], $0xffff  }
0x286: {  	s7 =	sadd.s32 $0xFFFFFFDF, s16;
	v31 =	vor.u32 v5, v31;
	[tilespmem:s21+$0xFFFF9F00] =	vst v26;
	v26 =	vld.idx.msk [tilespmem:v33+s19+$0x0], $0xffff  }
0x287: {  	s8 =	sadd.s32 $0xFFFFFFCD, s15;
	v32 =	vadd.s32 s7, v4;
	[tilespmem:s22+$0xFFFF7E80] =	vst v25;
	v25 =	vld.idx.msk [tilespmem:v35+s19+$0x0], $0xffff  }
0x288: {  	s7 =	sadd.s32 $0xFFFFFFFA, s20;
	v33 =	vadd.s32 s8, v4;
	[tilespmem:s17+$0xFFFF5000] =	vst v34;
	v30 =	vld.idx.msk [tilespmem:v30+s19+$0x0], $0xffff  }
0x289: {  	s8 =	sadd.s32 $0xFFFFFFE8, s9;
	v34 =	vadd.s32 s7, v4;
	[tilespmem:s2+$0xFFFF2F80] =	vst v27;
	v27 =	vld.idx.msk [tilespmem:v37+s19+$0x0], $0xffff  }
0x28a: {  	s18 =	sadd.s32 $0xFFFFFFD6, s14;
	v35 =	vadd.s32 s8, v4;
	s7 =	sadd.s32 $0xFFFFFFF1, s12;
	[tilespmem:s28+$0xFFFF0F00] =	vst v29;
	v29 =	vld.idx.msk [tilespmem:v36+s19+$0x0], $0xffff  }
0x28b: {  	v37 =	vadd.s32 s18, v4;
	v36 =	vadd.s32 s7, v4;
	s7 =	sadd.s32 $0xFFFFFFC4, s31;
	v31 =	vld.idx.msk [tilespmem:v31+s19+$0x0], $0xffff;
	[tilespmem:s24+$0xFFFFEE80] =	vst v28  }
0x28c: {  	v28 =	vand.u32 $0x7FF8, v36;
	v36 =	vadd.s32 s7, v4;
	[tilespmem:s11+$0xFFFFC000] =	vst v26;
	v26 =	vld.idx.msk [tilespmem:v32+s19+$0x0], $0xffff  }
0x28d: {  	s7 =	sadd.s32 $0xFFFFFFEF, s16;
	v28 =	vor.u32 v5, v28;
	[tilespmem:s21+$0xFFFF9F80] =	vst v25;
	v25 =	vld.idx.msk [tilespmem:v33+s19+$0x0], $0xffff  }
0x28e: {  	s8 =	sadd.s32 $0xFFFFFFDD, s15;
	v32 =	vadd.s32 s7, v4;
	[tilespmem:s22+$0xFFFF7F00] =	vst v30;
	v30 =	vld.idx.msk [tilespmem:v34+s19+$0x0], $0xffff  }
0x28f: {  	s7 =	sadd.s32 $0xFFFFFFCB, s20;
	v33 =	vadd.s32 s8, v4;
	[tilespmem:s17+$0xFFFF5E80] =	vst v27;
	v27 =	vld.idx.msk [tilespmem:v35+s19+$0x0], $0xffff  }
0x290: {  	s8 =	sadd.s32 $0xFFFFFFF8, s9;
	v34 =	vadd.s32 s7, v4;
	[tilespmem:s2+$0xFFFF3000] =	vst v29;
	v29 =	vld.idx.msk [tilespmem:v37+s19+$0x0], $0xffff  }
0x291: {  	s7 =	sadd.s32 $0xFFFFFFE6, s14;
	v35 =	vadd.s32 s8, v4;
	[tilespmem:s28+$0xFFFF0F80] =	vst v31;
	v31 =	vld.idx.msk [tilespmem:v36+s19+$0x0], $0xffff  }
0x292: {  	s8 =	sadd.s32 $0xFFFFFFD4, s31;
	v36 =	vadd.s32 s7, v4;
	v28 =	vld.idx.msk [tilespmem:v28+s19+$0x0], $0xffff;
	[tilespmem:s24+$0xFFFFEF00] =	vst v26  }
0x293: {  	s7 =	sadd.s32 $0xFFFFFFC2, s12;
	v26 =	vadd.s32 s8, v4;
	[tilespmem:s11+$0xFFFFCE80] =	vst v25;
	v25 =	vld.idx.msk [tilespmem:v32+s19+$0x0], $0xffff  }
0x294: {  	v32 =	vadd.s32 s7, v4;
	s7 =	sadd.s32 $0xFFFFFFFF, s16;
	[tilespmem:s21+$0xFFFFA000] =	vst v30;
	v30 =	vld.idx.msk [tilespmem:v33+s19+$0x0], $0xffff  }
0x295: {  	s18 =	sadd.s32 $0xFFFFFFED, s15;
	s8 =	sadd.s32 $0xFFFFFFC9, s9;
	v33 =	vadd.s32 s7, v4;
	[tilespmem:s22+$0xFFFF7F80] =	vst v27;
	v27 =	vld.idx.msk [tilespmem:v34+s19+$0x0], $0xffff  }
0x296: {  	s7 =	sadd.s32 $0xFFFFFFDB, s20;
	v34 =	vadd.s32 s8, v4;
	[tilespmem:s17+$0xFFFF5F00] =	vst v29;
	v29 =	vld.idx.msk [tilespmem:v35+s19+$0x0], $0xffff;
	v35 =	vadd.s32 s18, v4  }
0x297: {  	v34 =	vand.u32 $0x3FF8, v34;
	[tilespmem:s2+$0xFFFF3E80] =	vst v31;
	v31 =	vld.idx.msk [tilespmem:v36+s19+$0x0], $0xffff;
	v36 =	vadd.s32 s7, v4  }
0x298: {  	s7 =	sadd.s32 $0xFFFFFFF6, s14;
	[tilespmem:s28+$0xFFFF1000] =	vst v28;
	v26 =	vld.idx.msk [tilespmem:v26+s19+$0x0], $0xffff;
	v28 =	vor.u32 v5, v34  }
0x299: {  	s8 =	sadd.s32 $0xFFFFFFE4, s31;
	v34 =	vadd.s32 s7, v4;
	v32 =	vld.idx.msk [tilespmem:v32+s19+$0x0], $0xffff;
	[tilespmem:s24+$0xFFFFEF80] =	vst v25  }
0x29a: {  	s7 =	sadd.s32 $0xFFFFFFD2, s12;
	v25 =	vadd.s32 s8, v4;
	[tilespmem:s11+$0xFFFFCF00] =	vst v30;
	v30 =	vld.idx.msk [tilespmem:v33+s19+$0x0], $0xffff  }
0x29b: {  	v33 =	vadd.s32 s7, v4;
	s7 =	sadd.s32 $0xFFFFFFD0, s16;
	[tilespmem:s21+$0xFFFFAE80] =	vst v27;
	v27 =	vld.idx.msk [tilespmem:v35+s19+$0x0], $0xffff  }
0x29c: {  	s18 =	sadd.s32 $0xFFFFFFFD, s15;
	s8 =	sadd.s32 $0xFFFFFFD9, s9;
	v35 =	vadd.s32 s7, v4;
	[tilespmem:s22+$0xFFFF8000] =	vst v29;
	v29 =	vld.idx.msk [tilespmem:v36+s19+$0x0], $0xffff  }
0x29d: {  	s7 =	sadd.s32 $0xFFFFFFEB, s20;
	v36 =	vadd.s32 s18, v4;
	[tilespmem:s17+$0xFFFF5F80] =	vst v31;
	v28 =	vld.idx.msk [tilespmem:v28+s19+$0x0], $0xffff;
	v31 =	vadd.s32 s8, v4  }
0x29e: {  	[tilespmem:s2+$0xFFFF3F00] =	vst v26;
	v26 =	vld.idx.msk [tilespmem:v34+s19+$0x0], $0xffff;
	v31 =	vand.u32 $0x7FF8, v31;
	v34 =	vadd.s32 s7, v4  }
0x29f: {  	s7 =	sadd.s32 $0xFFFFFFC7, s14;
	[tilespmem:s28+$0xFFFF1E80] =	vst v32;
	v25 =	vld.idx.msk [tilespmem:v25+s19+$0x0], $0xffff;
	v31 =	vor.u32 v5, v31  }
0x2a0: {  	s8 =	sadd.s32 $0xFFFFFFF4, s31;
	v32 =	vld.idx.msk [tilespmem:v33+s19+$0x0], $0xffff;
	v33 =	vadd.s32 s7, v4;
	[tilespmem:s24+$0xFFFFF000] =	vst v30  }
0x2a1: {  	s7 =	sadd.s32 $0xFFFFFFE2, s12;
	v30 =	vadd.s32 s8, v4;
	[tilespmem:s11+$0xFFFFCF80] =	vst v27;
	v27 =	vld.idx.msk [tilespmem:v35+s19+$0x0], $0xffff  }
0x2a2: {  	v35 =	vadd.s32 s7, v4;
	s7 =	sadd.s32 $0xFFFFFFE0, s16;
	[tilespmem:s21+$0xFFFFAF00] =	vst v29;
	v29 =	vld.idx.msk [tilespmem:v36+s19+$0x0], $0xffff  }
0x2a3: {  	s18 =	sadd.s32 $0xFFFFFFCE, s15;
	s8 =	sadd.s32 $0xFFFFFFE9, s9;
	[tilespmem:s22+$0xFFFF8E80] =	vst v28;
	v28 =	vld.idx.msk [tilespmem:v34+s19+$0x0], $0xffff;
	v34 =	vadd.s32 s7, v4  }
0x2a4: {  	v36 =	vadd.s32 s18, v4;
	s7 =	sadd.s32 $0xFFFFFFFB, s20;
	[tilespmem:s17+$0xFFFF6000] =	vst v26;
	v26 =	vld.idx.msk [tilespmem:v31+s19+$0x0], $0xffff;
	v31 =	vadd.s32 s8, v4  }
0x2a5: {  	[tilespmem:s2+$0xFFFF3F80] =	vst v25;
	v25 =	vld.idx.msk [tilespmem:v33+s19+$0x0], $0xffff;
	v31 =	vand.u32 $0x7FF8, v31;
	v33 =	vadd.s32 s7, v4  }
0x2a6: {  	s7 =	sadd.s32 $0xFFFFFFD7, s14;
	[tilespmem:s28+$0xFFFF1F00] =	vst v32;
	v30 =	vld.idx.msk [tilespmem:v30+s19+$0x0], $0xffff;
	v31 =	vor.u32 v5, v31  }
0x2a7: {  	s8 =	sadd.s32 $0xFFFFFFC5, s31;
	v32 =	vld.idx.msk [tilespmem:v35+s19+$0x0], $0xffff;
	v35 =	vadd.s32 s7, v4;
	[tilespmem:s24+$0xFFFFFE80] =	vst v27  }
0x2a8: {  	s7 =	sadd.s32 $0xFFFFFFF2, s12;
	v27 =	vadd.s32 s8, v4;
	[tilespmem:s11+$0xFFFFD000] =	vst v29;
	v29 =	vld.idx.msk [tilespmem:v34+s19+$0x0], $0xffff  }
0x2a9: {  	v34 =	vadd.s32 s7, v4;
	s7 =	sadd.s32 $0xFFFFFFF0, s16;
	[tilespmem:s21+$0xFFFFAF80] =	vst v28;
	v28 =	vld.idx.msk [tilespmem:v36+s19+$0x0], $0xffff  }
0x2aa: {  	s18 =	sadd.s32 $0xFFFFFFDE, s15;
	s8 =	sadd.s32 $0xFFFFFFF9, s9;
	[tilespmem:s22+$0xFFFF8F00] =	vst v26;
	v26 =	vld.idx.msk [tilespmem:v33+s19+$0x0], $0xffff;
	v33 =	vadd.s32 s7, v4  }
0x2ab: {  	v36 =	vadd.s32 s18, v4;
	s7 =	sadd.s32 $0xFFFFFFCC, s20;
	[tilespmem:s17+$0xFFFF6E80] =	vst v25;
	v25 =	vld.idx.msk [tilespmem:v31+s19+$0x0], $0xffff;
	v31 =	vadd.s32 s8, v4  }
0x2ac: {  	[tilespmem:s2+$0xFFFF4000] =	vst v30;
	v35 =	vld.idx.msk [tilespmem:v35+s19+$0x0], $0xffff;
	v30 =	vand.u32 $0x7FF8, v31;
	v31 =	vadd.s32 s7, v4  }
0x2ad: {  	s7 =	sadd.s32 $0xFFFFFFE7, s14;
	[tilespmem:s28+$0xFFFF1F80] =	vst v32;
	v37 =	vld.idx.msk [tilespmem:v27+s19+$0x0], $0xffff;
	v32 =	vor.u32 v5, v30  }
0x2ae: {  	s8 =	sadd.s32 $0xFFFFFFD5, s31;
	v38 =	vld.idx.msk [tilespmem:v34+s19+$0x0], $0xffff;
	v34 =	vadd.s32 s7, v4;
	[tilespmem:s24+$0xFFFFFF00] =	vst v29  }
0x2af: {  	v39 =	vadd.s32 s8, v4;
	s7 =	sadd.s32 $0xFFFFFFC3, s12;
	[tilespmem:s11+$0xFFFFDE80] =	vst v28;
	v40 =	vld.idx.msk [tilespmem:v33+s19+$0x0], $0xffff  }
0x2b0: {  	v33 =	vadd.s32 s7, v4;
	[tilespmem:s21+$0xFFFFB000] =	vst v26;
	v27 =	vld.idx.msk [tilespmem:v36+s19+$0x0], $0xffff  }
.Ltmp13:
0x2b1: {  	v30 =	vadd.s32 s16, v4;
	s16 =	smov.u32 s15;
	s7 =	sadd.s32 $0xFFFFFFEE, s15;
	[tilespmem:s22+$0xFFFF8F80] =	vst v25;
	v29 =	vld.idx.msk [tilespmem:v31+s19+$0x0], $0xffff;
	(pc) =	sbr.rel @p0 .LBB2_21-.Ltmp13, $4  }
0x2b2: {  	s8 =	sadd.s32 $0xFFFFFFDC, s20;
	s15 =	smov.u32 s20;
	s20 =	smov.u32 s9;
	[tilespmem:s17+$0xFFFF6F00] =	vst v35;
	v31 =	vld.idx.msk [tilespmem:v32+s19+$0x0], $0xffff;
	v32 =	vadd.s32 s7, v4  }
0x2b3: {  	s9 =	smov.u32 s14;
	s14 =	smov.u32 s31;
	s7 =	sadd.s32 $0xFFFFFFCA, s20;
	[tilespmem:s2+$0xFFFF4E80] =	vst v37;
	v28 =	vld.idx.msk [tilespmem:v34+s19+$0x0], $0xffff;
	v34 =	vadd.s32 s8, v4  }
0x2b4: {  	s31 =	smov.u32 s12;
	s12 =	smov.u32 s6;
	s18 =	sadd.s32 $0xFFFFFFF7, s9;
	v35 =	vadd.s32 s7, v4;
	[tilespmem:s28+$0xFFFF2000] =	vst v38;
	v26 =	vld.idx.msk [tilespmem:v39+s19+$0x0], $0xffff  }
0x2b5: {  	s6 =	sadd.s32 $0x410, s6;
	s7 =	sadd.s32 $0xFFFFFFC1, s12;
	s8 =	sadd.s32 $0xFFFFFFE5, s14;
	v25 =	vld.idx.msk [tilespmem:v33+s19+$0x0], $0xffff;
	v33 =	vadd.s32 s18, v4;
	[tilespmem:s24+$0xFFFFFF80] =	vst v40  }
0x2b6: {  	s6 =	smov.u32 s31  }
0x2b7: {  	s18 =	smov.u32 s2;
	s2 =	smov.u32 s28;
	s31 =	smov.u32 s12  }
.LBB2_23:
0x2b8: {  	s28 =	sld [smem:$0x7FB];
	_ =	sdelay $0x2  }
0x2b9: {  	p6 =	seq.s32 s28, $0x1  }
0x2ba: {  	[tilespmem:s11+$0xFFFFDF00] =	vst @p6 v27  }
0x2bb: {  	s12 =	sld [smem:$0x7FC];
	_ =	sdelay $0x2  }
0x2bc: {  	v36 =	vadd.s32 s7, v4;
	s7 =	sadd.s32 @p1 $0xFFFFFFD3, s6;
	v37 =	vadd.s32 @p2 s8, v4;
	[tilespmem:s21+$0xFFFFBE80] =	vst @p5 v29;
	v29 =	vld.idx.msk @p6 [tilespmem:v32+s19+$0x0], $0xffff;
	p0 =	seq.s32 s12, $0x1  }
0x2bd: {  	v61 =	vand.u32 $0x3FF8, v36;
	v36 =	vadd.s32 @p1 s7, v4;
	[tilespmem:s22+$0xFFFF9000] =	vst @p4 v31;
	v27 =	vld.idx.msk @p0 [tilespmem:v30+s19+$0x0], $0xffff  }
0x2be: {  	s7 =	sadd.s32 @p6 $0xFFFFFFFE, s16;
	[tilespmem:s17+$0xFFFF6F80] =	vst @p3 v28;
	v31 =	vld.idx.msk @p5 [tilespmem:v34+s19+$0x0], $0xffff;
	v30 =	vor.u32 v5, v61  }
0x2bf: {  	s8 =	sadd.s32 @p5 $0xFFFFFFEC, s15;
	v32 =	vadd.s32 @p6 s7, v4;
	[tilespmem:s18+$0xFFFF4F00] =	vst @p2 v26;
	v28 =	vld.idx.msk @p4 [tilespmem:v35+s19+$0x0], $0xffff  }
0x2c0: {  	[tilespmem:s2+$0xFFFF2E80] =	vst @p1 v25;
	v33 =	vld.idx.msk @p3 [tilespmem:v33+s19+$0x0], $0xffff;
	v34 =	vadd.s32 @p5 s8, v4;
	s8 =	sadd.s32 @p3 $0xFFFFFFC8, s9;
	s12 =	smov.u32 @p6 s11  }
0x2c1: {  	s28 =	sadd.s32 $0xFFFFFFD1, s31;
	s7 =	sadd.s32 @p4 $0xFFFFFFDA, s20;
	v35 =	vld.idx.msk @p2 [tilespmem:v37+s19+$0x0], $0xffff;
	v38 =	vadd.s32 @p3 s8, v4;
	[tilespmem:s12+$0xFFFFDF80] =	vst @p6 v29  }
0x2c2: {  	v62 =	vadd.s32 s28, v4;
	v37 =	vadd.s32 @p4 s7, v4;
	v36 =	vld.idx.msk @p1 [tilespmem:v36+s19+$0x0], $0xffff;
	s11 =	smov.u32 @p5 s21;
	[tilespmem:s24+$0x0] =	vst @p0 v27;
	s24 =	sadd.s32 @p2 $0xFFFFFFF5, s14  }
0x2c3: {  	v25 =	vand.u32 $0x7FF8, v62;
	s21 =	smov.u32 @p4 s22;
	[tilespmem:s11+$0xFFFFBF00] =	vst @p5 v31;
	v30 =	vld.idx.msk [tilespmem:v30+s19+$0x0], $0xffff;
	v39 =	vadd.s32 @p2 s24, v4  }
0x2c4: {  	s7 =	smov.u32 @p3 s17;
	v63 =	vor.u32 v5, v25;
	v26 =	vld.idx.msk @p6 [tilespmem:v32+s19+$0x0], $0xffff;
	[tilespmem:s21+$0xFFFF9E80] =	vst @p4 v28  }
0x2c5: {  	s8 =	smov.u32 @p2 s18;
	[tilespmem:s7+$0xFFFF7000] =	vst @p3 v33;
	v25 =	vld.idx.msk @p5 [tilespmem:v34+s19+$0x0], $0xffff  }
0x2c6: {  	s28 =	smov.u32 s5;
	s17 =	smov.u32 @p1 s2;
	s2 =	sadd.s32 @p1 $0x10, s2;
	[tilespmem:s8+$0xFFFF4F80] =	vst @p2 v35;
	v28 =	vld.idx.msk @p3 [tilespmem:v38+s19+$0x0], $0xffff  }
0x2c7: {  	s28 =	smov.u32 @p1 s2;
	[tilespmem:s17+$0xFFFF2F00] =	vst @p1 v36;
	v27 =	vld.idx.msk @p4 [tilespmem:v37+s19+$0x0], $0xffff;
	s24 =	sadd.s32 $0xFFFFFFE1, s31  }
0x2c8: {  	v36 =	vadd.s32 s24, v4;
	[tilespmem:s28+$0xFFFF0E80] =	vst v30;
	v31 =	vld.idx.msk @p2 [tilespmem:v39+s19+$0x0], $0xffff  }
0x2c9: {  	v30 =	vand.u32 $0x7FF8, v36;
	v29 =	vld.idx.msk [tilespmem:v63+s19+$0x0], $0xffff  }
0x2ca: {  	v30 =	vor.u32 v5, v30;
	_ =	sdelay $0x2  }
0x2cb: {  	s18 =	sadd.s32 $0xFFFFFFF1, s31  }
0x2cc: {  	v37 =	vadd.s32 s18, v4;
	[tilespmem:s28+$0xFFFF0F00] =	vst v29  }
0x2cd: {  	v29 =	vand.u32 $0x7FF8, v37;
	v30 =	vld.idx.msk [tilespmem:v30+s19+$0x0], $0xffff  }
0x2ce: {  	v29 =	vor.u32 v5, v29;
	_ =	sdelay $0x3  }
0x2cf: {  	[tilespmem:s28+$0xFFFF0F80] =	vst v30  }
0x2d0: {  	s22 =	sadd.s32 $0xFFFFFFC2, s31;
	v29 =	vld.idx.msk [tilespmem:v29+s19+$0x0], $0xffff  }
0x2d1: {  	v38 =	vadd.s32 s22, v4;
	_ =	sdelay $0x3  }
0x2d2: {  	[tilespmem:s28+$0xFFFF1000] =	vst v29  }
0x2d3: {  	s24 =	sadd.s32 $0xFFFFFFD2, s31;
	v29 =	vld.idx.msk [tilespmem:v38+s19+$0x0], $0xffff  }
0x2d4: {  	v39 =	vadd.s32 s24, v4;
	_ =	sdelay $0x3  }
0x2d5: {  	[tilespmem:s28+$0xFFFF1E80] =	vst v29  }
0x2d6: {  	s18 =	sadd.s32 $0xFFFFFFE2, s31;
	v29 =	vld.idx.msk [tilespmem:v39+s19+$0x0], $0xffff  }
0x2d7: {  	v40 =	vadd.s32 s18, v4;
	_ =	sdelay $0x3  }
0x2d8: {  	[tilespmem:s28+$0xFFFF1F00] =	vst v29  }
0x2d9: {  	s22 =	sadd.s32 $0xFFFFFFF2, s31;
	v29 =	vld.idx.msk [tilespmem:v40+s19+$0x0], $0xffff  }
0x2da: {  	v41 =	vadd.s32 s22, v4;
	_ =	sdelay $0x3  }
0x2db: {  	[tilespmem:s28+$0xFFFF1F80] =	vst v29  }
0x2dc: {  	s24 =	sadd.s32 $0xFFFFFFC3, s31;
	v29 =	vld.idx.msk [tilespmem:v41+s19+$0x0], $0xffff  }
0x2dd: {  	v42 =	vadd.s32 s24, v4;
	_ =	sdelay $0x3  }
0x2de: {  	s2 =	sadd.s32 @p1 $0xFFFFFFE3, s6;
	[tilespmem:s28+$0xFFFF2000] =	vst v29  }
0x2df: {  	s18 =	sadd.s32 $0xFFFFFFD3, s31;
	v29 =	vadd.s32 @p1 s2, v4;
	v30 =	vld.idx.msk [tilespmem:v42+s19+$0x0], $0xffff  }
0x2e0: {  	v43 =	vadd.s32 s18, v4;
	_ =	sdelay $0x3  }
0x2e1: {  	s2 =	sadd.s32 @p1 $0xFFFFFFF3, s6;
	v29 =	vld.idx.msk @p1 [tilespmem:v29+s19+$0x0], $0xffff;
	[tilespmem:s28+$0xFFFF2E80] =	vst v30  }
0x2e2: {  	s22 =	sadd.s32 $0xFFFFFFE3, s31;
	v30 =	vadd.s32 @p1 s2, v4;
	v32 =	vld.idx.msk [tilespmem:v43+s19+$0x0], $0xffff  }
0x2e3: {  	v44 =	vadd.s32 s22, v4;
	_ =	sdelay $0x2  }
0x2e4: {  	[tilespmem:s17+$0xFFFF2F80] =	vst @p1 v29  }
0x2e5: {  	s2 =	sadd.s32 @p1 $0xFFFFFFC4, s6;
	v29 =	vld.idx.msk @p1 [tilespmem:v30+s19+$0x0], $0xffff;
	[tilespmem:s28+$0xFFFF2F00] =	vst v32  }
0x2e6: {  	s24 =	sadd.s32 $0xFFFFFFF3, s31;
	v30 =	vadd.s32 @p1 s2, v4;
	v32 =	vld.idx.msk [tilespmem:v44+s19+$0x0], $0xffff  }
0x2e7: {  	v45 =	vadd.s32 s24, v4;
	_ =	sdelay $0x2  }
0x2e8: {  	[tilespmem:s17+$0xFFFF3000] =	vst @p1 v29  }
0x2e9: {  	s2 =	sadd.s32 @p1 $0xFFFFFFD4, s6;
	v29 =	vld.idx.msk @p1 [tilespmem:v30+s19+$0x0], $0xffff;
	[tilespmem:s28+$0xFFFF2F80] =	vst v32  }
0x2ea: {  	s18 =	sadd.s32 $0xFFFFFFC4, s31;
	v30 =	vadd.s32 @p1 s2, v4;
	v32 =	vld.idx.msk [tilespmem:v45+s19+$0x0], $0xffff  }
0x2eb: {  	v46 =	vadd.s32 s18, v4;
	_ =	sdelay $0x2  }
0x2ec: {  	[tilespmem:s17+$0xFFFF3E80] =	vst @p1 v29  }
0x2ed: {  	s2 =	sadd.s32 @p1 $0xFFFFFFE4, s6;
	v29 =	vld.idx.msk @p1 [tilespmem:v30+s19+$0x0], $0xffff;
	[tilespmem:s28+$0xFFFF3000] =	vst v32  }
0x2ee: {  	s22 =	sadd.s32 $0xFFFFFFD4, s31;
	v30 =	vadd.s32 @p1 s2, v4;
	v32 =	vld.idx.msk [tilespmem:v46+s19+$0x0], $0xffff  }
0x2ef: {  	v47 =	vadd.s32 s22, v4;
	_ =	sdelay $0x2  }
0x2f0: {  	[tilespmem:s17+$0xFFFF3F00] =	vst @p1 v29  }
0x2f1: {  	s2 =	sadd.s32 @p1 $0xFFFFFFF4, s6;
	v29 =	vld.idx.msk @p1 [tilespmem:v30+s19+$0x0], $0xffff;
	[tilespmem:s28+$0xFFFF3E80] =	vst v32  }
0x2f2: {  	s24 =	sadd.s32 $0xFFFFFFE4, s31;
	v30 =	vadd.s32 @p1 s2, v4;
	v32 =	vld.idx.msk [tilespmem:v47+s19+$0x0], $0xffff  }
0x2f3: {  	v48 =	vadd.s32 s24, v4;
	_ =	sdelay $0x2  }
0x2f4: {  	[tilespmem:s17+$0xFFFF3F80] =	vst @p1 v29  }
0x2f5: {  	s2 =	sadd.s32 @p1 $0xFFFFFFC5, s6;
	v29 =	vld.idx.msk @p1 [tilespmem:v30+s19+$0x0], $0xffff;
	[tilespmem:s28+$0xFFFF3F00] =	vst v32  }
0x2f6: {  	s18 =	sadd.s32 $0xFFFFFFF4, s31;
	v30 =	vadd.s32 @p1 s2, v4;
	v32 =	vld.idx.msk [tilespmem:v48+s19+$0x0], $0xffff  }
0x2f7: {  	v49 =	vadd.s32 s18, v4;
	_ =	sdelay $0x2  }
0x2f8: {  	[tilespmem:s17+$0xFFFF4000] =	vst @p1 v29  }
0x2f9: {  	s2 =	sadd.s32 @p1 $0xFFFFFFD5, s6;
	v29 =	vld.idx.msk @p1 [tilespmem:v30+s19+$0x0], $0xffff;
	[tilespmem:s28+$0xFFFF3F80] =	vst v32  }
0x2fa: {  	s22 =	sadd.s32 $0xFFFFFFC5, s31;
	v30 =	vadd.s32 @p1 s2, v4;
	v32 =	vld.idx.msk [tilespmem:v49+s19+$0x0], $0xffff  }
0x2fb: {  	v50 =	vadd.s32 s22, v4;
	_ =	sdelay $0x2  }
0x2fc: {  	[tilespmem:s17+$0xFFFF4E80] =	vst @p1 v29  }
0x2fd: {  	s2 =	smov.u32 @p1 s6;
	v29 =	vld.idx.msk @p1 [tilespmem:v30+s19+$0x0], $0xffff;
	[tilespmem:s28+$0xFFFF4000] =	vst v32  }
0x2fe: {  	s24 =	sadd.s32 $0xFFFFFFD5, s31;
	s6 =	sadd.s32 @p1 $0xFFFFFFE5, s2;
	v51 =	vld.idx.msk [tilespmem:v50+s19+$0x0], $0xffff  }
0x2ff: {  	v52 =	vadd.s32 s24, v4;
	s4 =	smov.u32 @p1 s6  }
0x300: {  	v33 =	vadd.s32 @p1 s4, v4;
	_ =	sdelay $0x2  }
0x301: {  	s23 =	smov.u32 @p1 s17;
	v24 =	vpsel p1, v29, v24;
	[tilespmem:s28+$0xFFFF4E80] =	vst v51  }
0x302: {  	s18 =	sadd.s32 $0xFFFFFFE5, s31;
	s1 =	smov.u32 @p1 s2;
	[tilespmem:s23+$0xFFFF4F00] =	vst @p1 v24;
	v53 =	vld.idx.msk [tilespmem:v52+s19+$0x0], $0xffff  }
0x303: {  	v54 =	vadd.s32 s18, v4;
	s4 =	sadd.s32 @p1 $0xFFFFFFF5, s1;
	v29 =	vld.idx.msk @p1 [tilespmem:v33+s19+$0x0], $0xffff  }
0x304: {  	v32 =	vadd.s32 @p1 s4, v4;
	_ =	sdelay $0x2  }
0x305: {  	s2 =	smov.u32 @p1 s23;
	s4 =	sadd.s32 @p2 $0xFFFFFFC6, s14;
	[tilespmem:s28+$0xFFFF4F00] =	vst v53  }
0x306: {  	s22 =	sadd.s32 $0xFFFFFFF5, s31;
	v24 =	vadd.s32 @p2 s4, v4;
	[tilespmem:s2+$0xFFFF4F80] =	vst @p1 v29;
	v55 =	vld.idx.msk [tilespmem:v54+s19+$0x0], $0xffff  }
0x307: {  	v56 =	vadd.s32 s22, v4;
	s6 =	sadd.s32 @p1 $0xFFFFFFC6, s1;
	v30 =	vld.idx.msk @p1 [tilespmem:v32+s19+$0x0], $0xffff  }
0x308: {  	v33 =	vadd.s32 @p1 s6, v4;
	_ =	sdelay $0x1  }
0x309: {  	[tilespmem:s8+$0xFFFF5000] =	vst @p2 v31  }
0x30a: {  	s4 =	sadd.s32 @p2 $0xFFFFFFD6, s14;
	v24 =	vld.idx.msk @p2 [tilespmem:v24+s19+$0x0], $0xffff;
	[tilespmem:s28+$0xFFFF4F80] =	vst v55  }
0x30b: {  	s23 =	sadd.s32 $0xFFFFFFC6, s31;
	v29 =	vadd.s32 @p2 s4, v4;
	[tilespmem:s2+$0xFFFF5000] =	vst @p1 v30;
	v57 =	vld.idx.msk [tilespmem:v56+s19+$0x0], $0xffff  }
0x30c: {  	s6 =	sadd.s32 @p1 $0xFFFFFFD6, s1;
	v58 =	vadd.s32 s23, v4;
	v31 =	vld.idx.msk @p1 [tilespmem:v33+s19+$0x0], $0xffff  }
0x30d: {  	v33 =	vadd.s32 @p1 s6, v4;
	_ =	sdelay $0x1  }
0x30e: {  	[tilespmem:s8+$0xFFFF5E80] =	vst @p2 v24  }
0x30f: {  	s4 =	sadd.s32 @p2 $0xFFFFFFE6, s14;
	v24 =	vld.idx.msk @p2 [tilespmem:v29+s19+$0x0], $0xffff;
	[tilespmem:s28+$0xFFFF5000] =	vst v57  }
0x310: {  	s24 =	sadd.s32 $0xFFFFFFD6, s31;
	v29 =	vadd.s32 @p2 s4, v4;
	[tilespmem:s2+$0xFFFF5E80] =	vst @p1 v31;
	v30 =	vld.idx.msk [tilespmem:v58+s19+$0x0], $0xffff  }
0x311: {  	v59 =	vadd.s32 s24, v4;
	s6 =	sadd.s32 @p1 $0xFFFFFFE6, s1;
	v31 =	vld.idx.msk @p1 [tilespmem:v33+s19+$0x0], $0xffff  }
0x312: {  	v33 =	vadd.s32 @p1 s6, v4;
	_ =	sdelay $0x1  }
0x313: {  	[tilespmem:s8+$0xFFFF5F00] =	vst @p2 v24  }
0x314: {  	s4 =	sadd.s32 @p2 $0xFFFFFFF6, s14;
	v24 =	vld.idx.msk @p2 [tilespmem:v29+s19+$0x0], $0xffff;
	[tilespmem:s28+$0xFFFF5E80] =	vst v30  }
0x315: {  	s17 =	sadd.s32 $0xFFFFFFE6, s31;
	v29 =	vadd.s32 @p2 s4, v4;
	[tilespmem:s2+$0xFFFF5F00] =	vst @p1 v31;
	v30 =	vld.idx.msk [tilespmem:v59+s19+$0x0], $0xffff  }
0x316: {  	v60 =	vadd.s32 s17, v4;
	s6 =	sadd.s32 @p1 $0xFFFFFFF6, s1;
	v31 =	vld.idx.msk @p1 [tilespmem:v33+s19+$0x0], $0xffff  }
0x317: {  	v33 =	vadd.s32 @p1 s6, v4;
	_ =	sdelay $0x1  }
0x318: {  	[tilespmem:s8+$0xFFFF5F80] =	vst @p2 v24  }
0x319: {  	s4 =	sadd.s32 @p2 $0xFFFFFFC7, s14;
	v24 =	vld.idx.msk @p2 [tilespmem:v29+s19+$0x0], $0xffff;
	[tilespmem:s28+$0xFFFF5F00] =	vst v30  }
0x31a: {  	s18 =	sadd.s32 $0xFFFFFFF6, s31;
	v29 =	vadd.s32 @p2 s4, v4;
	[tilespmem:s2+$0xFFFF5F80] =	vst @p1 v31;
	v30 =	vld.idx.msk [tilespmem:v60+s19+$0x0], $0xffff  }
0x31b: {  	v61 =	vadd.s32 s18, v4;
	s6 =	sadd.s32 @p1 $0xFFFFFFC7, s1;
	v31 =	vld.idx.msk @p1 [tilespmem:v33+s19+$0x0], $0xffff  }
0x31c: {  	v33 =	vadd.s32 @p1 s6, v4;
	_ =	sdelay $0x1  }
0x31d: {  	[tilespmem:s8+$0xFFFF6000] =	vst @p2 v24  }
0x31e: {  	s4 =	sadd.s32 @p2 $0xFFFFFFD7, s14;
	v24 =	vld.idx.msk @p2 [tilespmem:v29+s19+$0x0], $0xffff;
	[tilespmem:s28+$0xFFFF5F80] =	vst v30  }
0x31f: {  	s22 =	sadd.s32 $0xFFFFFFC7, s31;
	v29 =	vadd.s32 @p2 s4, v4;
	[tilespmem:s2+$0xFFFF6000] =	vst @p1 v31;
	v30 =	vld.idx.msk [tilespmem:v61+s19+$0x0], $0xffff  }
0x320: {  	v62 =	vadd.s32 s22, v4;
	s6 =	sadd.s32 @p1 $0xFFFFFFD7, s1;
	v31 =	vld.idx.msk @p1 [tilespmem:v33+s19+$0x0], $0xffff  }
0x321: {  	v33 =	vadd.s32 @p1 s6, v4;
	_ =	sdelay $0x1  }
0x322: {  	[tilespmem:s8+$0xFFFF6E80] =	vst @p2 v24  }
0x323: {  	s4 =	sadd.s32 @p2 $0xFFFFFFE7, s14;
	v24 =	vld.idx.msk @p2 [tilespmem:v29+s19+$0x0], $0xffff;
	[tilespmem:s28+$0xFFFF6000] =	vst v30  }
0x324: {  	s23 =	sadd.s32 $0xFFFFFFD7, s31;
	v29 =	vadd.s32 @p2 s4, v4;
	[tilespmem:s2+$0xFFFF6E80] =	vst @p1 v31;
	v30 =	vld.idx.msk [tilespmem:v62+s19+$0x0], $0xffff  }
0x325: {  	v63 =	vadd.s32 s23, v4;
	s6 =	sadd.s32 @p1 $0xFFFFFFE7, s1;
	v31 =	vld.idx.msk @p1 [tilespmem:v33+s19+$0x0], $0xffff  }
0x326: {  	v33 =	vadd.s32 @p1 s6, v4;
	_ =	sdelay $0x1  }
0x327: {  	[tilespmem:s8+$0xFFFF6F00] =	vst @p2 v24  }
0x328: {  	s4 =	smov.u32 @p2 s14;
	v24 =	vld.idx.msk @p2 [tilespmem:v29+s19+$0x0], $0xffff;
	[tilespmem:s28+$0xFFFF6E80] =	vst v30  }
0x329: {  	s24 =	sadd.s32 $0xFFFFFFE7, s31;
	s6 =	sadd.s32 @p2 $0xFFFFFFF7, s4;
	[tilespmem:s2+$0xFFFF6F00] =	vst @p1 v31;
	v36 =	vld.idx.msk [tilespmem:v63+s19+$0x0], $0xffff  }
0x32a: {  	v37 =	vadd.s32 s24, v4;
	v30 =	vadd.s32 @p2 s6, v4;
	v31 =	vld.idx.msk @p1 [tilespmem:v33+s19+$0x0], $0xffff;
	s6 =	sadd.s32 @p1 $0xFFFFFFF7, s1  }
0x32b: {  	v33 =	vadd.s32 @p1 s6, v4;
	v23 =	vpsel p2, v30, v23  }
0x32c: {  	v20 =	vpsel p1, v33, v20;
	_ =	sdelay $0x1  }
0x32d: {  	s25 =	smov.u32 @p2 s8;
	s14 =	sadd.s32 $0xFFFFFFF7, s31;
	v22 =	vpsel p2, v24, v22;
	[tilespmem:s28+$0xFFFF6F00] =	vst v36  }
0x32e: {  	s10 =	smov.u32 @p2 s4;
	s8 =	smov.u32 s13;
	s13 =	smov.u32 @p1 s2;
	[tilespmem:s25+$0xFFFF6F80] =	vst @p2 v22;
	v19 =	vpsel p1, v31, v19;
	v38 =	vld.idx.msk [tilespmem:v37+s19+$0x0], $0xffff  }
0x32f: {  	v39 =	vadd.s32 s14, v4;
	s4 =	smov.u32 s3;
	s3 =	smov.u32 @p1 s1;
	s1 =	sadd.s32 @p2 $0xFFFFFFC8, s10;
	v23 =	vld.idx.msk @p2 [tilespmem:v23+s19+$0x0], $0xffff;
	[tilespmem:s13+$0xFFFF6F80] =	vst @p1 v19  }
0x330: {  	v24 =	vadd.s32 @p2 s1, v4;
	s1 =	sadd.s32 @p1 $0xFFFFFFC8, s3;
	v20 =	vld.idx.msk @p1 [tilespmem:v20+s19+$0x0], $0xffff  }
0x331: {  	v29 =	vadd.s32 @p1 s1, v4;
	_ =	sdelay $0x1  }
0x332: {  	s2 =	sadd.s32 @p3 $0xFFFFFFD8, s9;
	s1 =	smov.u32 @p2 s25;
	[tilespmem:s28+$0xFFFF6F80] =	vst v38  }
0x333: {  	s17 =	sadd.s32 $0xFFFFFFC8, s31;
	v22 =	vadd.s32 @p3 s2, v4;
	[tilespmem:s1+$0xFFFF7000] =	vst @p2 v23;
	v19 =	vld.idx.msk [tilespmem:v39+s19+$0x0], $0xffff  }
0x334: {  	v40 =	vadd.s32 s17, v4;
	s6 =	sadd.s32 @p2 $0xFFFFFFD8, s10;
	v23 =	vld.idx.msk @p2 [tilespmem:v24+s19+$0x0], $0xffff;
	[tilespmem:s13+$0xFFFF7000] =	vst @p1 v20  }
0x335: {  	s2 =	sadd.s32 @p1 $0xFFFFFFD8, s3;
	v24 =	vadd.s32 @p2 s6, v4;
	v29 =	vld.idx.msk @p1 [tilespmem:v29+s19+$0x0], $0xffff  }
0x336: {  	v30 =	vadd.s32 @p1 s2, v4  }
0x337: {  	[tilespmem:s7+$0xFFFF7E80] =	vst @p3 v28  }
0x338: {  	s2 =	sadd.s32 @p3 $0xFFFFFFE8, s9;
	v22 =	vld.idx.msk @p3 [tilespmem:v22+s19+$0x0], $0xffff;
	[tilespmem:s28+$0xFFFF7000] =	vst v19  }
0x339: {  	s18 =	sadd.s32 $0xFFFFFFD8, s31;
	[tilespmem:s1+$0xFFFF7E80] =	vst @p2 v23;
	v19 =	vadd.s32 @p3 s2, v4;
	v20 =	vld.idx.msk [tilespmem:v40+s19+$0x0], $0xffff  }
0x33a: {  	v41 =	vadd.s32 s18, v4;
	s6 =	sadd.s32 @p2 $0xFFFFFFE8, s10;
	v23 =	vld.idx.msk @p2 [tilespmem:v24+s19+$0x0], $0xffff;
	[tilespmem:s13+$0xFFFF7E80] =	vst @p1 v29  }
0x33b: {  	v28 =	vadd.s32 @p2 s6, v4;
	s2 =	sadd.s32 @p1 $0xFFFFFFE8, s3;
	v29 =	vld.idx.msk @p1 [tilespmem:v30+s19+$0x0], $0xffff  }
0x33c: {  	v30 =	vadd.s32 @p1 s2, v4  }
0x33d: {  	[tilespmem:s7+$0xFFFF7F00] =	vst @p3 v22  }
0x33e: {  	s2 =	sadd.s32 @p3 $0xFFFFFFF8, s9;
	v19 =	vld.idx.msk @p3 [tilespmem:v19+s19+$0x0], $0xffff;
	[tilespmem:s28+$0xFFFF7E80] =	vst v20  }
0x33f: {  	s22 =	sadd.s32 $0xFFFFFFE8, s31;
	[tilespmem:s1+$0xFFFF7F00] =	vst @p2 v23;
	v20 =	vadd.s32 @p3 s2, v4;
	v42 =	vld.idx.msk [tilespmem:v41+s19+$0x0], $0xffff  }
0x340: {  	v43 =	vadd.s32 s22, v4;
	s6 =	sadd.s32 @p2 $0xFFFFFFF8, s10;
	v23 =	vld.idx.msk @p2 [tilespmem:v28+s19+$0x0], $0xffff;
	[tilespmem:s13+$0xFFFF7F00] =	vst @p1 v29  }
0x341: {  	v28 =	vadd.s32 @p2 s6, v4;
	s2 =	sadd.s32 @p1 $0xFFFFFFF8, s3;
	v29 =	vld.idx.msk @p1 [tilespmem:v30+s19+$0x0], $0xffff  }
0x342: {  	s6 =	sadd.s32 @p3 $0xFFFFFFC9, s9;
	v30 =	vadd.s32 @p1 s2, v4  }
0x343: {  	[tilespmem:s7+$0xFFFF7F80] =	vst @p3 v19;
	v19 =	vadd.s32 @p3 s6, v4  }
0x344: {  	s2 =	sadd.s32 @p2 $0xFFFFFFC9, s10;
	v20 =	vld.idx.msk @p3 [tilespmem:v20+s19+$0x0], $0xffff;
	v19 =	vand.u32 @p3 $0x3FF8, v19;
	[tilespmem:s28+$0xFFFF7F00] =	vst v42  }
0x345: {  	s23 =	sadd.s32 $0xFFFFFFF8, s31;
	v22 =	vadd.s32 @p2 s2, v4;
	s2 =	sadd.s32 @p1 $0xFFFFFFC9, s3;
	[tilespmem:s1+$0xFFFF7F80] =	vst @p2 v23;
	v19 =	vor.u32 @p3 v5, v19;
	v44 =	vld.idx.msk [tilespmem:v43+s19+$0x0], $0xffff  }
0x346: {  	v45 =	vadd.s32 s23, v4;
	v24 =	vadd.s32 @p1 s2, v4;
	v22 =	vand.u32 @p2 $0x3FF8, v22;
	v28 =	vld.idx.msk @p2 [tilespmem:v28+s19+$0x0], $0xffff;
	[tilespmem:s13+$0xFFFF7F80] =	vst @p1 v29  }
0x347: {  	v22 =	vor.u32 @p2 v5, v22;
	v24 =	vand.u32 @p1 $0x3FF8, v24;
	v30 =	vld.idx.msk @p1 [tilespmem:v30+s19+$0x0], $0xffff  }
0x348: {  	s2 =	sadd.s32 @p3 $0xFFFFFFD9, s9;
	v24 =	vor.u32 @p1 v5, v24  }
0x349: {  	s24 =	sadd.s32 $0xFFFFFFC9, s31;
	[tilespmem:s7+$0xFFFF8000] =	vst @p3 v20;
	v20 =	vadd.s32 @p3 s2, v4  }
0x34a: {  	v46 =	vadd.s32 s24, v4;
	s2 =	sadd.s32 @p2 $0xFFFFFFD9, s10;
	v19 =	vld.idx.msk @p3 [tilespmem:v19+s19+$0x0], $0xffff;
	v20 =	vand.u32 @p3 $0x7FF8, v20;
	[tilespmem:s28+$0xFFFF7F80] =	vst v44  }
0x34b: {  	v48 =	vand.u32 $0x3FF8, v46;
	[tilespmem:s1+$0xFFFF8000] =	vst @p2 v28;
	v23 =	vadd.s32 @p2 s2, v4;
	s2 =	sadd.s32 @p1 $0xFFFFFFD9, s3;
	v20 =	vor.u32 @p3 v5, v20;
	v47 =	vld.idx.msk [tilespmem:v45+s19+$0x0], $0xffff  }
0x34c: {  	v29 =	vor.u32 v5, v48;
	v22 =	vld.idx.msk @p2 [tilespmem:v22+s19+$0x0], $0xffff;
	v23 =	vand.u32 @p2 $0x7FF8, v23;
	[tilespmem:s13+$0xFFFF8000] =	vst @p1 v30;
	v30 =	vadd.s32 @p1 s2, v4  }
0x34d: {  	v23 =	vor.u32 @p2 v5, v23;
	v24 =	vld.idx.msk @p1 [tilespmem:v24+s19+$0x0], $0xffff;
	v30 =	vand.u32 @p1 $0x7FF8, v30  }
0x34e: {  	s2 =	sadd.s32 @p3 $0xFFFFFFE9, s9;
	v30 =	vor.u32 @p1 v5, v30  }
0x34f: {  	s25 =	sadd.s32 $0xFFFFFFD9, s31;
	[tilespmem:s7+$0xFFFF8E80] =	vst @p3 v19;
	v19 =	vadd.s32 @p3 s2, v4  }
0x350: {  	v49 =	vadd.s32 s25, v4;
	s2 =	sadd.s32 @p2 $0xFFFFFFE9, s10;
	v20 =	vld.idx.msk @p3 [tilespmem:v20+s19+$0x0], $0xffff;
	v19 =	vand.u32 @p3 $0x7FF8, v19;
	[tilespmem:s28+$0xFFFF8000] =	vst v47  }
0x351: {  	v50 =	vand.u32 $0x7FF8, v49;
	[tilespmem:s1+$0xFFFF8E80] =	vst @p2 v22;
	v22 =	vadd.s32 @p2 s2, v4;
	s2 =	sadd.s32 @p1 $0xFFFFFFE9, s3;
	v19 =	vor.u32 @p3 v5, v19;
	v28 =	vld.idx.msk [tilespmem:v29+s19+$0x0], $0xffff  }
0x352: {  	v23 =	vld.idx.msk @p2 [tilespmem:v23+s19+$0x0], $0xffff;
	v22 =	vand.u32 @p2 $0x7FF8, v22;
	[tilespmem:s13+$0xFFFF8E80] =	vst @p1 v24;
	v24 =	vadd.s32 @p1 s2, v4;
	v29 =	vor.u32 v5, v50  }
0x353: {  	v22 =	vor.u32 @p2 v5, v22;
	v30 =	vld.idx.msk @p1 [tilespmem:v30+s19+$0x0], $0xffff;
	v24 =	vand.u32 @p1 $0x7FF8, v24  }
0x354: {  	s2 =	sadd.s32 @p3 $0xFFFFFFF9, s9;
	v24 =	vor.u32 @p1 v5, v24  }
0x355: {  	s6 =	sadd.s32 $0xFFFFFFE9, s31;
	[tilespmem:s7+$0xFFFF8F00] =	vst @p3 v20;
	v20 =	vadd.s32 @p3 s2, v4  }
0x356: {  	v51 =	vadd.s32 s6, v4;
	s2 =	sadd.s32 @p2 $0xFFFFFFF9, s10;
	v19 =	vld.idx.msk @p3 [tilespmem:v19+s19+$0x0], $0xffff;
	v20 =	vand.u32 @p3 $0x7FF8, v20;
	[tilespmem:s28+$0xFFFF8E80] =	vst v28  }
0x357: {  	v52 =	vand.u32 $0x7FF8, v51;
	[tilespmem:s1+$0xFFFF8F00] =	vst @p2 v23;
	v23 =	vadd.s32 @p2 s2, v4;
	s2 =	sadd.s32 @p1 $0xFFFFFFF9, s3;
	v20 =	vor.u32 @p3 v5, v20;
	v28 =	vld.idx.msk [tilespmem:v29+s19+$0x0], $0xffff  }
0x358: {  	v22 =	vld.idx.msk @p2 [tilespmem:v22+s19+$0x0], $0xffff;
	v23 =	vand.u32 @p2 $0x7FF8, v23;
	[tilespmem:s13+$0xFFFF8F00] =	vst @p1 v30;
	v30 =	vadd.s32 @p1 s2, v4;
	v29 =	vor.u32 v5, v52  }
0x359: {  	v23 =	vor.u32 @p2 v5, v23;
	v24 =	vld.idx.msk @p1 [tilespmem:v24+s19+$0x0], $0xffff;
	v30 =	vand.u32 @p1 $0x7FF8, v30  }
0x35a: {  	v30 =	vor.u32 @p1 v5, v30  }
0x35b: {  	s14 =	sadd.s32 $0xFFFFFFF9, s31;
	[tilespmem:s7+$0xFFFF8F80] =	vst @p3 v19  }
0x35c: {  	v53 =	vadd.s32 s14, v4;
	v19 =	vld.idx.msk @p3 [tilespmem:v20+s19+$0x0], $0xffff;
	[tilespmem:s28+$0xFFFF8F00] =	vst v28  }
0x35d: {  	s2 =	sadd.s32 @p3 $0xFFFFFFCA, s9;
	[tilespmem:s1+$0xFFFF8F80] =	vst @p2 v22;
	v20 =	vand.u32 $0x7FF8, v53;
	v54 =	vld.idx.msk [tilespmem:v29+s19+$0x0], $0xffff  }
0x35e: {  	s14 =	smov.u32 @p1 s3;
	v28 =	vadd.s32 @p3 s2, v4;
	v23 =	vld.idx.msk @p2 [tilespmem:v23+s19+$0x0], $0xffff;
	s2 =	sadd.s32 @p2 $0xFFFFFFCA, s10;
	[tilespmem:s13+$0xFFFF8F80] =	vst @p1 v24;
	v20 =	vor.u32 v5, v20  }
0x35f: {  	v21 =	vpsel p3, v28, v21;
	v24 =	vadd.s32 @p2 s2, v4;
	v28 =	vld.idx.msk @p1 [tilespmem:v30+s19+$0x0], $0xffff;
	s2 =	sadd.s32 @p1 $0xFFFFFFCA, s14  }
0x360: {  	v17 =	vpsel p2, v24, v17;
	v24 =	vadd.s32 @p1 s2, v4  }
0x361: {  	s17 =	sadd.s32 $0xFFFFFFCA, s31;
	s8 =	smov.u32 @p3 s7;
	v12 =	vpsel p1, v24, v12  }
0x362: {  	s4 =	smov.u32 @p3 s9;
	s6 =	smov.u32 s0;
	s0 =	smov.u32 @p2 s1;
	v18 =	vpsel p3, v19, v18;
	[tilespmem:s28+$0xFFFF8F80] =	vst v54  }
0x363: {  	s3 =	smov.u32 s29;
	s9 =	sadd.s32 @p3 $0xFFFFFFDA, s4;
	s7 =	smov.u32 s5;
	[tilespmem:s8+$0xFFFF9000] =	vst @p3 v18;
	v15 =	vpsel p2, v23, v15;
	v55 =	vld.idx.msk [tilespmem:v20+s19+$0x0], $0xffff  }
0x364: {  	v56 =	vadd.s32 s17, v4;
	s7 =	smov.u32 @p1 s13;
	s2 =	smov.u32 s30;
	s30 =	smov.u32 @p2 s10;
	v19 =	vld.idx.msk @p3 [tilespmem:v21+s19+$0x0], $0xffff;
	[tilespmem:s0+$0xFFFF9000] =	vst @p2 v15;
	v10 =	vpsel p1, v28, v10  }
0x365: {  	s1 =	smov.u32 s29;
	s29 =	smov.u32 @p1 s14;
	v15 =	vadd.s32 @p3 s9, v4;
	s9 =	sadd.s32 @p2 $0xFFFFFFDA, s30;
	v17 =	vld.idx.msk @p2 [tilespmem:v17+s19+$0x0], $0xffff;
	[tilespmem:s7+$0xFFFF9000] =	vst @p1 v10  }
0x366: {  	v10 =	vadd.s32 @p2 s9, v4;
	s9 =	sadd.s32 @p1 $0xFFFFFFDA, s29;
	v12 =	vld.idx.msk @p1 [tilespmem:v12+s19+$0x0], $0xffff  }
0x367: {  	v21 =	vadd.s32 @p1 s9, v4  }
0x368: {  	s9 =	sadd.s32 @p4 $0xFFFFFFEA, s20;
	[tilespmem:s28+$0xFFFF9000] =	vst v55  }
0x369: {  	s18 =	sadd.s32 $0xFFFFFFDA, s31;
	v18 =	vadd.s32 @p4 s9, v4;
	[tilespmem:s8+$0xFFFF9E80] =	vst @p3 v19;
	v57 =	vld.idx.msk [tilespmem:v56+s19+$0x0], $0xffff  }
0x36a: {  	v58 =	vadd.s32 s18, v4;
	s10 =	sadd.s32 @p3 $0xFFFFFFEA, s4;
	v15 =	vld.idx.msk @p3 [tilespmem:v15+s19+$0x0], $0xffff;
	[tilespmem:s0+$0xFFFF9E80] =	vst @p2 v17  }
0x36b: {  	v20 =	vadd.s32 @p3 s10, v4;
	s9 =	sadd.s32 @p2 $0xFFFFFFEA, s30;
	v10 =	vld.idx.msk @p2 [tilespmem:v10+s19+$0x0], $0xffff;
	[tilespmem:s7+$0xFFFF9E80] =	vst @p1 v12  }
0x36c: {  	v12 =	vadd.s32 @p2 s9, v4;
	s9 =	sadd.s32 @p1 $0xFFFFFFEA, s29;
	v21 =	vld.idx.msk @p1 [tilespmem:v21+s19+$0x0], $0xffff  }
0x36d: {  	[tilespmem:s21+$0xFFFF9F00] =	vst @p4 v27;
	v22 =	vadd.s32 @p1 s9, v4  }
0x36e: {  	v18 =	vld.idx.msk @p4 [tilespmem:v18+s19+$0x0], $0xffff;
	s9 =	sadd.s32 @p4 $0xFFFFFFFA, s20;
	[tilespmem:s28+$0xFFFF9E80] =	vst v57  }
0x36f: {  	s22 =	sadd.s32 $0xFFFFFFEA, s31;
	v19 =	vadd.s32 @p4 s9, v4;
	[tilespmem:s8+$0xFFFF9F00] =	vst @p3 v15;
	v59 =	vld.idx.msk [tilespmem:v58+s19+$0x0], $0xffff  }
0x370: {  	v60 =	vadd.s32 s22, v4;
	s10 =	sadd.s32 @p3 $0xFFFFFFFA, s4;
	v17 =	vld.idx.msk @p3 [tilespmem:v20+s19+$0x0], $0xffff;
	[tilespmem:s0+$0xFFFF9F00] =	vst @p2 v10  }
0x371: {  	s9 =	sadd.s32 @p2 $0xFFFFFFFA, s30;
	v20 =	vadd.s32 @p3 s10, v4;
	v12 =	vld.idx.msk @p2 [tilespmem:v12+s19+$0x0], $0xffff;
	[tilespmem:s7+$0xFFFF9F00] =	vst @p1 v21  }
0x372: {  	v21 =	vadd.s32 @p2 s9, v4;
	s9 =	sadd.s32 @p1 $0xFFFFFFFA, s29;
	v22 =	vld.idx.msk @p1 [tilespmem:v22+s19+$0x0], $0xffff  }
0x373: {  	s10 =	sadd.s32 @p6 $0xFFFFFFCF, s16;
	[tilespmem:s21+$0xFFFF9F80] =	vst @p4 v18;
	v18 =	vadd.s32 @p1 s9, v4  }
0x374: {  	v23 =	vadd.s32 @p6 s10, v4;
	v19 =	vld.idx.msk @p4 [tilespmem:v19+s19+$0x0], $0xffff;
	s9 =	sadd.s32 @p4 $0xFFFFFFCB, s20;
	[tilespmem:s28+$0xFFFF9F00] =	vst v59  }
0x375: {  	s23 =	sadd.s32 $0xFFFFFFFA, s31;
	v15 =	vadd.s32 @p4 s9, v4;
	[tilespmem:s8+$0xFFFF9F80] =	vst @p3 v17;
	v10 =	vld.idx.msk [tilespmem:v60+s19+$0x0], $0xffff  }
0x376: {  	v61 =	vadd.s32 s23, v4;
	s10 =	sadd.s32 @p3 $0xFFFFFFCB, s4;
	v17 =	vld.idx.msk @p3 [tilespmem:v20+s19+$0x0], $0xffff;
	[tilespmem:s0+$0xFFFF9F80] =	vst @p2 v12  }
0x377: {  	s9 =	sadd.s32 @p2 $0xFFFFFFCB, s30;
	v20 =	vadd.s32 @p3 s10, v4;
	v21 =	vld.idx.msk @p2 [tilespmem:v21+s19+$0x0], $0xffff;
	[tilespmem:s7+$0xFFFF9F80] =	vst @p1 v22  }
0x378: {  	[tilespmem:s12+$0xFFFFE000] =	vst @p6 v26;
	v22 =	vadd.s32 @p2 s9, v4;
	s9 =	sadd.s32 @p1 $0xFFFFFFCB, s29;
	v18 =	vld.idx.msk @p1 [tilespmem:v18+s19+$0x0], $0xffff  }
0x379: {  	s10 =	sadd.s32 @p5 $0xFFFFFFFC, s15;
	v23 =	vld.idx.msk @p6 [tilespmem:v23+s19+$0x0], $0xffff;
	[tilespmem:s21+$0xFFFFA000] =	vst @p4 v19;
	v19 =	vadd.s32 @p1 s9, v4  }
0x37a: {  	v24 =	vadd.s32 @p5 s10, v4;
	v15 =	vld.idx.msk @p4 [tilespmem:v15+s19+$0x0], $0xffff;
	s9 =	sadd.s32 @p4 $0xFFFFFFDB, s20;
	[tilespmem:s28+$0xFFFF9F80] =	vst v10  }
0x37b: {  	s24 =	sadd.s32 $0xFFFFFFCB, s31;
	[tilespmem:s8+$0xFFFFA000] =	vst @p3 v17;
	v10 =	vadd.s32 @p4 s9, v4;
	v12 =	vld.idx.msk [tilespmem:v61+s19+$0x0], $0xffff  }
0x37c: {  	v62 =	vadd.s32 s24, v4;
	s10 =	sadd.s32 @p3 $0xFFFFFFDB, s4;
	v17 =	vld.idx.msk @p3 [tilespmem:v20+s19+$0x0], $0xffff;
	[tilespmem:s0+$0xFFFFA000] =	vst @p2 v21  }
0x37d: {  	v21 =	vadd.s32 @p3 s10, v4;
	s9 =	sadd.s32 @p2 $0xFFFFFFDB, s30;
	v22 =	vld.idx.msk @p2 [tilespmem:v22+s19+$0x0], $0xffff;
	[tilespmem:s7+$0xFFFFA000] =	vst @p1 v18  }
0x37e: {  	[tilespmem:s11+$0xFFFFBF80] =	vst @p5 v25;
	v18 =	vadd.s32 @p2 s9, v4;
	s9 =	sadd.s32 @p1 $0xFFFFFFDB, s29;
	v19 =	vld.idx.msk @p1 [tilespmem:v19+s19+$0x0], $0xffff  }
0x37f: {  	v24 =	vld.idx.msk @p5 [tilespmem:v24+s19+$0x0], $0xffff;
	s10 =	sadd.s32 @p6 $0xFFFFFFDF, s16;
	[tilespmem:s21+$0xFFFFAE80] =	vst @p4 v15;
	v15 =	vadd.s32 @p1 s9, v4  }
0x380: {  	v25 =	vadd.s32 @p6 s10, v4;
	s9 =	sadd.s32 @p4 $0xFFFFFFEB, s20;
	v10 =	vld.idx.msk @p4 [tilespmem:v10+s19+$0x0], $0xffff;
	[tilespmem:s28+$0xFFFFA000] =	vst v12  }
0x381: {  	s25 =	sadd.s32 $0xFFFFFFDB, s31;
	[tilespmem:s8+$0xFFFFAE80] =	vst @p3 v17;
	v12 =	vadd.s32 @p4 s9, v4;
	v63 =	vld.idx.msk [tilespmem:v62+s19+$0x0], $0xffff  }
0x382: {  	v28 =	vadd.s32 s25, v4;
	s10 =	sadd.s32 @p3 $0xFFFFFFEB, s4;
	v20 =	vld.idx.msk @p3 [tilespmem:v21+s19+$0x0], $0xffff;
	[tilespmem:s0+$0xFFFFAE80] =	vst @p2 v22  }
0x383: {  	v22 =	vadd.s32 @p3 s10, v4;
	s9 =	sadd.s32 @p2 $0xFFFFFFEB, s30;
	v18 =	vld.idx.msk @p2 [tilespmem:v18+s19+$0x0], $0xffff;
	[tilespmem:s7+$0xFFFFAE80] =	vst @p1 v19  }
0x384: {  	[tilespmem:s12+$0xFFFFEE80] =	vst @p6 v23;
	v19 =	vadd.s32 @p2 s9, v4;
	s9 =	sadd.s32 @p1 $0xFFFFFFEB, s29;
	v15 =	vld.idx.msk @p1 [tilespmem:v15+s19+$0x0], $0xffff  }
0x385: {  	s10 =	sadd.s32 @p5 $0xFFFFFFCD, s15;
	v23 =	vld.idx.msk @p6 [tilespmem:v25+s19+$0x0], $0xffff;
	[tilespmem:s21+$0xFFFFAF00] =	vst @p4 v10;
	v10 =	vadd.s32 @p1 s9, v4  }
0x386: {  	v25 =	vadd.s32 @p5 s10, v4;
	s9 =	sadd.s32 @p4 $0xFFFFFFFB, s20;
	v12 =	vld.idx.msk @p4 [tilespmem:v12+s19+$0x0], $0xffff;
	[tilespmem:s28+$0xFFFFAE80] =	vst v63  }
0x387: {  	s17 =	sadd.s32 $0xFFFFFFEB, s31;
	v17 =	vadd.s32 @p4 s9, v4;
	[tilespmem:s8+$0xFFFFAF00] =	vst @p3 v20;
	v29 =	vld.idx.msk [tilespmem:v28+s19+$0x0], $0xffff  }
0x388: {  	v30 =	vadd.s32 s17, v4;
	s10 =	sadd.s32 @p3 $0xFFFFFFFB, s4;
	v21 =	vld.idx.msk @p3 [tilespmem:v22+s19+$0x0], $0xffff;
	[tilespmem:s0+$0xFFFFAF00] =	vst @p2 v18  }
0x389: {  	s9 =	sadd.s32 @p2 $0xFFFFFFFB, s30;
	v22 =	vadd.s32 @p3 s10, v4;
	v19 =	vld.idx.msk @p2 [tilespmem:v19+s19+$0x0], $0xffff;
	[tilespmem:s7+$0xFFFFAF00] =	vst @p1 v15  }
0x38a: {  	[tilespmem:s11+$0xFFFFC000] =	vst @p5 v24;
	v15 =	vadd.s32 @p2 s9, v4;
	s9 =	sadd.s32 @p1 $0xFFFFFFFB, s29;
	v10 =	vld.idx.msk @p1 [tilespmem:v10+s19+$0x0], $0xffff  }
0x38b: {  	v24 =	vld.idx.msk @p5 [tilespmem:v25+s19+$0x0], $0xffff;
	s10 =	sadd.s32 @p6 $0xFFFFFFEF, s16;
	[tilespmem:s21+$0xFFFFAF80] =	vst @p4 v12;
	v12 =	vadd.s32 @p1 s9, v4  }
0x38c: {  	v25 =	vadd.s32 @p6 s10, v4;
	s9 =	sadd.s32 @p4 $0xFFFFFFCC, s20;
	v17 =	vld.idx.msk @p4 [tilespmem:v17+s19+$0x0], $0xffff;
	[tilespmem:s28+$0xFFFFAF00] =	vst v29  }
0x38d: {  	s18 =	sadd.s32 $0xFFFFFFFB, s31;
	v20 =	vadd.s32 @p4 s9, v4;
	[tilespmem:s8+$0xFFFFAF80] =	vst @p3 v21;
	v18 =	vld.idx.msk [tilespmem:v30+s19+$0x0], $0xffff  }
0x38e: {  	v31 =	vadd.s32 s18, v4;
	s10 =	sadd.s32 @p3 $0xFFFFFFCC, s4;
	v21 =	vld.idx.msk @p3 [tilespmem:v22+s19+$0x0], $0xffff;
	[tilespmem:s0+$0xFFFFAF80] =	vst @p2 v19  }
0x38f: {  	s9 =	sadd.s32 @p2 $0xFFFFFFCC, s30;
	v22 =	vadd.s32 @p3 s10, v4;
	v15 =	vld.idx.msk @p2 [tilespmem:v15+s19+$0x0], $0xffff;
	[tilespmem:s7+$0xFFFFAF80] =	vst @p1 v10  }
0x390: {  	[tilespmem:s12+$0xFFFFEF00] =	vst @p6 v23;
	v10 =	vadd.s32 @p2 s9, v4;
	s9 =	sadd.s32 @p1 $0xFFFFFFCC, s29;
	v12 =	vld.idx.msk @p1 [tilespmem:v12+s19+$0x0], $0xffff  }
0x391: {  	s10 =	sadd.s32 @p5 $0xFFFFFFDD, s15;
	v23 =	vld.idx.msk @p6 [tilespmem:v25+s19+$0x0], $0xffff;
	[tilespmem:s21+$0xFFFFB000] =	vst @p4 v17;
	v17 =	vadd.s32 @p1 s9, v4  }
0x392: {  	v25 =	vadd.s32 @p5 s10, v4;
	s9 =	sadd.s32 @p6 $0xFFFFFFFF, s16;
	v20 =	vld.idx.msk @p4 [tilespmem:v20+s19+$0x0], $0xffff;
	[tilespmem:s28+$0xFFFFAF80] =	vst v18  }
0x393: {  	s22 =	sadd.s32 $0xFFFFFFCC, s31;
	[tilespmem:s8+$0xFFFFB000] =	vst @p3 v21;
	v18 =	vadd.s32 @p6 s9, v4;
	s9 =	sadd.s32 @p4 $0xFFFFFFDC, s20;
	v19 =	vld.idx.msk [tilespmem:v31+s19+$0x0], $0xffff  }
0x394: {  	v32 =	vadd.s32 s22, v4;
	v22 =	vld.idx.msk @p3 [tilespmem:v22+s19+$0x0], $0xffff;
	[tilespmem:s0+$0xFFFFB000] =	vst @p2 v15;
	v21 =	vadd.s32 @p4 s9, v4;
	s9 =	sadd.s32 @p3 $0xFFFFFFDC, s4  }
0x395: {  	v10 =	vld.idx.msk @p2 [tilespmem:v10+s19+$0x0], $0xffff;
	v15 =	vpsel p4, v21, v16;
	v16 =	vadd.s32 @p3 s9, v4;
	s9 =	sadd.s32 @p2 $0xFFFFFFDC, s30;
	[tilespmem:s7+$0xFFFFB000] =	vst @p1 v12  }
0x396: {  	[tilespmem:s11+$0xFFFFCE80] =	vst @p5 v24;
	s10 =	smov.u32 @p4 s20;
	v12 =	vpsel p3, v16, v13;
	v13 =	vadd.s32 @p2 s9, v4;
	v16 =	vld.idx.msk @p1 [tilespmem:v17+s19+$0x0], $0xffff;
	s9 =	sadd.s32 @p1 $0xFFFFFFDC, s29  }
0x397: {  	s2 =	smov.u32 @p4 s10;
	s10 =	smov.u32 s5;
	[tilespmem:s12+$0xFFFFEF80] =	vst @p6 v23;
	v17 =	vld.idx.msk @p5 [tilespmem:v25+s19+$0x0], $0xffff;
	v21 =	vadd.s32 @p1 s9, v4;
	v13 =	vpsel p2, v13, v0  }
0x398: {  	s6 =	smov.u32 @p4 s21;
	s10 =	smov.u32 @p3 s8;
	s8 =	sadd.s32 @p5 $0xFFFFFFED, s15;
	v14 =	vpsel p4, v20, v14;
	v18 =	vld.idx.msk @p6 [tilespmem:v18+s19+$0x0], $0xffff;
	v20 =	vpsel p1, v21, v0;
	[tilespmem:s28+$0xFFFFB000] =	vst v19  }
0x399: {  	s23 =	sadd.s32 $0xFFFFFFDC, s31;
	s3 =	smov.u32 @p3 s4;
	s13 =	smov.u32 @p2 s0;
	[tilespmem:s6+$0xFFFFBE80] =	vst @p4 v14;
	v11 =	vpsel p3, v22, v11;
	v19 =	vadd.s32 @p5 s8, v4;
	v33 =	vld.idx.msk [tilespmem:v32+s19+$0x0], $0xffff  }
0x39a: {  	v34 =	vadd.s32 s23, v4;
	s14 =	smov.u32 @p1 s7;
	s9 =	smov.u32 @p2 s30;
	s8 =	sadd.s32 @p4 $0xFFFFFFEC, s2;
	[tilespmem:s10+$0xFFFFBE80] =	vst @p3 v11;
	v10 =	vpsel p2, v10, v0;
	v15 =	vld.idx.msk @p4 [tilespmem:v15+s19+$0x0], $0xffff  }
0x39b: {  	s4 =	sadd.s32 @p3 $0xFFFFFFEC, s3;
	s0 =	smov.u32 @p2 s9;
	v21 =	vadd.s32 @p4 s8, v4;
	[tilespmem:s13+$0xFFFFBE80] =	vst @p2 v10;
	s8 =	smov.u32 @p1 s29;
	v12 =	vld.idx.msk @p3 [tilespmem:v12+s19+$0x0], $0xffff;
	v10 =	vpsel p1, v16, v0  }
0x39c: {  	s7 =	sadd.s32 @p2 $0xFFFFFFEC, s0;
	v16 =	vadd.s32 @p3 s4, v4;
	s4 =	smov.u32 @p1 s8;
	v13 =	vld.idx.msk @p2 [tilespmem:v13+s19+$0x0], $0xffff;
	[tilespmem:s14+$0xFFFFBE80] =	vst @p1 v10  }
0x39d: {  	[tilespmem:s11+$0xFFFFCF00] =	vst @p5 v17;
	v10 =	vadd.s32 @p2 s7, v4;
	s7 =	sadd.s32 @p1 $0xFFFFFFEC, s4;
	v17 =	vld.idx.msk @p1 [tilespmem:v20+s19+$0x0], $0xffff  }
0x39e: {  	s9 =	smov.u32 @p4 s6;
	v20 =	vadd.s32 @p1 s7, v4;
	s7 =	sadd.s32 @p6 $0xFFFFFFD0, s16;
	v19 =	vld.idx.msk @p5 [tilespmem:v19+s19+$0x0], $0xffff;
	[tilespmem:s28+$0xFFFFBE80] =	vst v33  }
0x39f: {  	s24 =	sadd.s32 $0xFFFFFFEC, s31;
	s8 =	smov.u32 @p3 s10;
	v14 =	vadd.s32 @p6 s7, v4;
	[tilespmem:s9+$0xFFFFBF00] =	vst @p4 v15;
	v11 =	vld.idx.msk [tilespmem:v34+s19+$0x0], $0xffff  }
0x3a0: {  	v35 =	vadd.s32 s24, v4;
	s6 =	sadd.s32 @p4 $0xFFFFFFFC, s2;
	s7 =	smov.u32 @p2 s13;
	v15 =	vld.idx.msk @p4 [tilespmem:v21+s19+$0x0], $0xffff;
	[tilespmem:s8+$0xFFFFBF00] =	vst @p3 v12  }
0x3a1: {  	s10 =	sadd.s32 @p3 $0xFFFFFFFC, s3;
	v12 =	vadd.s32 @p4 s6, v4;
	s6 =	smov.u32 @p1 s14;
	v16 =	vld.idx.msk @p3 [tilespmem:v16+s19+$0x0], $0xffff;
	[tilespmem:s7+$0xFFFFBF00] =	vst @p2 v13  }
0x3a2: {  	v13 =	vadd.s32 @p3 s10, v4;
	s10 =	sadd.s32 @p2 $0xFFFFFFFC, s0;
	v10 =	vld.idx.msk @p2 [tilespmem:v10+s19+$0x0], $0xffff;
	[tilespmem:s6+$0xFFFFBF00] =	vst @p1 v17  }
0x3a3: {  	[tilespmem:s12+$0xFFFFF000] =	vst @p6 v18;
	v17 =	vadd.s32 @p2 s10, v4;
	s10 =	sadd.s32 @p1 $0xFFFFFFFC, s4;
	v18 =	vld.idx.msk @p1 [tilespmem:v20+s19+$0x0], $0xffff  }
0x3a4: {  	v20 =	vadd.s32 @p1 s10, v4;
	s10 =	sadd.s32 @p5 $0xFFFFFFFD, s15;
	v14 =	vld.idx.msk @p6 [tilespmem:v14+s19+$0x0], $0xffff;
	[tilespmem:s28+$0xFFFFBF00] =	vst v11  }
0x3a5: {  	s25 =	sadd.s32 $0xFFFFFFFC, s31;
	v11 =	vadd.s32 @p5 s10, v4;
	[tilespmem:s9+$0xFFFFBF80] =	vst @p4 v15;
	v36 =	vld.idx.msk [tilespmem:v35+s19+$0x0], $0xffff  }
0x3a6: {  	v37 =	vadd.s32 s25, v4;
	s10 =	sadd.s32 @p4 $0xFFFFFFCD, s2;
	v12 =	vld.idx.msk @p4 [tilespmem:v12+s19+$0x0], $0xffff;
	[tilespmem:s8+$0xFFFFBF80] =	vst @p3 v16  }
0x3a7: {  	v16 =	vadd.s32 @p4 s10, v4;
	s10 =	sadd.s32 @p3 $0xFFFFFFCD, s3;
	v13 =	vld.idx.msk @p3 [tilespmem:v13+s19+$0x0], $0xffff;
	[tilespmem:s7+$0xFFFFBF80] =	vst @p2 v10  }
0x3a8: {  	v10 =	vadd.s32 @p3 s10, v4;
	s10 =	sadd.s32 @p2 $0xFFFFFFCD, s0;
	v17 =	vld.idx.msk @p2 [tilespmem:v17+s19+$0x0], $0xffff;
	[tilespmem:s6+$0xFFFFBF80] =	vst @p1 v18  }
0x3a9: {  	[tilespmem:s11+$0xFFFFCF80] =	vst @p5 v19;
	v18 =	vadd.s32 @p2 s10, v4;
	s10 =	sadd.s32 @p1 $0xFFFFFFCD, s4;
	v19 =	vld.idx.msk @p1 [tilespmem:v20+s19+$0x0], $0xffff  }
0x3aa: {  	v20 =	vadd.s32 @p1 s10, v4;
	s10 =	sadd.s32 @p6 $0xFFFFFFE0, s16;
	v11 =	vld.idx.msk @p5 [tilespmem:v11+s19+$0x0], $0xffff;
	[tilespmem:s28+$0xFFFFBF80] =	vst v36  }
0x3ab: {  	s29 =	sadd.s32 $0xFFFFFFCD, s31;
	v15 =	vadd.s32 @p6 s10, v4;
	[tilespmem:s9+$0xFFFFC000] =	vst @p4 v12;
	v38 =	vld.idx.msk [tilespmem:v37+s19+$0x0], $0xffff  }
0x3ac: {  	v39 =	vadd.s32 s29, v4;
	s10 =	sadd.s32 @p4 $0xFFFFFFDD, s2;
	v16 =	vld.idx.msk @p4 [tilespmem:v16+s19+$0x0], $0xffff;
	[tilespmem:s8+$0xFFFFC000] =	vst @p3 v13  }
0x3ad: {  	v13 =	vadd.s32 @p4 s10, v4;
	s10 =	sadd.s32 @p3 $0xFFFFFFDD, s3;
	v10 =	vld.idx.msk @p3 [tilespmem:v10+s19+$0x0], $0xffff;
	[tilespmem:s7+$0xFFFFC000] =	vst @p2 v17  }
0x3ae: {  	v17 =	vadd.s32 @p3 s10, v4;
	s10 =	sadd.s32 @p2 $0xFFFFFFDD, s0;
	v18 =	vld.idx.msk @p2 [tilespmem:v18+s19+$0x0], $0xffff;
	[tilespmem:s6+$0xFFFFC000] =	vst @p1 v19  }
0x3af: {  	[tilespmem:s12+$0xFFFFFE80] =	vst @p6 v14;
	v14 =	vadd.s32 @p2 s10, v4;
	s10 =	sadd.s32 @p1 $0xFFFFFFDD, s4;
	v19 =	vld.idx.msk @p1 [tilespmem:v20+s19+$0x0], $0xffff  }
0x3b0: {  	v20 =	vadd.s32 @p1 s10, v4;
	s10 =	sadd.s32 @p5 $0xFFFFFFCE, s15;
	v15 =	vld.idx.msk @p6 [tilespmem:v15+s19+$0x0], $0xffff;
	[tilespmem:s28+$0xFFFFC000] =	vst v38  }
0x3b1: {  	s30 =	sadd.s32 $0xFFFFFFDD, s31;
	v12 =	vadd.s32 @p5 s10, v4;
	[tilespmem:s9+$0xFFFFCE80] =	vst @p4 v16;
	v40 =	vld.idx.msk [tilespmem:v39+s19+$0x0], $0xffff  }
0x3b2: {  	v41 =	vadd.s32 s30, v4;
	s10 =	sadd.s32 @p4 $0xFFFFFFED, s2;
	v13 =	vld.idx.msk @p4 [tilespmem:v13+s19+$0x0], $0xffff;
	[tilespmem:s8+$0xFFFFCE80] =	vst @p3 v10  }
0x3b3: {  	v10 =	vadd.s32 @p4 s10, v4;
	s10 =	sadd.s32 @p3 $0xFFFFFFED, s3;
	v17 =	vld.idx.msk @p3 [tilespmem:v17+s19+$0x0], $0xffff;
	[tilespmem:s7+$0xFFFFCE80] =	vst @p2 v18  }
0x3b4: {  	v18 =	vadd.s32 @p3 s10, v4;
	s10 =	sadd.s32 @p2 $0xFFFFFFED, s0;
	v14 =	vld.idx.msk @p2 [tilespmem:v14+s19+$0x0], $0xffff;
	[tilespmem:s6+$0xFFFFCE80] =	vst @p1 v19  }
0x3b5: {  	[tilespmem:s11+$0xFFFFD000] =	vst @p5 v11;
	v11 =	vadd.s32 @p2 s10, v4;
	s10 =	sadd.s32 @p1 $0xFFFFFFED, s4;
	v19 =	vld.idx.msk @p1 [tilespmem:v20+s19+$0x0], $0xffff  }
0x3b6: {  	v12 =	vld.idx.msk @p5 [tilespmem:v12+s19+$0x0], $0xffff;
	v20 =	vadd.s32 @p1 s10, v4;
	s10 =	sadd.s32 @p6 $0xFFFFFFF0, s16;
	[tilespmem:s28+$0xFFFFCE80] =	vst v40  }
0x3b7: {  	s13 =	sadd.s32 $0xFFFFFFED, s31;
	v16 =	vadd.s32 @p6 s10, v4;
	[tilespmem:s9+$0xFFFFCF00] =	vst @p4 v13;
	v42 =	vld.idx.msk [tilespmem:v41+s19+$0x0], $0xffff  }
0x3b8: {  	v43 =	vadd.s32 s13, v4;
	s10 =	sadd.s32 @p4 $0xFFFFFFFD, s2;
	v10 =	vld.idx.msk @p4 [tilespmem:v10+s19+$0x0], $0xffff;
	[tilespmem:s8+$0xFFFFCF00] =	vst @p3 v17  }
0x3b9: {  	v17 =	vadd.s32 @p4 s10, v4;
	s10 =	sadd.s32 @p3 $0xFFFFFFFD, s3;
	v18 =	vld.idx.msk @p3 [tilespmem:v18+s19+$0x0], $0xffff;
	[tilespmem:s7+$0xFFFFCF00] =	vst @p2 v14  }
0x3ba: {  	v14 =	vadd.s32 @p3 s10, v4;
	s10 =	sadd.s32 @p2 $0xFFFFFFFD, s0;
	v11 =	vld.idx.msk @p2 [tilespmem:v11+s19+$0x0], $0xffff;
	[tilespmem:s6+$0xFFFFCF00] =	vst @p1 v19  }
0x3bb: {  	[tilespmem:s12+$0xFFFFFF00] =	vst @p6 v15;
	v15 =	vadd.s32 @p2 s10, v4;
	s10 =	sadd.s32 @p1 $0xFFFFFFFD, s4;
	v19 =	vld.idx.msk @p1 [tilespmem:v20+s19+$0x0], $0xffff  }
0x3bc: {  	v20 =	vadd.s32 @p1 s10, v4;
	s10 =	sadd.s32 @p5 $0xFFFFFFDE, s15;
	v16 =	vld.idx.msk @p6 [tilespmem:v16+s19+$0x0], $0xffff;
	[tilespmem:s28+$0xFFFFCF00] =	vst v42  }
0x3bd: {  	s14 =	sadd.s32 $0xFFFFFFFD, s31;
	v13 =	vadd.s32 @p5 s10, v4;
	[tilespmem:s9+$0xFFFFCF80] =	vst @p4 v10;
	v44 =	vld.idx.msk [tilespmem:v43+s19+$0x0], $0xffff  }
0x3be: {  	v45 =	vadd.s32 s14, v4;
	s10 =	sadd.s32 @p4 $0xFFFFFFCE, s2;
	v17 =	vld.idx.msk @p4 [tilespmem:v17+s19+$0x0], $0xffff;
	[tilespmem:s8+$0xFFFFCF80] =	vst @p3 v18  }
0x3bf: {  	v18 =	vadd.s32 @p4 s10, v4;
	s10 =	sadd.s32 @p3 $0xFFFFFFCE, s3;
	v14 =	vld.idx.msk @p3 [tilespmem:v14+s19+$0x0], $0xffff;
	[tilespmem:s7+$0xFFFFCF80] =	vst @p2 v11  }
0x3c0: {  	v11 =	vadd.s32 @p3 s10, v4;
	s10 =	sadd.s32 @p2 $0xFFFFFFCE, s0;
	v15 =	vld.idx.msk @p2 [tilespmem:v15+s19+$0x0], $0xffff;
	[tilespmem:s6+$0xFFFFCF80] =	vst @p1 v19  }
0x3c1: {  	[tilespmem:s11+$0xFFFFDE80] =	vst @p5 v12;
	v12 =	vadd.s32 @p2 s10, v4;
	s10 =	sadd.s32 @p1 $0xFFFFFFCE, s4;
	v19 =	vld.idx.msk @p1 [tilespmem:v20+s19+$0x0], $0xffff  }
0x3c2: {  	v13 =	vld.idx.msk @p5 [tilespmem:v13+s19+$0x0], $0xffff;
	v20 =	vadd.s32 @p6 s16, v4;
	v22 =	vadd.s32 @p1 s10, v4;
	[tilespmem:s28+$0xFFFFCF80] =	vst v44  }
0x3c3: {  	s16 =	sadd.s32 $0xFFFFFFCE, s31;
	v10 =	vpsel p6, v20, v0;
	[tilespmem:s9+$0xFFFFD000] =	vst @p4 v17;
	v46 =	vld.idx.msk [tilespmem:v45+s19+$0x0], $0xffff  }
0x3c4: {  	s13 =	sadd.s32 @p4 $0xFFFFFFDE, s2;
	v47 =	vadd.s32 s16, v4;
	v18 =	vld.idx.msk @p4 [tilespmem:v18+s19+$0x0], $0xffff;
	[tilespmem:s8+$0xFFFFD000] =	vst @p3 v14  }
0x3c5: {  	s10 =	sadd.s32 @p3 $0xFFFFFFDE, s3;
	v20 =	vadd.s32 @p4 s13, v4;
	v11 =	vld.idx.msk @p3 [tilespmem:v11+s19+$0x0], $0xffff;
	[tilespmem:s7+$0xFFFFD000] =	vst @p2 v15  }
0x3c6: {  	v15 =	vadd.s32 @p3 s10, v4;
	s10 =	sadd.s32 @p2 $0xFFFFFFDE, s0;
	v12 =	vld.idx.msk @p2 [tilespmem:v12+s19+$0x0], $0xffff;
	[tilespmem:s6+$0xFFFFD000] =	vst @p1 v19  }
0x3c7: {  	[tilespmem:s12+$0xFFFFFF80] =	vst @p6 v16;
	v16 =	vadd.s32 @p2 s10, v4;
	s10 =	sadd.s32 @p1 $0xFFFFFFDE, s4;
	v19 =	vld.idx.msk @p1 [tilespmem:v22+s19+$0x0], $0xffff  }
0x3c8: {  	v10 =	vld.idx.msk @p6 [tilespmem:v10+s19+$0x0], $0xffff;
	v21 =	vadd.s32 @p1 s10, v4;
	[tilespmem:s28+$0xFFFFD000] =	vst v46  }
0x3c9: {  	s17 =	sadd.s32 $0xFFFFFFDE, s31;
	s10 =	sadd.s32 @p5 $0xFFFFFFEE, s15;
	[tilespmem:s9+$0xFFFFDE80] =	vst @p4 v18;
	v14 =	vld.idx.msk [tilespmem:v47+s19+$0x0], $0xffff  }
0x3ca: {  	v48 =	vadd.s32 s17, v4;
	v17 =	vadd.s32 @p5 s10, v4;
	s10 =	sadd.s32 @p4 $0xFFFFFFEE, s2;
	v18 =	vld.idx.msk @p4 [tilespmem:v20+s19+$0x0], $0xffff;
	[tilespmem:s8+$0xFFFFDE80] =	vst @p3 v11  }
0x3cb: {  	v9 =	vpsel p5, v17, v9;
	v17 =	vadd.s32 @p4 s10, v4;
	s10 =	sadd.s32 @p3 $0xFFFFFFEE, s3;
	v15 =	vld.idx.msk @p3 [tilespmem:v15+s19+$0x0], $0xffff;
	[tilespmem:s7+$0xFFFFDE80] =	vst @p2 v12  }
0x3cc: {  	s12 =	smov.u32 @p6 s12;
	v12 =	vpsel p4, v17, v0;
	v17 =	vadd.s32 @p3 s10, v4;
	s10 =	sadd.s32 @p2 $0xFFFFFFEE, s0;
	v16 =	vld.idx.msk @p2 [tilespmem:v16+s19+$0x0], $0xffff;
	[tilespmem:s6+$0xFFFFDE80] =	vst @p1 v19  }
0x3cd: {  	s14 =	smov.u32 s5;
	[tilespmem:s12+$0x0] =	vst @p6 v10;
	v10 =	vpsel p3, v17, v0;
	v17 =	vadd.s32 @p2 s10, v4;
	s10 =	sadd.s32 @p1 $0xFFFFFFEE, s4;
	v19 =	vld.idx.msk @p1 [tilespmem:v21+s19+$0x0], $0xffff  }
0x3ce: {  	s18 =	sadd.s32 $0xFFFFFFEE, s31;
	s14 =	smov.u32 @p5 s11;
	s13 =	smov.u32 @p5 s15;
	v8 =	vpsel p5, v13, v8;
	v13 =	vpsel p2, v17, v0;
	v17 =	vadd.s32 @p1 s10, v4;
	[tilespmem:s28+$0xFFFFDE80] =	vst v14  }
0x3cf: {  	s1 =	smov.u32 @p5 s13;
	s13 =	smov.u32 @p1 s6;
	[tilespmem:s14+$0xFFFFDF00] =	vst @p5 v8;
	s9 =	smov.u32 @p4 s9;
	v8 =	vpsel p4, v18, v0;
	v14 =	vpsel p1, v17, v0;
	v11 =	vld.idx.msk [tilespmem:v48+s19+$0x0], $0xffff  }
0x3d0: {  	s11 =	sadd.s32 @p5 $0xFFFFFFFE, s1;
	s2 =	smov.u32 @p4 s2;
	s12 =	smov.u32 @p3 s8;
	v9 =	vld.idx.msk @p5 [tilespmem:v9+s19+$0x0], $0xffff;
	[tilespmem:s9+$0xFFFFDF00] =	vst @p4 v8;
	v8 =	vadd.s32 s18, v4;
	v15 =	vpsel p3, v15, v0  }
0x3d1: {  	s8 =	smov.u32 @p3 s3;
	s10 =	sadd.s32 @p4 $0xFFFFFFFE, s2;
	v17 =	vadd.s32 @p5 s11, v4;
	s11 =	smov.u32 @p2 s7;
	v12 =	vld.idx.msk @p4 [tilespmem:v12+s19+$0x0], $0xffff;
	[tilespmem:s12+$0xFFFFDF00] =	vst @p3 v15;
	v15 =	vpsel p2, v16, v0  }
0x3d2: {  	s3 =	sadd.s32 @p3 $0xFFFFFFFE, s8;
	s7 =	smov.u32 @p2 s0;
	s0 =	smov.u32 @p1 s4;
	v16 =	vadd.s32 @p4 s10, v4;
	v10 =	vld.idx.msk @p3 [tilespmem:v10+s19+$0x0], $0xffff;
	[tilespmem:s11+$0xFFFFDF00] =	vst @p2 v15;
	v15 =	vpsel p1, v19, v0  }
0x3d3: {  	v18 =	vadd.s32 @p3 s3, v4;
	s3 =	sadd.s32 @p2 $0xFFFFFFFE, s7;
	s10 =	smov.u32 @p1 s0;
	v13 =	vld.idx.msk @p2 [tilespmem:v13+s19+$0x0], $0xffff;
	[tilespmem:s13+$0xFFFFDF00] =	vst @p1 v15  }
0x3d4: {  	s0 =	smov.u32 @p5 s14;
	s4 =	sadd.s32 @p1 $0xFFFFFFFE, s10;
	v15 =	vadd.s32 @p2 s3, v4;
	v14 =	vld.idx.msk @p1 [tilespmem:v14+s19+$0x0], $0xffff;
	[tilespmem:s28+$0xFFFFDF00] =	vst v11  }
0x3d5: {  	s20 =	sadd.s32 $0xFFFFFFFE, s31;
	[tilespmem:s0+$0xFFFFDF80] =	vst @p5 v9;
	s3 =	smov.u32 @p4 s9;
	v9 =	vadd.s32 @p1 s4, v4;
	v8 =	vld.idx.msk [tilespmem:v8+s19+$0x0], $0xffff  }
0x3d6: {  	v49 =	vadd.s32 s20, v4;
	s6 =	sadd.s32 @p5 $0xFFFFFFCF, s1;
	s4 =	smov.u32 @p3 s12;
	v11 =	vld.idx.msk @p5 [tilespmem:v17+s19+$0x0], $0xffff;
	[tilespmem:s3+$0xFFFFDF80] =	vst @p4 v12  }
0x3d7: {  	s9 =	sadd.s32 @p4 $0xFFFFFFCF, s2;
	v12 =	vadd.s32 @p5 s6, v4;
	s6 =	smov.u32 @p2 s11;
	v16 =	vld.idx.msk @p4 [tilespmem:v16+s19+$0x0], $0xffff;
	[tilespmem:s4+$0xFFFFDF80] =	vst @p3 v10  }
0x3d8: {  	s11 =	sadd.s32 @p3 $0xFFFFFFCF, s8;
	v10 =	vadd.s32 @p4 s9, v4;
	s9 =	smov.u32 @p1 s13;
	v18 =	vld.idx.msk @p3 [tilespmem:v18+s19+$0x0], $0xffff;
	[tilespmem:s6+$0xFFFFDF80] =	vst @p2 v13  }
0x3d9: {  	v13 =	vadd.s32 @p3 s11, v4;
	s11 =	sadd.s32 @p2 $0xFFFFFFCF, s7;
	v15 =	vld.idx.msk @p2 [tilespmem:v15+s19+$0x0], $0xffff;
	[tilespmem:s9+$0xFFFFDF80] =	vst @p1 v14  }
0x3da: {  	v14 =	vadd.s32 @p2 s11, v4;
	s11 =	sadd.s32 @p1 $0xFFFFFFCF, s10;
	v9 =	vld.idx.msk @p1 [tilespmem:v9+s19+$0x0], $0xffff;
	[tilespmem:s28+$0xFFFFDF80] =	vst v8  }
0x3db: {  	s21 =	sadd.s32 $0xFFFFFFCF, s31;
	[tilespmem:s0+$0xFFFFE000] =	vst @p5 v11;
	v8 =	vadd.s32 @p1 s11, v4;
	v50 =	vld.idx.msk [tilespmem:v49+s19+$0x0], $0xffff  }
0x3dc: {  	v51 =	vadd.s32 s21, v4;
	v12 =	vld.idx.msk @p5 [tilespmem:v12+s19+$0x0], $0xffff;
	s11 =	sadd.s32 @p5 $0xFFFFFFDF, s1;
	[tilespmem:s3+$0xFFFFE000] =	vst @p4 v16  }
0x3dd: {  	v16 =	vadd.s32 @p5 s11, v4;
	s11 =	sadd.s32 @p4 $0xFFFFFFDF, s2;
	v10 =	vld.idx.msk @p4 [tilespmem:v10+s19+$0x0], $0xffff;
	[tilespmem:s4+$0xFFFFE000] =	vst @p3 v18  }
0x3de: {  	v18 =	vadd.s32 @p4 s11, v4;
	s11 =	sadd.s32 @p3 $0xFFFFFFDF, s8;
	v13 =	vld.idx.msk @p3 [tilespmem:v13+s19+$0x0], $0xffff;
	[tilespmem:s6+$0xFFFFE000] =	vst @p2 v15  }
0x3df: {  	v15 =	vadd.s32 @p3 s11, v4;
	s11 =	sadd.s32 @p2 $0xFFFFFFDF, s7;
	v14 =	vld.idx.msk @p2 [tilespmem:v14+s19+$0x0], $0xffff;
	[tilespmem:s9+$0xFFFFE000] =	vst @p1 v9  }
0x3e0: {  	v9 =	vadd.s32 @p2 s11, v4;
	s11 =	sadd.s32 @p1 $0xFFFFFFDF, s10;
	v8 =	vld.idx.msk @p1 [tilespmem:v8+s19+$0x0], $0xffff;
	[tilespmem:s28+$0xFFFFE000] =	vst v50  }
0x3e1: {  	s22 =	sadd.s32 $0xFFFFFFDF, s31;
	[tilespmem:s0+$0xFFFFEE80] =	vst @p5 v12;
	v11 =	vadd.s32 @p1 s11, v4;
	v52 =	vld.idx.msk [tilespmem:v51+s19+$0x0], $0xffff  }
0x3e2: {  	v53 =	vadd.s32 s22, v4;
	s11 =	sadd.s32 @p5 $0xFFFFFFEF, s1;
	v16 =	vld.idx.msk @p5 [tilespmem:v16+s19+$0x0], $0xffff;
	[tilespmem:s3+$0xFFFFEE80] =	vst @p4 v10  }
0x3e3: {  	v10 =	vadd.s32 @p5 s11, v4;
	s11 =	sadd.s32 @p4 $0xFFFFFFEF, s2;
	v18 =	vld.idx.msk @p4 [tilespmem:v18+s19+$0x0], $0xffff;
	[tilespmem:s4+$0xFFFFEE80] =	vst @p3 v13  }
0x3e4: {  	v13 =	vadd.s32 @p4 s11, v4;
	s11 =	sadd.s32 @p3 $0xFFFFFFEF, s8;
	v15 =	vld.idx.msk @p3 [tilespmem:v15+s19+$0x0], $0xffff;
	[tilespmem:s6+$0xFFFFEE80] =	vst @p2 v14  }
0x3e5: {  	v14 =	vadd.s32 @p3 s11, v4;
	s11 =	sadd.s32 @p2 $0xFFFFFFEF, s7;
	v9 =	vld.idx.msk @p2 [tilespmem:v9+s19+$0x0], $0xffff;
	[tilespmem:s9+$0xFFFFEE80] =	vst @p1 v8  }
0x3e6: {  	v8 =	vadd.s32 @p2 s11, v4;
	s11 =	sadd.s32 @p1 $0xFFFFFFEF, s10;
	v11 =	vld.idx.msk @p1 [tilespmem:v11+s19+$0x0], $0xffff;
	[tilespmem:s28+$0xFFFFEE80] =	vst v52  }
0x3e7: {  	s23 =	sadd.s32 $0xFFFFFFEF, s31;
	[tilespmem:s0+$0xFFFFEF00] =	vst @p5 v16;
	v12 =	vadd.s32 @p1 s11, v4;
	v54 =	vld.idx.msk [tilespmem:v53+s19+$0x0], $0xffff  }
0x3e8: {  	v55 =	vadd.s32 s23, v4;
	s11 =	sadd.s32 @p5 $0xFFFFFFFF, s1;
	v10 =	vld.idx.msk @p5 [tilespmem:v10+s19+$0x0], $0xffff;
	[tilespmem:s3+$0xFFFFEF00] =	vst @p4 v18  }
0x3e9: {  	v18 =	vadd.s32 @p5 s11, v4;
	s11 =	sadd.s32 @p4 $0xFFFFFFFF, s2;
	v13 =	vld.idx.msk @p4 [tilespmem:v13+s19+$0x0], $0xffff;
	[tilespmem:s4+$0xFFFFEF00] =	vst @p3 v15  }
0x3ea: {  	v15 =	vadd.s32 @p4 s11, v4;
	s11 =	sadd.s32 @p3 $0xFFFFFFFF, s8;
	v14 =	vld.idx.msk @p3 [tilespmem:v14+s19+$0x0], $0xffff;
	[tilespmem:s6+$0xFFFFEF00] =	vst @p2 v9  }
0x3eb: {  	v9 =	vadd.s32 @p3 s11, v4;
	s11 =	sadd.s32 @p2 $0xFFFFFFFF, s7;
	v8 =	vld.idx.msk @p2 [tilespmem:v8+s19+$0x0], $0xffff;
	[tilespmem:s9+$0xFFFFEF00] =	vst @p1 v11  }
0x3ec: {  	v11 =	vadd.s32 @p2 s11, v4;
	s11 =	sadd.s32 @p1 $0xFFFFFFFF, s10;
	v12 =	vld.idx.msk @p1 [tilespmem:v12+s19+$0x0], $0xffff;
	[tilespmem:s28+$0xFFFFEF00] =	vst v54  }
0x3ed: {  	s24 =	sadd.s32 $0xFFFFFFFF, s31;
	[tilespmem:s0+$0xFFFFEF80] =	vst @p5 v10;
	v10 =	vadd.s32 @p1 s11, v4;
	v16 =	vld.idx.msk [tilespmem:v55+s19+$0x0], $0xffff  }
0x3ee: {  	v56 =	vadd.s32 s24, v4;
	s11 =	sadd.s32 @p5 $0xFFFFFFD0, s1;
	v17 =	vld.idx.msk @p5 [tilespmem:v18+s19+$0x0], $0xffff;
	[tilespmem:s3+$0xFFFFEF80] =	vst @p4 v13  }
0x3ef: {  	v13 =	vadd.s32 @p5 s11, v4;
	s11 =	sadd.s32 @p4 $0xFFFFFFD0, s2;
	v15 =	vld.idx.msk @p4 [tilespmem:v15+s19+$0x0], $0xffff;
	[tilespmem:s4+$0xFFFFEF80] =	vst @p3 v14  }
0x3f0: {  	v14 =	vadd.s32 @p4 s11, v4;
	s11 =	sadd.s32 @p3 $0xFFFFFFD0, s8;
	v9 =	vld.idx.msk @p3 [tilespmem:v9+s19+$0x0], $0xffff;
	[tilespmem:s6+$0xFFFFEF80] =	vst @p2 v8  }
0x3f1: {  	v8 =	vadd.s32 @p3 s11, v4;
	s11 =	sadd.s32 @p2 $0xFFFFFFD0, s7;
	v11 =	vld.idx.msk @p2 [tilespmem:v11+s19+$0x0], $0xffff;
	[tilespmem:s9+$0xFFFFEF80] =	vst @p1 v12  }
0x3f2: {  	v12 =	vadd.s32 @p2 s11, v4;
	s11 =	sadd.s32 @p1 $0xFFFFFFD0, s10;
	v10 =	vld.idx.msk @p1 [tilespmem:v10+s19+$0x0], $0xffff;
	[tilespmem:s28+$0xFFFFEF80] =	vst v16  }
0x3f3: {  	s25 =	sadd.s32 $0xFFFFFFD0, s31;
	[tilespmem:s0+$0xFFFFF000] =	vst @p5 v17;
	v16 =	vadd.s32 @p1 s11, v4;
	v57 =	vld.idx.msk [tilespmem:v56+s19+$0x0], $0xffff  }
0x3f4: {  	v58 =	vadd.s32 s25, v4;
	v13 =	vld.idx.msk @p5 [tilespmem:v13+s19+$0x0], $0xffff;
	s11 =	sadd.s32 @p5 $0xFFFFFFE0, s1;
	[tilespmem:s3+$0xFFFFF000] =	vst @p4 v15  }
0x3f5: {  	v15 =	vadd.s32 @p5 s11, v4;
	s11 =	sadd.s32 @p4 $0xFFFFFFE0, s2;
	v14 =	vld.idx.msk @p4 [tilespmem:v14+s19+$0x0], $0xffff;
	[tilespmem:s4+$0xFFFFF000] =	vst @p3 v9  }
0x3f6: {  	v9 =	vadd.s32 @p4 s11, v4;
	s11 =	sadd.s32 @p3 $0xFFFFFFE0, s8;
	v8 =	vld.idx.msk @p3 [tilespmem:v8+s19+$0x0], $0xffff;
	[tilespmem:s6+$0xFFFFF000] =	vst @p2 v11  }
0x3f7: {  	v11 =	vadd.s32 @p3 s11, v4;
	s11 =	sadd.s32 @p2 $0xFFFFFFE0, s7;
	v12 =	vld.idx.msk @p2 [tilespmem:v12+s19+$0x0], $0xffff;
	[tilespmem:s9+$0xFFFFF000] =	vst @p1 v10  }
0x3f8: {  	v10 =	vadd.s32 @p2 s11, v4;
	s11 =	sadd.s32 @p1 $0xFFFFFFE0, s10;
	v16 =	vld.idx.msk @p1 [tilespmem:v16+s19+$0x0], $0xffff;
	[tilespmem:s28+$0xFFFFF000] =	vst v57  }
0x3f9: {  	s29 =	sadd.s32 $0xFFFFFFE0, s31;
	[tilespmem:s0+$0xFFFFFE80] =	vst @p5 v13;
	v13 =	vadd.s32 @p1 s11, v4;
	v17 =	vld.idx.msk [tilespmem:v58+s19+$0x0], $0xffff  }
0x3fa: {  	v59 =	vadd.s32 s29, v4;
	s11 =	sadd.s32 @p5 $0xFFFFFFF0, s1;
	v15 =	vld.idx.msk @p5 [tilespmem:v15+s19+$0x0], $0xffff;
	[tilespmem:s3+$0xFFFFFE80] =	vst @p4 v14  }
0x3fb: {  	v14 =	vadd.s32 @p5 s11, v4;
	s11 =	sadd.s32 @p4 $0xFFFFFFF0, s2;
	v9 =	vld.idx.msk @p4 [tilespmem:v9+s19+$0x0], $0xffff;
	[tilespmem:s4+$0xFFFFFE80] =	vst @p3 v8  }
0x3fc: {  	v8 =	vadd.s32 @p4 s11, v4;
	s11 =	sadd.s32 @p3 $0xFFFFFFF0, s8;
	v11 =	vld.idx.msk @p3 [tilespmem:v11+s19+$0x0], $0xffff;
	[tilespmem:s6+$0xFFFFFE80] =	vst @p2 v12  }
0x3fd: {  	v12 =	vadd.s32 @p3 s11, v4;
	s11 =	sadd.s32 @p2 $0xFFFFFFF0, s7;
	v10 =	vld.idx.msk @p2 [tilespmem:v10+s19+$0x0], $0xffff;
	[tilespmem:s9+$0xFFFFFE80] =	vst @p1 v16  }
0x3fe: {  	v16 =	vadd.s32 @p2 s11, v4;
	s11 =	sadd.s32 @p1 $0xFFFFFFF0, s10;
	v13 =	vld.idx.msk @p1 [tilespmem:v13+s19+$0x0], $0xffff;
	[tilespmem:s28+$0xFFFFFE80] =	vst v17  }
0x3ff: {  	s30 =	sadd.s32 $0xFFFFFFF0, s31;
	[tilespmem:s0+$0xFFFFFF00] =	vst @p5 v15;
	v15 =	vadd.s32 @p1 s11, v4;
	v17 =	vld.idx.msk [tilespmem:v59+s19+$0x0], $0xffff  }
0x400: {  	v60 =	vadd.s32 s30, v4;
	v18 =	vadd.s32 @p5 s1, v4;
	v14 =	vld.idx.msk @p5 [tilespmem:v14+s19+$0x0], $0xffff;
	[tilespmem:s3+$0xFFFFFF00] =	vst @p4 v9  }
0x401: {  	v18 =	vpsel p5, v18, v0;
	v9 =	vadd.s32 @p4 s2, v4;
	v8 =	vld.idx.msk @p4 [tilespmem:v8+s19+$0x0], $0xffff;
	[tilespmem:s4+$0xFFFFFF00] =	vst @p3 v11  }
0x402: {  	v11 =	vadd.s32 @p3 s8, v4;
	v9 =	vpsel p4, v9, v0;
	v12 =	vld.idx.msk @p3 [tilespmem:v12+s19+$0x0], $0xffff;
	[tilespmem:s6+$0xFFFFFF00] =	vst @p2 v10  }
0x403: {  	v10 =	vadd.s32 @p2 s7, v4;
	v11 =	vpsel p3, v11, v0;
	v16 =	vld.idx.msk @p2 [tilespmem:v16+s19+$0x0], $0xffff;
	[tilespmem:s9+$0xFFFFFF00] =	vst @p1 v13  }
0x404: {  	v13 =	vadd.s32 @p1 s10, v4;
	v10 =	vpsel p2, v10, v0;
	v15 =	vld.idx.msk @p1 [tilespmem:v15+s19+$0x0], $0xffff;
	[tilespmem:s28+$0xFFFFFF00] =	vst v17  }
0x405: {  	[tilespmem:s0+$0xFFFFFF80] =	vst @p5 v14;
	v13 =	vpsel p1, v13, v0;
	v61 =	vld.idx.msk [tilespmem:v60+s19+$0x0], $0xffff  }
0x406: {  	v62 =	vadd.s32 s31, v4;
	v18 =	vld.idx.msk @p5 [tilespmem:v18+s19+$0x0], $0xffff;
	[tilespmem:s3+$0xFFFFFF80] =	vst @p4 v8  }
0x407: {  	v8 =	vld.idx.msk @p4 [tilespmem:v9+s19+$0x0], $0xffff;
	[tilespmem:s4+$0xFFFFFF80] =	vst @p3 v12  }
0x408: {  	v9 =	vld.idx.msk @p3 [tilespmem:v11+s19+$0x0], $0xffff;
	[tilespmem:s6+$0xFFFFFF80] =	vst @p2 v16  }
0x409: {  	v10 =	vld.idx.msk @p2 [tilespmem:v10+s19+$0x0], $0xffff;
	[tilespmem:s9+$0xFFFFFF80] =	vst @p1 v15  }
0x40a: {  	s0 =	smov.u32 @p5 s0;
	v11 =	vld.idx.msk @p1 [tilespmem:v13+s19+$0x0], $0xffff;
	[tilespmem:s28+$0xFFFFFF80] =	vst v61  }
0x40b: {  	[tilespmem:s0+$0x0] =	vst @p5 v18;
	s0 =	smov.u32 @p4 s3;
	v63 =	vld.idx.msk [tilespmem:v62+s19+$0x0], $0xffff  }
0x40c: {  	[tilespmem:s0+$0x0] =	vst @p4 v8;
	s0 =	smov.u32 @p3 s4  }
0x40d: {  	[tilespmem:s0+$0x0] =	vst @p3 v9;
	s0 =	smov.u32 @p2 s6  }
0x40e: {  	[tilespmem:s0+$0x0] =	vst @p2 v10;
	s0 =	smov.u32 @p1 s9  }
0x40f: {  	s26 =	sadd.s32 $0x1, s26;
	[tilespmem:s0+$0x0] =	vst @p1 v11  }
0x410: {  	p0 =	sne.s32 s26, $0x8;
	[tilespmem:s28+$0x0] =	vst v63  }
.Ltmp14:
0x411: {  	s0 =	sld [smem:$0x7FD];
	(pc) =	sbr.rel @p0 .LBB2_3-.Ltmp14, $4  }
.Ltmp15:
0x412: {  	_ = 	snop;
	(pc) =	sbr.rel @!p0 .LBB2_24-.Ltmp15, $4  }
0x413: {  	_ = 	snop  }
0x414: {  	p6 =	seq.s32 s0, $0x1  }
0x415: {  	s5 =	sadd.s32 $0x200, s5;
	p1 =	por !p6, !p6  }
0x416: {  	_ = 	snop  }
.LBB2_6:
.Ltmp16:
0x417: {  	(pc) =	sbr.rel .LBB2_23-.Ltmp16, $2  }
0x418: {  	_ =	sdelay $0x2  }
0x419: {  	s2 =	smov.u32 s5;
	s31 =	simm.s32 $0x3F  }
.LBB2_8:
.Ltmp17:
0x41a: {  	(pc) =	sbr.rel .LBB2_23-.Ltmp17, $2  }
0x41b: {  	_ =	sdelay $0x2  }
0x41c: {  	s6 =	simm.s32 $0x3F;
	s2 =	smov.u32 s5;
	s31 =	simm.s32 $0x44F  }
.LBB2_10:
.Ltmp18:
0x41d: {  	(pc) =	sbr.rel .LBB2_23-.Ltmp18, $3  }
0x41e: {  	_ =	sdelay $0x1  }
0x41f: {  	s2 =	smov.u32 s0;
	s6 =	simm.s32 $0x44F  }
0x420: {  	s18 =	smov.u32 s5;
	s31 =	simm.s32 $0x85F;
	s14 =	simm.s32 $0x3F  }
.LBB2_12:
.Ltmp19:
0x421: {  	(pc) =	sbr.rel .LBB2_23-.Ltmp19, $4  }
0x422: {  	_ = 	snop  }
0x423: {  	s6 =	simm.s32 $0x85F  }
0x424: {  	s18 =	smov.u32 s0;
	s2 =	smov.u32 s13;
	s17 =	smov.u32 s5  }
0x425: {  	s9 =	simm.s32 $0x3F;
	s31 =	simm.s32 $0xC6F;
	s14 =	simm.s32 $0x44F  }
.LBB2_14:
.Ltmp20:
0x426: {  	(pc) =	sbr.rel .LBB2_23-.Ltmp20, $4  }
0x427: {  	_ = 	snop  }
0x428: {  	s6 =	simm.s32 $0xC6F;
	s17 =	smov.u32 s0;
	s18 =	smov.u32 s13  }
0x429: {  	s20 =	simm.s32 $0x3F;
	s2 =	smov.u32 s25;
	s22 =	smov.u32 s5  }
0x42a: {  	v35 =	vmov v12;
	s9 =	simm.s32 $0x44F;
	s31 =	simm.s32 $0x107F;
	s14 =	simm.s32 $0x85F;
	v31 =	vmov v10  }
.LBB2_16:
.Ltmp21:
0x42b: {  	(pc) =	sbr.rel .LBB2_23-.Ltmp21, $4  }
0x42c: {  	s6 =	simm.s32 $0x107F;
	s15 =	simm.s32 $0x3F  }
0x42d: {  	s18 =	smov.u32 s25;
	s20 =	simm.s32 $0x44F;
	s2 =	smov.u32 s23  }
0x42e: {  	v29 =	vmov v11;
	s21 =	smov.u32 s5;
	s22 =	smov.u32 s0;
	s17 =	smov.u32 s13  }
0x42f: {  	v34 =	vmovc v13;
	v35 =	vmovc v17;
	v33 =	vmov v20;
	s9 =	simm.s32 $0x85F;
	s31 =	simm.s32 $0x148F;
	s14 =	simm.s32 $0xC6F;
	v31 =	vmov v15;
	v28 =	vmov v19  }
.LBB2_18:
.Ltmp22:
0x430: {  	(pc) =	sbr.rel .LBB2_23-.Ltmp22, $4  }
0x431: {  	s6 =	simm.s32 $0x148F;
	s8 =	simm.s32 $0x1064;
	s16 =	simm.s32 $0x3F  }
0x432: {  	s15 =	simm.s32 $0x44F;
	s11 =	smov.u32 s5;
	s21 =	smov.u32 s0  }
0x433: {  	v27 =	vmovc v8;
	v29 =	vmov v14;
	v32 =	vmov v9;
	s22 =	smov.u32 s13;
	v34 =	vmov v16;
	s17 =	smov.u32 s25;
	s18 =	smov.u32 s23  }
0x434: {  	v35 =	vmovc v21;
	v33 =	vmovc v23;
	s20 =	simm.s32 $0x85F;
	s9 =	simm.s32 $0xC6F;
	s14 =	simm.s32 $0x107F;
	v31 =	vmov v18;
	v28 =	vmov v22;
	v26 =	vmov v24  }
.LBB2_20:
.Ltmp23:
0x435: {  	s6 =	simm.s32 $0x189F;
	(pc) =	sbr.rel .LBB2_23-.Ltmp23, $4  }
0x436: {  	s16 =	simm.s32 $0x44F;
	s15 =	simm.s32 $0x85F;
	s18 =	smov.u32 s2  }
0x437: {  	s11 =	smov.u32 s0;
	s21 =	smov.u32 s13;
	s22 =	smov.u32 s25  }
0x438: {  	s17 =	smov.u32 s23;
	s20 =	simm.s32 $0xC6F;
	s2 =	smov.u32 s28  }
0x439: {  	s9 =	simm.s32 $0x107F;
	s31 =	simm.s32 $0x1CAF;
	s24 =	smov.u32 s5  }
.LBB2_26:
0x43a: {  	_ =	sfence.sel $0x180000  }
0x43b: {  	[bflag:$0x0] =	sbarrier.arrive $0xFFFF  }
0x43c: {  	_ =	strace $0x90000047  }
0x43d: {  	s0 =	stileid.u32;
	[bflag:$0x2] =	sbarrier.arrive $0xFFFF  }
0x43e: {  	p0 =	sne.s32 s0, $0x0;
	s0 =	rddreg [dreg:$0x2]  }
0x43f: {  	s0 =	sadd.s32 @!p0 $0x100000, s0  }
0x440: {  	[sflag:s0] =	ssyncadd.tile.s32 @!p0 $0x1;
	_ =	shalt  }
.Lfunc_end2:
_tile_overlayer_lowered:
.L_overlay_start_2:
0x441: {  	(tag) =	ssettag $0x2  }
0x442: {  	s0 =	rddreg [dreg:$0x0];
	s2 =	stileid.u32  }
0x443: {  	s1 =	rddreg [dreg:$0x1];
	p0 =	sne.s32 s2, $0x0  }
0x444: {  	s3 =	rddreg [dreg:$0x2];
	[bflag:$0x3] =	sbarrier.arrive $0xFFFF;
	s2 =	simm.s32 @!p0 $0x1C03  }
0x445: {  	[timem:s3], [sflag:s2] =	dma.local @!p0 [hbm:s0], s1  }
0x446: {  	s0 =	simm.s32 @!p0 $0x3  }
0x447: {  	_ =	swait.ge @!p0 [sflag:s0], s1  }
0x448: {  	s1 =	ssub.s32 @!p0 $0x0, s1;
	[sflag:s0] =	ssyncset.done @!p0 $0x0  }
0x449: {  	[sflag:s0] =	ssyncadd.s32 @!p0 s1  }
0x44a: {  	[bflag:$0x3] =	sbarrier.arrive $0xFFFF  }
0x44b: {  	_ =	shalt  }

</sc_bundles>
